<compile_context>
chip_gen: v7x
topology: tpu7x:2x2x1
jax: 0.10.2.dev20260603
libtpu: 0.0.44.dev20260713+nightly
codegen_flags: <defaults>
</compile_context>

<pallas_src>
import functools

import jax
import jax.numpy as jnp
from jax import lax
from jax.experimental import pallas as pl
from jax.experimental.pallas import tpu as pltpu
from jax.experimental.pallas import tpu_sc as plsc

N_NODES = 10000
N_EDGES = 320000
D = 128
W = D // 2
L = 16
NW = 32
EDGES_PER_W = N_EDGES // NW
C = 80
N_CHUNKS = EDGES_PER_W // C
N_PAIRS = N_CHUNKS // 2


@functools.lru_cache(maxsize=1)
def _build_score_kernel():
    mesh = plsc.VectorSubcoreMesh(core_axis_name="c", subcore_axis_name="s")

    @functools.partial(
        pl.kernel,
        mesh=mesh,
        compiler_params=pltpu.CompilerParams(needs_layout_passes=False,
                                             use_tc_tiling_on_sc=False),
        out_type=jax.ShapeDtypeStruct((N_EDGES,), jnp.float32),
        scratch_types=[
            pltpu.VMEM((EDGES_PER_W,), jnp.int32),
            pltpu.VMEM((EDGES_PER_W,), jnp.int32),
            pltpu.VMEM((2, C, W), jnp.int32),
            pltpu.VMEM((2, C, W), jnp.int32),
            pltpu.VMEM((EDGES_PER_W,), jnp.float32),
            pltpu.SemaphoreType.DMA((2,)),
            pltpu.SemaphoreType.DMA((2,)),
        ],
    )
    def _score_kernel(h_hbm, i_hbm, edges_hbm, out_hbm,
                      idx_u, idx_v, u_rows, v_rows, outs, sem_u, sem_v):
        wid = lax.axis_index("s") * 2 + lax.axis_index("c")
        base = wid * EDGES_PER_W
        pltpu.sync_copy(edges_hbm.at[pl.ds(base, EDGES_PER_W)], idx_u)
        pltpu.sync_copy(edges_hbm.at[pl.ds(N_EDGES + base, EDGES_PER_W)], idx_v)

        def start_gathers(k, b):
            pltpu.async_copy(h_hbm.at[idx_u.at[pl.ds(k * C, C)]],
                             u_rows.at[b], sem_u.at[b])
            pltpu.async_copy(i_hbm.at[idx_v.at[pl.ds(k * C, C)]],
                             v_rows.at[b], sem_v.at[b])

        def wait_gathers(b):
            pltpu.make_async_copy(h_hbm.at[idx_u.at[pl.ds(0, C)]],
                                  u_rows.at[b], sem_u.at[b]).wait()
            pltpu.make_async_copy(i_hbm.at[idx_v.at[pl.ds(0, C)]],
                                  v_rows.at[b], sem_v.at[b]).wait()

        lanes = lax.iota(jnp.int32, L)

        def compute_chunk(k, b):
            ub = u_rows.at[b]
            vb = v_rows.at[b]
            for e0 in range(0, C, L):
                rows = e0 + lanes

                def w_body(wb, acc, rows=rows, ub=ub, vb=vb):
                    acc8 = None
                    for j in range(8):
                        cols = (lanes + (wb * 8 + j)) & (W - 1)
                        ug = plsc.load_gather(ub, [rows, cols])
                        vg = plsc.load_gather(vb, [rows, cols])
                        prod = (plsc.bitcast(ug, jnp.bfloat16)
                                * plsc.bitcast(vg, jnp.bfloat16))
                        acc8 = prod if acc8 is None else acc8 + prod
                    pa, pb = plsc.unpack(acc8,
                                         format=plsc.PackFormat.INTERLEAVED)
                    return acc + pa + pb

                acc = lax.fori_loop(0, W // 8, w_body,
                                    jnp.zeros((L,), jnp.float32))
                outs[pl.ds(k * C + e0, L)] = acc

        start_gathers(0, 0)
        start_gathers(1, 1)

        def pair_body(p, carry):
            k0 = p * 2
            for b in range(2):
                k = k0 + b
                wait_gathers(b)
                compute_chunk(k, b)
                nxt = k + 2

                @pl.when(nxt < N_CHUNKS)
                def _():
                    start_gathers(nxt, b)

            return carry

        lax.fori_loop(0, N_PAIRS, pair_body, 0)

        wait_gathers(0)
        compute_chunk(N_CHUNKS - 1, 0)

        pltpu.sync_copy(outs, out_hbm.at[pl.ds(base, EDGES_PER_W)])

    return _score_kernel


def _pack_table(t):
    bits = lax.bitcast_convert_type(t, jnp.uint32)

    def rne16(u):
        return (u + jnp.uint32(0x7FFF) + ((u >> 16) & jnp.uint32(1))) >> 16

    lo = rne16(bits[:, :W])
    hi = rne16(bits[:, W:])
    return lax.bitcast_convert_type((hi << 16) | lo, jnp.int32)


def kernel(h_new_P, i_embed, edge_index):
    edges = edge_index.astype(jnp.int32).reshape(-1)
    score = _build_score_kernel()(
        _pack_table(h_new_P), _pack_table(i_embed), edges)
    return score.reshape(N_EDGES, 1)

# --- scband reference (transcript-rebuilt; emitter-appended) ---
"""Pipeline reference for scband-hetero-dot-product-predictor-21311627723301 (READ-ONLY COPY).

The authoritative reference and input builder live on the scoring server;
editing this copy changes nothing except your own understanding.
"""

import jax, jax.numpy as jnp
import numpy as np

N_NODES = 10000
N_EDGES = 320000
D_FEAT = 128

def setup_inputs(seed: int = 0) -> dict:
    key = jax.random.key(seed)
    k1, k2, k3 = jax.random.split(key, 3)
    h_new_P = jax.random.normal(k1, (N_NODES, D_FEAT), dtype=jnp.float32)
    i_embed = jax.random.normal(k2, (N_NODES, D_FEAT), dtype=jnp.float32)
    edge_index = jax.random.randint(k3, (2, N_EDGES), 0, N_NODES, dtype=jnp.int64)
    return {"h_new_P": h_new_P, "i_embed": i_embed, "edge_index": edge_index}

def reference(h_new_P, i_embed, edge_index):
    # HeteroDotProductPredictor forward with metatype=('P','rate','I'):
    # DGL's apply_edges(fn.u_dot_v('h','h','score')) computes, for every edge e=(u,v),
    # score[e] = <u_embed[u], v_embed[v]>, returned with shape [E, 1].
    src = edge_index[0]
    dst = edge_index[1]
    u_h = jnp.take(h_new_P, src, axis=0)   # gather src node embeddings [E, d]
    v_h = jnp.take(i_embed, dst, axis=0)   # gather dst node embeddings [E, d]
    score = jnp.sum(u_h * v_h, axis=-1, keepdims=True)  # [E, 1]
    return score

if __name__ == "__main__":
    import jax
    _d = setup_inputs()
    print(jax.jit(kernel)(*tuple(_d.values())))

</pallas_src>

<mosaic_0001>
#map = affine_map<(d0, d1) -> (0, 0)>
#map1 = affine_map<(d0, d1) -> (0)>
module attributes {stable_mosaic.version = 14 : i64} {
  func.func @_score_kernel(%arg0: i32, %arg1: i32, %arg2: memref<10000x64xi32, #tpu.memory_space<hbm>>, %arg3: memref<10000x64xi32, #tpu.memory_space<hbm>>, %arg4: memref<640000xi32, #tpu.memory_space<hbm>>, %arg5: memref<320000xf32, #tpu.memory_space<hbm>>, %arg6: memref<10000xi32, #tpu.memory_space<vmem>>, %arg7: memref<10000xi32, #tpu.memory_space<vmem>>, %arg8: memref<2x80x64xi32, #tpu.memory_space<vmem>>, %arg9: memref<2x80x64xi32, #tpu.memory_space<vmem>>, %arg10: memref<10000xf32, #tpu.memory_space<vmem>>, %arg11: memref<2x!tpu.dma_semaphore, #tpu.memory_space<semaphore_mem>>, %arg12: memref<2x!tpu.dma_semaphore, #tpu.memory_space<semaphore_mem>>) attributes {dimension_semantics = [#tpu.dimension_semantics<core_parallel>, #tpu.dimension_semantics<subcore_parallel>], iteration_bounds = array<i64: 2, 16>, scalar_prefetch = 0 : i64, scratch_operands = 7 : i64, tpu.core_type = #tpu.core_type<sc_vector_subcore>, window_params = [{transform_indices = #map}, {transform_indices = #map}, {transform_indices = #map1}, {transform_indices = #map1}]} {
    %mul3A = arith.constant 2 : i32
    %mul3A_0 = arith.muli %arg1, %mul3A : i32
    %add3A = arith.addi %mul3A_0, %arg0 : i32
    %mul3A_1 = arith.constant 10000 : i32
    %mul3A_2 = arith.muli %add3A, %mul3A_1 : i32
    "tpu.region"() ({
      %run_scoped3A = tpu.sem_alloc : memref<!tpu.dma_semaphore, #tpu.memory_space<semaphore_mem>>
      %dma_start3A_159 = tpu.memref_slice %arg4[%mul3A_2] : memref<640000xi32, #tpu.memory_space<hbm>> -> memref<10000xi32, #tpu.memory_space<hbm>>
      %dma_start3A_160 = tpu.memref_slice %arg4[%mul3A_2] : memref<640000xi32, #tpu.memory_space<hbm>> -> memref<10000xi32, #tpu.memory_space<hbm>>
      tpu.enqueue_dma source(%dma_start3A_160 : memref<10000xi32, #tpu.memory_space<hbm>>) target(%arg6 : memref<10000xi32, #tpu.memory_space<vmem>>) target_semaphore(%run_scoped3A : memref<!tpu.dma_semaphore, #tpu.memory_space<semaphore_mem>>)
      %dma_wait3A_161 = tpu.memref_slice %arg4[%mul3A_2] : memref<640000xi32, #tpu.memory_space<hbm>> -> memref<10000xi32, #tpu.memory_space<hbm>>
      %dma_wait3A_162 = tpu.memref_slice %arg4[%mul3A_2] : memref<640000xi32, #tpu.memory_space<hbm>> -> memref<10000xi32, #tpu.memory_space<hbm>>
      tpu.wait_dma2 semaphore(%run_scoped3A : memref<!tpu.dma_semaphore, #tpu.memory_space<semaphore_mem>>) src(%dma_wait3A_162 : memref<10000xi32, #tpu.memory_space<hbm>>) dst(%arg6 : memref<10000xi32, #tpu.memory_space<vmem>>)
      tpu.yield
    }) : () -> ()
    %add3A_3 = arith.constant 320000 : i32
    %add3A_4 = arith.addi %add3A_3, %mul3A_2 : i32
    "tpu.region"() ({
      %run_scoped3A = tpu.sem_alloc : memref<!tpu.dma_semaphore, #tpu.memory_space<semaphore_mem>>
      %dma_start3A_159 = tpu.memref_slice %arg4[%add3A_4] : memref<640000xi32, #tpu.memory_space<hbm>> -> memref<10000xi32, #tpu.memory_space<hbm>>
      %dma_start3A_160 = tpu.memref_slice %arg4[%add3A_4] : memref<640000xi32, #tpu.memory_space<hbm>> -> memref<10000xi32, #tpu.memory_space<hbm>>
      tpu.enqueue_dma source(%dma_start3A_160 : memref<10000xi32, #tpu.memory_space<hbm>>) target(%arg7 : memref<10000xi32, #tpu.memory_space<vmem>>) target_semaphore(%run_scoped3A : memref<!tpu.dma_semaphore, #tpu.memory_space<semaphore_mem>>)
      %dma_wait3A_161 = tpu.memref_slice %arg4[%add3A_4] : memref<640000xi32, #tpu.memory_space<hbm>> -> memref<10000xi32, #tpu.memory_space<hbm>>
      %dma_wait3A_162 = tpu.memref_slice %arg4[%add3A_4] : memref<640000xi32, #tpu.memory_space<hbm>> -> memref<10000xi32, #tpu.memory_space<hbm>>
      tpu.wait_dma2 semaphore(%run_scoped3A : memref<!tpu.dma_semaphore, #tpu.memory_space<semaphore_mem>>) src(%dma_wait3A_162 : memref<10000xi32, #tpu.memory_space<hbm>>) dst(%arg7 : memref<10000xi32, #tpu.memory_space<vmem>>)
      tpu.yield
    }) : () -> ()
    %iota3A = tpu.iota {dimensions = array<i32: 0>} : vector<16xi32>
    %dma_start3A = arith.constant 0 : i32
    %dma_start3A_5 = arith.constant 0 : i32
    %dma_start3A_6 = arith.constant 0 : i32
    %dma_start3A_7 = arith.constant 0 : i32
    %dma_start3A_8 = tpu.memref_slice %arg8[%dma_start3A, %dma_start3A_6, %dma_start3A_7] : memref<2x80x64xi32, #tpu.memory_space<vmem>> -> memref<1x80x64xi32, #tpu.memory_space<vmem>>
    %dma_start3A_9 = tpu.memref_squeeze %dma_start3A_8 : memref<1x80x64xi32, #tpu.memory_space<vmem>> -> memref<80x64xi32, #tpu.memory_space<vmem>>
    %dma_start3A_10 = arith.constant 0 : i32
    %dma_start3A_11 = tpu.memref_slice %arg6[%dma_start3A_10] : memref<10000xi32, #tpu.memory_space<vmem>> -> memref<80xi32, #tpu.memory_space<vmem>>
    %dma_start3A_12 = arith.constant 0 : i32
    %dma_start3A_13 = arith.constant 0 : i32
    %dma_start3A_14 = tpu.memref_slice %arg2[%dma_start3A_12, %dma_start3A_13] : memref<10000x64xi32, #tpu.memory_space<hbm>> -> memref<10000x64xi32, #tpu.memory_space<hbm>>
    %dma_start3A_15 = tpu.memref_slice %arg11[%dma_start3A_5] : memref<2x!tpu.dma_semaphore, #tpu.memory_space<semaphore_mem>> -> memref<1x!tpu.dma_semaphore, #tpu.memory_space<semaphore_mem>>
    %dma_start3A_16 = tpu.memref_squeeze %dma_start3A_15 : memref<1x!tpu.dma_semaphore, #tpu.memory_space<semaphore_mem>> -> memref<!tpu.dma_semaphore, #tpu.memory_space<semaphore_mem>>
    tpu.enqueue_indirect_dma source(%dma_start3A_14 : memref<10000x64xi32, #tpu.memory_space<hbm>>) target(%dma_start3A_9 : memref<80x64xi32, #tpu.memory_space<vmem>>) offsets(%dma_start3A_11 : memref<80xi32, #tpu.memory_space<vmem>>) semaphore(%dma_start3A_16 : memref<!tpu.dma_semaphore, #tpu.memory_space<semaphore_mem>>)
    %dma_start3A_17 = arith.constant 0 : i32
    %dma_start3A_18 = arith.constant 0 : i32
    %dma_start3A_19 = arith.constant 0 : i32
    %dma_start3A_20 = arith.constant 0 : i32
    %dma_start3A_21 = tpu.memref_slice %arg9[%dma_start3A_17, %dma_start3A_19, %dma_start3A_20] : memref<2x80x64xi32, #tpu.memory_space<vmem>> -> memref<1x80x64xi32, #tpu.memory_space<vmem>>
    %dma_start3A_22 = tpu.memref_squeeze %dma_start3A_21 : memref<1x80x64xi32, #tpu.memory_space<vmem>> -> memref<80x64xi32, #tpu.memory_space<vmem>>
    %dma_start3A_23 = arith.constant 0 : i32
    %dma_start3A_24 = tpu.memref_slice %arg7[%dma_start3A_23] : memref<10000xi32, #tpu.memory_space<vmem>> -> memref<80xi32, #tpu.memory_space<vmem>>
    %dma_start3A_25 = arith.constant 0 : i32
    %dma_start3A_26 = arith.constant 0 : i32
    %dma_start3A_27 = tpu.memref_slice %arg3[%dma_start3A_25, %dma_start3A_26] : memref<10000x64xi32, #tpu.memory_space<hbm>> -> memref<10000x64xi32, #tpu.memory_space<hbm>>
    %dma_start3A_28 = tpu.memref_slice %arg12[%dma_start3A_18] : memref<2x!tpu.dma_semaphore, #tpu.memory_space<semaphore_mem>> -> memref<1x!tpu.dma_semaphore, #tpu.memory_space<semaphore_mem>>
    %dma_start3A_29 = tpu.memref_squeeze %dma_start3A_28 : memref<1x!tpu.dma_semaphore, #tpu.memory_space<semaphore_mem>> -> memref<!tpu.dma_semaphore, #tpu.memory_space<semaphore_mem>>
    tpu.enqueue_indirect_dma source(%dma_start3A_27 : memref<10000x64xi32, #tpu.memory_space<hbm>>) target(%dma_start3A_22 : memref<80x64xi32, #tpu.memory_space<vmem>>) offsets(%dma_start3A_24 : memref<80xi32, #tpu.memory_space<vmem>>) semaphore(%dma_start3A_29 : memref<!tpu.dma_semaphore, #tpu.memory_space<semaphore_mem>>)
    %dma_start3A_30 = arith.constant 1 : i32
    %dma_start3A_31 = arith.constant 1 : i32
    %dma_start3A_32 = arith.constant 0 : i32
    %dma_start3A_33 = arith.constant 0 : i32
    %dma_start3A_34 = tpu.memref_slice %arg8[%dma_start3A_30, %dma_start3A_32, %dma_start3A_33] : memref<2x80x64xi32, #tpu.memory_space<vmem>> -> memref<1x80x64xi32, #tpu.memory_space<vmem>>
    %dma_start3A_35 = tpu.memref_squeeze %dma_start3A_34 : memref<1x80x64xi32, #tpu.memory_space<vmem>> -> memref<80x64xi32, #tpu.memory_space<vmem>>
    %dma_start3A_36 = arith.constant 80 : i32
    %dma_start3A_37 = tpu.memref_slice %arg6[%dma_start3A_36] : memref<10000xi32, #tpu.memory_space<vmem>> -> memref<80xi32, #tpu.memory_space<vmem>>
    %dma_start3A_38 = arith.constant 0 : i32
    %dma_start3A_39 = arith.constant 0 : i32
    %dma_start3A_40 = tpu.memref_slice %arg2[%dma_start3A_38, %dma_start3A_39] : memref<10000x64xi32, #tpu.memory_space<hbm>> -> memref<10000x64xi32, #tpu.memory_space<hbm>>
    %dma_start3A_41 = tpu.memref_slice %arg11[%dma_start3A_31] : memref<2x!tpu.dma_semaphore, #tpu.memory_space<semaphore_mem>> -> memref<1x!tpu.dma_semaphore, #tpu.memory_space<semaphore_mem>>
    %dma_start3A_42 = tpu.memref_squeeze %dma_start3A_41 : memref<1x!tpu.dma_semaphore, #tpu.memory_space<semaphore_mem>> -> memref<!tpu.dma_semaphore, #tpu.memory_space<semaphore_mem>>
    tpu.enqueue_indirect_dma source(%dma_start3A_40 : memref<10000x64xi32, #tpu.memory_space<hbm>>) target(%dma_start3A_35 : memref<80x64xi32, #tpu.memory_space<vmem>>) offsets(%dma_start3A_37 : memref<80xi32, #tpu.memory_space<vmem>>) semaphore(%dma_start3A_42 : memref<!tpu.dma_semaphore, #tpu.memory_space<semaphore_mem>>)
    %dma_start3A_43 = arith.constant 1 : i32
    %dma_start3A_44 = arith.constant 1 : i32
    %dma_start3A_45 = arith.constant 0 : i32
    %dma_start3A_46 = arith.constant 0 : i32
    %dma_start3A_47 = tpu.memref_slice %arg9[%dma_start3A_43, %dma_start3A_45, %dma_start3A_46] : memref<2x80x64xi32, #tpu.memory_space<vmem>> -> memref<1x80x64xi32, #tpu.memory_space<vmem>>
    %dma_start3A_48 = tpu.memref_squeeze %dma_start3A_47 : memref<1x80x64xi32, #tpu.memory_space<vmem>> -> memref<80x64xi32, #tpu.memory_space<vmem>>
    %dma_start3A_49 = arith.constant 80 : i32
    %dma_start3A_50 = tpu.memref_slice %arg7[%dma_start3A_49] : memref<10000xi32, #tpu.memory_space<vmem>> -> memref<80xi32, #tpu.memory_space<vmem>>
    %dma_start3A_51 = arith.constant 0 : i32
    %dma_start3A_52 = arith.constant 0 : i32
    %dma_start3A_53 = tpu.memref_slice %arg3[%dma_start3A_51, %dma_start3A_52] : memref<10000x64xi32, #tpu.memory_space<hbm>> -> memref<10000x64xi32, #tpu.memory_space<hbm>>
    %dma_start3A_54 = tpu.memref_slice %arg12[%dma_start3A_44] : memref<2x!tpu.dma_semaphore, #tpu.memory_space<semaphore_mem>> -> memref<1x!tpu.dma_semaphore, #tpu.memory_space<semaphore_mem>>
    %dma_start3A_55 = tpu.memref_squeeze %dma_start3A_54 : memref<1x!tpu.dma_semaphore, #tpu.memory_space<semaphore_mem>> -> memref<!tpu.dma_semaphore, #tpu.memory_space<semaphore_mem>>
    tpu.enqueue_indirect_dma source(%dma_start3A_53 : memref<10000x64xi32, #tpu.memory_space<hbm>>) target(%dma_start3A_48 : memref<80x64xi32, #tpu.memory_space<vmem>>) offsets(%dma_start3A_50 : memref<80xi32, #tpu.memory_space<vmem>>) semaphore(%dma_start3A_55 : memref<!tpu.dma_semaphore, #tpu.memory_space<semaphore_mem>>)
    %scan3A = arith.constant 0 : i32
    %scan3A_56 = arith.constant 0 : i32
    %scan3A_57 = arith.constant 62 : i32
    %scan3A_58 = arith.addi %scan3A_56, %scan3A_57 : i32
    %scan3A_59 = arith.constant 1 : i32
    scf.for %scan3A_159 = %scan3A_56 to %scan3A_58 step %scan3A_59  : i32 {
      %mul3A_160 = arith.constant 2 : i32
      %mul3A_161 = arith.muli %scan3A_159, %mul3A_160 : i32
      %add3A_162 = arith.constant 0 : i32
      %add3A_163 = arith.addi %mul3A_161, %add3A_162 : i32
      %dma_wait3A_164 = arith.constant 0 : i32
      %dma_wait3A_165 = arith.constant 0 : i32
      %dma_wait3A_166 = arith.constant 0 : i32
      %dma_wait3A_167 = arith.constant 0 : i32
      %dma_wait3A_168 = tpu.memref_slice %arg8[%dma_wait3A_164, %dma_wait3A_166, %dma_wait3A_167] : memref<2x80x64xi32, #tpu.memory_space<vmem>> -> memref<1x80x64xi32, #tpu.memory_space<vmem>>
      %dma_wait3A_169 = tpu.memref_squeeze %dma_wait3A_168 : memref<1x80x64xi32, #tpu.memory_space<vmem>> -> memref<80x64xi32, #tpu.memory_space<vmem>>
      %dma_wait3A_170 = arith.constant 0 : i32
      %dma_wait3A_171 = tpu.memref_slice %arg6[%dma_wait3A_170] : memref<10000xi32, #tpu.memory_space<vmem>> -> memref<80xi32, #tpu.memory_space<vmem>>
      %dma_wait3A_172 = arith.constant 0 : i32
      %dma_wait3A_173 = arith.constant 0 : i32
      %dma_wait3A_174 = tpu.memref_slice %arg2[%dma_wait3A_172, %dma_wait3A_173] : memref<10000x64xi32, #tpu.memory_space<hbm>> -> memref<10000x64xi32, #tpu.memory_space<hbm>>
      %dma_wait3A_175 = tpu.memref_slice %arg11[%dma_wait3A_165] : memref<2x!tpu.dma_semaphore, #tpu.memory_space<semaphore_mem>> -> memref<1x!tpu.dma_semaphore, #tpu.memory_space<semaphore_mem>>
      %dma_wait3A_176 = tpu.memref_squeeze %dma_wait3A_175 : memref<1x!tpu.dma_semaphore, #tpu.memory_space<semaphore_mem>> -> memref<!tpu.dma_semaphore, #tpu.memory_space<semaphore_mem>>
      tpu.wait_indirect_dma semaphore(%dma_wait3A_176 : memref<!tpu.dma_semaphore, #tpu.memory_space<semaphore_mem>>) src(%dma_wait3A_174 : memref<10000x64xi32, #tpu.memory_space<hbm>>) dst(%dma_wait3A_169 : memref<80x64xi32, #tpu.memory_space<vmem>>)
      %dma_wait3A_177 = arith.constant 0 : i32
      %dma_wait3A_178 = arith.constant 0 : i32
      %dma_wait3A_179 = arith.constant 0 : i32
      %dma_wait3A_180 = arith.constant 0 : i32
      %dma_wait3A_181 = tpu.memref_slice %arg9[%dma_wait3A_177, %dma_wait3A_179, %dma_wait3A_180] : memref<2x80x64xi32, #tpu.memory_space<vmem>> -> memref<1x80x64xi32, #tpu.memory_space<vmem>>
      %dma_wait3A_182 = tpu.memref_squeeze %dma_wait3A_181 : memref<1x80x64xi32, #tpu.memory_space<vmem>> -> memref<80x64xi32, #tpu.memory_space<vmem>>
      %dma_wait3A_183 = arith.constant 0 : i32
      %dma_wait3A_184 = tpu.memref_slice %arg7[%dma_wait3A_183] : memref<10000xi32, #tpu.memory_space<vmem>> -> memref<80xi32, #tpu.memory_space<vmem>>
      %dma_wait3A_185 = arith.constant 0 : i32
      %dma_wait3A_186 = arith.constant 0 : i32
      %dma_wait3A_187 = tpu.memref_slice %arg3[%dma_wait3A_185, %dma_wait3A_186] : memref<10000x64xi32, #tpu.memory_space<hbm>> -> memref<10000x64xi32, #tpu.memory_space<hbm>>
      %dma_wait3A_188 = tpu.memref_slice %arg12[%dma_wait3A_178] : memref<2x!tpu.dma_semaphore, #tpu.memory_space<semaphore_mem>> -> memref<1x!tpu.dma_semaphore, #tpu.memory_space<semaphore_mem>>
      %dma_wait3A_189 = tpu.memref_squeeze %dma_wait3A_188 : memref<1x!tpu.dma_semaphore, #tpu.memory_space<semaphore_mem>> -> memref<!tpu.dma_semaphore, #tpu.memory_space<semaphore_mem>>
      tpu.wait_indirect_dma semaphore(%dma_wait3A_189 : memref<!tpu.dma_semaphore, #tpu.memory_space<semaphore_mem>>) src(%dma_wait3A_187 : memref<10000x64xi32, #tpu.memory_space<hbm>>) dst(%dma_wait3A_182 : memref<80x64xi32, #tpu.memory_space<vmem>>)
      %add3A_190 = arith.constant 0 : i32
      %add3A_191 = vector.broadcast %add3A_190 : i32 to vector<16xi32>
      %add3A_192 = arith.addi %add3A_191, %iota3A : vector<16xi32>
      %broadcast_in_dim3A_193 = arith.constant 0.000000e+00 : f32
      %broadcast_in_dim3A_194 = vector.broadcast %broadcast_in_dim3A_193 : f32 to vector<16xf32>
      %scan3A_195 = arith.constant 0 : i32
      %scan3A_196 = arith.constant 0 : i32
      %scan3A_197 = arith.constant 0 : i32
      %scan3A_198 = arith.constant 8 : i32
      %scan3A_199 = arith.addi %scan3A_197, %scan3A_198 : i32
      %scan3A_200 = arith.constant 1 : i32
      %scan3A_201 = scf.for %scan3A_419 = %scan3A_197 to %scan3A_199 step %scan3A_200 iter_args(%scan3A_420 = %broadcast_in_dim3A_194) -> (vector<16xf32>)  : i32 {
        %mul3A_421 = arith.constant 8 : i32
        %mul3A_422 = arith.muli %scan3A_419, %mul3A_421 : i32
        %add3A_423 = arith.constant 0 : i32
        %add3A_424 = arith.addi %mul3A_422, %add3A_423 : i32
        %add3A_425 = vector.broadcast %add3A_424 : i32 to vector<16xi32>
        %add3A_426 = arith.addi %iota3A, %add3A_425 : vector<16xi32>
        %and3A = arith.constant 63 : i32
        %and3A_427 = vector.broadcast %and3A : i32 to vector<16xi32>
        %and3A_428 = arith.andi %add3A_426, %and3A_427 : vector<16xi32>
        %gather3A = arith.constant 0 : i32
        %gather3A_429 = arith.constant 0 : i32
        %gather3A_430 = tpu.memref_slice %arg8[%scan3A_195, %gather3A, %gather3A_429] : memref<2x80x64xi32, #tpu.memory_space<vmem>> -> memref<1x80x64xi32, #tpu.memory_space<vmem>>
        %gather3A_431 = tpu.memref_squeeze %gather3A_430 : memref<1x80x64xi32, #tpu.memory_space<vmem>> -> memref<80x64xi32, #tpu.memory_space<vmem>>
        %gather3A_432 = tpu.vector_load_idx %gather3A_431[%add3A_192, %and3A_428] : memref<80x64xi32, #tpu.memory_space<vmem>>[vector<16xi32>, vector<16xi32>], vector<16xi32>,
        %gather3A_433 = arith.constant 0 : i32
        %gather3A_434 = arith.constant 0 : i32
        %gather3A_435 = tpu.memref_slice %arg9[%scan3A_196, %gather3A_433, %gather3A_434] : memref<2x80x64xi32, #tpu.memory_space<vmem>> -> memref<1x80x64xi32, #tpu.memory_space<vmem>>
        %gather3A_436 = tpu.memref_squeeze %gather3A_435 : memref<1x80x64xi32, #tpu.memory_space<vmem>> -> memref<80x64xi32, #tpu.memory_space<vmem>>
        %gather3A_437 = tpu.vector_load_idx %gather3A_436[%add3A_192, %and3A_428] : memref<80x64xi32, #tpu.memory_space<vmem>>[vector<16xi32>, vector<16xi32>], vector<16xi32>,
        %bitcast3A = vector.bitcast %gather3A_432 : vector<16xi32> to vector<32xbf16>
        %bitcast3A_438 = vector.bitcast %gather3A_437 : vector<16xi32> to vector<32xbf16>
        %mul3A_439 = arith.mulf %bitcast3A, %bitcast3A_438 : vector<32xbf16>
        %mul3A_440 = arith.constant 8 : i32
        %mul3A_441 = arith.muli %scan3A_419, %mul3A_440 : i32
        %add3A_442 = arith.constant 1 : i32
        %add3A_443 = arith.addi %mul3A_441, %add3A_442 : i32
        %add3A_444 = vector.broadcast %add3A_443 : i32 to vector<16xi32>
        %add3A_445 = arith.addi %iota3A, %add3A_444 : vector<16xi32>
        %and3A_446 = arith.constant 63 : i32
        %and3A_447 = vector.broadcast %and3A_446 : i32 to vector<16xi32>
        %and3A_448 = arith.andi %add3A_445, %and3A_447 : vector<16xi32>
        %gather3A_449 = arith.constant 0 : i32
        %gather3A_450 = arith.constant 0 : i32
        %gather3A_451 = tpu.memref_slice %arg8[%scan3A_195, %gather3A_449, %gather3A_450] : memref<2x80x64xi32, #tpu.memory_space<vmem>> -> memref<1x80x64xi32, #tpu.memory_space<vmem>>
        %gather3A_452 = tpu.memref_squeeze %gather3A_451 : memref<1x80x64xi32, #tpu.memory_space<vmem>> -> memref<80x64xi32, #tpu.memory_space<vmem>>
        %gather3A_453 = tpu.vector_load_idx %gather3A_452[%add3A_192, %and3A_448] : memref<80x64xi32, #tpu.memory_space<vmem>>[vector<16xi32>, vector<16xi32>], vector<16xi32>,
        %gather3A_454 = arith.constant 0 : i32
        %gather3A_455 = arith.constant 0 : i32
        %gather3A_456 = tpu.memref_slice %arg9[%scan3A_196, %gather3A_454, %gather3A_455] : memref<2x80x64xi32, #tpu.memory_space<vmem>> -> memref<1x80x64xi32, #tpu.memory_space<vmem>>
        %gather3A_457 = tpu.memref_squeeze %gather3A_456 : memref<1x80x64xi32, #tpu.memory_space<vmem>> -> memref<80x64xi32, #tpu.memory_space<vmem>>
        %gather3A_458 = tpu.vector_load_idx %gather3A_457[%add3A_192, %and3A_448] : memref<80x64xi32, #tpu.memory_space<vmem>>[vector<16xi32>, vector<16xi32>], vector<16xi32>,
        %bitcast3A_459 = vector.bitcast %gather3A_453 : vector<16xi32> to vector<32xbf16>
        %bitcast3A_460 = vector.bitcast %gather3A_458 : vector<16xi32> to vector<32xbf16>
        %mul3A_461 = arith.mulf %bitcast3A_459, %bitcast3A_460 : vector<32xbf16>
        %add3A_462 = arith.addf %mul3A_439, %mul3A_461 : vector<32xbf16>
        %mul3A_463 = arith.constant 8 : i32
        %mul3A_464 = arith.muli %scan3A_419, %mul3A_463 : i32
        %add3A_465 = arith.constant 2 : i32
        %add3A_466 = arith.addi %mul3A_464, %add3A_465 : i32
        %add3A_467 = vector.broadcast %add3A_466 : i32 to vector<16xi32>
        %add3A_468 = arith.addi %iota3A, %add3A_467 : vector<16xi32>
        %and3A_469 = arith.constant 63 : i32
        %and3A_470 = vector.broadcast %and3A_469 : i32 to vector<16xi32>
        %and3A_471 = arith.andi %add3A_468, %and3A_470 : vector<16xi32>
        %gather3A_472 = arith.constant 0 : i32
        %gather3A_473 = arith.constant 0 : i32
        %gather3A_474 = tpu.memref_slice %arg8[%scan3A_195, %gather3A_472, %gather3A_473] : memref<2x80x64xi32, #tpu.memory_space<vmem>> -> memref<1x80x64xi32, #tpu.memory_space<vmem>>
        %gather3A_475 = tpu.memref_squeeze %gather3A_474 : memref<1x80x64xi32, #tpu.memory_space<vmem>> -> memref<80x64xi32, #tpu.memory_space<vmem>>
        %gather3A_476 = tpu.vector_load_idx %gather3A_475[%add3A_192, %and3A_471] : memref<80x64xi32, #tpu.memory_space<vmem>>[vector<16xi32>, vector<16xi32>], vector<16xi32>,
        %gather3A_477 = arith.constant 0 : i32
        %gather3A_478 = arith.constant 0 : i32
        %gather3A_479 = tpu.memref_slice %arg9[%scan3A_196, %gather3A_477, %gather3A_478] : memref<2x80x64xi32, #tpu.memory_space<vmem>> -> memref<1x80x64xi32, #tpu.memory_space<vmem>>
        %gather3A_480 = tpu.memref_squeeze %gather3A_479 : memref<1x80x64xi32, #tpu.memory_space<vmem>> -> memref<80x64xi32, #tpu.memory_space<vmem>>
        %gather3A_481 = tpu.vector_load_idx %gather3A_480[%add3A_192, %and3A_471] : memref<80x64xi32, #tpu.memory_space<vmem>>[vector<16xi32>, vector<16xi32>], vector<16xi32>,
        %bitcast3A_482 = vector.bitcast %gather3A_476 : vector<16xi32> to vector<32xbf16>
        %bitcast3A_483 = vector.bitcast %gather3A_481 : vector<16xi32> to vector<32xbf16>
        %mul3A_484 = arith.mulf %bitcast3A_482, %bitcast3A_483 : vector<32xbf16>
        %add3A_485 = arith.addf %add3A_462, %mul3A_484 : vector<32xbf16>
        %mul3A_486 = arith.constant 8 : i32
        %mul3A_487 = arith.muli %scan3A_419, %mul3A_486 : i32
        %add3A_488 = arith.constant 3 : i32
        %add3A_489 = arith.addi %mul3A_487, %add3A_488 : i32
        %add3A_490 = vector.broadcast %add3A_489 : i32 to vector<16xi32>
        %add3A_491 = arith.addi %iota3A, %add3A_490 : vector<16xi32>
        %and3A_492 = arith.constant 63 : i32
        %and3A_493 = vector.broadcast %and3A_492 : i32 to vector<16xi32>
        %and3A_494 = arith.andi %add3A_491, %and3A_493 : vector<16xi32>
        %gather3A_495 = arith.constant 0 : i32
        %gather3A_496 = arith.constant 0 : i32
        %gather3A_497 = tpu.memref_slice %arg8[%scan3A_195, %gather3A_495, %gather3A_496] : memref<2x80x64xi32, #tpu.memory_space<vmem>> -> memref<1x80x64xi32, #tpu.memory_space<vmem>>
        %gather3A_498 = tpu.memref_squeeze %gather3A_497 : memref<1x80x64xi32, #tpu.memory_space<vmem>> -> memref<80x64xi32, #tpu.memory_space<vmem>>
        %gather3A_499 = tpu.vector_load_idx %gather3A_498[%add3A_192, %and3A_494] : memref<80x64xi32, #tpu.memory_space<vmem>>[vector<16xi32>, vector<16xi32>], vector<16xi32>,
        %gather3A_500 = arith.constant 0 : i32
        %gather3A_501 = arith.constant 0 : i32
        %gather3A_502 = tpu.memref_slice %arg9[%scan3A_196, %gather3A_500, %gather3A_501] : memref<2x80x64xi32, #tpu.memory_space<vmem>> -> memref<1x80x64xi32, #tpu.memory_space<vmem>>
        %gather3A_503 = tpu.memref_squeeze %gather3A_502 : memref<1x80x64xi32, #tpu.memory_space<vmem>> -> memref<80x64xi32, #tpu.memory_space<vmem>>
        %gather3A_504 = tpu.vector_load_idx %gather3A_503[%add3A_192, %and3A_494] : memref<80x64xi32, #tpu.memory_space<vmem>>[vector<16xi32>, vector<16xi32>], vector<16xi32>,
        %bitcast3A_505 = vector.bitcast %gather3A_499 : vector<16xi32> to vector<32xbf16>
        %bitcast3A_506 = vector.bitcast %gather3A_504 : vector<16xi32> to vector<32xbf16>
        %mul3A_507 = arith.mulf %bitcast3A_505, %bitcast3A_506 : vector<32xbf16>
        %add3A_508 = arith.addf %add3A_485, %mul3A_507 : vector<32xbf16>
        %mul3A_509 = arith.constant 8 : i32
        %mul3A_510 = arith.muli %scan3A_419, %mul3A_509 : i32
        %add3A_511 = arith.constant 4 : i32
        %add3A_512 = arith.addi %mul3A_510, %add3A_511 : i32
        %add3A_513 = vector.broadcast %add3A_512 : i32 to vector<16xi32>
        %add3A_514 = arith.addi %iota3A, %add3A_513 : vector<16xi32>
        %and3A_515 = arith.constant 63 : i32
        %and3A_516 = vector.broadcast %and3A_515 : i32 to vector<16xi32>
        %and3A_517 = arith.andi %add3A_514, %and3A_516 : vector<16xi32>
        %gather3A_518 = arith.constant 0 : i32
        %gather3A_519 = arith.constant 0 : i32
        %gather3A_520 = tpu.memref_slice %arg8[%scan3A_195, %gather3A_518, %gather3A_519] : memref<2x80x64xi32, #tpu.memory_space<vmem>> -> memref<1x80x64xi32, #tpu.memory_space<vmem>>
        %gather3A_521 = tpu.memref_squeeze %gather3A_520 : memref<1x80x64xi32, #tpu.memory_space<vmem>> -> memref<80x64xi32, #tpu.memory_space<vmem>>
        %gather3A_522 = tpu.vector_load_idx %gather3A_521[%add3A_192, %and3A_517] : memref<80x64xi32, #tpu.memory_space<vmem>>[vector<16xi32>, vector<16xi32>], vector<16xi32>,
        %gather3A_523 = arith.constant 0 : i32
        %gather3A_524 = arith.constant 0 : i32
        %gather3A_525 = tpu.memref_slice %arg9[%scan3A_196, %gather3A_523, %gather3A_524] : memref<2x80x64xi32, #tpu.memory_space<vmem>> -> memref<1x80x64xi32, #tpu.memory_space<vmem>>
        %gather3A_526 = tpu.memref_squeeze %gather3A_525 : memref<1x80x64xi32, #tpu.memory_space<vmem>> -> memref<80x64xi32, #tpu.memory_space<vmem>>
        %gather3A_527 = tpu.vector_load_idx %gather3A_526[%add3A_192, %and3A_517] : memref<80x64xi32, #tpu.memory_space<vmem>>[vector<16xi32>, vector<16xi32>], vector<16xi32>,
        %bitcast3A_528 = vector.bitcast %gather3A_522 : vector<16xi32> to vector<32xbf16>
        %bitcast3A_529 = vector.bitcast %gather3A_527 : vector<16xi32> to vector<32xbf16>
        %mul3A_530 = arith.mulf %bitcast3A_528, %bitcast3A_529 : vector<32xbf16>
        %add3A_531 = arith.addf %add3A_508, %mul3A_530 : vector<32xbf16>
        %mul3A_532 = arith.constant 8 : i32
        %mul3A_533 = arith.muli %scan3A_419, %mul3A_532 : i32
        %add3A_534 = arith.constant 5 : i32
        %add3A_535 = arith.addi %mul3A_533, %add3A_534 : i32
        %add3A_536 = vector.broadcast %add3A_535 : i32 to vector<16xi32>
        %add3A_537 = arith.addi %iota3A, %add3A_536 : vector<16xi32>
        %and3A_538 = arith.constant 63 : i32
        %and3A_539 = vector.broadcast %and3A_538 : i32 to vector<16xi32>
        %and3A_540 = arith.andi %add3A_537, %and3A_539 : vector<16xi32>
        %gather3A_541 = arith.constant 0 : i32
        %gather3A_542 = arith.constant 0 : i32
        %gather3A_543 = tpu.memref_slice %arg8[%scan3A_195, %gather3A_541, %gather3A_542] : memref<2x80x64xi32, #tpu.memory_space<vmem>> -> memref<1x80x64xi32, #tpu.memory_space<vmem>>
        %gather3A_544 = tpu.memref_squeeze %gather3A_543 : memref<1x80x64xi32, #tpu.memory_space<vmem>> -> memref<80x64xi32, #tpu.memory_space<vmem>>
        %gather3A_545 = tpu.vector_load_idx %gather3A_544[%add3A_192, %and3A_540] : memref<80x64xi32, #tpu.memory_space<vmem>>[vector<16xi32>, vector<16xi32>], vector<16xi32>,
        %gather3A_546 = arith.constant 0 : i32
        %gather3A_547 = arith.constant 0 : i32
        %gather3A_548 = tpu.memref_slice %arg9[%scan3A_196, %gather3A_546, %gather3A_547] : memref<2x80x64xi32, #tpu.memory_space<vmem>> -> memref<1x80x64xi32, #tpu.memory_space<vmem>>
        %gather3A_549 = tpu.memref_squeeze %gather3A_548 : memref<1x80x64xi32, #tpu.memory_space<vmem>> -> memref<80x64xi32, #tpu.memory_space<vmem>>
        %gather3A_550 = tpu.vector_load_idx %gather3A_549[%add3A_192, %and3A_540] : memref<80x64xi32, #tpu.memory_space<vmem>>[vector<16xi32>, vector<16xi32>], vector<16xi32>,
        %bitcast3A_551 = vector.bitcast %gather3A_545 : vector<16xi32> to vector<32xbf16>
        %bitcast3A_552 = vector.bitcast %gather3A_550 : vector<16xi32> to vector<32xbf16>
        %mul3A_553 = arith.mulf %bitcast3A_551, %bitcast3A_552 : vector<32xbf16>
        %add3A_554 = arith.addf %add3A_531, %mul3A_553 : vector<32xbf16>
        %mul3A_555 = arith.constant 8 : i32
        %mul3A_556 = arith.muli %scan3A_419, %mul3A_555 : i32
        %add3A_557 = arith.constant 6 : i32
        %add3A_558 = arith.addi %mul3A_556, %add3A_557 : i32
        %add3A_559 = vector.broadcast %add3A_558 : i32 to vector<16xi32>
        %add3A_560 = arith.addi %iota3A, %add3A_559 : vector<16xi32>
        %and3A_561 = arith.constant 63 : i32
        %and3A_562 = vector.broadcast %and3A_561 : i32 to vector<16xi32>
        %and3A_563 = arith.andi %add3A_560, %and3A_562 : vector<16xi32>
        %gather3A_564 = arith.constant 0 : i32
        %gather3A_565 = arith.constant 0 : i32
        %gather3A_566 = tpu.memref_slice %arg8[%scan3A_195, %gather3A_564, %gather3A_565] : memref<2x80x64xi32, #tpu.memory_space<vmem>> -> memref<1x80x64xi32, #tpu.memory_space<vmem>>
        %gather3A_567 = tpu.memref_squeeze %gather3A_566 : memref<1x80x64xi32, #tpu.memory_space<vmem>> -> memref<80x64xi32, #tpu.memory_space<vmem>>
        %gather3A_568 = tpu.vector_load_idx %gather3A_567[%add3A_192, %and3A_563] : memref<80x64xi32, #tpu.memory_space<vmem>>[vector<16xi32>, vector<16xi32>], vector<16xi32>,
        %gather3A_569 = arith.constant 0 : i32
        %gather3A_570 = arith.constant 0 : i32
        %gather3A_571 = tpu.memref_slice %arg9[%scan3A_196, %gather3A_569, %gather3A_570] : memref<2x80x64xi32, #tpu.memory_space<vmem>> -> memref<1x80x64xi32, #tpu.memory_space<vmem>>
        %gather3A_572 = tpu.memref_squeeze %gather3A_571 : memref<1x80x64xi32, #tpu.memory_space<vmem>> -> memref<80x64xi32, #tpu.memory_space<vmem>>
        %gather3A_573 = tpu.vector_load_idx %gather3A_572[%add3A_192, %and3A_563] : memref<80x64xi32, #tpu.memory_space<vmem>>[vector<16xi32>, vector<16xi32>], vector<16xi32>,
        %bitcast3A_574 = vector.bitcast %gather3A_568 : vector<16xi32> to vector<32xbf16>
        %bitcast3A_575 = vector.bitcast %gather3A_573 : vector<16xi32> to vector<32xbf16>
        %mul3A_576 = arith.mulf %bitcast3A_574, %bitcast3A_575 : vector<32xbf16>
        %add3A_577 = arith.addf %add3A_554, %mul3A_576 : vector<32xbf16>
        %mul3A_578 = arith.constant 8 : i32
        %mul3A_579 = arith.muli %scan3A_419, %mul3A_578 : i32
        %add3A_580 = arith.constant 7 : i32
        %add3A_581 = arith.addi %mul3A_579, %add3A_580 : i32
        %add3A_582 = vector.broadcast %add3A_581 : i32 to vector<16xi32>
        %add3A_583 = arith.addi %iota3A, %add3A_582 : vector<16xi32>
        %and3A_584 = arith.constant 63 : i32
        %and3A_585 = vector.broadcast %and3A_584 : i32 to vector<16xi32>
        %and3A_586 = arith.andi %add3A_583, %and3A_585 : vector<16xi32>
        %gather3A_587 = arith.constant 0 : i32
        %gather3A_588 = arith.constant 0 : i32
        %gather3A_589 = tpu.memref_slice %arg8[%scan3A_195, %gather3A_587, %gather3A_588] : memref<2x80x64xi32, #tpu.memory_space<vmem>> -> memref<1x80x64xi32, #tpu.memory_space<vmem>>
        %gather3A_590 = tpu.memref_squeeze %gather3A_589 : memref<1x80x64xi32, #tpu.memory_space<vmem>> -> memref<80x64xi32, #tpu.memory_space<vmem>>
        %gather3A_591 = tpu.vector_load_idx %gather3A_590[%add3A_192, %and3A_586] : memref<80x64xi32, #tpu.memory_space<vmem>>[vector<16xi32>, vector<16xi32>], vector<16xi32>,
        %gather3A_592 = arith.constant 0 : i32
        %gather3A_593 = arith.constant 0 : i32
        %gather3A_594 = tpu.memref_slice %arg9[%scan3A_196, %gather3A_592, %gather3A_593] : memref<2x80x64xi32, #tpu.memory_space<vmem>> -> memref<1x80x64xi32, #tpu.memory_space<vmem>>
        %gather3A_595 = tpu.memref_squeeze %gather3A_594 : memref<1x80x64xi32, #tpu.memory_space<vmem>> -> memref<80x64xi32, #tpu.memory_space<vmem>>
        %gather3A_596 = tpu.vector_load_idx %gather3A_595[%add3A_192, %and3A_586] : memref<80x64xi32, #tpu.memory_space<vmem>>[vector<16xi32>, vector<16xi32>], vector<16xi32>,
        %bitcast3A_597 = vector.bitcast %gather3A_591 : vector<16xi32> to vector<32xbf16>
        %bitcast3A_598 = vector.bitcast %gather3A_596 : vector<16xi32> to vector<32xbf16>
        %mul3A_599 = arith.mulf %bitcast3A_597, %bitcast3A_598 : vector<32xbf16>
        %add3A_600 = arith.addf %add3A_577, %mul3A_599 : vector<32xbf16>
        %unpack3A = tpu.unpack_subelements %add3A_600, 0 {pack_format = #tpu.pack_format<interleaved>} : vector<32xbf16> -> vector<16xf32>
        %unpack3A_601 = tpu.unpack_subelements %add3A_600, 1 {pack_format = #tpu.pack_format<interleaved>} : vector<32xbf16> -> vector<16xf32>
        %add3A_602 = arith.addf %scan3A_420, %unpack3A : vector<16xf32>
        %add3A_603 = arith.addf %add3A_602, %unpack3A_601 : vector<16xf32>
        scf.yield %add3A_603 : vector<16xf32>
      }
      %scan3A_202 = arith.constant 8 : i32
      %mul3A_203 = arith.constant 80 : i32
      %mul3A_204 = arith.muli %add3A_163, %mul3A_203 : i32
      %add3A_205 = arith.constant 0 : i32
      %add3A_206 = arith.addi %mul3A_204, %add3A_205 : i32
      %swap3A_207 = arith.index_cast %add3A_206 : i32 to index
      %swap3A_208 = tpu.vector_load %arg10[%swap3A_207] {strides = array<i32>} : memref<10000xf32, #tpu.memory_space<vmem>>, vector<16xf32>,
      tpu.vector_store %arg10[%swap3A_207], %scan3A_201 {strides = array<i32>} : memref<10000xf32, #tpu.memory_space<vmem>>, vector<16xf32>,
      %add3A_209 = arith.constant 16 : i32
      %add3A_210 = vector.broadcast %add3A_209 : i32 to vector<16xi32>
      %add3A_211 = arith.addi %add3A_210, %iota3A : vector<16xi32>
      %broadcast_in_dim3A_212 = arith.constant 0.000000e+00 : f32
      %broadcast_in_dim3A_213 = vector.broadcast %broadcast_in_dim3A_212 : f32 to vector<16xf32>
      %scan3A_214 = arith.constant 0 : i32
      %scan3A_215 = arith.constant 0 : i32
      %scan3A_216 = arith.constant 0 : i32
      %scan3A_217 = arith.constant 8 : i32
      %scan3A_218 = arith.addi %scan3A_216, %scan3A_217 : i32
      %scan3A_219 = arith.constant 1 : i32
      %scan3A_220 = scf.for %scan3A_419 = %scan3A_216 to %scan3A_218 step %scan3A_219 iter_args(%scan3A_420 = %broadcast_in_dim3A_213) -> (vector<16xf32>)  : i32 {
        %mul3A_421 = arith.constant 8 : i32
        %mul3A_422 = arith.muli %scan3A_419, %mul3A_421 : i32
        %add3A_423 = arith.constant 0 : i32
        %add3A_424 = arith.addi %mul3A_422, %add3A_423 : i32
        %add3A_425 = vector.broadcast %add3A_424 : i32 to vector<16xi32>
        %add3A_426 = arith.addi %iota3A, %add3A_425 : vector<16xi32>
        %and3A = arith.constant 63 : i32
        %and3A_427 = vector.broadcast %and3A : i32 to vector<16xi32>
        %and3A_428 = arith.andi %add3A_426, %and3A_427 : vector<16xi32>
        %gather3A = arith.constant 0 : i32
        %gather3A_429 = arith.constant 0 : i32
        %gather3A_430 = tpu.memref_slice %arg8[%scan3A_214, %gather3A, %gather3A_429] : memref<2x80x64xi32, #tpu.memory_space<vmem>> -> memref<1x80x64xi32, #tpu.memory_space<vmem>>
        %gather3A_431 = tpu.memref_squeeze %gather3A_430 : memref<1x80x64xi32, #tpu.memory_space<vmem>> -> memref<80x64xi32, #tpu.memory_space<vmem>>
        %gather3A_432 = tpu.vector_load_idx %gather3A_431[%add3A_211, %and3A_428] : memref<80x64xi32, #tpu.memory_space<vmem>>[vector<16xi32>, vector<16xi32>], vector<16xi32>,
        %gather3A_433 = arith.constant 0 : i32
        %gather3A_434 = arith.constant 0 : i32
        %gather3A_435 = tpu.memref_slice %arg9[%scan3A_215, %gather3A_433, %gather3A_434] : memref<2x80x64xi32, #tpu.memory_space<vmem>> -> memref<1x80x64xi32, #tpu.memory_space<vmem>>
        %gather3A_436 = tpu.memref_squeeze %gather3A_435 : memref<1x80x64xi32, #tpu.memory_space<vmem>> -> memref<80x64xi32, #tpu.memory_space<vmem>>
        %gather3A_437 = tpu.vector_load_idx %gather3A_436[%add3A_211, %and3A_428] : memref<80x64xi32, #tpu.memory_space<vmem>>[vector<16xi32>, vector<16xi32>], vector<16xi32>,
        %bitcast3A = vector.bitcast %gather3A_432 : vector<16xi32> to vector<32xbf16>
        %bitcast3A_438 = vector.bitcast %gather3A_437 : vector<16xi32> to vector<32xbf16>
        %mul3A_439 = arith.mulf %bitcast3A, %bitcast3A_438 : vector<32xbf16>
        %mul3A_440 = arith.constant 8 : i32
        %mul3A_441 = arith.muli %scan3A_419, %mul3A_440 : i32
        %add3A_442 = arith.constant 1 : i32
        %add3A_443 = arith.addi %mul3A_441, %add3A_442 : i32
        %add3A_444 = vector.broadcast %add3A_443 : i32 to vector<16xi32>
        %add3A_445 = arith.addi %iota3A, %add3A_444 : vector<16xi32>
        %and3A_446 = arith.constant 63 : i32
        %and3A_447 = vector.broadcast %and3A_446 : i32 to vector<16xi32>
        %and3A_448 = arith.andi %add3A_445, %and3A_447 : vector<16xi32>
        %gather3A_449 = arith.constant 0 : i32
        %gather3A_450 = arith.constant 0 : i32
        %gather3A_451 = tpu.memref_slice %arg8[%scan3A_214, %gather3A_449, %gather3A_450] : memref<2x80x64xi32, #tpu.memory_space<vmem>> -> memref<1x80x64xi32, #tpu.memory_space<vmem>>
        %gather3A_452 = tpu.memref_squeeze %gather3A_451 : memref<1x80x64xi32, #tpu.memory_space<vmem>> -> memref<80x64xi32, #tpu.memory_space<vmem>>
        %gather3A_453 = tpu.vector_load_idx %gather3A_452[%add3A_211, %and3A_448] : memref<80x64xi32, #tpu.memory_space<vmem>>[vector<16xi32>, vector<16xi32>], vector<16xi32>,
        %gather3A_454 = arith.constant 0 : i32
        %gather3A_455 = arith.constant 0 : i32
        %gather3A_456 = tpu.memref_slice %arg9[%scan3A_215, %gather3A_454, %gather3A_455] : memref<2x80x64xi32, #tpu.memory_space<vmem>> -> memref<1x80x64xi32, #tpu.memory_space<vmem>>
        %gather3A_457 = tpu.memref_squeeze %gather3A_456 : memref<1x80x64xi32, #tpu.memory_space<vmem>> -> memref<80x64xi32, #tpu.memory_space<vmem>>
        %gather3A_458 = tpu.vector_load_idx %gather3A_457[%add3A_211, %and3A_448] : memref<80x64xi32, #tpu.memory_space<vmem>>[vector<16xi32>, vector<16xi32>], vector<16xi32>,
        %bitcast3A_459 = vector.bitcast %gather3A_453 : vector<16xi32> to vector<32xbf16>
        %bitcast3A_460 = vector.bitcast %gather3A_458 : vector<16xi32> to vector<32xbf16>
        %mul3A_461 = arith.mulf %bitcast3A_459, %bitcast3A_460 : vector<32xbf16>
        %add3A_462 = arith.addf %mul3A_439, %mul3A_461 : vector<32xbf16>
        %mul3A_463 = arith.constant 8 : i32
        %mul3A_464 = arith.muli %scan3A_419, %mul3A_463 : i32
        %add3A_465 = arith.constant 2 : i32
        %add3A_466 = arith.addi %mul3A_464, %add3A_465 : i32
        %add3A_467 = vector.broadcast %add3A_466 : i32 to vector<16xi32>
        %add3A_468 = arith.addi %iota3A, %add3A_467 : vector<16xi32>
        %and3A_469 = arith.constant 63 : i32
        %and3A_470 = vector.broadcast %and3A_469 : i32 to vector<16xi32>
        %and3A_471 = arith.andi %add3A_468, %and3A_470 : vector<16xi32>
        %gather3A_472 = arith.constant 0 : i32
        %gather3A_473 = arith.constant 0 : i32
        %gather3A_474 = tpu.memref_slice %arg8[%scan3A_214, %gather3A_472, %gather3A_473] : memref<2x80x64xi32, #tpu.memory_space<vmem>> -> memref<1x80x64xi32, #tpu.memory_space<vmem>>
        %gather3A_475 = tpu.memref_squeeze %gather3A_474 : memref<1x80x64xi32, #tpu.memory_space<vmem>> -> memref<80x64xi32, #tpu.memory_space<vmem>>
        %gather3A_476 = tpu.vector_load_idx %gather3A_475[%add3A_211, %and3A_471] : memref<80x64xi32, #tpu.memory_space<vmem>>[vector<16xi32>, vector<16xi32>], vector<16xi32>,
        %gather3A_477 = arith.constant 0 : i32
        %gather3A_478 = arith.constant 0 : i32
        %gather3A_479 = tpu.memref_slice %arg9[%scan3A_215, %gather3A_477, %gather3A_478] : memref<2x80x64xi32, #tpu.memory_space<vmem>> -> memref<1x80x64xi32, #tpu.memory_space<vmem>>
        %gather3A_480 = tpu.memref_squeeze %gather3A_479 : memref<1x80x64xi32, #tpu.memory_space<vmem>> -> memref<80x64xi32, #tpu.memory_space<vmem>>
        %gather3A_481 = tpu.vector_load_idx %gather3A_480[%add3A_211, %and3A_471] : memref<80x64xi32, #tpu.memory_space<vmem>>[vector<16xi32>, vector<16xi32>], vector<16xi32>,
        %bitcast3A_482 = vector.bitcast %gather3A_476 : vector<16xi32> to vector<32xbf16>
        %bitcast3A_483 = vector.bitcast %gather3A_481 : vector<16xi32> to vector<32xbf16>
        %mul3A_484 = arith.mulf %bitcast3A_482, %bitcast3A_483 : vector<32xbf16>
        %add3A_485 = arith.addf %add3A_462, %mul3A_484 : vector<32xbf16>
        %mul3A_486 = arith.constant 8 : i32
        %mul3A_487 = arith.muli %scan3A_419, %mul3A_486 : i32
        %add3A_488 = arith.constant 3 : i32
        %add3A_489 = arith.addi %mul3A_487, %add3A_488 : i32
        %add3A_490 = vector.broadcast %add3A_489 : i32 to vector<16xi32>
        %add3A_491 = arith.addi %iota3A, %add3A_490 : vector<16xi32>
        %and3A_492 = arith.constant 63 : i32
        %and3A_493 = vector.broadcast %and3A_492 : i32 to vector<16xi32>
        %and3A_494 = arith.andi %add3A_491, %and3A_493 : vector<16xi32>
        %gather3A_495 = arith.constant 0 : i32
        %gather3A_496 = arith.constant 0 : i32
        %gather3A_497 = tpu.memref_slice %arg8[%scan3A_214, %gather3A_495, %gather3A_496] : memref<2x80x64xi32, #tpu.memory_space<vmem>> -> memref<1x80x64xi32, #tpu.memory_space<vmem>>
        %gather3A_498 = tpu.memref_squeeze %gather3A_497 : memref<1x80x64xi32, #tpu.memory_space<vmem>> -> memref<80x64xi32, #tpu.memory_space<vmem>>
        %gather3A_499 = tpu.vector_load_idx %gather3A_498[%add3A_211, %and3A_494] : memref<80x64xi32, #tpu.memory_space<vmem>>[vector<16xi32>, vector<16xi32>], vector<16xi32>,
        %gather3A_500 = arith.constant 0 : i32
        %gather3A_501 = arith.constant 0 : i32
        %gather3A_502 = tpu.memref_slice %arg9[%scan3A_215, %gather3A_500, %gather3A_501] : memref<2x80x64xi32, #tpu.memory_space<vmem>> -> memref<1x80x64xi32, #tpu.memory_space<vmem>>
        %gather3A_503 = tpu.memref_squeeze %gather3A_502 : memref<1x80x64xi32, #tpu.memory_space<vmem>> -> memref<80x64xi32, #tpu.memory_space<vmem>>
        %gather3A_504 = tpu.vector_load_idx %gather3A_503[%add3A_211, %and3A_494] : memref<80x64xi32, #tpu.memory_space<vmem>>[vector<16xi32>, vector<16xi32>], vector<16xi32>,
        %bitcast3A_505 = vector.bitcast %gather3A_499 : vector<16xi32> to vector<32xbf16>
        %bitcast3A_506 = vector.bitcast %gather3A_504 : vector<16xi32> to vector<32xbf16>
        %mul3A_507 = arith.mulf %bitcast3A_505, %bitcast3A_506 : vector<32xbf16>
        %add3A_508 = arith.addf %add3A_485, %mul3A_507 : vector<32xbf16>
        %mul3A_509 = arith.constant 8 : i32
        %mul3A_510 = arith.muli %scan3A_419, %mul3A_509 : i32
        %add3A_511 = arith.constant 4 : i32
        %add3A_512 = arith.addi %mul3A_510, %add3A_511 : i32
        %add3A_513 = vector.broadcast %add3A_512 : i32 to vector<16xi32>
        %add3A_514 = arith.addi %iota3A, %add3A_513 : vector<16xi32>
        %and3A_515 = arith.constant 63 : i32
        %and3A_516 = vector.broadcast %and3A_515 : i32 to vector<16xi32>
        %and3A_517 = arith.andi %add3A_514, %and3A_516 : vector<16xi32>
        %gather3A_518 = arith.constant 0 : i32
        %gather3A_519 = arith.constant 0 : i32
        %gather3A_520 = tpu.memref_slice %arg8[%scan3A_214, %gather3A_518, %gather3A_519] : memref<2x80x64xi32, #tpu.memory_space<vmem>> -> memref<1x80x64xi32, #tpu.memory_space<vmem>>
        %gather3A_521 = tpu.memref_squeeze %gather3A_520 : memref<1x80x64xi32, #tpu.memory_space<vmem>> -> memref<80x64xi32, #tpu.memory_space<vmem>>
        %gather3A_522 = tpu.vector_load_idx %gather3A_521[%add3A_211, %and3A_517] : memref<80x64xi32, #tpu.memory_space<vmem>>[vector<16xi32>, vector<16xi32>], vector<16xi32>,
        %gather3A_523 = arith.constant 0 : i32
        %gather3A_524 = arith.constant 0 : i32
        %gather3A_525 = tpu.memref_slice %arg9[%scan3A_215, %gather3A_523, %gather3A_524] : memref<2x80x64xi32, #tpu.memory_space<vmem>> -> memref<1x80x64xi32, #tpu.memory_space<vmem>>
        %gather3A_526 = tpu.memref_squeeze %gather3A_525 : memref<1x80x64xi32, #tpu.memory_space<vmem>> -> memref<80x64xi32, #tpu.memory_space<vmem>>
        %gather3A_527 = tpu.vector_load_idx %gather3A_526[%add3A_211, %and3A_517] : memref<80x64xi32, #tpu.memory_space<vmem>>[vector<16xi32>, vector<16xi32>], vector<16xi32>,
        %bitcast3A_528 = vector.bitcast %gather3A_522 : vector<16xi32> to vector<32xbf16>
        %bitcast3A_529 = vector.bitcast %gather3A_527 : vector<16xi32> to vector<32xbf16>
        %mul3A_530 = arith.mulf %bitcast3A_528, %bitcast3A_529 : vector<32xbf16>
        %add3A_531 = arith.addf %add3A_508, %mul3A_530 : vector<32xbf16>
        %mul3A_532 = arith.constant 8 : i32
        %mul3A_533 = arith.muli %scan3A_419, %mul3A_532 : i32
        %add3A_534 = arith.constant 5 : i32
        %add3A_535 = arith.addi %mul3A_533, %add3A_534 : i32
        %add3A_536 = vector.broadcast %add3A_535 : i32 to vector<16xi32>
        %add3A_537 = arith.addi %iota3A, %add3A_536 : vector<16xi32>
        %and3A_538 = arith.constant 63 : i32
        %and3A_539 = vector.broadcast %and3A_538 : i32 to vector<16xi32>
        %and3A_540 = arith.andi %add3A_537, %and3A_539 : vector<16xi32>
        %gather3A_541 = arith.constant 0 : i32
        %gather3A_542 = arith.constant 0 : i32
        %gather3A_543 = tpu.memref_slice %arg8[%scan3A_214, %gather3A_541, %gather3A_542] : memref<2x80x64xi32, #tpu.memory_space<vmem>> -> memref<1x80x64xi32, #tpu.memory_space<vmem>>
        %gather3A_544 = tpu.memref_squeeze %gather3A_543 : memref<1x80x64xi32, #tpu.memory_space<vmem>> -> memref<80x64xi32, #tpu.memory_space<vmem>>
        %gather3A_545 = tpu.vector_load_idx %gather3A_544[%add3A_211, %and3A_540] : memref<80x64xi32, #tpu.memory_space<vmem>>[vector<16xi32>, vector<16xi32>], vector<16xi32>,
        %gather3A_546 = arith.constant 0 : i32
        %gather3A_547 = arith.constant 0 : i32
        %gather3A_548 = tpu.memref_slice %arg9[%scan3A_215, %gather3A_546, %gather3A_547] : memref<2x80x64xi32, #tpu.memory_space<vmem>> -> memref<1x80x64xi32, #tpu.memory_space<vmem>>
        %gather3A_549 = tpu.memref_squeeze %gather3A_548 : memref<1x80x64xi32, #tpu.memory_space<vmem>> -> memref<80x64xi32, #tpu.memory_space<vmem>>
        %gather3A_550 = tpu.vector_load_idx %gather3A_549[%add3A_211, %and3A_540] : memref<80x64xi32, #tpu.memory_space<vmem>>[vector<16xi32>, vector<16xi32>], vector<16xi32>,
        %bitcast3A_551 = vector.bitcast %gather3A_545 : vector<16xi32> to vector<32xbf16>
        %bitcast3A_552 = vector.bitcast %gather3A_550 : vector<16xi32> to vector<32xbf16>
        %mul3A_553 = arith.mulf %bitcast3A_551, %bitcast3A_552 : vector<32xbf16>
        %add3A_554 = arith.addf %add3A_531, %mul3A_553 : vector<32xbf16>
        %mul3A_555 = arith.constant 8 : i32
        %mul3A_556 = arith.muli %scan3A_419, %mul3A_555 : i32
        %add3A_557 = arith.constant 6 : i32
        %add3A_558 = arith.addi %mul3A_556, %add3A_557 : i32
        %add3A_559 = vector.broadcast %add3A_558 : i32 to vector<16xi32>
        %add3A_560 = arith.addi %iota3A, %add3A_559 : vector<16xi32>
        %and3A_561 = arith.constant 63 : i32
        %and3A_562 = vector.broadcast %and3A_561 : i32 to vector<16xi32>
        %and3A_563 = arith.andi %add3A_560, %and3A_562 : vector<16xi32>
        %gather3A_564 = arith.constant 0 : i32
        %gather3A_565 = arith.constant 0 : i32
        %gather3A_566 = tpu.memref_slice %arg8[%scan3A_214, %gather3A_564, %gather3A_565] : memref<2x80x64xi32, #tpu.memory_space<vmem>> -> memref<1x80x64xi32, #tpu.memory_space<vmem>>
        %gather3A_567 = tpu.memref_squeeze %gather3A_566 : memref<1x80x64xi32, #tpu.memory_space<vmem>> -> memref<80x64xi32, #tpu.memory_space<vmem>>
        %gather3A_568 = tpu.vector_load_idx %gather3A_567[%add3A_211, %and3A_563] : memref<80x64xi32, #tpu.memory_space<vmem>>[vector<16xi32>, vector<16xi32>], vector<16xi32>,
        %gather3A_569 = arith.constant 0 : i32
        %gather3A_570 = arith.constant 0 : i32
        %gather3A_571 = tpu.memref_slice %arg9[%scan3A_215, %gather3A_569, %gather3A_570] : memref<2x80x64xi32, #tpu.memory_space<vmem>> -> memref<1x80x64xi32, #tpu.memory_space<vmem>>
        %gather3A_572 = tpu.memref_squeeze %gather3A_571 : memref<1x80x64xi32, #tpu.memory_space<vmem>> -> memref<80x64xi32, #tpu.memory_space<vmem>>
        %gather3A_573 = tpu.vector_load_idx %gather3A_572[%add3A_211, %and3A_563] : memref<80x64xi32, #tpu.memory_space<vmem>>[vector<16xi32>, vector<16xi32>], vector<16xi32>,
        %bitcast3A_574 = vector.bitcast %gather3A_568 : vector<16xi32> to vector<32xbf16>
        %bitcast3A_575 = vector.bitcast %gather3A_573 : vector<16xi32> to vector<32xbf16>
        %mul3A_576 = arith.mulf %bitcast3A_574, %bitcast3A_575 : vector<32xbf16>
        %add3A_577 = arith.addf %add3A_554, %mul3A_576 : vector<32xbf16>
        %mul3A_578 = arith.constant 8 : i32
        %mul3A_579 = arith.muli %scan3A_419, %mul3A_578 : i32
        %add3A_580 = arith.constant 7 : i32
        %add3A_581 = arith.addi %mul3A_579, %add3A_580 : i32
        %add3A_582 = vector.broadcast %add3A_581 : i32 to vector<16xi32>
        %add3A_583 = arith.addi %iota3A, %add3A_582 : vector<16xi32>
        %and3A_584 = arith.constant 63 : i32
        %and3A_585 = vector.broadcast %and3A_584 : i32 to vector<16xi32>
        %and3A_586 = arith.andi %add3A_583, %and3A_585 : vector<16xi32>
        %gather3A_587 = arith.constant 0 : i32
        %gather3A_588 = arith.constant 0 : i32
        %gather3A_589 = tpu.memref_slice %arg8[%scan3A_214, %gather3A_587, %gather3A_588] : memref<2x80x64xi32, #tpu.memory_space<vmem>> -> memref<1x80x64xi32, #tpu.memory_space<vmem>>
        %gather3A_590 = tpu.memref_squeeze %gather3A_589 : memref<1x80x64xi32, #tpu.memory_space<vmem>> -> memref<80x64xi32, #tpu.memory_space<vmem>>
        %gather3A_591 = tpu.vector_load_idx %gather3A_590[%add3A_211, %and3A_586] : memref<80x64xi32, #tpu.memory_space<vmem>>[vector<16xi32>, vector<16xi32>], vector<16xi32>,
        %gather3A_592 = arith.constant 0 : i32
        %gather3A_593 = arith.constant 0 : i32
        %gather3A_594 = tpu.memref_slice %arg9[%scan3A_215, %gather3A_592, %gather3A_593] : memref<2x80x64xi32, #tpu.memory_space<vmem>> -> memref<1x80x64xi32, #tpu.memory_space<vmem>>
        %gather3A_595 = tpu.memref_squeeze %gather3A_594 : memref<1x80x64xi32, #tpu.memory_space<vmem>> -> memref<80x64xi32, #tpu.memory_space<vmem>>
        %gather3A_596 = tpu.vector_load_idx %gather3A_595[%add3A_211, %and3A_586] : memref<80x64xi32, #tpu.memory_space<vmem>>[vector<16xi32>, vector<16xi32>], vector<16xi32>,
        %bitcast3A_597 = vector.bitcast %gather3A_591 : vector<16xi32> to vector<32xbf16>
        %bitcast3A_598 = vector.bitcast %gather3A_596 : vector<16xi32> to vector<32xbf16>
        %mul3A_599 = arith.mulf %bitcast3A_597, %bitcast3A_598 : vector<32xbf16>
        %add3A_600 = arith.addf %add3A_577, %mul3A_599 : vector<32xbf16>
        %unpack3A = tpu.unpack_subelements %add3A_600, 0 {pack_format = #tpu.pack_format<interleaved>} : vector<32xbf16> -> vector<16xf32>
        %unpack3A_601 = tpu.unpack_subelements %add3A_600, 1 {pack_format = #tpu.pack_format<interleaved>} : vector<32xbf16> -> vector<16xf32>
        %add3A_602 = arith.addf %scan3A_420, %unpack3A : vector<16xf32>
        %add3A_603 = arith.addf %add3A_602, %unpack3A_601 : vector<16xf32>
        scf.yield %add3A_603 : vector<16xf32>
      }
      %scan3A_221 = arith.constant 8 : i32
      %mul3A_222 = arith.constant 80 : i32
      %mul3A_223 = arith.muli %add3A_163, %mul3A_222 : i32
      %add3A_224 = arith.constant 16 : i32
      %add3A_225 = arith.addi %mul3A_223, %add3A_224 : i32
      %swap3A_226 = arith.index_cast %add3A_225 : i32 to index
      %swap3A_227 = tpu.vector_load %arg10[%swap3A_226] {strides = array<i32>} : memref<10000xf32, #tpu.memory_space<vmem>>, vector<16xf32>,
      tpu.vector_store %arg10[%swap3A_226], %scan3A_220 {strides = array<i32>} : memref<10000xf32, #tpu.memory_space<vmem>>, vector<16xf32>,
      %add3A_228 = arith.constant 32 : i32
      %add3A_229 = vector.broadcast %add3A_228 : i32 to vector<16xi32>
      %add3A_230 = arith.addi %add3A_229, %iota3A : vector<16xi32>
      %broadcast_in_dim3A_231 = arith.constant 0.000000e+00 : f32
      %broadcast_in_dim3A_232 = vector.broadcast %broadcast_in_dim3A_231 : f32 to vector<16xf32>
      %scan3A_233 = arith.constant 0 : i32
      %scan3A_234 = arith.constant 0 : i32
      %scan3A_235 = arith.constant 0 : i32
      %scan3A_236 = arith.constant 8 : i32
      %scan3A_237 = arith.addi %scan3A_235, %scan3A_236 : i32
      %scan3A_238 = arith.constant 1 : i32
      %scan3A_239 = scf.for %scan3A_419 = %scan3A_235 to %scan3A_237 step %scan3A_238 iter_args(%scan3A_420 = %broadcast_in_dim3A_232) -> (vector<16xf32>)  : i32 {
        %mul3A_421 = arith.constant 8 : i32
        %mul3A_422 = arith.muli %scan3A_419, %mul3A_421 : i32
        %add3A_423 = arith.constant 0 : i32
        %add3A_424 = arith.addi %mul3A_422, %add3A_423 : i32
        %add3A_425 = vector.broadcast %add3A_424 : i32 to vector<16xi32>
        %add3A_426 = arith.addi %iota3A, %add3A_425 : vector<16xi32>
        %and3A = arith.constant 63 : i32
        %and3A_427 = vector.broadcast %and3A : i32 to vector<16xi32>
        %and3A_428 = arith.andi %add3A_426, %and3A_427 : vector<16xi32>
        %gather3A = arith.constant 0 : i32
        %gather3A_429 = arith.constant 0 : i32
        %gather3A_430 = tpu.memref_slice %arg8[%scan3A_233, %gather3A, %gather3A_429] : memref<2x80x64xi32, #tpu.memory_space<vmem>> -> memref<1x80x64xi32, #tpu.memory_space<vmem>>
        %gather3A_431 = tpu.memref_squeeze %gather3A_430 : memref<1x80x64xi32, #tpu.memory_space<vmem>> -> memref<80x64xi32, #tpu.memory_space<vmem>>
        %gather3A_432 = tpu.vector_load_idx %gather3A_431[%add3A_230, %and3A_428] : memref<80x64xi32, #tpu.memory_space<vmem>>[vector<16xi32>, vector<16xi32>], vector<16xi32>,
        %gather3A_433 = arith.constant 0 : i32
        %gather3A_434 = arith.constant 0 : i32
        %gather3A_435 = tpu.memref_slice %arg9[%scan3A_234, %gather3A_433, %gather3A_434] : memref<2x80x64xi32, #tpu.memory_space<vmem>> -> memref<1x80x64xi32, #tpu.memory_space<vmem>>
        %gather3A_436 = tpu.memref_squeeze %gather3A_435 : memref<1x80x64xi32, #tpu.memory_space<vmem>> -> memref<80x64xi32, #tpu.memory_space<vmem>>
        %gather3A_437 = tpu.vector_load_idx %gather3A_436[%add3A_230, %and3A_428] : memref<80x64xi32, #tpu.memory_space<vmem>>[vector<16xi32>, vector<16xi32>], vector<16xi32>,
        %bitcast3A = vector.bitcast %gather3A_432 : vector<16xi32> to vector<32xbf16>
        %bitcast3A_438 = vector.bitcast %gather3A_437 : vector<16xi32> to vector<32xbf16>
        %mul3A_439 = arith.mulf %bitcast3A, %bitcast3A_438 : vector<32xbf16>
        %mul3A_440 = arith.constant 8 : i32
        %mul3A_441 = arith.muli %scan3A_419, %mul3A_440 : i32
        %add3A_442 = arith.constant 1 : i32
        %add3A_443 = arith.addi %mul3A_441, %add3A_442 : i32
        %add3A_444 = vector.broadcast %add3A_443 : i32 to vector<16xi32>
        %add3A_445 = arith.addi %iota3A, %add3A_444 : vector<16xi32>
        %and3A_446 = arith.constant 63 : i32
        %and3A_447 = vector.broadcast %and3A_446 : i32 to vector<16xi32>
        %and3A_448 = arith.andi %add3A_445, %and3A_447 : vector<16xi32>
        %gather3A_449 = arith.constant 0 : i32
        %gather3A_450 = arith.constant 0 : i32
        %gather3A_451 = tpu.memref_slice %arg8[%scan3A_233, %gather3A_449, %gather3A_450] : memref<2x80x64xi32, #tpu.memory_space<vmem>> -> memref<1x80x64xi32, #tpu.memory_space<vmem>>
        %gather3A_452 = tpu.memref_squeeze %gather3A_451 : memref<1x80x64xi32, #tpu.memory_space<vmem>> -> memref<80x64xi32, #tpu.memory_space<vmem>>
        %gather3A_453 = tpu.vector_load_idx %gather3A_452[%add3A_230, %and3A_448] : memref<80x64xi32, #tpu.memory_space<vmem>>[vector<16xi32>, vector<16xi32>], vector<16xi32>,
        %gather3A_454 = arith.constant 0 : i32
        %gather3A_455 = arith.constant 0 : i32
        %gather3A_456 = tpu.memref_slice %arg9[%scan3A_234, %gather3A_454, %gather3A_455] : memref<2x80x64xi32, #tpu.memory_space<vmem>> -> memref<1x80x64xi32, #tpu.memory_space<vmem>>
        %gather3A_457 = tpu.memref_squeeze %gather3A_456 : memref<1x80x64xi32, #tpu.memory_space<vmem>> -> memref<80x64xi32, #tpu.memory_space<vmem>>
        %gather3A_458 = tpu.vector_load_idx %gather3A_457[%add3A_230, %and3A_448] : memref<80x64xi32, #tpu.memory_space<vmem>>[vector<16xi32>, vector<16xi32>], vector<16xi32>,
        %bitcast3A_459 = vector.bitcast %gather3A_453 : vector<16xi32> to vector<32xbf16>
        %bitcast3A_460 = vector.bitcast %gather3A_458 : vector<16xi32> to vector<32xbf16>
        %mul3A_461 = arith.mulf %bitcast3A_459, %bitcast3A_460 : vector<32xbf16>
        %add3A_462 = arith.addf %mul3A_439, %mul3A_461 : vector<32xbf16>
        %mul3A_463 = arith.constant 8 : i32
        %mul3A_464 = arith.muli %scan3A_419, %mul3A_463 : i32
        %add3A_465 = arith.constant 2 : i32
        %add3A_466 = arith.addi %mul3A_464, %add3A_465 : i32
        %add3A_467 = vector.broadcast %add3A_466 : i32 to vector<16xi32>
        %add3A_468 = arith.addi %iota3A, %add3A_467 : vector<16xi32>
        %and3A_469 = arith.constant 63 : i32
        %and3A_470 = vector.broadcast %and3A_469 : i32 to vector<16xi32>
        %and3A_471 = arith.andi %add3A_468, %and3A_470 : vector<16xi32>
        %gather3A_472 = arith.constant 0 : i32
        %gather3A_473 = arith.constant 0 : i32
        %gather3A_474 = tpu.memref_slice %arg8[%scan3A_233, %gather3A_472, %gather3A_473] : memref<2x80x64xi32, #tpu.memory_space<vmem>> -> memref<1x80x64xi32, #tpu.memory_space<vmem>>
        %gather3A_475 = tpu.memref_squeeze %gather3A_474 : memref<1x80x64xi32, #tpu.memory_space<vmem>> -> memref<80x64xi32, #tpu.memory_space<vmem>>
        %gather3A_476 = tpu.vector_load_idx %gather3A_475[%add3A_230, %and3A_471] : memref<80x64xi32, #tpu.memory_space<vmem>>[vector<16xi32>, vector<16xi32>], vector<16xi32>,
        %gather3A_477 = arith.constant 0 : i32
        %gather3A_478 = arith.constant 0 : i32
        %gather3A_479 = tpu.memref_slice %arg9[%scan3A_234, %gather3A_477, %gather3A_478] : memref<2x80x64xi32, #tpu.memory_space<vmem>> -> memref<1x80x64xi32, #tpu.memory_space<vmem>>
        %gather3A_480 = tpu.memref_squeeze %gather3A_479 : memref<1x80x64xi32, #tpu.memory_space<vmem>> -> memref<80x64xi32, #tpu.memory_space<vmem>>
        %gather3A_481 = tpu.vector_load_idx %gather3A_480[%add3A_230, %and3A_471] : memref<80x64xi32, #tpu.memory_space<vmem>>[vector<16xi32>, vector<16xi32>], vector<16xi32>,
        %bitcast3A_482 = vector.bitcast %gather3A_476 : vector<16xi32> to vector<32xbf16>
        %bitcast3A_483 = vector.bitcast %gather3A_481 : vector<16xi32> to vector<32xbf16>
        %mul3A_484 = arith.mulf %bitcast3A_482, %bitcast3A_483 : vector<32xbf16>
        %add3A_485 = arith.addf %add3A_462, %mul3A_484 : vector<32xbf16>
        %mul3A_486 = arith.constant 8 : i32
        %mul3A_487 = arith.muli %scan3A_419, %mul3A_486 : i32
        %add3A_488 = arith.constant 3 : i32
        %add3A_489 = arith.addi %mul3A_487, %add3A_488 : i32
        %add3A_490 = vector.broadcast %add3A_489 : i32 to vector<16xi32>
        %add3A_491 = arith.addi %iota3A, %add3A_490 : vector<16xi32>
        %and3A_492 = arith.constant 63 : i32
        %and3A_493 = vector.broadcast %and3A_492 : i32 to vector<16xi32>
        %and3A_494 = arith.andi %add3A_491, %and3A_493 : vector<16xi32>
        %gather3A_495 = arith.constant 0 : i32
        %gather3A_496 = arith.constant 0 : i32
        %gather3A_497 = tpu.memref_slice %arg8[%scan3A_233, %gather3A_495, %gather3A_496] : memref<2x80x64xi32, #tpu.memory_space<vmem>> -> memref<1x80x64xi32, #tpu.memory_space<vmem>>
        %gather3A_498 = tpu.memref_squeeze %gather3A_497 : memref<1x80x64xi32, #tpu.memory_space<vmem>> -> memref<80x64xi32, #tpu.memory_space<vmem>>
        %gather3A_499 = tpu.vector_load_idx %gather3A_498[%add3A_230, %and3A_494] : memref<80x64xi32, #tpu.memory_space<vmem>>[vector<16xi32>, vector<16xi32>], vector<16xi32>,
        %gather3A_500 = arith.constant 0 : i32
        %gather3A_501 = arith.constant 0 : i32
        %gather3A_502 = tpu.memref_slice %arg9[%scan3A_234, %gather3A_500, %gather3A_501] : memref<2x80x64xi32, #tpu.memory_space<vmem>> -> memref<1x80x64xi32, #tpu.memory_space<vmem>>
        %gather3A_503 = tpu.memref_squeeze %gather3A_502 : memref<1x80x64xi32, #tpu.memory_space<vmem>> -> memref<80x64xi32, #tpu.memory_space<vmem>>
        %gather3A_504 = tpu.vector_load_idx %gather3A_503[%add3A_230, %and3A_494] : memref<80x64xi32, #tpu.memory_space<vmem>>[vector<16xi32>, vector<16xi32>], vector<16xi32>,
        %bitcast3A_505 = vector.bitcast %gather3A_499 : vector<16xi32> to vector<32xbf16>
        %bitcast3A_506 = vector.bitcast %gather3A_504 : vector<16xi32> to vector<32xbf16>
        %mul3A_507 = arith.mulf %bitcast3A_505, %bitcast3A_506 : vector<32xbf16>
        %add3A_508 = arith.addf %add3A_485, %mul3A_507 : vector<32xbf16>
        %mul3A_509 = arith.constant 8 : i32
        %mul3A_510 = arith.muli %scan3A_419, %mul3A_509 : i32
        %add3A_511 = arith.constant 4 : i32
        %add3A_512 = arith.addi %mul3A_510, %add3A_511 : i32
        %add3A_513 = vector.broadcast %add3A_512 : i32 to vector<16xi32>
        %add3A_514 = arith.addi %iota3A, %add3A_513 : vector<16xi32>
        %and3A_515 = arith.constant 63 : i32
        %and3A_516 = vector.broadcast %and3A_515 : i32 to vector<16xi32>
        %and3A_517 = arith.andi %add3A_514, %and3A_516 : vector<16xi32>
        %gather3A_518 = arith.constant 0 : i32
        %gather3A_519 = arith.constant 0 : i32
        %gather3A_520 = tpu.memref_slice %arg8[%scan3A_233, %gather3A_518, %gather3A_519] : memref<2x80x64xi32, #tpu.memory_space<vmem>> -> memref<1x80x64xi32, #tpu.memory_space<vmem>>
        %gather3A_521 = tpu.memref_squeeze %gather3A_520 : memref<1x80x64xi32, #tpu.memory_space<vmem>> -> memref<80x64xi32, #tpu.memory_space<vmem>>
        %gather3A_522 = tpu.vector_load_idx %gather3A_521[%add3A_230, %and3A_517] : memref<80x64xi32, #tpu.memory_space<vmem>>[vector<16xi32>, vector<16xi32>], vector<16xi32>,
        %gather3A_523 = arith.constant 0 : i32
        %gather3A_524 = arith.constant 0 : i32
        %gather3A_525 = tpu.memref_slice %arg9[%scan3A_234, %gather3A_523, %gather3A_524] : memref<2x80x64xi32, #tpu.memory_space<vmem>> -> memref<1x80x64xi32, #tpu.memory_space<vmem>>
        %gather3A_526 = tpu.memref_squeeze %gather3A_525 : memref<1x80x64xi32, #tpu.memory_space<vmem>> -> memref<80x64xi32, #tpu.memory_space<vmem>>
        %gather3A_527 = tpu.vector_load_idx %gather3A_526[%add3A_230, %and3A_517] : memref<80x64xi32, #tpu.memory_space<vmem>>[vector<16xi32>, vector<16xi32>], vector<16xi32>,
        %bitcast3A_528 = vector.bitcast %gather3A_522 : vector<16xi32> to vector<32xbf16>
        %bitcast3A_529 = vector.bitcast %gather3A_527 : vector<16xi32> to vector<32xbf16>
        %mul3A_530 = arith.mulf %bitcast3A_528, %bitcast3A_529 : vector<32xbf16>
        %add3A_531 = arith.addf %add3A_508, %mul3A_530 : vector<32xbf16>
        %mul3A_532 = arith.constant 8 : i32
        %mul3A_533 = arith.muli %scan3A_419, %mul3A_532 : i32
        %add3A_534 = arith.constant 5 : i32
        %add3A_535 = arith.addi %mul3A_533, %add3A_534 : i32
        %add3A_536 = vector.broadcast %add3A_535 : i32 to vector<16xi32>
        %add3A_537 = arith.addi %iota3A, %add3A_536 : vector<16xi32>
        %and3A_538 = arith.constant 63 : i32
        %and3A_539 = vector.broadcast %and3A_538 : i32 to vector<16xi32>
        %and3A_540 = arith.andi %add3A_537, %and3A_539 : vector<16xi32>
        %gather3A_541 = arith.constant 0 : i32
        %gather3A_542 = arith.constant 0 : i32
        %gather3A_543 = tpu.memref_slice %arg8[%scan3A_233, %gather3A_541, %gather3A_542] : memref<2x80x64xi32, #tpu.memory_space<vmem>> -> memref<1x80x64xi32, #tpu.memory_space<vmem>>
        %gather3A_544 = tpu.memref_squeeze %gather3A_543 : memref<1x80x64xi32, #tpu.memory_space<vmem>> -> memref<80x64xi32, #tpu.memory_space<vmem>>
        %gather3A_545 = tpu.vector_load_idx %gather3A_544[%add3A_230, %and3A_540] : memref<80x64xi32, #tpu.memory_space<vmem>>[vector<16xi32>, vector<16xi32>], vector<16xi32>,
        %gather3A_546 = arith.constant 0 : i32
        %gather3A_547 = arith.constant 0 : i32
        %gather3A_548 = tpu.memref_slice %arg9[%scan3A_234, %gather3A_546, %gather3A_547] : memref<2x80x64xi32, #tpu.memory_space<vmem>> -> memref<1x80x64xi32, #tpu.memory_space<vmem>>
        %gather3A_549 = tpu.memref_squeeze %gather3A_548 : memref<1x80x64xi32, #tpu.memory_space<vmem>> -> memref<80x64xi32, #tpu.memory_space<vmem>>
        %gather3A_550 = tpu.vector_load_idx %gather3A_549[%add3A_230, %and3A_540] : memref<80x64xi32, #tpu.memory_space<vmem>>[vector<16xi32>, vector<16xi32>], vector<16xi32>,
        %bitcast3A_551 = vector.bitcast %gather3A_545 : vector<16xi32> to vector<32xbf16>
        %bitcast3A_552 = vector.bitcast %gather3A_550 : vector<16xi32> to vector<32xbf16>
        %mul3A_553 = arith.mulf %bitcast3A_551, %bitcast3A_552 : vector<32xbf16>
        %add3A_554 = arith.addf %add3A_531, %mul3A_553 : vector<32xbf16>
        %mul3A_555 = arith.constant 8 : i32
        %mul3A_556 = arith.muli %scan3A_419, %mul3A_555 : i32
        %add3A_557 = arith.constant 6 : i32
        %add3A_558 = arith.addi %mul3A_556, %add3A_557 : i32
        %add3A_559 = vector.broadcast %add3A_558 : i32 to vector<16xi32>
        %add3A_560 = arith.addi %iota3A, %add3A_559 : vector<16xi32>
        %and3A_561 = arith.constant 63 : i32
        %and3A_562 = vector.broadcast %and3A_561 : i32 to vector<16xi32>
        %and3A_563 = arith.andi %add3A_560, %and3A_562 : vector<16xi32>
        %gather3A_564 = arith.constant 0 : i32
        %gather3A_565 = arith.constant 0 : i32
        %gather3A_566 = tpu.memref_slice %arg8[%scan3A_233, %gather3A_564, %gather3A_565] : memref<2x80x64xi32, #tpu.memory_space<vmem>> -> memref<1x80x64xi32, #tpu.memory_space<vmem>>
        %gather3A_567 = tpu.memref_squeeze %gather3A_566 : memref<1x80x64xi32, #tpu.memory_space<vmem>> -> memref<80x64xi32, #tpu.memory_space<vmem>>
        %gather3A_568 = tpu.vector_load_idx %gather3A_567[%add3A_230, %and3A_563] : memref<80x64xi32, #tpu.memory_space<vmem>>[vector<16xi32>, vector<16xi32>], vector<16xi32>,
        %gather3A_569 = arith.constant 0 : i32
        %gather3A_570 = arith.constant 0 : i32
        %gather3A_571 = tpu.memref_slice %arg9[%scan3A_234, %gather3A_569, %gather3A_570] : memref<2x80x64xi32, #tpu.memory_space<vmem>> -> memref<1x80x64xi32, #tpu.memory_space<vmem>>
        %gather3A_572 = tpu.memref_squeeze %gather3A_571 : memref<1x80x64xi32, #tpu.memory_space<vmem>> -> memref<80x64xi32, #tpu.memory_space<vmem>>
        %gather3A_573 = tpu.vector_load_idx %gather3A_572[%add3A_230, %and3A_563] : memref<80x64xi32, #tpu.memory_space<vmem>>[vector<16xi32>, vector<16xi32>], vector<16xi32>,
        %bitcast3A_574 = vector.bitcast %gather3A_568 : vector<16xi32> to vector<32xbf16>
        %bitcast3A_575 = vector.bitcast %gather3A_573 : vector<16xi32> to vector<32xbf16>
        %mul3A_576 = arith.mulf %bitcast3A_574, %bitcast3A_575 : vector<32xbf16>
        %add3A_577 = arith.addf %add3A_554, %mul3A_576 : vector<32xbf16>
        %mul3A_578 = arith.constant 8 : i32
        %mul3A_579 = arith.muli %scan3A_419, %mul3A_578 : i32
        %add3A_580 = arith.constant 7 : i32
        %add3A_581 = arith.addi %mul3A_579, %add3A_580 : i32
        %add3A_582 = vector.broadcast %add3A_581 : i32 to vector<16xi32>
        %add3A_583 = arith.addi %iota3A, %add3A_582 : vector<16xi32>
        %and3A_584 = arith.constant 63 : i32
        %and3A_585 = vector.broadcast %and3A_584 : i32 to vector<16xi32>
        %and3A_586 = arith.andi %add3A_583, %and3A_585 : vector<16xi32>
        %gather3A_587 = arith.constant 0 : i32
        %gather3A_588 = arith.constant 0 : i32
        %gather3A_589 = tpu.memref_slice %arg8[%scan3A_233, %gather3A_587, %gather3A_588] : memref<2x80x64xi32, #tpu.memory_space<vmem>> -> memref<1x80x64xi32, #tpu.memory_space<vmem>>
        %gather3A_590 = tpu.memref_squeeze %gather3A_589 : memref<1x80x64xi32, #tpu.memory_space<vmem>> -> memref<80x64xi32, #tpu.memory_space<vmem>>
        %gather3A_591 = tpu.vector_load_idx %gather3A_590[%add3A_230, %and3A_586] : memref<80x64xi32, #tpu.memory_space<vmem>>[vector<16xi32>, vector<16xi32>], vector<16xi32>,
        %gather3A_592 = arith.constant 0 : i32
        %gather3A_593 = arith.constant 0 : i32
        %gather3A_594 = tpu.memref_slice %arg9[%scan3A_234, %gather3A_592, %gather3A_593] : memref<2x80x64xi32, #tpu.memory_space<vmem>> -> memref<1x80x64xi32, #tpu.memory_space<vmem>>
        %gather3A_595 = tpu.memref_squeeze %gather3A_594 : memref<1x80x64xi32, #tpu.memory_space<vmem>> -> memref<80x64xi32, #tpu.memory_space<vmem>>
        %gather3A_596 = tpu.vector_load_idx %gather3A_595[%add3A_230, %and3A_586] : memref<80x64xi32, #tpu.memory_space<vmem>>[vector<16xi32>, vector<16xi32>], vector<16xi32>,
        %bitcast3A_597 = vector.bitcast %gather3A_591 : vector<16xi32> to vector<32xbf16>
        %bitcast3A_598 = vector.bitcast %gather3A_596 : vector<16xi32> to vector<32xbf16>
        %mul3A_599 = arith.mulf %bitcast3A_597, %bitcast3A_598 : vector<32xbf16>
        %add3A_600 = arith.addf %add3A_577, %mul3A_599 : vector<32xbf16>
        %unpack3A = tpu.unpack_subelements %add3A_600, 0 {pack_format = #tpu.pack_format<interleaved>} : vector<32xbf16> -> vector<16xf32>
        %unpack3A_601 = tpu.unpack_subelements %add3A_600, 1 {pack_format = #tpu.pack_format<interleaved>} : vector<32xbf16> -> vector<16xf32>
        %add3A_602 = arith.addf %scan3A_420, %unpack3A : vector<16xf32>
        %add3A_603 = arith.addf %add3A_602, %unpack3A_601 : vector<16xf32>
        scf.yield %add3A_603 : vector<16xf32>
      }
      %scan3A_240 = arith.constant 8 : i32
      %mul3A_241 = arith.constant 80 : i32
      %mul3A_242 = arith.muli %add3A_163, %mul3A_241 : i32
      %add3A_243 = arith.constant 32 : i32
      %add3A_244 = arith.addi %mul3A_242, %add3A_243 : i32
      %swap3A_245 = arith.index_cast %add3A_244 : i32 to index
      %swap3A_246 = tpu.vector_load %arg10[%swap3A_245] {strides = array<i32>} : memref<10000xf32, #tpu.memory_space<vmem>>, vector<16xf32>,
      tpu.vector_store %arg10[%swap3A_245], %scan3A_239 {strides = array<i32>} : memref<10000xf32, #tpu.memory_space<vmem>>, vector<16xf32>,
      %add3A_247 = arith.constant 48 : i32
      %add3A_248 = vector.broadcast %add3A_247 : i32 to vector<16xi32>
      %add3A_249 = arith.addi %add3A_248, %iota3A : vector<16xi32>
      %broadcast_in_dim3A_250 = arith.constant 0.000000e+00 : f32
      %broadcast_in_dim3A_251 = vector.broadcast %broadcast_in_dim3A_250 : f32 to vector<16xf32>
      %scan3A_252 = arith.constant 0 : i32
      %scan3A_253 = arith.constant 0 : i32
      %scan3A_254 = arith.constant 0 : i32
      %scan3A_255 = arith.constant 8 : i32
      %scan3A_256 = arith.addi %scan3A_254, %scan3A_255 : i32
      %scan3A_257 = arith.constant 1 : i32
      %scan3A_258 = scf.for %scan3A_419 = %scan3A_254 to %scan3A_256 step %scan3A_257 iter_args(%scan3A_420 = %broadcast_in_dim3A_251) -> (vector<16xf32>)  : i32 {
        %mul3A_421 = arith.constant 8 : i32
        %mul3A_422 = arith.muli %scan3A_419, %mul3A_421 : i32
        %add3A_423 = arith.constant 0 : i32
        %add3A_424 = arith.addi %mul3A_422, %add3A_423 : i32
        %add3A_425 = vector.broadcast %add3A_424 : i32 to vector<16xi32>
        %add3A_426 = arith.addi %iota3A, %add3A_425 : vector<16xi32>
        %and3A = arith.constant 63 : i32
        %and3A_427 = vector.broadcast %and3A : i32 to vector<16xi32>
        %and3A_428 = arith.andi %add3A_426, %and3A_427 : vector<16xi32>
        %gather3A = arith.constant 0 : i32
        %gather3A_429 = arith.constant 0 : i32
        %gather3A_430 = tpu.memref_slice %arg8[%scan3A_252, %gather3A, %gather3A_429] : memref<2x80x64xi32, #tpu.memory_space<vmem>> -> memref<1x80x64xi32, #tpu.memory_space<vmem>>
        %gather3A_431 = tpu.memref_squeeze %gather3A_430 : memref<1x80x64xi32, #tpu.memory_space<vmem>> -> memref<80x64xi32, #tpu.memory_space<vmem>>
        %gather3A_432 = tpu.vector_load_idx %gather3A_431[%add3A_249, %and3A_428] : memref<80x64xi32, #tpu.memory_space<vmem>>[vector<16xi32>, vector<16xi32>], vector<16xi32>,
        %gather3A_433 = arith.constant 0 : i32
        %gather3A_434 = arith.constant 0 : i32
        %gather3A_435 = tpu.memref_slice %arg9[%scan3A_253, %gather3A_433, %gather3A_434] : memref<2x80x64xi32, #tpu.memory_space<vmem>> -> memref<1x80x64xi32, #tpu.memory_space<vmem>>
        %gather3A_436 = tpu.memref_squeeze %gather3A_435 : memref<1x80x64xi32, #tpu.memory_space<vmem>> -> memref<80x64xi32, #tpu.memory_space<vmem>>
        %gather3A_437 = tpu.vector_load_idx %gather3A_436[%add3A_249, %and3A_428] : memref<80x64xi32, #tpu.memory_space<vmem>>[vector<16xi32>, vector<16xi32>], vector<16xi32>,
        %bitcast3A = vector.bitcast %gather3A_432 : vector<16xi32> to vector<32xbf16>
        %bitcast3A_438 = vector.bitcast %gather3A_437 : vector<16xi32> to vector<32xbf16>
        %mul3A_439 = arith.mulf %bitcast3A, %bitcast3A_438 : vector<32xbf16>
        %mul3A_440 = arith.constant 8 : i32
        %mul3A_441 = arith.muli %scan3A_419, %mul3A_440 : i32
        %add3A_442 = arith.constant 1 : i32
        %add3A_443 = arith.addi %mul3A_441, %add3A_442 : i32
        %add3A_444 = vector.broadcast %add3A_443 : i32 to vector<16xi32>
        %add3A_445 = arith.addi %iota3A, %add3A_444 : vector<16xi32>
        %and3A_446 = arith.constant 63 : i32
        %and3A_447 = vector.broadcast %and3A_446 : i32 to vector<16xi32>
        %and3A_448 = arith.andi %add3A_445, %and3A_447 : vector<16xi32>
        %gather3A_449 = arith.constant 0 : i32
        %gather3A_450 = arith.constant 0 : i32
        %gather3A_451 = tpu.memref_slice %arg8[%scan3A_252, %gather3A_449, %gather3A_450] : memref<2x80x64xi32, #tpu.memory_space<vmem>> -> memref<1x80x64xi32, #tpu.memory_space<vmem>>
        %gather3A_452 = tpu.memref_squeeze %gather3A_451 : memref<1x80x64xi32, #tpu.memory_space<vmem>> -> memref<80x64xi32, #tpu.memory_space<vmem>>
        %gather3A_453 = tpu.vector_load_idx %gather3A_452[%add3A_249, %and3A_448] : memref<80x64xi32, #tpu.memory_space<vmem>>[vector<16xi32>, vector<16xi32>], vector<16xi32>,
        %gather3A_454 = arith.constant 0 : i32
        %gather3A_455 = arith.constant 0 : i32
        %gather3A_456 = tpu.memref_slice %arg9[%scan3A_253, %gather3A_454, %gather3A_455] : memref<2x80x64xi32, #tpu.memory_space<vmem>> -> memref<1x80x64xi32, #tpu.memory_space<vmem>>
        %gather3A_457 = tpu.memref_squeeze %gather3A_456 : memref<1x80x64xi32, #tpu.memory_space<vmem>> -> memref<80x64xi32, #tpu.memory_space<vmem>>
        %gather3A_458 = tpu.vector_load_idx %gather3A_457[%add3A_249, %and3A_448] : memref<80x64xi32, #tpu.memory_space<vmem>>[vector<16xi32>, vector<16xi32>], vector<16xi32>,
        %bitcast3A_459 = vector.bitcast %gather3A_453 : vector<16xi32> to vector<32xbf16>
        %bitcast3A_460 = vector.bitcast %gather3A_458 : vector<16xi32> to vector<32xbf16>
        %mul3A_461 = arith.mulf %bitcast3A_459, %bitcast3A_460 : vector<32xbf16>
        %add3A_462 = arith.addf %mul3A_439, %mul3A_461 : vector<32xbf16>
        %mul3A_463 = arith.constant 8 : i32
        %mul3A_464 = arith.muli %scan3A_419, %mul3A_463 : i32
        %add3A_465 = arith.constant 2 : i32
        %add3A_466 = arith.addi %mul3A_464, %add3A_465 : i32
        %add3A_467 = vector.broadcast %add3A_466 : i32 to vector<16xi32>
        %add3A_468 = arith.addi %iota3A, %add3A_467 : vector<16xi32>
        %and3A_469 = arith.constant 63 : i32
        %and3A_470 = vector.broadcast %and3A_469 : i32 to vector<16xi32>
        %and3A_471 = arith.andi %add3A_468, %and3A_470 : vector<16xi32>
        %gather3A_472 = arith.constant 0 : i32
        %gather3A_473 = arith.constant 0 : i32
        %gather3A_474 = tpu.memref_slice %arg8[%scan3A_252, %gather3A_472, %gather3A_473] : memref<2x80x64xi32, #tpu.memory_space<vmem>> -> memref<1x80x64xi32, #tpu.memory_space<vmem>>
        %gather3A_475 = tpu.memref_squeeze %gather3A_474 : memref<1x80x64xi32, #tpu.memory_space<vmem>> -> memref<80x64xi32, #tpu.memory_space<vmem>>
        %gather3A_476 = tpu.vector_load_idx %gather3A_475[%add3A_249, %and3A_471] : memref<80x64xi32, #tpu.memory_space<vmem>>[vector<16xi32>, vector<16xi32>], vector<16xi32>,
        %gather3A_477 = arith.constant 0 : i32
        %gather3A_478 = arith.constant 0 : i32
        %gather3A_479 = tpu.memref_slice %arg9[%scan3A_253, %gather3A_477, %gather3A_478] : memref<2x80x64xi32, #tpu.memory_space<vmem>> -> memref<1x80x64xi32, #tpu.memory_space<vmem>>
        %gather3A_480 = tpu.memref_squeeze %gather3A_479 : memref<1x80x64xi32, #tpu.memory_space<vmem>> -> memref<80x64xi32, #tpu.memory_space<vmem>>
        %gather3A_481 = tpu.vector_load_idx %gather3A_480[%add3A_249, %and3A_471] : memref<80x64xi32, #tpu.memory_space<vmem>>[vector<16xi32>, vector<16xi32>], vector<16xi32>,
        %bitcast3A_482 = vector.bitcast %gather3A_476 : vector<16xi32> to vector<32xbf16>
        %bitcast3A_483 = vector.bitcast %gather3A_481 : vector<16xi32> to vector<32xbf16>
        %mul3A_484 = arith.mulf %bitcast3A_482, %bitcast3A_483 : vector<32xbf16>
        %add3A_485 = arith.addf %add3A_462, %mul3A_484 : vector<32xbf16>
        %mul3A_486 = arith.constant 8 : i32
        %mul3A_487 = arith.muli %scan3A_419, %mul3A_486 : i32
        %add3A_488 = arith.constant 3 : i32
        %add3A_489 = arith.addi %mul3A_487, %add3A_488 : i32
        %add3A_490 = vector.broadcast %add3A_489 : i32 to vector<16xi32>
        %add3A_491 = arith.addi %iota3A, %add3A_490 : vector<16xi32>
        %and3A_492 = arith.constant 63 : i32
        %and3A_493 = vector.broadcast %and3A_492 : i32 to vector<16xi32>
        %and3A_494 = arith.andi %add3A_491, %and3A_493 : vector<16xi32>
        %gather3A_495 = arith.constant 0 : i32
        %gather3A_496 = arith.constant 0 : i32
        %gather3A_497 = tpu.memref_slice %arg8[%scan3A_252, %gather3A_495, %gather3A_496] : memref<2x80x64xi32, #tpu.memory_space<vmem>> -> memref<1x80x64xi32, #tpu.memory_space<vmem>>
        %gather3A_498 = tpu.memref_squeeze %gather3A_497 : memref<1x80x64xi32, #tpu.memory_space<vmem>> -> memref<80x64xi32, #tpu.memory_space<vmem>>
        %gather3A_499 = tpu.vector_load_idx %gather3A_498[%add3A_249, %and3A_494] : memref<80x64xi32, #tpu.memory_space<vmem>>[vector<16xi32>, vector<16xi32>], vector<16xi32>,
        %gather3A_500 = arith.constant 0 : i32
        %gather3A_501 = arith.constant 0 : i32
        %gather3A_502 = tpu.memref_slice %arg9[%scan3A_253, %gather3A_500, %gather3A_501] : memref<2x80x64xi32, #tpu.memory_space<vmem>> -> memref<1x80x64xi32, #tpu.memory_space<vmem>>
        %gather3A_503 = tpu.memref_squeeze %gather3A_502 : memref<1x80x64xi32, #tpu.memory_space<vmem>> -> memref<80x64xi32, #tpu.memory_space<vmem>>
        %gather3A_504 = tpu.vector_load_idx %gather3A_503[%add3A_249, %and3A_494] : memref<80x64xi32, #tpu.memory_space<vmem>>[vector<16xi32>, vector<16xi32>], vector<16xi32>,
        %bitcast3A_505 = vector.bitcast %gather3A_499 : vector<16xi32> to vector<32xbf16>
        %bitcast3A_506 = vector.bitcast %gather3A_504 : vector<16xi32> to vector<32xbf16>
        %mul3A_507 = arith.mulf %bitcast3A_505, %bitcast3A_506 : vector<32xbf16>
        %add3A_508 = arith.addf %add3A_485, %mul3A_507 : vector<32xbf16>
        %mul3A_509 = arith.constant 8 : i32
        %mul3A_510 = arith.muli %scan3A_419, %mul3A_509 : i32
        %add3A_511 = arith.constant 4 : i32
        %add3A_512 = arith.addi %mul3A_510, %add3A_511 : i32
        %add3A_513 = vector.broadcast %add3A_512 : i32 to vector<16xi32>
        %add3A_514 = arith.addi %iota3A, %add3A_513 : vector<16xi32>
        %and3A_515 = arith.constant 63 : i32
        %and3A_516 = vector.broadcast %and3A_515 : i32 to vector<16xi32>
        %and3A_517 = arith.andi %add3A_514, %and3A_516 : vector<16xi32>
        %gather3A_518 = arith.constant 0 : i32
        %gather3A_519 = arith.constant 0 : i32
        %gather3A_520 = tpu.memref_slice %arg8[%scan3A_252, %gather3A_518, %gather3A_519] : memref<2x80x64xi32, #tpu.memory_space<vmem>> -> memref<1x80x64xi32, #tpu.memory_space<vmem>>
        %gather3A_521 = tpu.memref_squeeze %gather3A_520 : memref<1x80x64xi32, #tpu.memory_space<vmem>> -> memref<80x64xi32, #tpu.memory_space<vmem>>
        %gather3A_522 = tpu.vector_load_idx %gather3A_521[%add3A_249, %and3A_517] : memref<80x64xi32, #tpu.memory_space<vmem>>[vector<16xi32>, vector<16xi32>], vector<16xi32>,
        %gather3A_523 = arith.constant 0 : i32
        %gather3A_524 = arith.constant 0 : i32
        %gather3A_525 = tpu.memref_slice %arg9[%scan3A_253, %gather3A_523, %gather3A_524] : memref<2x80x64xi32, #tpu.memory_space<vmem>> -> memref<1x80x64xi32, #tpu.memory_space<vmem>>
        %gather3A_526 = tpu.memref_squeeze %gather3A_525 : memref<1x80x64xi32, #tpu.memory_space<vmem>> -> memref<80x64xi32, #tpu.memory_space<vmem>>
        %gather3A_527 = tpu.vector_load_idx %gather3A_526[%add3A_249, %and3A_517] : memref<80x64xi32, #tpu.memory_space<vmem>>[vector<16xi32>, vector<16xi32>], vector<16xi32>,
        %bitcast3A_528 = vector.bitcast %gather3A_522 : vector<16xi32> to vector<32xbf16>
        %bitcast3A_529 = vector.bitcast %gather3A_527 : vector<16xi32> to vector<32xbf16>
        %mul3A_530 = arith.mulf %bitcast3A_528, %bitcast3A_529 : vector<32xbf16>
        %add3A_531 = arith.addf %add3A_508, %mul3A_530 : vector<32xbf16>
        %mul3A_532 = arith.constant 8 : i32
        %mul3A_533 = arith.muli %scan3A_419, %mul3A_532 : i32
        %add3A_534 = arith.constant 5 : i32
        %add3A_535 = arith.addi %mul3A_533, %add3A_534 : i32
        %add3A_536 = vector.broadcast %add3A_535 : i32 to vector<16xi32>
        %add3A_537 = arith.addi %iota3A, %add3A_536 : vector<16xi32>
        %and3A_538 = arith.constant 63 : i32
        %and3A_539 = vector.broadcast %and3A_538 : i32 to vector<16xi32>
        %and3A_540 = arith.andi %add3A_537, %and3A_539 : vector<16xi32>
        %gather3A_541 = arith.constant 0 : i32
        %gather3A_542 = arith.constant 0 : i32
        %gather3A_543 = tpu.memref_slice %arg8[%scan3A_252, %gather3A_541, %gather3A_542] : memref<2x80x64xi32, #tpu.memory_space<vmem>> -> memref<1x80x64xi32, #tpu.memory_space<vmem>>
        %gather3A_544 = tpu.memref_squeeze %gather3A_543 : memref<1x80x64xi32, #tpu.memory_space<vmem>> -> memref<80x64xi32, #tpu.memory_space<vmem>>
        %gather3A_545 = tpu.vector_load_idx %gather3A_544[%add3A_249, %and3A_540] : memref<80x64xi32, #tpu.memory_space<vmem>>[vector<16xi32>, vector<16xi32>], vector<16xi32>,
        %gather3A_546 = arith.constant 0 : i32
        %gather3A_547 = arith.constant 0 : i32
        %gather3A_548 = tpu.memref_slice %arg9[%scan3A_253, %gather3A_546, %gather3A_547] : memref<2x80x64xi32, #tpu.memory_space<vmem>> -> memref<1x80x64xi32, #tpu.memory_space<vmem>>
        %gather3A_549 = tpu.memref_squeeze %gather3A_548 : memref<1x80x64xi32, #tpu.memory_space<vmem>> -> memref<80x64xi32, #tpu.memory_space<vmem>>
        %gather3A_550 = tpu.vector_load_idx %gather3A_549[%add3A_249, %and3A_540] : memref<80x64xi32, #tpu.memory_space<vmem>>[vector<16xi32>, vector<16xi32>], vector<16xi32>,
        %bitcast3A_551 = vector.bitcast %gather3A_545 : vector<16xi32> to vector<32xbf16>
        %bitcast3A_552 = vector.bitcast %gather3A_550 : vector<16xi32> to vector<32xbf16>
        %mul3A_553 = arith.mulf %bitcast3A_551, %bitcast3A_552 : vector<32xbf16>
        %add3A_554 = arith.addf %add3A_531, %mul3A_553 : vector<32xbf16>
        %mul3A_555 = arith.constant 8 : i32
        %mul3A_556 = arith.muli %scan3A_419, %mul3A_555 : i32
        %add3A_557 = arith.constant 6 : i32
        %add3A_558 = arith.addi %mul3A_556, %add3A_557 : i32
        %add3A_559 = vector.broadcast %add3A_558 : i32 to vector<16xi32>
        %add3A_560 = arith.addi %iota3A, %add3A_559 : vector<16xi32>
        %and3A_561 = arith.constant 63 : i32
        %and3A_562 = vector.broadcast %and3A_561 : i32 to vector<16xi32>
        %and3A_563 = arith.andi %add3A_560, %and3A_562 : vector<16xi32>
        %gather3A_564 = arith.constant 0 : i32
        %gather3A_565 = arith.constant 0 : i32
        %gather3A_566 = tpu.memref_slice %arg8[%scan3A_252, %gather3A_564, %gather3A_565] : memref<2x80x64xi32, #tpu.memory_space<vmem>> -> memref<1x80x64xi32, #tpu.memory_space<vmem>>
        %gather3A_567 = tpu.memref_squeeze %gather3A_566 : memref<1x80x64xi32, #tpu.memory_space<vmem>> -> memref<80x64xi32, #tpu.memory_space<vmem>>
        %gather3A_568 = tpu.vector_load_idx %gather3A_567[%add3A_249, %and3A_563] : memref<80x64xi32, #tpu.memory_space<vmem>>[vector<16xi32>, vector<16xi32>], vector<16xi32>,
        %gather3A_569 = arith.constant 0 : i32
        %gather3A_570 = arith.constant 0 : i32
        %gather3A_571 = tpu.memref_slice %arg9[%scan3A_253, %gather3A_569, %gather3A_570] : memref<2x80x64xi32, #tpu.memory_space<vmem>> -> memref<1x80x64xi32, #tpu.memory_space<vmem>>
        %gather3A_572 = tpu.memref_squeeze %gather3A_571 : memref<1x80x64xi32, #tpu.memory_space<vmem>> -> memref<80x64xi32, #tpu.memory_space<vmem>>
        %gather3A_573 = tpu.vector_load_idx %gather3A_572[%add3A_249, %and3A_563] : memref<80x64xi32, #tpu.memory_space<vmem>>[vector<16xi32>, vector<16xi32>], vector<16xi32>,
        %bitcast3A_574 = vector.bitcast %gather3A_568 : vector<16xi32> to vector<32xbf16>
        %bitcast3A_575 = vector.bitcast %gather3A_573 : vector<16xi32> to vector<32xbf16>
        %mul3A_576 = arith.mulf %bitcast3A_574, %bitcast3A_575 : vector<32xbf16>
        %add3A_577 = arith.addf %add3A_554, %mul3A_576 : vector<32xbf16>
        %mul3A_578 = arith.constant 8 : i32
        %mul3A_579 = arith.muli %scan3A_419, %mul3A_578 : i32
        %add3A_580 = arith.constant 7 : i32
        %add3A_581 = arith.addi %mul3A_579, %add3A_580 : i32
        %add3A_582 = vector.broadcast %add3A_581 : i32 to vector<16xi32>
        %add3A_583 = arith.addi %iota3A, %add3A_582 : vector<16xi32>
        %and3A_584 = arith.constant 63 : i32
        %and3A_585 = vector.broadcast %and3A_584 : i32 to vector<16xi32>
        %and3A_586 = arith.andi %add3A_583, %and3A_585 : vector<16xi32>
        %gather3A_587 = arith.constant 0 : i32
        %gather3A_588 = arith.constant 0 : i32
        %gather3A_589 = tpu.memref_slice %arg8[%scan3A_252, %gather3A_587, %gather3A_588] : memref<2x80x64xi32, #tpu.memory_space<vmem>> -> memref<1x80x64xi32, #tpu.memory_space<vmem>>
        %gather3A_590 = tpu.memref_squeeze %gather3A_589 : memref<1x80x64xi32, #tpu.memory_space<vmem>> -> memref<80x64xi32, #tpu.memory_space<vmem>>
        %gather3A_591 = tpu.vector_load_idx %gather3A_590[%add3A_249, %and3A_586] : memref<80x64xi32, #tpu.memory_space<vmem>>[vector<16xi32>, vector<16xi32>], vector<16xi32>,
        %gather3A_592 = arith.constant 0 : i32
        %gather3A_593 = arith.constant 0 : i32
        %gather3A_594 = tpu.memref_slice %arg9[%scan3A_253, %gather3A_592, %gather3A_593] : memref<2x80x64xi32, #tpu.memory_space<vmem>> -> memref<1x80x64xi32, #tpu.memory_space<vmem>>
        %gather3A_595 = tpu.memref_squeeze %gather3A_594 : memref<1x80x64xi32, #tpu.memory_space<vmem>> -> memref<80x64xi32, #tpu.memory_space<vmem>>
        %gather3A_596 = tpu.vector_load_idx %gather3A_595[%add3A_249, %and3A_586] : memref<80x64xi32, #tpu.memory_space<vmem>>[vector<16xi32>, vector<16xi32>], vector<16xi32>,
        %bitcast3A_597 = vector.bitcast %gather3A_591 : vector<16xi32> to vector<32xbf16>
        %bitcast3A_598 = vector.bitcast %gather3A_596 : vector<16xi32> to vector<32xbf16>
        %mul3A_599 = arith.mulf %bitcast3A_597, %bitcast3A_598 : vector<32xbf16>
        %add3A_600 = arith.addf %add3A_577, %mul3A_599 : vector<32xbf16>
        %unpack3A = tpu.unpack_subelements %add3A_600, 0 {pack_format = #tpu.pack_format<interleaved>} : vector<32xbf16> -> vector<16xf32>
        %unpack3A_601 = tpu.unpack_subelements %add3A_600, 1 {pack_format = #tpu.pack_format<interleaved>} : vector<32xbf16> -> vector<16xf32>
        %add3A_602 = arith.addf %scan3A_420, %unpack3A : vector<16xf32>
        %add3A_603 = arith.addf %add3A_602, %unpack3A_601 : vector<16xf32>
        scf.yield %add3A_603 : vector<16xf32>
      }
      %scan3A_259 = arith.constant 8 : i32
      %mul3A_260 = arith.constant 80 : i32
      %mul3A_261 = arith.muli %add3A_163, %mul3A_260 : i32
      %add3A_262 = arith.constant 48 : i32
      %add3A_263 = arith.addi %mul3A_261, %add3A_262 : i32
      %swap3A_264 = arith.index_cast %add3A_263 : i32 to index
      %swap3A_265 = tpu.vector_load %arg10[%swap3A_264] {strides = array<i32>} : memref<10000xf32, #tpu.memory_space<vmem>>, vector<16xf32>,
      tpu.vector_store %arg10[%swap3A_264], %scan3A_258 {strides = array<i32>} : memref<10000xf32, #tpu.memory_space<vmem>>, vector<16xf32>,
      %add3A_266 = arith.constant 64 : i32
      %add3A_267 = vector.broadcast %add3A_266 : i32 to vector<16xi32>
      %add3A_268 = arith.addi %add3A_267, %iota3A : vector<16xi32>
      %broadcast_in_dim3A_269 = arith.constant 0.000000e+00 : f32
      %broadcast_in_dim3A_270 = vector.broadcast %broadcast_in_dim3A_269 : f32 to vector<16xf32>
      %scan3A_271 = arith.constant 0 : i32
      %scan3A_272 = arith.constant 0 : i32
      %scan3A_273 = arith.constant 0 : i32
      %scan3A_274 = arith.constant 8 : i32
      %scan3A_275 = arith.addi %scan3A_273, %scan3A_274 : i32
      %scan3A_276 = arith.constant 1 : i32
      %scan3A_277 = scf.for %scan3A_419 = %scan3A_273 to %scan3A_275 step %scan3A_276 iter_args(%scan3A_420 = %broadcast_in_dim3A_270) -> (vector<16xf32>)  : i32 {
        %mul3A_421 = arith.constant 8 : i32
        %mul3A_422 = arith.muli %scan3A_419, %mul3A_421 : i32
        %add3A_423 = arith.constant 0 : i32
        %add3A_424 = arith.addi %mul3A_422, %add3A_423 : i32
        %add3A_425 = vector.broadcast %add3A_424 : i32 to vector<16xi32>
        %add3A_426 = arith.addi %iota3A, %add3A_425 : vector<16xi32>
        %and3A = arith.constant 63 : i32
        %and3A_427 = vector.broadcast %and3A : i32 to vector<16xi32>
        %and3A_428 = arith.andi %add3A_426, %and3A_427 : vector<16xi32>
        %gather3A = arith.constant 0 : i32
        %gather3A_429 = arith.constant 0 : i32
        %gather3A_430 = tpu.memref_slice %arg8[%scan3A_271, %gather3A, %gather3A_429] : memref<2x80x64xi32, #tpu.memory_space<vmem>> -> memref<1x80x64xi32, #tpu.memory_space<vmem>>
        %gather3A_431 = tpu.memref_squeeze %gather3A_430 : memref<1x80x64xi32, #tpu.memory_space<vmem>> -> memref<80x64xi32, #tpu.memory_space<vmem>>
        %gather3A_432 = tpu.vector_load_idx %gather3A_431[%add3A_268, %and3A_428] : memref<80x64xi32, #tpu.memory_space<vmem>>[vector<16xi32>, vector<16xi32>], vector<16xi32>,
        %gather3A_433 = arith.constant 0 : i32
        %gather3A_434 = arith.constant 0 : i32
        %gather3A_435 = tpu.memref_slice %arg9[%scan3A_272, %gather3A_433, %gather3A_434] : memref<2x80x64xi32, #tpu.memory_space<vmem>> -> memref<1x80x64xi32, #tpu.memory_space<vmem>>
        %gather3A_436 = tpu.memref_squeeze %gather3A_435 : memref<1x80x64xi32, #tpu.memory_space<vmem>> -> memref<80x64xi32, #tpu.memory_space<vmem>>
        %gather3A_437 = tpu.vector_load_idx %gather3A_436[%add3A_268, %and3A_428] : memref<80x64xi32, #tpu.memory_space<vmem>>[vector<16xi32>, vector<16xi32>], vector<16xi32>,
        %bitcast3A = vector.bitcast %gather3A_432 : vector<16xi32> to vector<32xbf16>
        %bitcast3A_438 = vector.bitcast %gather3A_437 : vector<16xi32> to vector<32xbf16>
        %mul3A_439 = arith.mulf %bitcast3A, %bitcast3A_438 : vector<32xbf16>
        %mul3A_440 = arith.constant 8 : i32
        %mul3A_441 = arith.muli %scan3A_419, %mul3A_440 : i32
        %add3A_442 = arith.constant 1 : i32
        %add3A_443 = arith.addi %mul3A_441, %add3A_442 : i32
        %add3A_444 = vector.broadcast %add3A_443 : i32 to vector<16xi32>
        %add3A_445 = arith.addi %iota3A, %add3A_444 : vector<16xi32>
        %and3A_446 = arith.constant 63 : i32
        %and3A_447 = vector.broadcast %and3A_446 : i32 to vector<16xi32>
        %and3A_448 = arith.andi %add3A_445, %and3A_447 : vector<16xi32>
        %gather3A_449 = arith.constant 0 : i32
        %gather3A_450 = arith.constant 0 : i32
        %gather3A_451 = tpu.memref_slice %arg8[%scan3A_271, %gather3A_449, %gather3A_450] : memref<2x80x64xi32, #tpu.memory_space<vmem>> -> memref<1x80x64xi32, #tpu.memory_space<vmem>>
        %gather3A_452 = tpu.memref_squeeze %gather3A_451 : memref<1x80x64xi32, #tpu.memory_space<vmem>> -> memref<80x64xi32, #tpu.memory_space<vmem>>
        %gather3A_453 = tpu.vector_load_idx %gather3A_452[%add3A_268, %and3A_448] : memref<80x64xi32, #tpu.memory_space<vmem>>[vector<16xi32>, vector<16xi32>], vector<16xi32>,
        %gather3A_454 = arith.constant 0 : i32
        %gather3A_455 = arith.constant 0 : i32
        %gather3A_456 = tpu.memref_slice %arg9[%scan3A_272, %gather3A_454, %gather3A_455] : memref<2x80x64xi32, #tpu.memory_space<vmem>> -> memref<1x80x64xi32, #tpu.memory_space<vmem>>
        %gather3A_457 = tpu.memref_squeeze %gather3A_456 : memref<1x80x64xi32, #tpu.memory_space<vmem>> -> memref<80x64xi32, #tpu.memory_space<vmem>>
        %gather3A_458 = tpu.vector_load_idx %gather3A_457[%add3A_268, %and3A_448] : memref<80x64xi32, #tpu.memory_space<vmem>>[vector<16xi32>, vector<16xi32>], vector<16xi32>,
        %bitcast3A_459 = vector.bitcast %gather3A_453 : vector<16xi32> to vector<32xbf16>
        %bitcast3A_460 = vector.bitcast %gather3A_458 : vector<16xi32> to vector<32xbf16>
        %mul3A_461 = arith.mulf %bitcast3A_459, %bitcast3A_460 : vector<32xbf16>
        %add3A_462 = arith.addf %mul3A_439, %mul3A_461 : vector<32xbf16>
        %mul3A_463 = arith.constant 8 : i32
        %mul3A_464 = arith.muli %scan3A_419, %mul3A_463 : i32
        %add3A_465 = arith.constant 2 : i32
        %add3A_466 = arith.addi %mul3A_464, %add3A_465 : i32
        %add3A_467 = vector.broadcast %add3A_466 : i32 to vector<16xi32>
        %add3A_468 = arith.addi %iota3A, %add3A_467 : vector<16xi32>
        %and3A_469 = arith.constant 63 : i32
        %and3A_470 = vector.broadcast %and3A_469 : i32 to vector<16xi32>
        %and3A_471 = arith.andi %add3A_468, %and3A_470 : vector<16xi32>
        %gather3A_472 = arith.constant 0 : i32
        %gather3A_473 = arith.constant 0 : i32
        %gather3A_474 = tpu.memref_slice %arg8[%scan3A_271, %gather3A_472, %gather3A_473] : memref<2x80x64xi32, #tpu.memory_space<vmem>> -> memref<1x80x64xi32, #tpu.memory_space<vmem>>
        %gather3A_475 = tpu.memref_squeeze %gather3A_474 : memref<1x80x64xi32, #tpu.memory_space<vmem>> -> memref<80x64xi32, #tpu.memory_space<vmem>>
        %gather3A_476 = tpu.vector_load_idx %gather3A_475[%add3A_268, %and3A_471] : memref<80x64xi32, #tpu.memory_space<vmem>>[vector<16xi32>, vector<16xi32>], vector<16xi32>,
        %gather3A_477 = arith.constant 0 : i32
        %gather3A_478 = arith.constant 0 : i32
        %gather3A_479 = tpu.memref_slice %arg9[%scan3A_272, %gather3A_477, %gather3A_478] : memref<2x80x64xi32, #tpu.memory_space<vmem>> -> memref<1x80x64xi32, #tpu.memory_space<vmem>>
        %gather3A_480 = tpu.memref_squeeze %gather3A_479 : memref<1x80x64xi32, #tpu.memory_space<vmem>> -> memref<80x64xi32, #tpu.memory_space<vmem>>
        %gather3A_481 = tpu.vector_load_idx %gather3A_480[%add3A_268, %and3A_471] : memref<80x64xi32, #tpu.memory_space<vmem>>[vector<16xi32>, vector<16xi32>], vector<16xi32>,
        %bitcast3A_482 = vector.bitcast %gather3A_476 : vector<16xi32> to vector<32xbf16>
        %bitcast3A_483 = vector.bitcast %gather3A_481 : vector<16xi32> to vector<32xbf16>
        %mul3A_484 = arith.mulf %bitcast3A_482, %bitcast3A_483 : vector<32xbf16>
        %add3A_485 = arith.addf %add3A_462, %mul3A_484 : vector<32xbf16>
        %mul3A_486 = arith.constant 8 : i32
        %mul3A_487 = arith.muli %scan3A_419, %mul3A_486 : i32
        %add3A_488 = arith.constant 3 : i32
        %add3A_489 = arith.addi %mul3A_487, %add3A_488 : i32
        %add3A_490 = vector.broadcast %add3A_489 : i32 to vector<16xi32>
        %add3A_491 = arith.addi %iota3A, %add3A_490 : vector<16xi32>
        %and3A_492 = arith.constant 63 : i32
        %and3A_493 = vector.broadcast %and3A_492 : i32 to vector<16xi32>
        %and3A_494 = arith.andi %add3A_491, %and3A_493 : vector<16xi32>
        %gather3A_495 = arith.constant 0 : i32
        %gather3A_496 = arith.constant 0 : i32
        %gather3A_497 = tpu.memref_slice %arg8[%scan3A_271, %gather3A_495, %gather3A_496] : memref<2x80x64xi32, #tpu.memory_space<vmem>> -> memref<1x80x64xi32, #tpu.memory_space<vmem>>
        %gather3A_498 = tpu.memref_squeeze %gather3A_497 : memref<1x80x64xi32, #tpu.memory_space<vmem>> -> memref<80x64xi32, #tpu.memory_space<vmem>>
        %gather3A_499 = tpu.vector_load_idx %gather3A_498[%add3A_268, %and3A_494] : memref<80x64xi32, #tpu.memory_space<vmem>>[vector<16xi32>, vector<16xi32>], vector<16xi32>,
        %gather3A_500 = arith.constant 0 : i32
        %gather3A_501 = arith.constant 0 : i32
        %gather3A_502 = tpu.memref_slice %arg9[%scan3A_272, %gather3A_500, %gather3A_501] : memref<2x80x64xi32, #tpu.memory_space<vmem>> -> memref<1x80x64xi32, #tpu.memory_space<vmem>>
        %gather3A_503 = tpu.memref_squeeze %gather3A_502 : memref<1x80x64xi32, #tpu.memory_space<vmem>> -> memref<80x64xi32, #tpu.memory_space<vmem>>
        %gather3A_504 = tpu.vector_load_idx %gather3A_503[%add3A_268, %and3A_494] : memref<80x64xi32, #tpu.memory_space<vmem>>[vector<16xi32>, vector<16xi32>], vector<16xi32>,
        %bitcast3A_505 = vector.bitcast %gather3A_499 : vector<16xi32> to vector<32xbf16>
        %bitcast3A_506 = vector.bitcast %gather3A_504 : vector<16xi32> to vector<32xbf16>
        %mul3A_507 = arith.mulf %bitcast3A_505, %bitcast3A_506 : vector<32xbf16>
        %add3A_508 = arith.addf %add3A_485, %mul3A_507 : vector<32xbf16>
        %mul3A_509 = arith.constant 8 : i32
        %mul3A_510 = arith.muli %scan3A_419, %mul3A_509 : i32
        %add3A_511 = arith.constant 4 : i32
        %add3A_512 = arith.addi %mul3A_510, %add3A_511 : i32
        %add3A_513 = vector.broadcast %add3A_512 : i32 to vector<16xi32>
        %add3A_514 = arith.addi %iota3A, %add3A_513 : vector<16xi32>
        %and3A_515 = arith.constant 63 : i32
        %and3A_516 = vector.broadcast %and3A_515 : i32 to vector<16xi32>
        %and3A_517 = arith.andi %add3A_514, %and3A_516 : vector<16xi32>
        %gather3A_518 = arith.constant 0 : i32
        %gather3A_519 = arith.constant 0 : i32
        %gather3A_520 = tpu.memref_slice %arg8[%scan3A_271, %gather3A_518, %gather3A_519] : memref<2x80x64xi32, #tpu.memory_space<vmem>> -> memref<1x80x64xi32, #tpu.memory_space<vmem>>
        %gather3A_521 = tpu.memref_squeeze %gather3A_520 : memref<1x80x64xi32, #tpu.memory_space<vmem>> -> memref<80x64xi32, #tpu.memory_space<vmem>>
        %gather3A_522 = tpu.vector_load_idx %gather3A_521[%add3A_268, %and3A_517] : memref<80x64xi32, #tpu.memory_space<vmem>>[vector<16xi32>, vector<16xi32>], vector<16xi32>,
        %gather3A_523 = arith.constant 0 : i32
        %gather3A_524 = arith.constant 0 : i32
        %gather3A_525 = tpu.memref_slice %arg9[%scan3A_272, %gather3A_523, %gather3A_524] : memref<2x80x64xi32, #tpu.memory_space<vmem>> -> memref<1x80x64xi32, #tpu.memory_space<vmem>>
        %gather3A_526 = tpu.memref_squeeze %gather3A_525 : memref<1x80x64xi32, #tpu.memory_space<vmem>> -> memref<80x64xi32, #tpu.memory_space<vmem>>
        %gather3A_527 = tpu.vector_load_idx %gather3A_526[%add3A_268, %and3A_517] : memref<80x64xi32, #tpu.memory_space<vmem>>[vector<16xi32>, vector<16xi32>], vector<16xi32>,
        %bitcast3A_528 = vector.bitcast %gather3A_522 : vector<16xi32> to vector<32xbf16>
        %bitcast3A_529 = vector.bitcast %gather3A_527 : vector<16xi32> to vector<32xbf16>
        %mul3A_530 = arith.mulf %bitcast3A_528, %bitcast3A_529 : vector<32xbf16>
        %add3A_531 = arith.addf %add3A_508, %mul3A_530 : vector<32xbf16>
        %mul3A_532 = arith.constant 8 : i32
        %mul3A_533 = arith.muli %scan3A_419, %mul3A_532 : i32
        %add3A_534 = arith.constant 5 : i32
        %add3A_535 = arith.addi %mul3A_533, %add3A_534 : i32
        %add3A_536 = vector.broadcast %add3A_535 : i32 to vector<16xi32>
        %add3A_537 = arith.addi %iota3A, %add3A_536 : vector<16xi32>
        %and3A_538 = arith.constant 63 : i32
        %and3A_539 = vector.broadcast %and3A_538 : i32 to vector<16xi32>
        %and3A_540 = arith.andi %add3A_537, %and3A_539 : vector<16xi32>
        %gather3A_541 = arith.constant 0 : i32
        %gather3A_542 = arith.constant 0 : i32
        %gather3A_543 = tpu.memref_slice %arg8[%scan3A_271, %gather3A_541, %gather3A_542] : memref<2x80x64xi32, #tpu.memory_space<vmem>> -> memref<1x80x64xi32, #tpu.memory_space<vmem>>
        %gather3A_544 = tpu.memref_squeeze %gather3A_543 : memref<1x80x64xi32, #tpu.memory_space<vmem>> -> memref<80x64xi32, #tpu.memory_space<vmem>>
        %gather3A_545 = tpu.vector_load_idx %gather3A_544[%add3A_268, %and3A_540] : memref<80x64xi32, #tpu.memory_space<vmem>>[vector<16xi32>, vector<16xi32>], vector<16xi32>,
        %gather3A_546 = arith.constant 0 : i32
        %gather3A_547 = arith.constant 0 : i32
        %gather3A_548 = tpu.memref_slice %arg9[%scan3A_272, %gather3A_546, %gather3A_547] : memref<2x80x64xi32, #tpu.memory_space<vmem>> -> memref<1x80x64xi32, #tpu.memory_space<vmem>>
        %gather3A_549 = tpu.memref_squeeze %gather3A_548 : memref<1x80x64xi32, #tpu.memory_space<vmem>> -> memref<80x64xi32, #tpu.memory_space<vmem>>
        %gather3A_550 = tpu.vector_load_idx %gather3A_549[%add3A_268, %and3A_540] : memref<80x64xi32, #tpu.memory_space<vmem>>[vector<16xi32>, vector<16xi32>], vector<16xi32>,
        %bitcast3A_551 = vector.bitcast %gather3A_545 : vector<16xi32> to vector<32xbf16>
        %bitcast3A_552 = vector.bitcast %gather3A_550 : vector<16xi32> to vector<32xbf16>
        %mul3A_553 = arith.mulf %bitcast3A_551, %bitcast3A_552 : vector<32xbf16>
        %add3A_554 = arith.addf %add3A_531, %mul3A_553 : vector<32xbf16>
        %mul3A_555 = arith.constant 8 : i32
        %mul3A_556 = arith.muli %scan3A_419, %mul3A_555 : i32
        %add3A_557 = arith.constant 6 : i32
        %add3A_558 = arith.addi %mul3A_556, %add3A_557 : i32
        %add3A_559 = vector.broadcast %add3A_558 : i32 to vector<16xi32>
        %add3A_560 = arith.addi %iota3A, %add3A_559 : vector<16xi32>
        %and3A_561 = arith.constant 63 : i32
        %and3A_562 = vector.broadcast %and3A_561 : i32 to vector<16xi32>
        %and3A_563 = arith.andi %add3A_560, %and3A_562 : vector<16xi32>
        %gather3A_564 = arith.constant 0 : i32
        %gather3A_565 = arith.constant 0 : i32
        %gather3A_566 = tpu.memref_slice %arg8[%scan3A_271, %gather3A_564, %gather3A_565] : memref<2x80x64xi32, #tpu.memory_space<vmem>> -> memref<1x80x64xi32, #tpu.memory_space<vmem>>
        %gather3A_567 = tpu.memref_squeeze %gather3A_566 : memref<1x80x64xi32, #tpu.memory_space<vmem>> -> memref<80x64xi32, #tpu.memory_space<vmem>>
        %gather3A_568 = tpu.vector_load_idx %gather3A_567[%add3A_268, %and3A_563] : memref<80x64xi32, #tpu.memory_space<vmem>>[vector<16xi32>, vector<16xi32>], vector<16xi32>,
        %gather3A_569 = arith.constant 0 : i32
        %gather3A_570 = arith.constant 0 : i32
        %gather3A_571 = tpu.memref_slice %arg9[%scan3A_272, %gather3A_569, %gather3A_570] : memref<2x80x64xi32, #tpu.memory_space<vmem>> -> memref<1x80x64xi32, #tpu.memory_space<vmem>>
        %gather3A_572 = tpu.memref_squeeze %gather3A_571 : memref<1x80x64xi32, #tpu.memory_space<vmem>> -> memref<80x64xi32, #tpu.memory_space<vmem>>
        %gather3A_573 = tpu.vector_load_idx %gather3A_572[%add3A_268, %and3A_563] : memref<80x64xi32, #tpu.memory_space<vmem>>[vector<16xi32>, vector<16xi32>], vector<16xi32>,
        %bitcast3A_574 = vector.bitcast %gather3A_568 : vector<16xi32> to vector<32xbf16>
        %bitcast3A_575 = vector.bitcast %gather3A_573 : vector<16xi32> to vector<32xbf16>
        %mul3A_576 = arith.mulf %bitcast3A_574, %bitcast3A_575 : vector<32xbf16>
        %add3A_577 = arith.addf %add3A_554, %mul3A_576 : vector<32xbf16>
        %mul3A_578 = arith.constant 8 : i32
        %mul3A_579 = arith.muli %scan3A_419, %mul3A_578 : i32
        %add3A_580 = arith.constant 7 : i32
        %add3A_581 = arith.addi %mul3A_579, %add3A_580 : i32
        %add3A_582 = vector.broadcast %add3A_581 : i32 to vector<16xi32>
        %add3A_583 = arith.addi %iota3A, %add3A_582 : vector<16xi32>
        %and3A_584 = arith.constant 63 : i32
        %and3A_585 = vector.broadcast %and3A_584 : i32 to vector<16xi32>
        %and3A_586 = arith.andi %add3A_583, %and3A_585 : vector<16xi32>
        %gather3A_587 = arith.constant 0 : i32
        %gather3A_588 = arith.constant 0 : i32
        %gather3A_589 = tpu.memref_slice %arg8[%scan3A_271, %gather3A_587, %gather3A_588] : memref<2x80x64xi32, #tpu.memory_space<vmem>> -> memref<1x80x64xi32, #tpu.memory_space<vmem>>
        %gather3A_590 = tpu.memref_squeeze %gather3A_589 : memref<1x80x64xi32, #tpu.memory_space<vmem>> -> memref<80x64xi32, #tpu.memory_space<vmem>>
        %gather3A_591 = tpu.vector_load_idx %gather3A_590[%add3A_268, %and3A_586] : memref<80x64xi32, #tpu.memory_space<vmem>>[vector<16xi32>, vector<16xi32>], vector<16xi32>,
        %gather3A_592 = arith.constant 0 : i32
        %gather3A_593 = arith.constant 0 : i32
        %gather3A_594 = tpu.memref_slice %arg9[%scan3A_272, %gather3A_592, %gather3A_593] : memref<2x80x64xi32, #tpu.memory_space<vmem>> -> memref<1x80x64xi32, #tpu.memory_space<vmem>>
        %gather3A_595 = tpu.memref_squeeze %gather3A_594 : memref<1x80x64xi32, #tpu.memory_space<vmem>> -> memref<80x64xi32, #tpu.memory_space<vmem>>
        %gather3A_596 = tpu.vector_load_idx %gather3A_595[%add3A_268, %and3A_586] : memref<80x64xi32, #tpu.memory_space<vmem>>[vector<16xi32>, vector<16xi32>], vector<16xi32>,
        %bitcast3A_597 = vector.bitcast %gather3A_591 : vector<16xi32> to vector<32xbf16>
        %bitcast3A_598 = vector.bitcast %gather3A_596 : vector<16xi32> to vector<32xbf16>
        %mul3A_599 = arith.mulf %bitcast3A_597, %bitcast3A_598 : vector<32xbf16>
        %add3A_600 = arith.addf %add3A_577, %mul3A_599 : vector<32xbf16>
        %unpack3A = tpu.unpack_subelements %add3A_600, 0 {pack_format = #tpu.pack_format<interleaved>} : vector<32xbf16> -> vector<16xf32>
        %unpack3A_601 = tpu.unpack_subelements %add3A_600, 1 {pack_format = #tpu.pack_format<interleaved>} : vector<32xbf16> -> vector<16xf32>
        %add3A_602 = arith.addf %scan3A_420, %unpack3A : vector<16xf32>
        %add3A_603 = arith.addf %add3A_602, %unpack3A_601 : vector<16xf32>
        scf.yield %add3A_603 : vector<16xf32>
      }
      %scan3A_278 = arith.constant 8 : i32
      %mul3A_279 = arith.constant 80 : i32
      %mul3A_280 = arith.muli %add3A_163, %mul3A_279 : i32
      %add3A_281 = arith.constant 64 : i32
      %add3A_282 = arith.addi %mul3A_280, %add3A_281 : i32
      %swap3A_283 = arith.index_cast %add3A_282 : i32 to index
      %swap3A_284 = tpu.vector_load %arg10[%swap3A_283] {strides = array<i32>} : memref<10000xf32, #tpu.memory_space<vmem>>, vector<16xf32>,
      tpu.vector_store %arg10[%swap3A_283], %scan3A_277 {strides = array<i32>} : memref<10000xf32, #tpu.memory_space<vmem>>, vector<16xf32>,
      %add3A_285 = arith.constant 2 : i32
      %add3A_286 = arith.addi %add3A_163, %add3A_285 : i32
      %lt3A = arith.constant 125 : i32
      %lt3A_287 = arith.cmpi slt, %add3A_286, %lt3A : i32
      %convert_element_type3A = arith.extui %lt3A_287 : i1 to i32
      %cond3A = arith.constant 0 : i32
      %cond3A_288 = arith.cmpi ne, %convert_element_type3A, %cond3A : i32
      scf.if %cond3A_288 {
        %mul3A_419 = arith.constant 80 : i32
        %mul3A_420 = arith.muli %add3A_286, %mul3A_419 : i32
        %dma_start3A_421 = arith.constant 0 : i32
        %dma_start3A_422 = arith.constant 0 : i32
        %dma_start3A_423 = arith.constant 0 : i32
        %dma_start3A_424 = arith.constant 0 : i32
        %dma_start3A_425 = tpu.memref_slice %arg8[%dma_start3A_421, %dma_start3A_423, %dma_start3A_424] : memref<2x80x64xi32, #tpu.memory_space<vmem>> -> memref<1x80x64xi32, #tpu.memory_space<vmem>>
        %dma_start3A_426 = tpu.memref_squeeze %dma_start3A_425 : memref<1x80x64xi32, #tpu.memory_space<vmem>> -> memref<80x64xi32, #tpu.memory_space<vmem>>
        %dma_start3A_427 = tpu.memref_slice %arg6[%mul3A_420] : memref<10000xi32, #tpu.memory_space<vmem>> -> memref<80xi32, #tpu.memory_space<vmem>>
        %dma_start3A_428 = arith.constant 0 : i32
        %dma_start3A_429 = arith.constant 0 : i32
        %dma_start3A_430 = tpu.memref_slice %arg2[%dma_start3A_428, %dma_start3A_429] : memref<10000x64xi32, #tpu.memory_space<hbm>> -> memref<10000x64xi32, #tpu.memory_space<hbm>>
        %dma_start3A_431 = tpu.memref_slice %arg11[%dma_start3A_422] : memref<2x!tpu.dma_semaphore, #tpu.memory_space<semaphore_mem>> -> memref<1x!tpu.dma_semaphore, #tpu.memory_space<semaphore_mem>>
        %dma_start3A_432 = tpu.memref_squeeze %dma_start3A_431 : memref<1x!tpu.dma_semaphore, #tpu.memory_space<semaphore_mem>> -> memref<!tpu.dma_semaphore, #tpu.memory_space<semaphore_mem>>
        tpu.enqueue_indirect_dma source(%dma_start3A_430 : memref<10000x64xi32, #tpu.memory_space<hbm>>) target(%dma_start3A_426 : memref<80x64xi32, #tpu.memory_space<vmem>>) offsets(%dma_start3A_427 : memref<80xi32, #tpu.memory_space<vmem>>) semaphore(%dma_start3A_432 : memref<!tpu.dma_semaphore, #tpu.memory_space<semaphore_mem>>)
        %mul3A_433 = arith.constant 80 : i32
        %mul3A_434 = arith.muli %add3A_286, %mul3A_433 : i32
        %dma_start3A_435 = arith.constant 0 : i32
        %dma_start3A_436 = arith.constant 0 : i32
        %dma_start3A_437 = arith.constant 0 : i32
        %dma_start3A_438 = arith.constant 0 : i32
        %dma_start3A_439 = tpu.memref_slice %arg9[%dma_start3A_435, %dma_start3A_437, %dma_start3A_438] : memref<2x80x64xi32, #tpu.memory_space<vmem>> -> memref<1x80x64xi32, #tpu.memory_space<vmem>>
        %dma_start3A_440 = tpu.memref_squeeze %dma_start3A_439 : memref<1x80x64xi32, #tpu.memory_space<vmem>> -> memref<80x64xi32, #tpu.memory_space<vmem>>
        %dma_start3A_441 = tpu.memref_slice %arg7[%mul3A_434] : memref<10000xi32, #tpu.memory_space<vmem>> -> memref<80xi32, #tpu.memory_space<vmem>>
        %dma_start3A_442 = arith.constant 0 : i32
        %dma_start3A_443 = arith.constant 0 : i32
        %dma_start3A_444 = tpu.memref_slice %arg3[%dma_start3A_442, %dma_start3A_443] : memref<10000x64xi32, #tpu.memory_space<hbm>> -> memref<10000x64xi32, #tpu.memory_space<hbm>>
        %dma_start3A_445 = tpu.memref_slice %arg12[%dma_start3A_436] : memref<2x!tpu.dma_semaphore, #tpu.memory_space<semaphore_mem>> -> memref<1x!tpu.dma_semaphore, #tpu.memory_space<semaphore_mem>>
        %dma_start3A_446 = tpu.memref_squeeze %dma_start3A_445 : memref<1x!tpu.dma_semaphore, #tpu.memory_space<semaphore_mem>> -> memref<!tpu.dma_semaphore, #tpu.memory_space<semaphore_mem>>
        tpu.enqueue_indirect_dma source(%dma_start3A_444 : memref<10000x64xi32, #tpu.memory_space<hbm>>) target(%dma_start3A_440 : memref<80x64xi32, #tpu.memory_space<vmem>>) offsets(%dma_start3A_441 : memref<80xi32, #tpu.memory_space<vmem>>) semaphore(%dma_start3A_446 : memref<!tpu.dma_semaphore, #tpu.memory_space<semaphore_mem>>)
      } else {
      }
      %add3A_289 = arith.constant 1 : i32
      %add3A_290 = arith.addi %mul3A_161, %add3A_289 : i32
      %dma_wait3A_291 = arith.constant 1 : i32
      %dma_wait3A_292 = arith.constant 1 : i32
      %dma_wait3A_293 = arith.constant 0 : i32
      %dma_wait3A_294 = arith.constant 0 : i32
      %dma_wait3A_295 = tpu.memref_slice %arg8[%dma_wait3A_291, %dma_wait3A_293, %dma_wait3A_294] : memref<2x80x64xi32, #tpu.memory_space<vmem>> -> memref<1x80x64xi32, #tpu.memory_space<vmem>>
      %dma_wait3A_296 = tpu.memref_squeeze %dma_wait3A_295 : memref<1x80x64xi32, #tpu.memory_space<vmem>> -> memref<80x64xi32, #tpu.memory_space<vmem>>
      %dma_wait3A_297 = arith.constant 0 : i32
      %dma_wait3A_298 = tpu.memref_slice %arg6[%dma_wait3A_297] : memref<10000xi32, #tpu.memory_space<vmem>> -> memref<80xi32, #tpu.memory_space<vmem>>
      %dma_wait3A_299 = arith.constant 0 : i32
      %dma_wait3A_300 = arith.constant 0 : i32
      %dma_wait3A_301 = tpu.memref_slice %arg2[%dma_wait3A_299, %dma_wait3A_300] : memref<10000x64xi32, #tpu.memory_space<hbm>> -> memref<10000x64xi32, #tpu.memory_space<hbm>>
      %dma_wait3A_302 = tpu.memref_slice %arg11[%dma_wait3A_292] : memref<2x!tpu.dma_semaphore, #tpu.memory_space<semaphore_mem>> -> memref<1x!tpu.dma_semaphore, #tpu.memory_space<semaphore_mem>>
      %dma_wait3A_303 = tpu.memref_squeeze %dma_wait3A_302 : memref<1x!tpu.dma_semaphore, #tpu.memory_space<semaphore_mem>> -> memref<!tpu.dma_semaphore, #tpu.memory_space<semaphore_mem>>
      tpu.wait_indirect_dma semaphore(%dma_wait3A_303 : memref<!tpu.dma_semaphore, #tpu.memory_space<semaphore_mem>>) src(%dma_wait3A_301 : memref<10000x64xi32, #tpu.memory_space<hbm>>) dst(%dma_wait3A_296 : memref<80x64xi32, #tpu.memory_space<vmem>>)
      %dma_wait3A_304 = arith.constant 1 : i32
      %dma_wait3A_305 = arith.constant 1 : i32
      %dma_wait3A_306 = arith.constant 0 : i32
      %dma_wait3A_307 = arith.constant 0 : i32
      %dma_wait3A_308 = tpu.memref_slice %arg9[%dma_wait3A_304, %dma_wait3A_306, %dma_wait3A_307] : memref<2x80x64xi32, #tpu.memory_space<vmem>> -> memref<1x80x64xi32, #tpu.memory_space<vmem>>
      %dma_wait3A_309 = tpu.memref_squeeze %dma_wait3A_308 : memref<1x80x64xi32, #tpu.memory_space<vmem>> -> memref<80x64xi32, #tpu.memory_space<vmem>>
      %dma_wait3A_310 = arith.constant 0 : i32
      %dma_wait3A_311 = tpu.memref_slice %arg7[%dma_wait3A_310] : memref<10000xi32, #tpu.memory_space<vmem>> -> memref<80xi32, #tpu.memory_space<vmem>>
      %dma_wait3A_312 = arith.constant 0 : i32
      %dma_wait3A_313 = arith.constant 0 : i32
      %dma_wait3A_314 = tpu.memref_slice %arg3[%dma_wait3A_312, %dma_wait3A_313] : memref<10000x64xi32, #tpu.memory_space<hbm>> -> memref<10000x64xi32, #tpu.memory_space<hbm>>
      %dma_wait3A_315 = tpu.memref_slice %arg12[%dma_wait3A_305] : memref<2x!tpu.dma_semaphore, #tpu.memory_space<semaphore_mem>> -> memref<1x!tpu.dma_semaphore, #tpu.memory_space<semaphore_mem>>
      %dma_wait3A_316 = tpu.memref_squeeze %dma_wait3A_315 : memref<1x!tpu.dma_semaphore, #tpu.memory_space<semaphore_mem>> -> memref<!tpu.dma_semaphore, #tpu.memory_space<semaphore_mem>>
      tpu.wait_indirect_dma semaphore(%dma_wait3A_316 : memref<!tpu.dma_semaphore, #tpu.memory_space<semaphore_mem>>) src(%dma_wait3A_314 : memref<10000x64xi32, #tpu.memory_space<hbm>>) dst(%dma_wait3A_309 : memref<80x64xi32, #tpu.memory_space<vmem>>)
      %add3A_317 = arith.constant 0 : i32
      %add3A_318 = vector.broadcast %add3A_317 : i32 to vector<16xi32>
      %add3A_319 = arith.addi %add3A_318, %iota3A : vector<16xi32>
      %broadcast_in_dim3A_320 = arith.constant 0.000000e+00 : f32
      %broadcast_in_dim3A_321 = vector.broadcast %broadcast_in_dim3A_320 : f32 to vector<16xf32>
      %scan3A_322 = arith.constant 1 : i32
      %scan3A_323 = arith.constant 1 : i32
      %scan3A_324 = arith.constant 0 : i32
      %scan3A_325 = arith.constant 8 : i32
      %scan3A_326 = arith.addi %scan3A_324, %scan3A_325 : i32
      %scan3A_327 = arith.constant 1 : i32
      %scan3A_328 = scf.for %scan3A_419 = %scan3A_324 to %scan3A_326 step %scan3A_327 iter_args(%scan3A_420 = %broadcast_in_dim3A_321) -> (vector<16xf32>)  : i32 {
        %mul3A_421 = arith.constant 8 : i32
        %mul3A_422 = arith.muli %scan3A_419, %mul3A_421 : i32
        %add3A_423 = arith.constant 0 : i32
        %add3A_424 = arith.addi %mul3A_422, %add3A_423 : i32
        %add3A_425 = vector.broadcast %add3A_424 : i32 to vector<16xi32>
        %add3A_426 = arith.addi %iota3A, %add3A_425 : vector<16xi32>
        %and3A = arith.constant 63 : i32
        %and3A_427 = vector.broadcast %and3A : i32 to vector<16xi32>
        %and3A_428 = arith.andi %add3A_426, %and3A_427 : vector<16xi32>
        %gather3A = arith.constant 0 : i32
        %gather3A_429 = arith.constant 0 : i32
        %gather3A_430 = tpu.memref_slice %arg8[%scan3A_322, %gather3A, %gather3A_429] : memref<2x80x64xi32, #tpu.memory_space<vmem>> -> memref<1x80x64xi32, #tpu.memory_space<vmem>>
        %gather3A_431 = tpu.memref_squeeze %gather3A_430 : memref<1x80x64xi32, #tpu.memory_space<vmem>> -> memref<80x64xi32, #tpu.memory_space<vmem>>
        %gather3A_432 = tpu.vector_load_idx %gather3A_431[%add3A_319, %and3A_428] : memref<80x64xi32, #tpu.memory_space<vmem>>[vector<16xi32>, vector<16xi32>], vector<16xi32>,
        %gather3A_433 = arith.constant 0 : i32
        %gather3A_434 = arith.constant 0 : i32
        %gather3A_435 = tpu.memref_slice %arg9[%scan3A_323, %gather3A_433, %gather3A_434] : memref<2x80x64xi32, #tpu.memory_space<vmem>> -> memref<1x80x64xi32, #tpu.memory_space<vmem>>
        %gather3A_436 = tpu.memref_squeeze %gather3A_435 : memref<1x80x64xi32, #tpu.memory_space<vmem>> -> memref<80x64xi32, #tpu.memory_space<vmem>>
        %gather3A_437 = tpu.vector_load_idx %gather3A_436[%add3A_319, %and3A_428] : memref<80x64xi32, #tpu.memory_space<vmem>>[vector<16xi32>, vector<16xi32>], vector<16xi32>,
        %bitcast3A = vector.bitcast %gather3A_432 : vector<16xi32> to vector<32xbf16>
        %bitcast3A_438 = vector.bitcast %gather3A_437 : vector<16xi32> to vector<32xbf16>
        %mul3A_439 = arith.mulf %bitcast3A, %bitcast3A_438 : vector<32xbf16>
        %mul3A_440 = arith.constant 8 : i32
        %mul3A_441 = arith.muli %scan3A_419, %mul3A_440 : i32
        %add3A_442 = arith.constant 1 : i32
        %add3A_443 = arith.addi %mul3A_441, %add3A_442 : i32
        %add3A_444 = vector.broadcast %add3A_443 : i32 to vector<16xi32>
        %add3A_445 = arith.addi %iota3A, %add3A_444 : vector<16xi32>
        %and3A_446 = arith.constant 63 : i32
        %and3A_447 = vector.broadcast %and3A_446 : i32 to vector<16xi32>
        %and3A_448 = arith.andi %add3A_445, %and3A_447 : vector<16xi32>
        %gather3A_449 = arith.constant 0 : i32
        %gather3A_450 = arith.constant 0 : i32
        %gather3A_451 = tpu.memref_slice %arg8[%scan3A_322, %gather3A_449, %gather3A_450] : memref<2x80x64xi32, #tpu.memory_space<vmem>> -> memref<1x80x64xi32, #tpu.memory_space<vmem>>
        %gather3A_452 = tpu.memref_squeeze %gather3A_451 : memref<1x80x64xi32, #tpu.memory_space<vmem>> -> memref<80x64xi32, #tpu.memory_space<vmem>>
        %gather3A_453 = tpu.vector_load_idx %gather3A_452[%add3A_319, %and3A_448] : memref<80x64xi32, #tpu.memory_space<vmem>>[vector<16xi32>, vector<16xi32>], vector<16xi32>,
        %gather3A_454 = arith.constant 0 : i32
        %gather3A_455 = arith.constant 0 : i32
        %gather3A_456 = tpu.memref_slice %arg9[%scan3A_323, %gather3A_454, %gather3A_455] : memref<2x80x64xi32, #tpu.memory_space<vmem>> -> memref<1x80x64xi32, #tpu.memory_space<vmem>>
        %gather3A_457 = tpu.memref_squeeze %gather3A_456 : memref<1x80x64xi32, #tpu.memory_space<vmem>> -> memref<80x64xi32, #tpu.memory_space<vmem>>
        %gather3A_458 = tpu.vector_load_idx %gather3A_457[%add3A_319, %and3A_448] : memref<80x64xi32, #tpu.memory_space<vmem>>[vector<16xi32>, vector<16xi32>], vector<16xi32>,
        %bitcast3A_459 = vector.bitcast %gather3A_453 : vector<16xi32> to vector<32xbf16>
        %bitcast3A_460 = vector.bitcast %gather3A_458 : vector<16xi32> to vector<32xbf16>
        %mul3A_461 = arith.mulf %bitcast3A_459, %bitcast3A_460 : vector<32xbf16>
        %add3A_462 = arith.addf %mul3A_439, %mul3A_461 : vector<32xbf16>
        %mul3A_463 = arith.constant 8 : i32
        %mul3A_464 = arith.muli %scan3A_419, %mul3A_463 : i32
        %add3A_465 = arith.constant 2 : i32
        %add3A_466 = arith.addi %mul3A_464, %add3A_465 : i32
        %add3A_467 = vector.broadcast %add3A_466 : i32 to vector<16xi32>
        %add3A_468 = arith.addi %iota3A, %add3A_467 : vector<16xi32>
        %and3A_469 = arith.constant 63 : i32
        %and3A_470 = vector.broadcast %and3A_469 : i32 to vector<16xi32>
        %and3A_471 = arith.andi %add3A_468, %and3A_470 : vector<16xi32>
        %gather3A_472 = arith.constant 0 : i32
        %gather3A_473 = arith.constant 0 : i32
        %gather3A_474 = tpu.memref_slice %arg8[%scan3A_322, %gather3A_472, %gather3A_473] : memref<2x80x64xi32, #tpu.memory_space<vmem>> -> memref<1x80x64xi32, #tpu.memory_space<vmem>>
        %gather3A_475 = tpu.memref_squeeze %gather3A_474 : memref<1x80x64xi32, #tpu.memory_space<vmem>> -> memref<80x64xi32, #tpu.memory_space<vmem>>
        %gather3A_476 = tpu.vector_load_idx %gather3A_475[%add3A_319, %and3A_471] : memref<80x64xi32, #tpu.memory_space<vmem>>[vector<16xi32>, vector<16xi32>], vector<16xi32>,
        %gather3A_477 = arith.constant 0 : i32
        %gather3A_478 = arith.constant 0 : i32
        %gather3A_479 = tpu.memref_slice %arg9[%scan3A_323, %gather3A_477, %gather3A_478] : memref<2x80x64xi32, #tpu.memory_space<vmem>> -> memref<1x80x64xi32, #tpu.memory_space<vmem>>
        %gather3A_480 = tpu.memref_squeeze %gather3A_479 : memref<1x80x64xi32, #tpu.memory_space<vmem>> -> memref<80x64xi32, #tpu.memory_space<vmem>>
        %gather3A_481 = tpu.vector_load_idx %gather3A_480[%add3A_319, %and3A_471] : memref<80x64xi32, #tpu.memory_space<vmem>>[vector<16xi32>, vector<16xi32>], vector<16xi32>,
        %bitcast3A_482 = vector.bitcast %gather3A_476 : vector<16xi32> to vector<32xbf16>
        %bitcast3A_483 = vector.bitcast %gather3A_481 : vector<16xi32> to vector<32xbf16>
        %mul3A_484 = arith.mulf %bitcast3A_482, %bitcast3A_483 : vector<32xbf16>
        %add3A_485 = arith.addf %add3A_462, %mul3A_484 : vector<32xbf16>
        %mul3A_486 = arith.constant 8 : i32
        %mul3A_487 = arith.muli %scan3A_419, %mul3A_486 : i32
        %add3A_488 = arith.constant 3 : i32
        %add3A_489 = arith.addi %mul3A_487, %add3A_488 : i32
        %add3A_490 = vector.broadcast %add3A_489 : i32 to vector<16xi32>
        %add3A_491 = arith.addi %iota3A, %add3A_490 : vector<16xi32>
        %and3A_492 = arith.constant 63 : i32
        %and3A_493 = vector.broadcast %and3A_492 : i32 to vector<16xi32>
        %and3A_494 = arith.andi %add3A_491, %and3A_493 : vector<16xi32>
        %gather3A_495 = arith.constant 0 : i32
        %gather3A_496 = arith.constant 0 : i32
        %gather3A_497 = tpu.memref_slice %arg8[%scan3A_322, %gather3A_495, %gather3A_496] : memref<2x80x64xi32, #tpu.memory_space<vmem>> -> memref<1x80x64xi32, #tpu.memory_space<vmem>>
        %gather3A_498 = tpu.memref_squeeze %gather3A_497 : memref<1x80x64xi32, #tpu.memory_space<vmem>> -> memref<80x64xi32, #tpu.memory_space<vmem>>
        %gather3A_499 = tpu.vector_load_idx %gather3A_498[%add3A_319, %and3A_494] : memref<80x64xi32, #tpu.memory_space<vmem>>[vector<16xi32>, vector<16xi32>], vector<16xi32>,
        %gather3A_500 = arith.constant 0 : i32
        %gather3A_501 = arith.constant 0 : i32
        %gather3A_502 = tpu.memref_slice %arg9[%scan3A_323, %gather3A_500, %gather3A_501] : memref<2x80x64xi32, #tpu.memory_space<vmem>> -> memref<1x80x64xi32, #tpu.memory_space<vmem>>
        %gather3A_503 = tpu.memref_squeeze %gather3A_502 : memref<1x80x64xi32, #tpu.memory_space<vmem>> -> memref<80x64xi32, #tpu.memory_space<vmem>>
        %gather3A_504 = tpu.vector_load_idx %gather3A_503[%add3A_319, %and3A_494] : memref<80x64xi32, #tpu.memory_space<vmem>>[vector<16xi32>, vector<16xi32>], vector<16xi32>,
        %bitcast3A_505 = vector.bitcast %gather3A_499 : vector<16xi32> to vector<32xbf16>
        %bitcast3A_506 = vector.bitcast %gather3A_504 : vector<16xi32> to vector<32xbf16>
        %mul3A_507 = arith.mulf %bitcast3A_505, %bitcast3A_506 : vector<32xbf16>
        %add3A_508 = arith.addf %add3A_485, %mul3A_507 : vector<32xbf16>
        %mul3A_509 = arith.constant 8 : i32
        %mul3A_510 = arith.muli %scan3A_419, %mul3A_509 : i32
        %add3A_511 = arith.constant 4 : i32
        %add3A_512 = arith.addi %mul3A_510, %add3A_511 : i32
        %add3A_513 = vector.broadcast %add3A_512 : i32 to vector<16xi32>
        %add3A_514 = arith.addi %iota3A, %add3A_513 : vector<16xi32>
        %and3A_515 = arith.constant 63 : i32
        %and3A_516 = vector.broadcast %and3A_515 : i32 to vector<16xi32>
        %and3A_517 = arith.andi %add3A_514, %and3A_516 : vector<16xi32>
        %gather3A_518 = arith.constant 0 : i32
        %gather3A_519 = arith.constant 0 : i32
        %gather3A_520 = tpu.memref_slice %arg8[%scan3A_322, %gather3A_518, %gather3A_519] : memref<2x80x64xi32, #tpu.memory_space<vmem>> -> memref<1x80x64xi32, #tpu.memory_space<vmem>>
        %gather3A_521 = tpu.memref_squeeze %gather3A_520 : memref<1x80x64xi32, #tpu.memory_space<vmem>> -> memref<80x64xi32, #tpu.memory_space<vmem>>
        %gather3A_522 = tpu.vector_load_idx %gather3A_521[%add3A_319, %and3A_517] : memref<80x64xi32, #tpu.memory_space<vmem>>[vector<16xi32>, vector<16xi32>], vector<16xi32>,
        %gather3A_523 = arith.constant 0 : i32
        %gather3A_524 = arith.constant 0 : i32
        %gather3A_525 = tpu.memref_slice %arg9[%scan3A_323, %gather3A_523, %gather3A_524] : memref<2x80x64xi32, #tpu.memory_space<vmem>> -> memref<1x80x64xi32, #tpu.memory_space<vmem>>
        %gather3A_526 = tpu.memref_squeeze %gather3A_525 : memref<1x80x64xi32, #tpu.memory_space<vmem>> -> memref<80x64xi32, #tpu.memory_space<vmem>>
        %gather3A_527 = tpu.vector_load_idx %gather3A_526[%add3A_319, %and3A_517] : memref<80x64xi32, #tpu.memory_space<vmem>>[vector<16xi32>, vector<16xi32>], vector<16xi32>,
        %bitcast3A_528 = vector.bitcast %gather3A_522 : vector<16xi32> to vector<32xbf16>
        %bitcast3A_529 = vector.bitcast %gather3A_527 : vector<16xi32> to vector<32xbf16>
        %mul3A_530 = arith.mulf %bitcast3A_528, %bitcast3A_529 : vector<32xbf16>
        %add3A_531 = arith.addf %add3A_508, %mul3A_530 : vector<32xbf16>
        %mul3A_532 = arith.constant 8 : i32
        %mul3A_533 = arith.muli %scan3A_419, %mul3A_532 : i32
        %add3A_534 = arith.constant 5 : i32
        %add3A_535 = arith.addi %mul3A_533, %add3A_534 : i32
        %add3A_536 = vector.broadcast %add3A_535 : i32 to vector<16xi32>
        %add3A_537 = arith.addi %iota3A, %add3A_536 : vector<16xi32>
        %and3A_538 = arith.constant 63 : i32
        %and3A_539 = vector.broadcast %and3A_538 : i32 to vector<16xi32>
        %and3A_540 = arith.andi %add3A_537, %and3A_539 : vector<16xi32>
        %gather3A_541 = arith.constant 0 : i32
        %gather3A_542 = arith.constant 0 : i32
        %gather3A_543 = tpu.memref_slice %arg8[%scan3A_322, %gather3A_541, %gather3A_542] : memref<2x80x64xi32, #tpu.memory_space<vmem>> -> memref<1x80x64xi32, #tpu.memory_space<vmem>>
        %gather3A_544 = tpu.memref_squeeze %gather3A_543 : memref<1x80x64xi32, #tpu.memory_space<vmem>> -> memref<80x64xi32, #tpu.memory_space<vmem>>
        %gather3A_545 = tpu.vector_load_idx %gather3A_544[%add3A_319, %and3A_540] : memref<80x64xi32, #tpu.memory_space<vmem>>[vector<16xi32>, vector<16xi32>], vector<16xi32>,
        %gather3A_546 = arith.constant 0 : i32
        %gather3A_547 = arith.constant 0 : i32
        %gather3A_548 = tpu.memref_slice %arg9[%scan3A_323, %gather3A_546, %gather3A_547] : memref<2x80x64xi32, #tpu.memory_space<vmem>> -> memref<1x80x64xi32, #tpu.memory_space<vmem>>
        %gather3A_549 = tpu.memref_squeeze %gather3A_548 : memref<1x80x64xi32, #tpu.memory_space<vmem>> -> memref<80x64xi32, #tpu.memory_space<vmem>>
        %gather3A_550 = tpu.vector_load_idx %gather3A_549[%add3A_319, %and3A_540] : memref<80x64xi32, #tpu.memory_space<vmem>>[vector<16xi32>, vector<16xi32>], vector<16xi32>,
        %bitcast3A_551 = vector.bitcast %gather3A_545 : vector<16xi32> to vector<32xbf16>
        %bitcast3A_552 = vector.bitcast %gather3A_550 : vector<16xi32> to vector<32xbf16>
        %mul3A_553 = arith.mulf %bitcast3A_551, %bitcast3A_552 : vector<32xbf16>
        %add3A_554 = arith.addf %add3A_531, %mul3A_553 : vector<32xbf16>
        %mul3A_555 = arith.constant 8 : i32
        %mul3A_556 = arith.muli %scan3A_419, %mul3A_555 : i32
        %add3A_557 = arith.constant 6 : i32
        %add3A_558 = arith.addi %mul3A_556, %add3A_557 : i32
        %add3A_559 = vector.broadcast %add3A_558 : i32 to vector<16xi32>
        %add3A_560 = arith.addi %iota3A, %add3A_559 : vector<16xi32>
        %and3A_561 = arith.constant 63 : i32
        %and3A_562 = vector.broadcast %and3A_561 : i32 to vector<16xi32>
        %and3A_563 = arith.andi %add3A_560, %and3A_562 : vector<16xi32>
        %gather3A_564 = arith.constant 0 : i32
        %gather3A_565 = arith.constant 0 : i32
        %gather3A_566 = tpu.memref_slice %arg8[%scan3A_322, %gather3A_564, %gather3A_565] : memref<2x80x64xi32, #tpu.memory_space<vmem>> -> memref<1x80x64xi32, #tpu.memory_space<vmem>>
        %gather3A_567 = tpu.memref_squeeze %gather3A_566 : memref<1x80x64xi32, #tpu.memory_space<vmem>> -> memref<80x64xi32, #tpu.memory_space<vmem>>
        %gather3A_568 = tpu.vector_load_idx %gather3A_567[%add3A_319, %and3A_563] : memref<80x64xi32, #tpu.memory_space<vmem>>[vector<16xi32>, vector<16xi32>], vector<16xi32>,
        %gather3A_569 = arith.constant 0 : i32
        %gather3A_570 = arith.constant 0 : i32
        %gather3A_571 = tpu.memref_slice %arg9[%scan3A_323, %gather3A_569, %gather3A_570] : memref<2x80x64xi32, #tpu.memory_space<vmem>> -> memref<1x80x64xi32, #tpu.memory_space<vmem>>
        %gather3A_572 = tpu.memref_squeeze %gather3A_571 : memref<1x80x64xi32, #tpu.memory_space<vmem>> -> memref<80x64xi32, #tpu.memory_space<vmem>>
        %gather3A_573 = tpu.vector_load_idx %gather3A_572[%add3A_319, %and3A_563] : memref<80x64xi32, #tpu.memory_space<vmem>>[vector<16xi32>, vector<16xi32>], vector<16xi32>,
        %bitcast3A_574 = vector.bitcast %gather3A_568 : vector<16xi32> to vector<32xbf16>
        %bitcast3A_575 = vector.bitcast %gather3A_573 : vector<16xi32> to vector<32xbf16>
        %mul3A_576 = arith.mulf %bitcast3A_574, %bitcast3A_575 : vector<32xbf16>
        %add3A_577 = arith.addf %add3A_554, %mul3A_576 : vector<32xbf16>
        %mul3A_578 = arith.constant 8 : i32
        %mul3A_579 = arith.muli %scan3A_419, %mul3A_578 : i32
        %add3A_580 = arith.constant 7 : i32
        %add3A_581 = arith.addi %mul3A_579, %add3A_580 : i32
        %add3A_582 = vector.broadcast %add3A_581 : i32 to vector<16xi32>
        %add3A_583 = arith.addi %iota3A, %add3A_582 : vector<16xi32>
        %and3A_584 = arith.constant 63 : i32
        %and3A_585 = vector.broadcast %and3A_584 : i32 to vector<16xi32>
        %and3A_586 = arith.andi %add3A_583, %and3A_585 : vector<16xi32>
        %gather3A_587 = arith.constant 0 : i32
        %gather3A_588 = arith.constant 0 : i32
        %gather3A_589 = tpu.memref_slice %arg8[%scan3A_322, %gather3A_587, %gather3A_588] : memref<2x80x64xi32, #tpu.memory_space<vmem>> -> memref<1x80x64xi32, #tpu.memory_space<vmem>>
        %gather3A_590 = tpu.memref_squeeze %gather3A_589 : memref<1x80x64xi32, #tpu.memory_space<vmem>> -> memref<80x64xi32, #tpu.memory_space<vmem>>
        %gather3A_591 = tpu.vector_load_idx %gather3A_590[%add3A_319, %and3A_586] : memref<80x64xi32, #tpu.memory_space<vmem>>[vector<16xi32>, vector<16xi32>], vector<16xi32>,
        %gather3A_592 = arith.constant 0 : i32
        %gather3A_593 = arith.constant 0 : i32
        %gather3A_594 = tpu.memref_slice %arg9[%scan3A_323, %gather3A_592, %gather3A_593] : memref<2x80x64xi32, #tpu.memory_space<vmem>> -> memref<1x80x64xi32, #tpu.memory_space<vmem>>
        %gather3A_595 = tpu.memref_squeeze %gather3A_594 : memref<1x80x64xi32, #tpu.memory_space<vmem>> -> memref<80x64xi32, #tpu.memory_space<vmem>>
        %gather3A_596 = tpu.vector_load_idx %gather3A_595[%add3A_319, %and3A_586] : memref<80x64xi32, #tpu.memory_space<vmem>>[vector<16xi32>, vector<16xi32>], vector<16xi32>,
        %bitcast3A_597 = vector.bitcast %gather3A_591 : vector<16xi32> to vector<32xbf16>
        %bitcast3A_598 = vector.bitcast %gather3A_596 : vector<16xi32> to vector<32xbf16>
        %mul3A_599 = arith.mulf %bitcast3A_597, %bitcast3A_598 : vector<32xbf16>
        %add3A_600 = arith.addf %add3A_577, %mul3A_599 : vector<32xbf16>
        %unpack3A = tpu.unpack_subelements %add3A_600, 0 {pack_format = #tpu.pack_format<interleaved>} : vector<32xbf16> -> vector<16xf32>
        %unpack3A_601 = tpu.unpack_subelements %add3A_600, 1 {pack_format = #tpu.pack_format<interleaved>} : vector<32xbf16> -> vector<16xf32>
        %add3A_602 = arith.addf %scan3A_420, %unpack3A : vector<16xf32>
        %add3A_603 = arith.addf %add3A_602, %unpack3A_601 : vector<16xf32>
        scf.yield %add3A_603 : vector<16xf32>
      }
      %scan3A_329 = arith.constant 8 : i32
      %mul3A_330 = arith.constant 80 : i32
      %mul3A_331 = arith.muli %add3A_290, %mul3A_330 : i32
      %add3A_332 = arith.constant 0 : i32
      %add3A_333 = arith.addi %mul3A_331, %add3A_332 : i32
      %swap3A_334 = arith.index_cast %add3A_333 : i32 to index
      %swap3A_335 = tpu.vector_load %arg10[%swap3A_334] {strides = array<i32>} : memref<10000xf32, #tpu.memory_space<vmem>>, vector<16xf32>,
      tpu.vector_store %arg10[%swap3A_334], %scan3A_328 {strides = array<i32>} : memref<10000xf32, #tpu.memory_space<vmem>>, vector<16xf32>,
      %add3A_336 = arith.constant 16 : i32
      %add3A_337 = vector.broadcast %add3A_336 : i32 to vector<16xi32>
      %add3A_338 = arith.addi %add3A_337, %iota3A : vector<16xi32>
      %broadcast_in_dim3A_339 = arith.constant 0.000000e+00 : f32
      %broadcast_in_dim3A_340 = vector.broadcast %broadcast_in_dim3A_339 : f32 to vector<16xf32>
      %scan3A_341 = arith.constant 1 : i32
      %scan3A_342 = arith.constant 1 : i32
      %scan3A_343 = arith.constant 0 : i32
      %scan3A_344 = arith.constant 8 : i32
      %scan3A_345 = arith.addi %scan3A_343, %scan3A_344 : i32
      %scan3A_346 = arith.constant 1 : i32
      %scan3A_347 = scf.for %scan3A_419 = %scan3A_343 to %scan3A_345 step %scan3A_346 iter_args(%scan3A_420 = %broadcast_in_dim3A_340) -> (vector<16xf32>)  : i32 {
        %mul3A_421 = arith.constant 8 : i32
        %mul3A_422 = arith.muli %scan3A_419, %mul3A_421 : i32
        %add3A_423 = arith.constant 0 : i32
        %add3A_424 = arith.addi %mul3A_422, %add3A_423 : i32
        %add3A_425 = vector.broadcast %add3A_424 : i32 to vector<16xi32>
        %add3A_426 = arith.addi %iota3A, %add3A_425 : vector<16xi32>
        %and3A = arith.constant 63 : i32
        %and3A_427 = vector.broadcast %and3A : i32 to vector<16xi32>
        %and3A_428 = arith.andi %add3A_426, %and3A_427 : vector<16xi32>
        %gather3A = arith.constant 0 : i32
        %gather3A_429 = arith.constant 0 : i32
        %gather3A_430 = tpu.memref_slice %arg8[%scan3A_341, %gather3A, %gather3A_429] : memref<2x80x64xi32, #tpu.memory_space<vmem>> -> memref<1x80x64xi32, #tpu.memory_space<vmem>>
        %gather3A_431 = tpu.memref_squeeze %gather3A_430 : memref<1x80x64xi32, #tpu.memory_space<vmem>> -> memref<80x64xi32, #tpu.memory_space<vmem>>
        %gather3A_432 = tpu.vector_load_idx %gather3A_431[%add3A_338, %and3A_428] : memref<80x64xi32, #tpu.memory_space<vmem>>[vector<16xi32>, vector<16xi32>], vector<16xi32>,
        %gather3A_433 = arith.constant 0 : i32
        %gather3A_434 = arith.constant 0 : i32
        %gather3A_435 = tpu.memref_slice %arg9[%scan3A_342, %gather3A_433, %gather3A_434] : memref<2x80x64xi32, #tpu.memory_space<vmem>> -> memref<1x80x64xi32, #tpu.memory_space<vmem>>
        %gather3A_436 = tpu.memref_squeeze %gather3A_435 : memref<1x80x64xi32, #tpu.memory_space<vmem>> -> memref<80x64xi32, #tpu.memory_space<vmem>>
        %gather3A_437 = tpu.vector_load_idx %gather3A_436[%add3A_338, %and3A_428] : memref<80x64xi32, #tpu.memory_space<vmem>>[vector<16xi32>, vector<16xi32>], vector<16xi32>,
        %bitcast3A = vector.bitcast %gather3A_432 : vector<16xi32> to vector<32xbf16>
        %bitcast3A_438 = vector.bitcast %gather3A_437 : vector<16xi32> to vector<32xbf16>
        %mul3A_439 = arith.mulf %bitcast3A, %bitcast3A_438 : vector<32xbf16>
        %mul3A_440 = arith.constant 8 : i32
        %mul3A_441 = arith.muli %scan3A_419, %mul3A_440 : i32
        %add3A_442 = arith.constant 1 : i32
        %add3A_443 = arith.addi %mul3A_441, %add3A_442 : i32
        %add3A_444 = vector.broadcast %add3A_443 : i32 to vector<16xi32>
        %add3A_445 = arith.addi %iota3A, %add3A_444 : vector<16xi32>
        %and3A_446 = arith.constant 63 : i32
        %and3A_447 = vector.broadcast %and3A_446 : i32 to vector<16xi32>
        %and3A_448 = arith.andi %add3A_445, %and3A_447 : vector<16xi32>
        %gather3A_449 = arith.constant 0 : i32
        %gather3A_450 = arith.constant 0 : i32
        %gather3A_451 = tpu.memref_slice %arg8[%scan3A_341, %gather3A_449, %gather3A_450] : memref<2x80x64xi32, #tpu.memory_space<vmem>> -> memref<1x80x64xi32, #tpu.memory_space<vmem>>
        %gather3A_452 = tpu.memref_squeeze %gather3A_451 : memref<1x80x64xi32, #tpu.memory_space<vmem>> -> memref<80x64xi32, #tpu.memory_space<vmem>>
        %gather3A_453 = tpu.vector_load_idx %gather3A_452[%add3A_338, %and3A_448] : memref<80x64xi32, #tpu.memory_space<vmem>>[vector<16xi32>, vector<16xi32>], vector<16xi32>,
        %gather3A_454 = arith.constant 0 : i32
        %gather3A_455 = arith.constant 0 : i32
        %gather3A_456 = tpu.memref_slice %arg9[%scan3A_342, %gather3A_454, %gather3A_455] : memref<2x80x64xi32, #tpu.memory_space<vmem>> -> memref<1x80x64xi32, #tpu.memory_space<vmem>>
        %gather3A_457 = tpu.memref_squeeze %gather3A_456 : memref<1x80x64xi32, #tpu.memory_space<vmem>> -> memref<80x64xi32, #tpu.memory_space<vmem>>
        %gather3A_458 = tpu.vector_load_idx %gather3A_457[%add3A_338, %and3A_448] : memref<80x64xi32, #tpu.memory_space<vmem>>[vector<16xi32>, vector<16xi32>], vector<16xi32>,
        %bitcast3A_459 = vector.bitcast %gather3A_453 : vector<16xi32> to vector<32xbf16>
        %bitcast3A_460 = vector.bitcast %gather3A_458 : vector<16xi32> to vector<32xbf16>
        %mul3A_461 = arith.mulf %bitcast3A_459, %bitcast3A_460 : vector<32xbf16>
        %add3A_462 = arith.addf %mul3A_439, %mul3A_461 : vector<32xbf16>
        %mul3A_463 = arith.constant 8 : i32
        %mul3A_464 = arith.muli %scan3A_419, %mul3A_463 : i32
        %add3A_465 = arith.constant 2 : i32
        %add3A_466 = arith.addi %mul3A_464, %add3A_465 : i32
        %add3A_467 = vector.broadcast %add3A_466 : i32 to vector<16xi32>
        %add3A_468 = arith.addi %iota3A, %add3A_467 : vector<16xi32>
        %and3A_469 = arith.constant 63 : i32
        %and3A_470 = vector.broadcast %and3A_469 : i32 to vector<16xi32>
        %and3A_471 = arith.andi %add3A_468, %and3A_470 : vector<16xi32>
        %gather3A_472 = arith.constant 0 : i32
        %gather3A_473 = arith.constant 0 : i32
        %gather3A_474 = tpu.memref_slice %arg8[%scan3A_341, %gather3A_472, %gather3A_473] : memref<2x80x64xi32, #tpu.memory_space<vmem>> -> memref<1x80x64xi32, #tpu.memory_space<vmem>>
        %gather3A_475 = tpu.memref_squeeze %gather3A_474 : memref<1x80x64xi32, #tpu.memory_space<vmem>> -> memref<80x64xi32, #tpu.memory_space<vmem>>
        %gather3A_476 = tpu.vector_load_idx %gather3A_475[%add3A_338, %and3A_471] : memref<80x64xi32, #tpu.memory_space<vmem>>[vector<16xi32>, vector<16xi32>], vector<16xi32>,
        %gather3A_477 = arith.constant 0 : i32
        %gather3A_478 = arith.constant 0 : i32
        %gather3A_479 = tpu.memref_slice %arg9[%scan3A_342, %gather3A_477, %gather3A_478] : memref<2x80x64xi32, #tpu.memory_space<vmem>> -> memref<1x80x64xi32, #tpu.memory_space<vmem>>
        %gather3A_480 = tpu.memref_squeeze %gather3A_479 : memref<1x80x64xi32, #tpu.memory_space<vmem>> -> memref<80x64xi32, #tpu.memory_space<vmem>>
        %gather3A_481 = tpu.vector_load_idx %gather3A_480[%add3A_338, %and3A_471] : memref<80x64xi32, #tpu.memory_space<vmem>>[vector<16xi32>, vector<16xi32>], vector<16xi32>,
        %bitcast3A_482 = vector.bitcast %gather3A_476 : vector<16xi32> to vector<32xbf16>
        %bitcast3A_483 = vector.bitcast %gather3A_481 : vector<16xi32> to vector<32xbf16>
        %mul3A_484 = arith.mulf %bitcast3A_482, %bitcast3A_483 : vector<32xbf16>
        %add3A_485 = arith.addf %add3A_462, %mul3A_484 : vector<32xbf16>
        %mul3A_486 = arith.constant 8 : i32
        %mul3A_487 = arith.muli %scan3A_419, %mul3A_486 : i32
        %add3A_488 = arith.constant 3 : i32
        %add3A_489 = arith.addi %mul3A_487, %add3A_488 : i32
        %add3A_490 = vector.broadcast %add3A_489 : i32 to vector<16xi32>
        %add3A_491 = arith.addi %iota3A, %add3A_490 : vector<16xi32>
        %and3A_492 = arith.constant 63 : i32
        %and3A_493 = vector.broadcast %and3A_492 : i32 to vector<16xi32>
        %and3A_494 = arith.andi %add3A_491, %and3A_493 : vector<16xi32>
        %gather3A_495 = arith.constant 0 : i32
        %gather3A_496 = arith.constant 0 : i32
        %gather3A_497 = tpu.memref_slice %arg8[%scan3A_341, %gather3A_495, %gather3A_496] : memref<2x80x64xi32, #tpu.memory_space<vmem>> -> memref<1x80x64xi32, #tpu.memory_space<vmem>>
        %gather3A_498 = tpu.memref_squeeze %gather3A_497 : memref<1x80x64xi32, #tpu.memory_space<vmem>> -> memref<80x64xi32, #tpu.memory_space<vmem>>
        %gather3A_499 = tpu.vector_load_idx %gather3A_498[%add3A_338, %and3A_494] : memref<80x64xi32, #tpu.memory_space<vmem>>[vector<16xi32>, vector<16xi32>], vector<16xi32>,
        %gather3A_500 = arith.constant 0 : i32
        %gather3A_501 = arith.constant 0 : i32
        %gather3A_502 = tpu.memref_slice %arg9[%scan3A_342, %gather3A_500, %gather3A_501] : memref<2x80x64xi32, #tpu.memory_space<vmem>> -> memref<1x80x64xi32, #tpu.memory_space<vmem>>
        %gather3A_503 = tpu.memref_squeeze %gather3A_502 : memref<1x80x64xi32, #tpu.memory_space<vmem>> -> memref<80x64xi32, #tpu.memory_space<vmem>>
        %gather3A_504 = tpu.vector_load_idx %gather3A_503[%add3A_338, %and3A_494] : memref<80x64xi32, #tpu.memory_space<vmem>>[vector<16xi32>, vector<16xi32>], vector<16xi32>,
        %bitcast3A_505 = vector.bitcast %gather3A_499 : vector<16xi32> to vector<32xbf16>
        %bitcast3A_506 = vector.bitcast %gather3A_504 : vector<16xi32> to vector<32xbf16>
        %mul3A_507 = arith.mulf %bitcast3A_505, %bitcast3A_506 : vector<32xbf16>
        %add3A_508 = arith.addf %add3A_485, %mul3A_507 : vector<32xbf16>
        %mul3A_509 = arith.constant 8 : i32
        %mul3A_510 = arith.muli %scan3A_419, %mul3A_509 : i32
        %add3A_511 = arith.constant 4 : i32
        %add3A_512 = arith.addi %mul3A_510, %add3A_511 : i32
        %add3A_513 = vector.broadcast %add3A_512 : i32 to vector<16xi32>
        %add3A_514 = arith.addi %iota3A, %add3A_513 : vector<16xi32>
        %and3A_515 = arith.constant 63 : i32
        %and3A_516 = vector.broadcast %and3A_515 : i32 to vector<16xi32>
        %and3A_517 = arith.andi %add3A_514, %and3A_516 : vector<16xi32>
        %gather3A_518 = arith.constant 0 : i32
        %gather3A_519 = arith.constant 0 : i32
        %gather3A_520 = tpu.memref_slice %arg8[%scan3A_341, %gather3A_518, %gather3A_519] : memref<2x80x64xi32, #tpu.memory_space<vmem>> -> memref<1x80x64xi32, #tpu.memory_space<vmem>>
        %gather3A_521 = tpu.memref_squeeze %gather3A_520 : memref<1x80x64xi32, #tpu.memory_space<vmem>> -> memref<80x64xi32, #tpu.memory_space<vmem>>
        %gather3A_522 = tpu.vector_load_idx %gather3A_521[%add3A_338, %and3A_517] : memref<80x64xi32, #tpu.memory_space<vmem>>[vector<16xi32>, vector<16xi32>], vector<16xi32>,
        %gather3A_523 = arith.constant 0 : i32
        %gather3A_524 = arith.constant 0 : i32
        %gather3A_525 = tpu.memref_slice %arg9[%scan3A_342, %gather3A_523, %gather3A_524] : memref<2x80x64xi32, #tpu.memory_space<vmem>> -> memref<1x80x64xi32, #tpu.memory_space<vmem>>
        %gather3A_526 = tpu.memref_squeeze %gather3A_525 : memref<1x80x64xi32, #tpu.memory_space<vmem>> -> memref<80x64xi32, #tpu.memory_space<vmem>>
        %gather3A_527 = tpu.vector_load_idx %gather3A_526[%add3A_338, %and3A_517] : memref<80x64xi32, #tpu.memory_space<vmem>>[vector<16xi32>, vector<16xi32>], vector<16xi32>,
        %bitcast3A_528 = vector.bitcast %gather3A_522 : vector<16xi32> to vector<32xbf16>
        %bitcast3A_529 = vector.bitcast %gather3A_527 : vector<16xi32> to vector<32xbf16>
        %mul3A_530 = arith.mulf %bitcast3A_528, %bitcast3A_529 : vector<32xbf16>
        %add3A_531 = arith.addf %add3A_508, %mul3A_530 : vector<32xbf16>
        %mul3A_532 = arith.constant 8 : i32
        %mul3A_533 = arith.muli %scan3A_419, %mul3A_532 : i32
        %add3A_534 = arith.constant 5 : i32
        %add3A_535 = arith.addi %mul3A_533, %add3A_534 : i32
        %add3A_536 = vector.broadcast %add3A_535 : i32 to vector<16xi32>
        %add3A_537 = arith.addi %iota3A, %add3A_536 : vector<16xi32>
        %and3A_538 = arith.constant 63 : i32
        %and3A_539 = vector.broadcast %and3A_538 : i32 to vector<16xi32>
        %and3A_540 = arith.andi %add3A_537, %and3A_539 : vector<16xi32>
        %gather3A_541 = arith.constant 0 : i32
        %gather3A_542 = arith.constant 0 : i32
        %gather3A_543 = tpu.memref_slice %arg8[%scan3A_341, %gather3A_541, %gather3A_542] : memref<2x80x64xi32, #tpu.memory_space<vmem>> -> memref<1x80x64xi32, #tpu.memory_space<vmem>>
        %gather3A_544 = tpu.memref_squeeze %gather3A_543 : memref<1x80x64xi32, #tpu.memory_space<vmem>> -> memref<80x64xi32, #tpu.memory_space<vmem>>
        %gather3A_545 = tpu.vector_load_idx %gather3A_544[%add3A_338, %and3A_540] : memref<80x64xi32, #tpu.memory_space<vmem>>[vector<16xi32>, vector<16xi32>], vector<16xi32>,
        %gather3A_546 = arith.constant 0 : i32
        %gather3A_547 = arith.constant 0 : i32
        %gather3A_548 = tpu.memref_slice %arg9[%scan3A_342, %gather3A_546, %gather3A_547] : memref<2x80x64xi32, #tpu.memory_space<vmem>> -> memref<1x80x64xi32, #tpu.memory_space<vmem>>
        %gather3A_549 = tpu.memref_squeeze %gather3A_548 : memref<1x80x64xi32, #tpu.memory_space<vmem>> -> memref<80x64xi32, #tpu.memory_space<vmem>>
        %gather3A_550 = tpu.vector_load_idx %gather3A_549[%add3A_338, %and3A_540] : memref<80x64xi32, #tpu.memory_space<vmem>>[vector<16xi32>, vector<16xi32>], vector<16xi32>,
        %bitcast3A_551 = vector.bitcast %gather3A_545 : vector<16xi32> to vector<32xbf16>
        %bitcast3A_552 = vector.bitcast %gather3A_550 : vector<16xi32> to vector<32xbf16>
        %mul3A_553 = arith.mulf %bitcast3A_551, %bitcast3A_552 : vector<32xbf16>
        %add3A_554 = arith.addf %add3A_531, %mul3A_553 : vector<32xbf16>
        %mul3A_555 = arith.constant 8 : i32
        %mul3A_556 = arith.muli %scan3A_419, %mul3A_555 : i32
        %add3A_557 = arith.constant 6 : i32
        %add3A_558 = arith.addi %mul3A_556, %add3A_557 : i32
        %add3A_559 = vector.broadcast %add3A_558 : i32 to vector<16xi32>
        %add3A_560 = arith.addi %iota3A, %add3A_559 : vector<16xi32>
        %and3A_561 = arith.constant 63 : i32
        %and3A_562 = vector.broadcast %and3A_561 : i32 to vector<16xi32>
        %and3A_563 = arith.andi %add3A_560, %and3A_562 : vector<16xi32>
        %gather3A_564 = arith.constant 0 : i32
        %gather3A_565 = arith.constant 0 : i32
        %gather3A_566 = tpu.memref_slice %arg8[%scan3A_341, %gather3A_564, %gather3A_565] : memref<2x80x64xi32, #tpu.memory_space<vmem>> -> memref<1x80x64xi32, #tpu.memory_space<vmem>>
        %gather3A_567 = tpu.memref_squeeze %gather3A_566 : memref<1x80x64xi32, #tpu.memory_space<vmem>> -> memref<80x64xi32, #tpu.memory_space<vmem>>
        %gather3A_568 = tpu.vector_load_idx %gather3A_567[%add3A_338, %and3A_563] : memref<80x64xi32, #tpu.memory_space<vmem>>[vector<16xi32>, vector<16xi32>], vector<16xi32>,
        %gather3A_569 = arith.constant 0 : i32
        %gather3A_570 = arith.constant 0 : i32
        %gather3A_571 = tpu.memref_slice %arg9[%scan3A_342, %gather3A_569, %gather3A_570] : memref<2x80x64xi32, #tpu.memory_space<vmem>> -> memref<1x80x64xi32, #tpu.memory_space<vmem>>
        %gather3A_572 = tpu.memref_squeeze %gather3A_571 : memref<1x80x64xi32, #tpu.memory_space<vmem>> -> memref<80x64xi32, #tpu.memory_space<vmem>>
        %gather3A_573 = tpu.vector_load_idx %gather3A_572[%add3A_338, %and3A_563] : memref<80x64xi32, #tpu.memory_space<vmem>>[vector<16xi32>, vector<16xi32>], vector<16xi32>,
        %bitcast3A_574 = vector.bitcast %gather3A_568 : vector<16xi32> to vector<32xbf16>
        %bitcast3A_575 = vector.bitcast %gather3A_573 : vector<16xi32> to vector<32xbf16>
        %mul3A_576 = arith.mulf %bitcast3A_574, %bitcast3A_575 : vector<32xbf16>
        %add3A_577 = arith.addf %add3A_554, %mul3A_576 : vector<32xbf16>
        %mul3A_578 = arith.constant 8 : i32
        %mul3A_579 = arith.muli %scan3A_419, %mul3A_578 : i32
        %add3A_580 = arith.constant 7 : i32
        %add3A_581 = arith.addi %mul3A_579, %add3A_580 : i32
        %add3A_582 = vector.broadcast %add3A_581 : i32 to vector<16xi32>
        %add3A_583 = arith.addi %iota3A, %add3A_582 : vector<16xi32>
        %and3A_584 = arith.constant 63 : i32
        %and3A_585 = vector.broadcast %and3A_584 : i32 to vector<16xi32>
        %and3A_586 = arith.andi %add3A_583, %and3A_585 : vector<16xi32>
        %gather3A_587 = arith.constant 0 : i32
        %gather3A_588 = arith.constant 0 : i32
        %gather3A_589 = tpu.memref_slice %arg8[%scan3A_341, %gather3A_587, %gather3A_588] : memref<2x80x64xi32, #tpu.memory_space<vmem>> -> memref<1x80x64xi32, #tpu.memory_space<vmem>>
        %gather3A_590 = tpu.memref_squeeze %gather3A_589 : memref<1x80x64xi32, #tpu.memory_space<vmem>> -> memref<80x64xi32, #tpu.memory_space<vmem>>
        %gather3A_591 = tpu.vector_load_idx %gather3A_590[%add3A_338, %and3A_586] : memref<80x64xi32, #tpu.memory_space<vmem>>[vector<16xi32>, vector<16xi32>], vector<16xi32>,
        %gather3A_592 = arith.constant 0 : i32
        %gather3A_593 = arith.constant 0 : i32
        %gather3A_594 = tpu.memref_slice %arg9[%scan3A_342, %gather3A_592, %gather3A_593] : memref<2x80x64xi32, #tpu.memory_space<vmem>> -> memref<1x80x64xi32, #tpu.memory_space<vmem>>
        %gather3A_595 = tpu.memref_squeeze %gather3A_594 : memref<1x80x64xi32, #tpu.memory_space<vmem>> -> memref<80x64xi32, #tpu.memory_space<vmem>>
        %gather3A_596 = tpu.vector_load_idx %gather3A_595[%add3A_338, %and3A_586] : memref<80x64xi32, #tpu.memory_space<vmem>>[vector<16xi32>, vector<16xi32>], vector<16xi32>,
        %bitcast3A_597 = vector.bitcast %gather3A_591 : vector<16xi32> to vector<32xbf16>
        %bitcast3A_598 = vector.bitcast %gather3A_596 : vector<16xi32> to vector<32xbf16>
        %mul3A_599 = arith.mulf %bitcast3A_597, %bitcast3A_598 : vector<32xbf16>
        %add3A_600 = arith.addf %add3A_577, %mul3A_599 : vector<32xbf16>
        %unpack3A = tpu.unpack_subelements %add3A_600, 0 {pack_format = #tpu.pack_format<interleaved>} : vector<32xbf16> -> vector<16xf32>
        %unpack3A_601 = tpu.unpack_subelements %add3A_600, 1 {pack_format = #tpu.pack_format<interleaved>} : vector<32xbf16> -> vector<16xf32>
        %add3A_602 = arith.addf %scan3A_420, %unpack3A : vector<16xf32>
        %add3A_603 = arith.addf %add3A_602, %unpack3A_601 : vector<16xf32>
        scf.yield %add3A_603 : vector<16xf32>
      }
      %scan3A_348 = arith.constant 8 : i32
      %mul3A_349 = arith.constant 80 : i32
      %mul3A_350 = arith.muli %add3A_290, %mul3A_349 : i32
      %add3A_351 = arith.constant 16 : i32
      %add3A_352 = arith.addi %mul3A_350, %add3A_351 : i32
      %swap3A_353 = arith.index_cast %add3A_352 : i32 to index
      %swap3A_354 = tpu.vector_load %arg10[%swap3A_353] {strides = array<i32>} : memref<10000xf32, #tpu.memory_space<vmem>>, vector<16xf32>,
      tpu.vector_store %arg10[%swap3A_353], %scan3A_347 {strides = array<i32>} : memref<10000xf32, #tpu.memory_space<vmem>>, vector<16xf32>,
      %add3A_355 = arith.constant 32 : i32
      %add3A_356 = vector.broadcast %add3A_355 : i32 to vector<16xi32>
      %add3A_357 = arith.addi %add3A_356, %iota3A : vector<16xi32>
      %broadcast_in_dim3A_358 = arith.constant 0.000000e+00 : f32
      %broadcast_in_dim3A_359 = vector.broadcast %broadcast_in_dim3A_358 : f32 to vector<16xf32>
      %scan3A_360 = arith.constant 1 : i32
      %scan3A_361 = arith.constant 1 : i32
      %scan3A_362 = arith.constant 0 : i32
      %scan3A_363 = arith.constant 8 : i32
      %scan3A_364 = arith.addi %scan3A_362, %scan3A_363 : i32
      %scan3A_365 = arith.constant 1 : i32
      %scan3A_366 = scf.for %scan3A_419 = %scan3A_362 to %scan3A_364 step %scan3A_365 iter_args(%scan3A_420 = %broadcast_in_dim3A_359) -> (vector<16xf32>)  : i32 {
        %mul3A_421 = arith.constant 8 : i32
        %mul3A_422 = arith.muli %scan3A_419, %mul3A_421 : i32
        %add3A_423 = arith.constant 0 : i32
        %add3A_424 = arith.addi %mul3A_422, %add3A_423 : i32
        %add3A_425 = vector.broadcast %add3A_424 : i32 to vector<16xi32>
        %add3A_426 = arith.addi %iota3A, %add3A_425 : vector<16xi32>
        %and3A = arith.constant 63 : i32
        %and3A_427 = vector.broadcast %and3A : i32 to vector<16xi32>
        %and3A_428 = arith.andi %add3A_426, %and3A_427 : vector<16xi32>
        %gather3A = arith.constant 0 : i32
        %gather3A_429 = arith.constant 0 : i32
        %gather3A_430 = tpu.memref_slice %arg8[%scan3A_360, %gather3A, %gather3A_429] : memref<2x80x64xi32, #tpu.memory_space<vmem>> -> memref<1x80x64xi32, #tpu.memory_space<vmem>>
        %gather3A_431 = tpu.memref_squeeze %gather3A_430 : memref<1x80x64xi32, #tpu.memory_space<vmem>> -> memref<80x64xi32, #tpu.memory_space<vmem>>
        %gather3A_432 = tpu.vector_load_idx %gather3A_431[%add3A_357, %and3A_428] : memref<80x64xi32, #tpu.memory_space<vmem>>[vector<16xi32>, vector<16xi32>], vector<16xi32>,
        %gather3A_433 = arith.constant 0 : i32
        %gather3A_434 = arith.constant 0 : i32
        %gather3A_435 = tpu.memref_slice %arg9[%scan3A_361, %gather3A_433, %gather3A_434] : memref<2x80x64xi32, #tpu.memory_space<vmem>> -> memref<1x80x64xi32, #tpu.memory_space<vmem>>
        %gather3A_436 = tpu.memref_squeeze %gather3A_435 : memref<1x80x64xi32, #tpu.memory_space<vmem>> -> memref<80x64xi32, #tpu.memory_space<vmem>>
        %gather3A_437 = tpu.vector_load_idx %gather3A_436[%add3A_357, %and3A_428] : memref<80x64xi32, #tpu.memory_space<vmem>>[vector<16xi32>, vector<16xi32>], vector<16xi32>,
        %bitcast3A = vector.bitcast %gather3A_432 : vector<16xi32> to vector<32xbf16>
        %bitcast3A_438 = vector.bitcast %gather3A_437 : vector<16xi32> to vector<32xbf16>
        %mul3A_439 = arith.mulf %bitcast3A, %bitcast3A_438 : vector<32xbf16>
        %mul3A_440 = arith.constant 8 : i32
        %mul3A_441 = arith.muli %scan3A_419, %mul3A_440 : i32
        %add3A_442 = arith.constant 1 : i32
        %add3A_443 = arith.addi %mul3A_441, %add3A_442 : i32
        %add3A_444 = vector.broadcast %add3A_443 : i32 to vector<16xi32>
        %add3A_445 = arith.addi %iota3A, %add3A_444 : vector<16xi32>
        %and3A_446 = arith.constant 63 : i32
        %and3A_447 = vector.broadcast %and3A_446 : i32 to vector<16xi32>
        %and3A_448 = arith.andi %add3A_445, %and3A_447 : vector<16xi32>
        %gather3A_449 = arith.constant 0 : i32
        %gather3A_450 = arith.constant 0 : i32
        %gather3A_451 = tpu.memref_slice %arg8[%scan3A_360, %gather3A_449, %gather3A_450] : memref<2x80x64xi32, #tpu.memory_space<vmem>> -> memref<1x80x64xi32, #tpu.memory_space<vmem>>
        %gather3A_452 = tpu.memref_squeeze %gather3A_451 : memref<1x80x64xi32, #tpu.memory_space<vmem>> -> memref<80x64xi32, #tpu.memory_space<vmem>>
        %gather3A_453 = tpu.vector_load_idx %gather3A_452[%add3A_357, %and3A_448] : memref<80x64xi32, #tpu.memory_space<vmem>>[vector<16xi32>, vector<16xi32>], vector<16xi32>,
        %gather3A_454 = arith.constant 0 : i32
        %gather3A_455 = arith.constant 0 : i32
        %gather3A_456 = tpu.memref_slice %arg9[%scan3A_361, %gather3A_454, %gather3A_455] : memref<2x80x64xi32, #tpu.memory_space<vmem>> -> memref<1x80x64xi32, #tpu.memory_space<vmem>>
        %gather3A_457 = tpu.memref_squeeze %gather3A_456 : memref<1x80x64xi32, #tpu.memory_space<vmem>> -> memref<80x64xi32, #tpu.memory_space<vmem>>
        %gather3A_458 = tpu.vector_load_idx %gather3A_457[%add3A_357, %and3A_448] : memref<80x64xi32, #tpu.memory_space<vmem>>[vector<16xi32>, vector<16xi32>], vector<16xi32>,
        %bitcast3A_459 = vector.bitcast %gather3A_453 : vector<16xi32> to vector<32xbf16>
        %bitcast3A_460 = vector.bitcast %gather3A_458 : vector<16xi32> to vector<32xbf16>
        %mul3A_461 = arith.mulf %bitcast3A_459, %bitcast3A_460 : vector<32xbf16>
        %add3A_462 = arith.addf %mul3A_439, %mul3A_461 : vector<32xbf16>
        %mul3A_463 = arith.constant 8 : i32
        %mul3A_464 = arith.muli %scan3A_419, %mul3A_463 : i32
        %add3A_465 = arith.constant 2 : i32
        %add3A_466 = arith.addi %mul3A_464, %add3A_465 : i32
        %add3A_467 = vector.broadcast %add3A_466 : i32 to vector<16xi32>
        %add3A_468 = arith.addi %iota3A, %add3A_467 : vector<16xi32>
        %and3A_469 = arith.constant 63 : i32
        %and3A_470 = vector.broadcast %and3A_469 : i32 to vector<16xi32>
        %and3A_471 = arith.andi %add3A_468, %and3A_470 : vector<16xi32>
        %gather3A_472 = arith.constant 0 : i32
        %gather3A_473 = arith.constant 0 : i32
        %gather3A_474 = tpu.memref_slice %arg8[%scan3A_360, %gather3A_472, %gather3A_473] : memref<2x80x64xi32, #tpu.memory_space<vmem>> -> memref<1x80x64xi32, #tpu.memory_space<vmem>>
        %gather3A_475 = tpu.memref_squeeze %gather3A_474 : memref<1x80x64xi32, #tpu.memory_space<vmem>> -> memref<80x64xi32, #tpu.memory_space<vmem>>
        %gather3A_476 = tpu.vector_load_idx %gather3A_475[%add3A_357, %and3A_471] : memref<80x64xi32, #tpu.memory_space<vmem>>[vector<16xi32>, vector<16xi32>], vector<16xi32>,
        %gather3A_477 = arith.constant 0 : i32
        %gather3A_478 = arith.constant 0 : i32
        %gather3A_479 = tpu.memref_slice %arg9[%scan3A_361, %gather3A_477, %gather3A_478] : memref<2x80x64xi32, #tpu.memory_space<vmem>> -> memref<1x80x64xi32, #tpu.memory_space<vmem>>
        %gather3A_480 = tpu.memref_squeeze %gather3A_479 : memref<1x80x64xi32, #tpu.memory_space<vmem>> -> memref<80x64xi32, #tpu.memory_space<vmem>>
        %gather3A_481 = tpu.vector_load_idx %gather3A_480[%add3A_357, %and3A_471] : memref<80x64xi32, #tpu.memory_space<vmem>>[vector<16xi32>, vector<16xi32>], vector<16xi32>,
        %bitcast3A_482 = vector.bitcast %gather3A_476 : vector<16xi32> to vector<32xbf16>
        %bitcast3A_483 = vector.bitcast %gather3A_481 : vector<16xi32> to vector<32xbf16>
        %mul3A_484 = arith.mulf %bitcast3A_482, %bitcast3A_483 : vector<32xbf16>
        %add3A_485 = arith.addf %add3A_462, %mul3A_484 : vector<32xbf16>
        %mul3A_486 = arith.constant 8 : i32
        %mul3A_487 = arith.muli %scan3A_419, %mul3A_486 : i32
        %add3A_488 = arith.constant 3 : i32
        %add3A_489 = arith.addi %mul3A_487, %add3A_488 : i32
        %add3A_490 = vector.broadcast %add3A_489 : i32 to vector<16xi32>
        %add3A_491 = arith.addi %iota3A, %add3A_490 : vector<16xi32>
        %and3A_492 = arith.constant 63 : i32
        %and3A_493 = vector.broadcast %and3A_492 : i32 to vector<16xi32>
        %and3A_494 = arith.andi %add3A_491, %and3A_493 : vector<16xi32>
        %gather3A_495 = arith.constant 0 : i32
        %gather3A_496 = arith.constant 0 : i32
        %gather3A_497 = tpu.memref_slice %arg8[%scan3A_360, %gather3A_495, %gather3A_496] : memref<2x80x64xi32, #tpu.memory_space<vmem>> -> memref<1x80x64xi32, #tpu.memory_space<vmem>>
        %gather3A_498 = tpu.memref_squeeze %gather3A_497 : memref<1x80x64xi32, #tpu.memory_space<vmem>> -> memref<80x64xi32, #tpu.memory_space<vmem>>
        %gather3A_499 = tpu.vector_load_idx %gather3A_498[%add3A_357, %and3A_494] : memref<80x64xi32, #tpu.memory_space<vmem>>[vector<16xi32>, vector<16xi32>], vector<16xi32>,
        %gather3A_500 = arith.constant 0 : i32
        %gather3A_501 = arith.constant 0 : i32
        %gather3A_502 = tpu.memref_slice %arg9[%scan3A_361, %gather3A_500, %gather3A_501] : memref<2x80x64xi32, #tpu.memory_space<vmem>> -> memref<1x80x64xi32, #tpu.memory_space<vmem>>
        %gather3A_503 = tpu.memref_squeeze %gather3A_502 : memref<1x80x64xi32, #tpu.memory_space<vmem>> -> memref<80x64xi32, #tpu.memory_space<vmem>>
        %gather3A_504 = tpu.vector_load_idx %gather3A_503[%add3A_357, %and3A_494] : memref<80x64xi32, #tpu.memory_space<vmem>>[vector<16xi32>, vector<16xi32>], vector<16xi32>,
        %bitcast3A_505 = vector.bitcast %gather3A_499 : vector<16xi32> to vector<32xbf16>
        %bitcast3A_506 = vector.bitcast %gather3A_504 : vector<16xi32> to vector<32xbf16>
        %mul3A_507 = arith.mulf %bitcast3A_505, %bitcast3A_506 : vector<32xbf16>
        %add3A_508 = arith.addf %add3A_485, %mul3A_507 : vector<32xbf16>
        %mul3A_509 = arith.constant 8 : i32
        %mul3A_510 = arith.muli %scan3A_419, %mul3A_509 : i32
        %add3A_511 = arith.constant 4 : i32
        %add3A_512 = arith.addi %mul3A_510, %add3A_511 : i32
        %add3A_513 = vector.broadcast %add3A_512 : i32 to vector<16xi32>
        %add3A_514 = arith.addi %iota3A, %add3A_513 : vector<16xi32>
        %and3A_515 = arith.constant 63 : i32
        %and3A_516 = vector.broadcast %and3A_515 : i32 to vector<16xi32>
        %and3A_517 = arith.andi %add3A_514, %and3A_516 : vector<16xi32>
        %gather3A_518 = arith.constant 0 : i32
        %gather3A_519 = arith.constant 0 : i32
        %gather3A_520 = tpu.memref_slice %arg8[%scan3A_360, %gather3A_518, %gather3A_519] : memref<2x80x64xi32, #tpu.memory_space<vmem>> -> memref<1x80x64xi32, #tpu.memory_space<vmem>>
        %gather3A_521 = tpu.memref_squeeze %gather3A_520 : memref<1x80x64xi32, #tpu.memory_space<vmem>> -> memref<80x64xi32, #tpu.memory_space<vmem>>
        %gather3A_522 = tpu.vector_load_idx %gather3A_521[%add3A_357, %and3A_517] : memref<80x64xi32, #tpu.memory_space<vmem>>[vector<16xi32>, vector<16xi32>], vector<16xi32>,
        %gather3A_523 = arith.constant 0 : i32
        %gather3A_524 = arith.constant 0 : i32
        %gather3A_525 = tpu.memref_slice %arg9[%scan3A_361, %gather3A_523, %gather3A_524] : memref<2x80x64xi32, #tpu.memory_space<vmem>> -> memref<1x80x64xi32, #tpu.memory_space<vmem>>
        %gather3A_526 = tpu.memref_squeeze %gather3A_525 : memref<1x80x64xi32, #tpu.memory_space<vmem>> -> memref<80x64xi32, #tpu.memory_space<vmem>>
        %gather3A_527 = tpu.vector_load_idx %gather3A_526[%add3A_357, %and3A_517] : memref<80x64xi32, #tpu.memory_space<vmem>>[vector<16xi32>, vector<16xi32>], vector<16xi32>,
        %bitcast3A_528 = vector.bitcast %gather3A_522 : vector<16xi32> to vector<32xbf16>
        %bitcast3A_529 = vector.bitcast %gather3A_527 : vector<16xi32> to vector<32xbf16>
        %mul3A_530 = arith.mulf %bitcast3A_528, %bitcast3A_529 : vector<32xbf16>
        %add3A_531 = arith.addf %add3A_508, %mul3A_530 : vector<32xbf16>
        %mul3A_532 = arith.constant 8 : i32
        %mul3A_533 = arith.muli %scan3A_419, %mul3A_532 : i32
        %add3A_534 = arith.constant 5 : i32
        %add3A_535 = arith.addi %mul3A_533, %add3A_534 : i32
        %add3A_536 = vector.broadcast %add3A_535 : i32 to vector<16xi32>
        %add3A_537 = arith.addi %iota3A, %add3A_536 : vector<16xi32>
        %and3A_538 = arith.constant 63 : i32
        %and3A_539 = vector.broadcast %and3A_538 : i32 to vector<16xi32>
        %and3A_540 = arith.andi %add3A_537, %and3A_539 : vector<16xi32>
        %gather3A_541 = arith.constant 0 : i32
        %gather3A_542 = arith.constant 0 : i32
        %gather3A_543 = tpu.memref_slice %arg8[%scan3A_360, %gather3A_541, %gather3A_542] : memref<2x80x64xi32, #tpu.memory_space<vmem>> -> memref<1x80x64xi32, #tpu.memory_space<vmem>>
        %gather3A_544 = tpu.memref_squeeze %gather3A_543 : memref<1x80x64xi32, #tpu.memory_space<vmem>> -> memref<80x64xi32, #tpu.memory_space<vmem>>
        %gather3A_545 = tpu.vector_load_idx %gather3A_544[%add3A_357, %and3A_540] : memref<80x64xi32, #tpu.memory_space<vmem>>[vector<16xi32>, vector<16xi32>], vector<16xi32>,
        %gather3A_546 = arith.constant 0 : i32
        %gather3A_547 = arith.constant 0 : i32
        %gather3A_548 = tpu.memref_slice %arg9[%scan3A_361, %gather3A_546, %gather3A_547] : memref<2x80x64xi32, #tpu.memory_space<vmem>> -> memref<1x80x64xi32, #tpu.memory_space<vmem>>
        %gather3A_549 = tpu.memref_squeeze %gather3A_548 : memref<1x80x64xi32, #tpu.memory_space<vmem>> -> memref<80x64xi32, #tpu.memory_space<vmem>>
        %gather3A_550 = tpu.vector_load_idx %gather3A_549[%add3A_357, %and3A_540] : memref<80x64xi32, #tpu.memory_space<vmem>>[vector<16xi32>, vector<16xi32>], vector<16xi32>,
        %bitcast3A_551 = vector.bitcast %gather3A_545 : vector<16xi32> to vector<32xbf16>
        %bitcast3A_552 = vector.bitcast %gather3A_550 : vector<16xi32> to vector<32xbf16>
        %mul3A_553 = arith.mulf %bitcast3A_551, %bitcast3A_552 : vector<32xbf16>
        %add3A_554 = arith.addf %add3A_531, %mul3A_553 : vector<32xbf16>
        %mul3A_555 = arith.constant 8 : i32
        %mul3A_556 = arith.muli %scan3A_419, %mul3A_555 : i32
        %add3A_557 = arith.constant 6 : i32
        %add3A_558 = arith.addi %mul3A_556, %add3A_557 : i32
        %add3A_559 = vector.broadcast %add3A_558 : i32 to vector<16xi32>
        %add3A_560 = arith.addi %iota3A, %add3A_559 : vector<16xi32>
        %and3A_561 = arith.constant 63 : i32
        %and3A_562 = vector.broadcast %and3A_561 : i32 to vector<16xi32>
        %and3A_563 = arith.andi %add3A_560, %and3A_562 : vector<16xi32>
        %gather3A_564 = arith.constant 0 : i32
        %gather3A_565 = arith.constant 0 : i32
        %gather3A_566 = tpu.memref_slice %arg8[%scan3A_360, %gather3A_564, %gather3A_565] : memref<2x80x64xi32, #tpu.memory_space<vmem>> -> memref<1x80x64xi32, #tpu.memory_space<vmem>>
        %gather3A_567 = tpu.memref_squeeze %gather3A_566 : memref<1x80x64xi32, #tpu.memory_space<vmem>> -> memref<80x64xi32, #tpu.memory_space<vmem>>
        %gather3A_568 = tpu.vector_load_idx %gather3A_567[%add3A_357, %and3A_563] : memref<80x64xi32, #tpu.memory_space<vmem>>[vector<16xi32>, vector<16xi32>], vector<16xi32>,
        %gather3A_569 = arith.constant 0 : i32
        %gather3A_570 = arith.constant 0 : i32
        %gather3A_571 = tpu.memref_slice %arg9[%scan3A_361, %gather3A_569, %gather3A_570] : memref<2x80x64xi32, #tpu.memory_space<vmem>> -> memref<1x80x64xi32, #tpu.memory_space<vmem>>
        %gather3A_572 = tpu.memref_squeeze %gather3A_571 : memref<1x80x64xi32, #tpu.memory_space<vmem>> -> memref<80x64xi32, #tpu.memory_space<vmem>>
        %gather3A_573 = tpu.vector_load_idx %gather3A_572[%add3A_357, %and3A_563] : memref<80x64xi32, #tpu.memory_space<vmem>>[vector<16xi32>, vector<16xi32>], vector<16xi32>,
        %bitcast3A_574 = vector.bitcast %gather3A_568 : vector<16xi32> to vector<32xbf16>
        %bitcast3A_575 = vector.bitcast %gather3A_573 : vector<16xi32> to vector<32xbf16>
        %mul3A_576 = arith.mulf %bitcast3A_574, %bitcast3A_575 : vector<32xbf16>
        %add3A_577 = arith.addf %add3A_554, %mul3A_576 : vector<32xbf16>
        %mul3A_578 = arith.constant 8 : i32
        %mul3A_579 = arith.muli %scan3A_419, %mul3A_578 : i32
        %add3A_580 = arith.constant 7 : i32
        %add3A_581 = arith.addi %mul3A_579, %add3A_580 : i32
        %add3A_582 = vector.broadcast %add3A_581 : i32 to vector<16xi32>
        %add3A_583 = arith.addi %iota3A, %add3A_582 : vector<16xi32>
        %and3A_584 = arith.constant 63 : i32
        %and3A_585 = vector.broadcast %and3A_584 : i32 to vector<16xi32>
        %and3A_586 = arith.andi %add3A_583, %and3A_585 : vector<16xi32>
        %gather3A_587 = arith.constant 0 : i32
        %gather3A_588 = arith.constant 0 : i32
        %gather3A_589 = tpu.memref_slice %arg8[%scan3A_360, %gather3A_587, %gather3A_588] : memref<2x80x64xi32, #tpu.memory_space<vmem>> -> memref<1x80x64xi32, #tpu.memory_space<vmem>>
        %gather3A_590 = tpu.memref_squeeze %gather3A_589 : memref<1x80x64xi32, #tpu.memory_space<vmem>> -> memref<80x64xi32, #tpu.memory_space<vmem>>
        %gather3A_591 = tpu.vector_load_idx %gather3A_590[%add3A_357, %and3A_586] : memref<80x64xi32, #tpu.memory_space<vmem>>[vector<16xi32>, vector<16xi32>], vector<16xi32>,
        %gather3A_592 = arith.constant 0 : i32
        %gather3A_593 = arith.constant 0 : i32
        %gather3A_594 = tpu.memref_slice %arg9[%scan3A_361, %gather3A_592, %gather3A_593] : memref<2x80x64xi32, #tpu.memory_space<vmem>> -> memref<1x80x64xi32, #tpu.memory_space<vmem>>
        %gather3A_595 = tpu.memref_squeeze %gather3A_594 : memref<1x80x64xi32, #tpu.memory_space<vmem>> -> memref<80x64xi32, #tpu.memory_space<vmem>>
        %gather3A_596 = tpu.vector_load_idx %gather3A_595[%add3A_357, %and3A_586] : memref<80x64xi32, #tpu.memory_space<vmem>>[vector<16xi32>, vector<16xi32>], vector<16xi32>,
        %bitcast3A_597 = vector.bitcast %gather3A_591 : vector<16xi32> to vector<32xbf16>
        %bitcast3A_598 = vector.bitcast %gather3A_596 : vector<16xi32> to vector<32xbf16>
        %mul3A_599 = arith.mulf %bitcast3A_597, %bitcast3A_598 : vector<32xbf16>
        %add3A_600 = arith.addf %add3A_577, %mul3A_599 : vector<32xbf16>
        %unpack3A = tpu.unpack_subelements %add3A_600, 0 {pack_format = #tpu.pack_format<interleaved>} : vector<32xbf16> -> vector<16xf32>
        %unpack3A_601 = tpu.unpack_subelements %add3A_600, 1 {pack_format = #tpu.pack_format<interleaved>} : vector<32xbf16> -> vector<16xf32>
        %add3A_602 = arith.addf %scan3A_420, %unpack3A : vector<16xf32>
        %add3A_603 = arith.addf %add3A_602, %unpack3A_601 : vector<16xf32>
        scf.yield %add3A_603 : vector<16xf32>
      }
      %scan3A_367 = arith.constant 8 : i32
      %mul3A_368 = arith.constant 80 : i32
      %mul3A_369 = arith.muli %add3A_290, %mul3A_368 : i32
      %add3A_370 = arith.constant 32 : i32
      %add3A_371 = arith.addi %mul3A_369, %add3A_370 : i32
      %swap3A_372 = arith.index_cast %add3A_371 : i32 to index
      %swap3A_373 = tpu.vector_load %arg10[%swap3A_372] {strides = array<i32>} : memref<10000xf32, #tpu.memory_space<vmem>>, vector<16xf32>,
      tpu.vector_store %arg10[%swap3A_372], %scan3A_366 {strides = array<i32>} : memref<10000xf32, #tpu.memory_space<vmem>>, vector<16xf32>,
      %add3A_374 = arith.constant 48 : i32
      %add3A_375 = vector.broadcast %add3A_374 : i32 to vector<16xi32>
      %add3A_376 = arith.addi %add3A_375, %iota3A : vector<16xi32>
      %broadcast_in_dim3A_377 = arith.constant 0.000000e+00 : f32
      %broadcast_in_dim3A_378 = vector.broadcast %broadcast_in_dim3A_377 : f32 to vector<16xf32>
      %scan3A_379 = arith.constant 1 : i32
      %scan3A_380 = arith.constant 1 : i32
      %scan3A_381 = arith.constant 0 : i32
      %scan3A_382 = arith.constant 8 : i32
      %scan3A_383 = arith.addi %scan3A_381, %scan3A_382 : i32
      %scan3A_384 = arith.constant 1 : i32
      %scan3A_385 = scf.for %scan3A_419 = %scan3A_381 to %scan3A_383 step %scan3A_384 iter_args(%scan3A_420 = %broadcast_in_dim3A_378) -> (vector<16xf32>)  : i32 {
        %mul3A_421 = arith.constant 8 : i32
        %mul3A_422 = arith.muli %scan3A_419, %mul3A_421 : i32
        %add3A_423 = arith.constant 0 : i32
        %add3A_424 = arith.addi %mul3A_422, %add3A_423 : i32
        %add3A_425 = vector.broadcast %add3A_424 : i32 to vector<16xi32>
        %add3A_426 = arith.addi %iota3A, %add3A_425 : vector<16xi32>
        %and3A = arith.constant 63 : i32
        %and3A_427 = vector.broadcast %and3A : i32 to vector<16xi32>
        %and3A_428 = arith.andi %add3A_426, %and3A_427 : vector<16xi32>
        %gather3A = arith.constant 0 : i32
        %gather3A_429 = arith.constant 0 : i32
        %gather3A_430 = tpu.memref_slice %arg8[%scan3A_379, %gather3A, %gather3A_429] : memref<2x80x64xi32, #tpu.memory_space<vmem>> -> memref<1x80x64xi32, #tpu.memory_space<vmem>>
        %gather3A_431 = tpu.memref_squeeze %gather3A_430 : memref<1x80x64xi32, #tpu.memory_space<vmem>> -> memref<80x64xi32, #tpu.memory_space<vmem>>
        %gather3A_432 = tpu.vector_load_idx %gather3A_431[%add3A_376, %and3A_428] : memref<80x64xi32, #tpu.memory_space<vmem>>[vector<16xi32>, vector<16xi32>], vector<16xi32>,
        %gather3A_433 = arith.constant 0 : i32
        %gather3A_434 = arith.constant 0 : i32
        %gather3A_435 = tpu.memref_slice %arg9[%scan3A_380, %gather3A_433, %gather3A_434] : memref<2x80x64xi32, #tpu.memory_space<vmem>> -> memref<1x80x64xi32, #tpu.memory_space<vmem>>
        %gather3A_436 = tpu.memref_squeeze %gather3A_435 : memref<1x80x64xi32, #tpu.memory_space<vmem>> -> memref<80x64xi32, #tpu.memory_space<vmem>>
        %gather3A_437 = tpu.vector_load_idx %gather3A_436[%add3A_376, %and3A_428] : memref<80x64xi32, #tpu.memory_space<vmem>>[vector<16xi32>, vector<16xi32>], vector<16xi32>,
        %bitcast3A = vector.bitcast %gather3A_432 : vector<16xi32> to vector<32xbf16>
        %bitcast3A_438 = vector.bitcast %gather3A_437 : vector<16xi32> to vector<32xbf16>
        %mul3A_439 = arith.mulf %bitcast3A, %bitcast3A_438 : vector<32xbf16>
        %mul3A_440 = arith.constant 8 : i32
        %mul3A_441 = arith.muli %scan3A_419, %mul3A_440 : i32
        %add3A_442 = arith.constant 1 : i32
        %add3A_443 = arith.addi %mul3A_441, %add3A_442 : i32
        %add3A_444 = vector.broadcast %add3A_443 : i32 to vector<16xi32>
        %add3A_445 = arith.addi %iota3A, %add3A_444 : vector<16xi32>
        %and3A_446 = arith.constant 63 : i32
        %and3A_447 = vector.broadcast %and3A_446 : i32 to vector<16xi32>
        %and3A_448 = arith.andi %add3A_445, %and3A_447 : vector<16xi32>
        %gather3A_449 = arith.constant 0 : i32
        %gather3A_450 = arith.constant 0 : i32
        %gather3A_451 = tpu.memref_slice %arg8[%scan3A_379, %gather3A_449, %gather3A_450] : memref<2x80x64xi32, #tpu.memory_space<vmem>> -> memref<1x80x64xi32, #tpu.memory_space<vmem>>
        %gather3A_452 = tpu.memref_squeeze %gather3A_451 : memref<1x80x64xi32, #tpu.memory_space<vmem>> -> memref<80x64xi32, #tpu.memory_space<vmem>>
        %gather3A_453 = tpu.vector_load_idx %gather3A_452[%add3A_376, %and3A_448] : memref<80x64xi32, #tpu.memory_space<vmem>>[vector<16xi32>, vector<16xi32>], vector<16xi32>,
        %gather3A_454 = arith.constant 0 : i32
        %gather3A_455 = arith.constant 0 : i32
        %gather3A_456 = tpu.memref_slice %arg9[%scan3A_380, %gather3A_454, %gather3A_455] : memref<2x80x64xi32, #tpu.memory_space<vmem>> -> memref<1x80x64xi32, #tpu.memory_space<vmem>>
        %gather3A_457 = tpu.memref_squeeze %gather3A_456 : memref<1x80x64xi32, #tpu.memory_space<vmem>> -> memref<80x64xi32, #tpu.memory_space<vmem>>
        %gather3A_458 = tpu.vector_load_idx %gather3A_457[%add3A_376, %and3A_448] : memref<80x64xi32, #tpu.memory_space<vmem>>[vector<16xi32>, vector<16xi32>], vector<16xi32>,
        %bitcast3A_459 = vector.bitcast %gather3A_453 : vector<16xi32> to vector<32xbf16>
        %bitcast3A_460 = vector.bitcast %gather3A_458 : vector<16xi32> to vector<32xbf16>
        %mul3A_461 = arith.mulf %bitcast3A_459, %bitcast3A_460 : vector<32xbf16>
        %add3A_462 = arith.addf %mul3A_439, %mul3A_461 : vector<32xbf16>
        %mul3A_463 = arith.constant 8 : i32
        %mul3A_464 = arith.muli %scan3A_419, %mul3A_463 : i32
        %add3A_465 = arith.constant 2 : i32
        %add3A_466 = arith.addi %mul3A_464, %add3A_465 : i32
        %add3A_467 = vector.broadcast %add3A_466 : i32 to vector<16xi32>
        %add3A_468 = arith.addi %iota3A, %add3A_467 : vector<16xi32>
        %and3A_469 = arith.constant 63 : i32
        %and3A_470 = vector.broadcast %and3A_469 : i32 to vector<16xi32>
        %and3A_471 = arith.andi %add3A_468, %and3A_470 : vector<16xi32>
        %gather3A_472 = arith.constant 0 : i32
        %gather3A_473 = arith.constant 0 : i32
        %gather3A_474 = tpu.memref_slice %arg8[%scan3A_379, %gather3A_472, %gather3A_473] : memref<2x80x64xi32, #tpu.memory_space<vmem>> -> memref<1x80x64xi32, #tpu.memory_space<vmem>>
        %gather3A_475 = tpu.memref_squeeze %gather3A_474 : memref<1x80x64xi32, #tpu.memory_space<vmem>> -> memref<80x64xi32, #tpu.memory_space<vmem>>
        %gather3A_476 = tpu.vector_load_idx %gather3A_475[%add3A_376, %and3A_471] : memref<80x64xi32, #tpu.memory_space<vmem>>[vector<16xi32>, vector<16xi32>], vector<16xi32>,
        %gather3A_477 = arith.constant 0 : i32
        %gather3A_478 = arith.constant 0 : i32
        %gather3A_479 = tpu.memref_slice %arg9[%scan3A_380, %gather3A_477, %gather3A_478] : memref<2x80x64xi32, #tpu.memory_space<vmem>> -> memref<1x80x64xi32, #tpu.memory_space<vmem>>
        %gather3A_480 = tpu.memref_squeeze %gather3A_479 : memref<1x80x64xi32, #tpu.memory_space<vmem>> -> memref<80x64xi32, #tpu.memory_space<vmem>>
        %gather3A_481 = tpu.vector_load_idx %gather3A_480[%add3A_376, %and3A_471] : memref<80x64xi32, #tpu.memory_space<vmem>>[vector<16xi32>, vector<16xi32>], vector<16xi32>,
        %bitcast3A_482 = vector.bitcast %gather3A_476 : vector<16xi32> to vector<32xbf16>
        %bitcast3A_483 = vector.bitcast %gather3A_481 : vector<16xi32> to vector<32xbf16>
        %mul3A_484 = arith.mulf %bitcast3A_482, %bitcast3A_483 : vector<32xbf16>
        %add3A_485 = arith.addf %add3A_462, %mul3A_484 : vector<32xbf16>
        %mul3A_486 = arith.constant 8 : i32
        %mul3A_487 = arith.muli %scan3A_419, %mul3A_486 : i32
        %add3A_488 = arith.constant 3 : i32
        %add3A_489 = arith.addi %mul3A_487, %add3A_488 : i32
        %add3A_490 = vector.broadcast %add3A_489 : i32 to vector<16xi32>
        %add3A_491 = arith.addi %iota3A, %add3A_490 : vector<16xi32>
        %and3A_492 = arith.constant 63 : i32
        %and3A_493 = vector.broadcast %and3A_492 : i32 to vector<16xi32>
        %and3A_494 = arith.andi %add3A_491, %and3A_493 : vector<16xi32>
        %gather3A_495 = arith.constant 0 : i32
        %gather3A_496 = arith.constant 0 : i32
        %gather3A_497 = tpu.memref_slice %arg8[%scan3A_379, %gather3A_495, %gather3A_496] : memref<2x80x64xi32, #tpu.memory_space<vmem>> -> memref<1x80x64xi32, #tpu.memory_space<vmem>>
        %gather3A_498 = tpu.memref_squeeze %gather3A_497 : memref<1x80x64xi32, #tpu.memory_space<vmem>> -> memref<80x64xi32, #tpu.memory_space<vmem>>
        %gather3A_499 = tpu.vector_load_idx %gather3A_498[%add3A_376, %and3A_494] : memref<80x64xi32, #tpu.memory_space<vmem>>[vector<16xi32>, vector<16xi32>], vector<16xi32>,
        %gather3A_500 = arith.constant 0 : i32
        %gather3A_501 = arith.constant 0 : i32
        %gather3A_502 = tpu.memref_slice %arg9[%scan3A_380, %gather3A_500, %gather3A_501] : memref<2x80x64xi32, #tpu.memory_space<vmem>> -> memref<1x80x64xi32, #tpu.memory_space<vmem>>
        %gather3A_503 = tpu.memref_squeeze %gather3A_502 : memref<1x80x64xi32, #tpu.memory_space<vmem>> -> memref<80x64xi32, #tpu.memory_space<vmem>>
        %gather3A_504 = tpu.vector_load_idx %gather3A_503[%add3A_376, %and3A_494] : memref<80x64xi32, #tpu.memory_space<vmem>>[vector<16xi32>, vector<16xi32>], vector<16xi32>,
        %bitcast3A_505 = vector.bitcast %gather3A_499 : vector<16xi32> to vector<32xbf16>
        %bitcast3A_506 = vector.bitcast %gather3A_504 : vector<16xi32> to vector<32xbf16>
        %mul3A_507 = arith.mulf %bitcast3A_505, %bitcast3A_506 : vector<32xbf16>
        %add3A_508 = arith.addf %add3A_485, %mul3A_507 : vector<32xbf16>
        %mul3A_509 = arith.constant 8 : i32
        %mul3A_510 = arith.muli %scan3A_419, %mul3A_509 : i32
        %add3A_511 = arith.constant 4 : i32
        %add3A_512 = arith.addi %mul3A_510, %add3A_511 : i32
        %add3A_513 = vector.broadcast %add3A_512 : i32 to vector<16xi32>
        %add3A_514 = arith.addi %iota3A, %add3A_513 : vector<16xi32>
        %and3A_515 = arith.constant 63 : i32
        %and3A_516 = vector.broadcast %and3A_515 : i32 to vector<16xi32>
        %and3A_517 = arith.andi %add3A_514, %and3A_516 : vector<16xi32>
        %gather3A_518 = arith.constant 0 : i32
        %gather3A_519 = arith.constant 0 : i32
        %gather3A_520 = tpu.memref_slice %arg8[%scan3A_379, %gather3A_518, %gather3A_519] : memref<2x80x64xi32, #tpu.memory_space<vmem>> -> memref<1x80x64xi32, #tpu.memory_space<vmem>>
        %gather3A_521 = tpu.memref_squeeze %gather3A_520 : memref<1x80x64xi32, #tpu.memory_space<vmem>> -> memref<80x64xi32, #tpu.memory_space<vmem>>
        %gather3A_522 = tpu.vector_load_idx %gather3A_521[%add3A_376, %and3A_517] : memref<80x64xi32, #tpu.memory_space<vmem>>[vector<16xi32>, vector<16xi32>], vector<16xi32>,
        %gather3A_523 = arith.constant 0 : i32
        %gather3A_524 = arith.constant 0 : i32
        %gather3A_525 = tpu.memref_slice %arg9[%scan3A_380, %gather3A_523, %gather3A_524] : memref<2x80x64xi32, #tpu.memory_space<vmem>> -> memref<1x80x64xi32, #tpu.memory_space<vmem>>
        %gather3A_526 = tpu.memref_squeeze %gather3A_525 : memref<1x80x64xi32, #tpu.memory_space<vmem>> -> memref<80x64xi32, #tpu.memory_space<vmem>>
        %gather3A_527 = tpu.vector_load_idx %gather3A_526[%add3A_376, %and3A_517] : memref<80x64xi32, #tpu.memory_space<vmem>>[vector<16xi32>, vector<16xi32>], vector<16xi32>,
        %bitcast3A_528 = vector.bitcast %gather3A_522 : vector<16xi32> to vector<32xbf16>
        %bitcast3A_529 = vector.bitcast %gather3A_527 : vector<16xi32> to vector<32xbf16>
        %mul3A_530 = arith.mulf %bitcast3A_528, %bitcast3A_529 : vector<32xbf16>
        %add3A_531 = arith.addf %add3A_508, %mul3A_530 : vector<32xbf16>
        %mul3A_532 = arith.constant 8 : i32
        %mul3A_533 = arith.muli %scan3A_419, %mul3A_532 : i32
        %add3A_534 = arith.constant 5 : i32
        %add3A_535 = arith.addi %mul3A_533, %add3A_534 : i32
        %add3A_536 = vector.broadcast %add3A_535 : i32 to vector<16xi32>
        %add3A_537 = arith.addi %iota3A, %add3A_536 : vector<16xi32>
        %and3A_538 = arith.constant 63 : i32
        %and3A_539 = vector.broadcast %and3A_538 : i32 to vector<16xi32>
        %and3A_540 = arith.andi %add3A_537, %and3A_539 : vector<16xi32>
        %gather3A_541 = arith.constant 0 : i32
        %gather3A_542 = arith.constant 0 : i32
        %gather3A_543 = tpu.memref_slice %arg8[%scan3A_379, %gather3A_541, %gather3A_542] : memref<2x80x64xi32, #tpu.memory_space<vmem>> -> memref<1x80x64xi32, #tpu.memory_space<vmem>>
        %gather3A_544 = tpu.memref_squeeze %gather3A_543 : memref<1x80x64xi32, #tpu.memory_space<vmem>> -> memref<80x64xi32, #tpu.memory_space<vmem>>
        %gather3A_545 = tpu.vector_load_idx %gather3A_544[%add3A_376, %and3A_540] : memref<80x64xi32, #tpu.memory_space<vmem>>[vector<16xi32>, vector<16xi32>], vector<16xi32>,
        %gather3A_546 = arith.constant 0 : i32
        %gather3A_547 = arith.constant 0 : i32
        %gather3A_548 = tpu.memref_slice %arg9[%scan3A_380, %gather3A_546, %gather3A_547] : memref<2x80x64xi32, #tpu.memory_space<vmem>> -> memref<1x80x64xi32, #tpu.memory_space<vmem>>
        %gather3A_549 = tpu.memref_squeeze %gather3A_548 : memref<1x80x64xi32, #tpu.memory_space<vmem>> -> memref<80x64xi32, #tpu.memory_space<vmem>>
        %gather3A_550 = tpu.vector_load_idx %gather3A_549[%add3A_376, %and3A_540] : memref<80x64xi32, #tpu.memory_space<vmem>>[vector<16xi32>, vector<16xi32>], vector<16xi32>,
        %bitcast3A_551 = vector.bitcast %gather3A_545 : vector<16xi32> to vector<32xbf16>
        %bitcast3A_552 = vector.bitcast %gather3A_550 : vector<16xi32> to vector<32xbf16>
        %mul3A_553 = arith.mulf %bitcast3A_551, %bitcast3A_552 : vector<32xbf16>
        %add3A_554 = arith.addf %add3A_531, %mul3A_553 : vector<32xbf16>
        %mul3A_555 = arith.constant 8 : i32
        %mul3A_556 = arith.muli %scan3A_419, %mul3A_555 : i32
        %add3A_557 = arith.constant 6 : i32
        %add3A_558 = arith.addi %mul3A_556, %add3A_557 : i32
        %add3A_559 = vector.broadcast %add3A_558 : i32 to vector<16xi32>
        %add3A_560 = arith.addi %iota3A, %add3A_559 : vector<16xi32>
        %and3A_561 = arith.constant 63 : i32
        %and3A_562 = vector.broadcast %and3A_561 : i32 to vector<16xi32>
        %and3A_563 = arith.andi %add3A_560, %and3A_562 : vector<16xi32>
        %gather3A_564 = arith.constant 0 : i32
        %gather3A_565 = arith.constant 0 : i32
        %gather3A_566 = tpu.memref_slice %arg8[%scan3A_379, %gather3A_564, %gather3A_565] : memref<2x80x64xi32, #tpu.memory_space<vmem>> -> memref<1x80x64xi32, #tpu.memory_space<vmem>>
        %gather3A_567 = tpu.memref_squeeze %gather3A_566 : memref<1x80x64xi32, #tpu.memory_space<vmem>> -> memref<80x64xi32, #tpu.memory_space<vmem>>
        %gather3A_568 = tpu.vector_load_idx %gather3A_567[%add3A_376, %and3A_563] : memref<80x64xi32, #tpu.memory_space<vmem>>[vector<16xi32>, vector<16xi32>], vector<16xi32>,
        %gather3A_569 = arith.constant 0 : i32
        %gather3A_570 = arith.constant 0 : i32
        %gather3A_571 = tpu.memref_slice %arg9[%scan3A_380, %gather3A_569, %gather3A_570] : memref<2x80x64xi32, #tpu.memory_space<vmem>> -> memref<1x80x64xi32, #tpu.memory_space<vmem>>
        %gather3A_572 = tpu.memref_squeeze %gather3A_571 : memref<1x80x64xi32, #tpu.memory_space<vmem>> -> memref<80x64xi32, #tpu.memory_space<vmem>>
        %gather3A_573 = tpu.vector_load_idx %gather3A_572[%add3A_376, %and3A_563] : memref<80x64xi32, #tpu.memory_space<vmem>>[vector<16xi32>, vector<16xi32>], vector<16xi32>,
        %bitcast3A_574 = vector.bitcast %gather3A_568 : vector<16xi32> to vector<32xbf16>
        %bitcast3A_575 = vector.bitcast %gather3A_573 : vector<16xi32> to vector<32xbf16>
        %mul3A_576 = arith.mulf %bitcast3A_574, %bitcast3A_575 : vector<32xbf16>
        %add3A_577 = arith.addf %add3A_554, %mul3A_576 : vector<32xbf16>
        %mul3A_578 = arith.constant 8 : i32
        %mul3A_579 = arith.muli %scan3A_419, %mul3A_578 : i32
        %add3A_580 = arith.constant 7 : i32
        %add3A_581 = arith.addi %mul3A_579, %add3A_580 : i32
        %add3A_582 = vector.broadcast %add3A_581 : i32 to vector<16xi32>
        %add3A_583 = arith.addi %iota3A, %add3A_582 : vector<16xi32>
        %and3A_584 = arith.constant 63 : i32
        %and3A_585 = vector.broadcast %and3A_584 : i32 to vector<16xi32>
        %and3A_586 = arith.andi %add3A_583, %and3A_585 : vector<16xi32>
        %gather3A_587 = arith.constant 0 : i32
        %gather3A_588 = arith.constant 0 : i32
        %gather3A_589 = tpu.memref_slice %arg8[%scan3A_379, %gather3A_587, %gather3A_588] : memref<2x80x64xi32, #tpu.memory_space<vmem>> -> memref<1x80x64xi32, #tpu.memory_space<vmem>>
        %gather3A_590 = tpu.memref_squeeze %gather3A_589 : memref<1x80x64xi32, #tpu.memory_space<vmem>> -> memref<80x64xi32, #tpu.memory_space<vmem>>
        %gather3A_591 = tpu.vector_load_idx %gather3A_590[%add3A_376, %and3A_586] : memref<80x64xi32, #tpu.memory_space<vmem>>[vector<16xi32>, vector<16xi32>], vector<16xi32>,
        %gather3A_592 = arith.constant 0 : i32
        %gather3A_593 = arith.constant 0 : i32
        %gather3A_594 = tpu.memref_slice %arg9[%scan3A_380, %gather3A_592, %gather3A_593] : memref<2x80x64xi32, #tpu.memory_space<vmem>> -> memref<1x80x64xi32, #tpu.memory_space<vmem>>
        %gather3A_595 = tpu.memref_squeeze %gather3A_594 : memref<1x80x64xi32, #tpu.memory_space<vmem>> -> memref<80x64xi32, #tpu.memory_space<vmem>>
        %gather3A_596 = tpu.vector_load_idx %gather3A_595[%add3A_376, %and3A_586] : memref<80x64xi32, #tpu.memory_space<vmem>>[vector<16xi32>, vector<16xi32>], vector<16xi32>,
        %bitcast3A_597 = vector.bitcast %gather3A_591 : vector<16xi32> to vector<32xbf16>
        %bitcast3A_598 = vector.bitcast %gather3A_596 : vector<16xi32> to vector<32xbf16>
        %mul3A_599 = arith.mulf %bitcast3A_597, %bitcast3A_598 : vector<32xbf16>
        %add3A_600 = arith.addf %add3A_577, %mul3A_599 : vector<32xbf16>
        %unpack3A = tpu.unpack_subelements %add3A_600, 0 {pack_format = #tpu.pack_format<interleaved>} : vector<32xbf16> -> vector<16xf32>
        %unpack3A_601 = tpu.unpack_subelements %add3A_600, 1 {pack_format = #tpu.pack_format<interleaved>} : vector<32xbf16> -> vector<16xf32>
        %add3A_602 = arith.addf %scan3A_420, %unpack3A : vector<16xf32>
        %add3A_603 = arith.addf %add3A_602, %unpack3A_601 : vector<16xf32>
        scf.yield %add3A_603 : vector<16xf32>
      }
      %scan3A_386 = arith.constant 8 : i32
      %mul3A_387 = arith.constant 80 : i32
      %mul3A_388 = arith.muli %add3A_290, %mul3A_387 : i32
      %add3A_389 = arith.constant 48 : i32
      %add3A_390 = arith.addi %mul3A_388, %add3A_389 : i32
      %swap3A_391 = arith.index_cast %add3A_390 : i32 to index
      %swap3A_392 = tpu.vector_load %arg10[%swap3A_391] {strides = array<i32>} : memref<10000xf32, #tpu.memory_space<vmem>>, vector<16xf32>,
      tpu.vector_store %arg10[%swap3A_391], %scan3A_385 {strides = array<i32>} : memref<10000xf32, #tpu.memory_space<vmem>>, vector<16xf32>,
      %add3A_393 = arith.constant 64 : i32
      %add3A_394 = vector.broadcast %add3A_393 : i32 to vector<16xi32>
      %add3A_395 = arith.addi %add3A_394, %iota3A : vector<16xi32>
      %broadcast_in_dim3A_396 = arith.constant 0.000000e+00 : f32
      %broadcast_in_dim3A_397 = vector.broadcast %broadcast_in_dim3A_396 : f32 to vector<16xf32>
      %scan3A_398 = arith.constant 1 : i32
      %scan3A_399 = arith.constant 1 : i32
      %scan3A_400 = arith.constant 0 : i32
      %scan3A_401 = arith.constant 8 : i32
      %scan3A_402 = arith.addi %scan3A_400, %scan3A_401 : i32
      %scan3A_403 = arith.constant 1 : i32
      %scan3A_404 = scf.for %scan3A_419 = %scan3A_400 to %scan3A_402 step %scan3A_403 iter_args(%scan3A_420 = %broadcast_in_dim3A_397) -> (vector<16xf32>)  : i32 {
        %mul3A_421 = arith.constant 8 : i32
        %mul3A_422 = arith.muli %scan3A_419, %mul3A_421 : i32
        %add3A_423 = arith.constant 0 : i32
        %add3A_424 = arith.addi %mul3A_422, %add3A_423 : i32
        %add3A_425 = vector.broadcast %add3A_424 : i32 to vector<16xi32>
        %add3A_426 = arith.addi %iota3A, %add3A_425 : vector<16xi32>
        %and3A = arith.constant 63 : i32
        %and3A_427 = vector.broadcast %and3A : i32 to vector<16xi32>
        %and3A_428 = arith.andi %add3A_426, %and3A_427 : vector<16xi32>
        %gather3A = arith.constant 0 : i32
        %gather3A_429 = arith.constant 0 : i32
        %gather3A_430 = tpu.memref_slice %arg8[%scan3A_398, %gather3A, %gather3A_429] : memref<2x80x64xi32, #tpu.memory_space<vmem>> -> memref<1x80x64xi32, #tpu.memory_space<vmem>>
        %gather3A_431 = tpu.memref_squeeze %gather3A_430 : memref<1x80x64xi32, #tpu.memory_space<vmem>> -> memref<80x64xi32, #tpu.memory_space<vmem>>
        %gather3A_432 = tpu.vector_load_idx %gather3A_431[%add3A_395, %and3A_428] : memref<80x64xi32, #tpu.memory_space<vmem>>[vector<16xi32>, vector<16xi32>], vector<16xi32>,
        %gather3A_433 = arith.constant 0 : i32
        %gather3A_434 = arith.constant 0 : i32
        %gather3A_435 = tpu.memref_slice %arg9[%scan3A_399, %gather3A_433, %gather3A_434] : memref<2x80x64xi32, #tpu.memory_space<vmem>> -> memref<1x80x64xi32, #tpu.memory_space<vmem>>
        %gather3A_436 = tpu.memref_squeeze %gather3A_435 : memref<1x80x64xi32, #tpu.memory_space<vmem>> -> memref<80x64xi32, #tpu.memory_space<vmem>>
        %gather3A_437 = tpu.vector_load_idx %gather3A_436[%add3A_395, %and3A_428] : memref<80x64xi32, #tpu.memory_space<vmem>>[vector<16xi32>, vector<16xi32>], vector<16xi32>,
        %bitcast3A = vector.bitcast %gather3A_432 : vector<16xi32> to vector<32xbf16>
        %bitcast3A_438 = vector.bitcast %gather3A_437 : vector<16xi32> to vector<32xbf16>
        %mul3A_439 = arith.mulf %bitcast3A, %bitcast3A_438 : vector<32xbf16>
        %mul3A_440 = arith.constant 8 : i32
        %mul3A_441 = arith.muli %scan3A_419, %mul3A_440 : i32
        %add3A_442 = arith.constant 1 : i32
        %add3A_443 = arith.addi %mul3A_441, %add3A_442 : i32
        %add3A_444 = vector.broadcast %add3A_443 : i32 to vector<16xi32>
        %add3A_445 = arith.addi %iota3A, %add3A_444 : vector<16xi32>
        %and3A_446 = arith.constant 63 : i32
        %and3A_447 = vector.broadcast %and3A_446 : i32 to vector<16xi32>
        %and3A_448 = arith.andi %add3A_445, %and3A_447 : vector<16xi32>
        %gather3A_449 = arith.constant 0 : i32
        %gather3A_450 = arith.constant 0 : i32
        %gather3A_451 = tpu.memref_slice %arg8[%scan3A_398, %gather3A_449, %gather3A_450] : memref<2x80x64xi32, #tpu.memory_space<vmem>> -> memref<1x80x64xi32, #tpu.memory_space<vmem>>
        %gather3A_452 = tpu.memref_squeeze %gather3A_451 : memref<1x80x64xi32, #tpu.memory_space<vmem>> -> memref<80x64xi32, #tpu.memory_space<vmem>>
        %gather3A_453 = tpu.vector_load_idx %gather3A_452[%add3A_395, %and3A_448] : memref<80x64xi32, #tpu.memory_space<vmem>>[vector<16xi32>, vector<16xi32>], vector<16xi32>,
        %gather3A_454 = arith.constant 0 : i32
        %gather3A_455 = arith.constant 0 : i32
        %gather3A_456 = tpu.memref_slice %arg9[%scan3A_399, %gather3A_454, %gather3A_455] : memref<2x80x64xi32, #tpu.memory_space<vmem>> -> memref<1x80x64xi32, #tpu.memory_space<vmem>>
        %gather3A_457 = tpu.memref_squeeze %gather3A_456 : memref<1x80x64xi32, #tpu.memory_space<vmem>> -> memref<80x64xi32, #tpu.memory_space<vmem>>
        %gather3A_458 = tpu.vector_load_idx %gather3A_457[%add3A_395, %and3A_448] : memref<80x64xi32, #tpu.memory_space<vmem>>[vector<16xi32>, vector<16xi32>], vector<16xi32>,
        %bitcast3A_459 = vector.bitcast %gather3A_453 : vector<16xi32> to vector<32xbf16>
        %bitcast3A_460 = vector.bitcast %gather3A_458 : vector<16xi32> to vector<32xbf16>
        %mul3A_461 = arith.mulf %bitcast3A_459, %bitcast3A_460 : vector<32xbf16>
        %add3A_462 = arith.addf %mul3A_439, %mul3A_461 : vector<32xbf16>
        %mul3A_463 = arith.constant 8 : i32
        %mul3A_464 = arith.muli %scan3A_419, %mul3A_463 : i32
        %add3A_465 = arith.constant 2 : i32
        %add3A_466 = arith.addi %mul3A_464, %add3A_465 : i32
        %add3A_467 = vector.broadcast %add3A_466 : i32 to vector<16xi32>
        %add3A_468 = arith.addi %iota3A, %add3A_467 : vector<16xi32>
        %and3A_469 = arith.constant 63 : i32
        %and3A_470 = vector.broadcast %and3A_469 : i32 to vector<16xi32>
        %and3A_471 = arith.andi %add3A_468, %and3A_470 : vector<16xi32>
        %gather3A_472 = arith.constant 0 : i32
        %gather3A_473 = arith.constant 0 : i32
        %gather3A_474 = tpu.memref_slice %arg8[%scan3A_398, %gather3A_472, %gather3A_473] : memref<2x80x64xi32, #tpu.memory_space<vmem>> -> memref<1x80x64xi32, #tpu.memory_space<vmem>>
        %gather3A_475 = tpu.memref_squeeze %gather3A_474 : memref<1x80x64xi32, #tpu.memory_space<vmem>> -> memref<80x64xi32, #tpu.memory_space<vmem>>
        %gather3A_476 = tpu.vector_load_idx %gather3A_475[%add3A_395, %and3A_471] : memref<80x64xi32, #tpu.memory_space<vmem>>[vector<16xi32>, vector<16xi32>], vector<16xi32>,
        %gather3A_477 = arith.constant 0 : i32
        %gather3A_478 = arith.constant 0 : i32
        %gather3A_479 = tpu.memref_slice %arg9[%scan3A_399, %gather3A_477, %gather3A_478] : memref<2x80x64xi32, #tpu.memory_space<vmem>> -> memref<1x80x64xi32, #tpu.memory_space<vmem>>
        %gather3A_480 = tpu.memref_squeeze %gather3A_479 : memref<1x80x64xi32, #tpu.memory_space<vmem>> -> memref<80x64xi32, #tpu.memory_space<vmem>>
        %gather3A_481 = tpu.vector_load_idx %gather3A_480[%add3A_395, %and3A_471] : memref<80x64xi32, #tpu.memory_space<vmem>>[vector<16xi32>, vector<16xi32>], vector<16xi32>,
        %bitcast3A_482 = vector.bitcast %gather3A_476 : vector<16xi32> to vector<32xbf16>
        %bitcast3A_483 = vector.bitcast %gather3A_481 : vector<16xi32> to vector<32xbf16>
        %mul3A_484 = arith.mulf %bitcast3A_482, %bitcast3A_483 : vector<32xbf16>
        %add3A_485 = arith.addf %add3A_462, %mul3A_484 : vector<32xbf16>
        %mul3A_486 = arith.constant 8 : i32
        %mul3A_487 = arith.muli %scan3A_419, %mul3A_486 : i32
        %add3A_488 = arith.constant 3 : i32
        %add3A_489 = arith.addi %mul3A_487, %add3A_488 : i32
        %add3A_490 = vector.broadcast %add3A_489 : i32 to vector<16xi32>
        %add3A_491 = arith.addi %iota3A, %add3A_490 : vector<16xi32>
        %and3A_492 = arith.constant 63 : i32
        %and3A_493 = vector.broadcast %and3A_492 : i32 to vector<16xi32>
        %and3A_494 = arith.andi %add3A_491, %and3A_493 : vector<16xi32>
        %gather3A_495 = arith.constant 0 : i32
        %gather3A_496 = arith.constant 0 : i32
        %gather3A_497 = tpu.memref_slice %arg8[%scan3A_398, %gather3A_495, %gather3A_496] : memref<2x80x64xi32, #tpu.memory_space<vmem>> -> memref<1x80x64xi32, #tpu.memory_space<vmem>>
        %gather3A_498 = tpu.memref_squeeze %gather3A_497 : memref<1x80x64xi32, #tpu.memory_space<vmem>> -> memref<80x64xi32, #tpu.memory_space<vmem>>
        %gather3A_499 = tpu.vector_load_idx %gather3A_498[%add3A_395, %and3A_494] : memref<80x64xi32, #tpu.memory_space<vmem>>[vector<16xi32>, vector<16xi32>], vector<16xi32>,
        %gather3A_500 = arith.constant 0 : i32
        %gather3A_501 = arith.constant 0 : i32
        %gather3A_502 = tpu.memref_slice %arg9[%scan3A_399, %gather3A_500, %gather3A_501] : memref<2x80x64xi32, #tpu.memory_space<vmem>> -> memref<1x80x64xi32, #tpu.memory_space<vmem>>
        %gather3A_503 = tpu.memref_squeeze %gather3A_502 : memref<1x80x64xi32, #tpu.memory_space<vmem>> -> memref<80x64xi32, #tpu.memory_space<vmem>>
        %gather3A_504 = tpu.vector_load_idx %gather3A_503[%add3A_395, %and3A_494] : memref<80x64xi32, #tpu.memory_space<vmem>>[vector<16xi32>, vector<16xi32>], vector<16xi32>,
        %bitcast3A_505 = vector.bitcast %gather3A_499 : vector<16xi32> to vector<32xbf16>
        %bitcast3A_506 = vector.bitcast %gather3A_504 : vector<16xi32> to vector<32xbf16>
        %mul3A_507 = arith.mulf %bitcast3A_505, %bitcast3A_506 : vector<32xbf16>
        %add3A_508 = arith.addf %add3A_485, %mul3A_507 : vector<32xbf16>
        %mul3A_509 = arith.constant 8 : i32
        %mul3A_510 = arith.muli %scan3A_419, %mul3A_509 : i32
        %add3A_511 = arith.constant 4 : i32
        %add3A_512 = arith.addi %mul3A_510, %add3A_511 : i32
        %add3A_513 = vector.broadcast %add3A_512 : i32 to vector<16xi32>
        %add3A_514 = arith.addi %iota3A, %add3A_513 : vector<16xi32>
        %and3A_515 = arith.constant 63 : i32
        %and3A_516 = vector.broadcast %and3A_515 : i32 to vector<16xi32>
        %and3A_517 = arith.andi %add3A_514, %and3A_516 : vector<16xi32>
        %gather3A_518 = arith.constant 0 : i32
        %gather3A_519 = arith.constant 0 : i32
        %gather3A_520 = tpu.memref_slice %arg8[%scan3A_398, %gather3A_518, %gather3A_519] : memref<2x80x64xi32, #tpu.memory_space<vmem>> -> memref<1x80x64xi32, #tpu.memory_space<vmem>>
        %gather3A_521 = tpu.memref_squeeze %gather3A_520 : memref<1x80x64xi32, #tpu.memory_space<vmem>> -> memref<80x64xi32, #tpu.memory_space<vmem>>
        %gather3A_522 = tpu.vector_load_idx %gather3A_521[%add3A_395, %and3A_517] : memref<80x64xi32, #tpu.memory_space<vmem>>[vector<16xi32>, vector<16xi32>], vector<16xi32>,
        %gather3A_523 = arith.constant 0 : i32
        %gather3A_524 = arith.constant 0 : i32
        %gather3A_525 = tpu.memref_slice %arg9[%scan3A_399, %gather3A_523, %gather3A_524] : memref<2x80x64xi32, #tpu.memory_space<vmem>> -> memref<1x80x64xi32, #tpu.memory_space<vmem>>
        %gather3A_526 = tpu.memref_squeeze %gather3A_525 : memref<1x80x64xi32, #tpu.memory_space<vmem>> -> memref<80x64xi32, #tpu.memory_space<vmem>>
        %gather3A_527 = tpu.vector_load_idx %gather3A_526[%add3A_395, %and3A_517] : memref<80x64xi32, #tpu.memory_space<vmem>>[vector<16xi32>, vector<16xi32>], vector<16xi32>,
        %bitcast3A_528 = vector.bitcast %gather3A_522 : vector<16xi32> to vector<32xbf16>
        %bitcast3A_529 = vector.bitcast %gather3A_527 : vector<16xi32> to vector<32xbf16>
        %mul3A_530 = arith.mulf %bitcast3A_528, %bitcast3A_529 : vector<32xbf16>
        %add3A_531 = arith.addf %add3A_508, %mul3A_530 : vector<32xbf16>
        %mul3A_532 = arith.constant 8 : i32
        %mul3A_533 = arith.muli %scan3A_419, %mul3A_532 : i32
        %add3A_534 = arith.constant 5 : i32
        %add3A_535 = arith.addi %mul3A_533, %add3A_534 : i32
        %add3A_536 = vector.broadcast %add3A_535 : i32 to vector<16xi32>
        %add3A_537 = arith.addi %iota3A, %add3A_536 : vector<16xi32>
        %and3A_538 = arith.constant 63 : i32
        %and3A_539 = vector.broadcast %and3A_538 : i32 to vector<16xi32>
        %and3A_540 = arith.andi %add3A_537, %and3A_539 : vector<16xi32>
        %gather3A_541 = arith.constant 0 : i32
        %gather3A_542 = arith.constant 0 : i32
        %gather3A_543 = tpu.memref_slice %arg8[%scan3A_398, %gather3A_541, %gather3A_542] : memref<2x80x64xi32, #tpu.memory_space<vmem>> -> memref<1x80x64xi32, #tpu.memory_space<vmem>>
        %gather3A_544 = tpu.memref_squeeze %gather3A_543 : memref<1x80x64xi32, #tpu.memory_space<vmem>> -> memref<80x64xi32, #tpu.memory_space<vmem>>
        %gather3A_545 = tpu.vector_load_idx %gather3A_544[%add3A_395, %and3A_540] : memref<80x64xi32, #tpu.memory_space<vmem>>[vector<16xi32>, vector<16xi32>], vector<16xi32>,
        %gather3A_546 = arith.constant 0 : i32
        %gather3A_547 = arith.constant 0 : i32
        %gather3A_548 = tpu.memref_slice %arg9[%scan3A_399, %gather3A_546, %gather3A_547] : memref<2x80x64xi32, #tpu.memory_space<vmem>> -> memref<1x80x64xi32, #tpu.memory_space<vmem>>
        %gather3A_549 = tpu.memref_squeeze %gather3A_548 : memref<1x80x64xi32, #tpu.memory_space<vmem>> -> memref<80x64xi32, #tpu.memory_space<vmem>>
        %gather3A_550 = tpu.vector_load_idx %gather3A_549[%add3A_395, %and3A_540] : memref<80x64xi32, #tpu.memory_space<vmem>>[vector<16xi32>, vector<16xi32>], vector<16xi32>,
        %bitcast3A_551 = vector.bitcast %gather3A_545 : vector<16xi32> to vector<32xbf16>
        %bitcast3A_552 = vector.bitcast %gather3A_550 : vector<16xi32> to vector<32xbf16>
        %mul3A_553 = arith.mulf %bitcast3A_551, %bitcast3A_552 : vector<32xbf16>
        %add3A_554 = arith.addf %add3A_531, %mul3A_553 : vector<32xbf16>
        %mul3A_555 = arith.constant 8 : i32
        %mul3A_556 = arith.muli %scan3A_419, %mul3A_555 : i32
        %add3A_557 = arith.constant 6 : i32
        %add3A_558 = arith.addi %mul3A_556, %add3A_557 : i32
        %add3A_559 = vector.broadcast %add3A_558 : i32 to vector<16xi32>
        %add3A_560 = arith.addi %iota3A, %add3A_559 : vector<16xi32>
        %and3A_561 = arith.constant 63 : i32
        %and3A_562 = vector.broadcast %and3A_561 : i32 to vector<16xi32>
        %and3A_563 = arith.andi %add3A_560, %and3A_562 : vector<16xi32>
        %gather3A_564 = arith.constant 0 : i32
        %gather3A_565 = arith.constant 0 : i32
        %gather3A_566 = tpu.memref_slice %arg8[%scan3A_398, %gather3A_564, %gather3A_565] : memref<2x80x64xi32, #tpu.memory_space<vmem>> -> memref<1x80x64xi32, #tpu.memory_space<vmem>>
        %gather3A_567 = tpu.memref_squeeze %gather3A_566 : memref<1x80x64xi32, #tpu.memory_space<vmem>> -> memref<80x64xi32, #tpu.memory_space<vmem>>
        %gather3A_568 = tpu.vector_load_idx %gather3A_567[%add3A_395, %and3A_563] : memref<80x64xi32, #tpu.memory_space<vmem>>[vector<16xi32>, vector<16xi32>], vector<16xi32>,
        %gather3A_569 = arith.constant 0 : i32
        %gather3A_570 = arith.constant 0 : i32
        %gather3A_571 = tpu.memref_slice %arg9[%scan3A_399, %gather3A_569, %gather3A_570] : memref<2x80x64xi32, #tpu.memory_space<vmem>> -> memref<1x80x64xi32, #tpu.memory_space<vmem>>
        %gather3A_572 = tpu.memref_squeeze %gather3A_571 : memref<1x80x64xi32, #tpu.memory_space<vmem>> -> memref<80x64xi32, #tpu.memory_space<vmem>>
        %gather3A_573 = tpu.vector_load_idx %gather3A_572[%add3A_395, %and3A_563] : memref<80x64xi32, #tpu.memory_space<vmem>>[vector<16xi32>, vector<16xi32>], vector<16xi32>,
        %bitcast3A_574 = vector.bitcast %gather3A_568 : vector<16xi32> to vector<32xbf16>
        %bitcast3A_575 = vector.bitcast %gather3A_573 : vector<16xi32> to vector<32xbf16>
        %mul3A_576 = arith.mulf %bitcast3A_574, %bitcast3A_575 : vector<32xbf16>
        %add3A_577 = arith.addf %add3A_554, %mul3A_576 : vector<32xbf16>
        %mul3A_578 = arith.constant 8 : i32
        %mul3A_579 = arith.muli %scan3A_419, %mul3A_578 : i32
        %add3A_580 = arith.constant 7 : i32
        %add3A_581 = arith.addi %mul3A_579, %add3A_580 : i32
        %add3A_582 = vector.broadcast %add3A_581 : i32 to vector<16xi32>
        %add3A_583 = arith.addi %iota3A, %add3A_582 : vector<16xi32>
        %and3A_584 = arith.constant 63 : i32
        %and3A_585 = vector.broadcast %and3A_584 : i32 to vector<16xi32>
        %and3A_586 = arith.andi %add3A_583, %and3A_585 : vector<16xi32>
        %gather3A_587 = arith.constant 0 : i32
        %gather3A_588 = arith.constant 0 : i32
        %gather3A_589 = tpu.memref_slice %arg8[%scan3A_398, %gather3A_587, %gather3A_588] : memref<2x80x64xi32, #tpu.memory_space<vmem>> -> memref<1x80x64xi32, #tpu.memory_space<vmem>>
        %gather3A_590 = tpu.memref_squeeze %gather3A_589 : memref<1x80x64xi32, #tpu.memory_space<vmem>> -> memref<80x64xi32, #tpu.memory_space<vmem>>
        %gather3A_591 = tpu.vector_load_idx %gather3A_590[%add3A_395, %and3A_586] : memref<80x64xi32, #tpu.memory_space<vmem>>[vector<16xi32>, vector<16xi32>], vector<16xi32>,
        %gather3A_592 = arith.constant 0 : i32
        %gather3A_593 = arith.constant 0 : i32
        %gather3A_594 = tpu.memref_slice %arg9[%scan3A_399, %gather3A_592, %gather3A_593] : memref<2x80x64xi32, #tpu.memory_space<vmem>> -> memref<1x80x64xi32, #tpu.memory_space<vmem>>
        %gather3A_595 = tpu.memref_squeeze %gather3A_594 : memref<1x80x64xi32, #tpu.memory_space<vmem>> -> memref<80x64xi32, #tpu.memory_space<vmem>>
        %gather3A_596 = tpu.vector_load_idx %gather3A_595[%add3A_395, %and3A_586] : memref<80x64xi32, #tpu.memory_space<vmem>>[vector<16xi32>, vector<16xi32>], vector<16xi32>,
        %bitcast3A_597 = vector.bitcast %gather3A_591 : vector<16xi32> to vector<32xbf16>
        %bitcast3A_598 = vector.bitcast %gather3A_596 : vector<16xi32> to vector<32xbf16>
        %mul3A_599 = arith.mulf %bitcast3A_597, %bitcast3A_598 : vector<32xbf16>
        %add3A_600 = arith.addf %add3A_577, %mul3A_599 : vector<32xbf16>
        %unpack3A = tpu.unpack_subelements %add3A_600, 0 {pack_format = #tpu.pack_format<interleaved>} : vector<32xbf16> -> vector<16xf32>
        %unpack3A_601 = tpu.unpack_subelements %add3A_600, 1 {pack_format = #tpu.pack_format<interleaved>} : vector<32xbf16> -> vector<16xf32>
        %add3A_602 = arith.addf %scan3A_420, %unpack3A : vector<16xf32>
        %add3A_603 = arith.addf %add3A_602, %unpack3A_601 : vector<16xf32>
        scf.yield %add3A_603 : vector<16xf32>
      }
      %scan3A_405 = arith.constant 8 : i32
      %mul3A_406 = arith.constant 80 : i32
      %mul3A_407 = arith.muli %add3A_290, %mul3A_406 : i32
      %add3A_408 = arith.constant 64 : i32
      %add3A_409 = arith.addi %mul3A_407, %add3A_408 : i32
      %swap3A_410 = arith.index_cast %add3A_409 : i32 to index
      %swap3A_411 = tpu.vector_load %arg10[%swap3A_410] {strides = array<i32>} : memref<10000xf32, #tpu.memory_space<vmem>>, vector<16xf32>,
      tpu.vector_store %arg10[%swap3A_410], %scan3A_404 {strides = array<i32>} : memref<10000xf32, #tpu.memory_space<vmem>>, vector<16xf32>,
      %add3A_412 = arith.constant 2 : i32
      %add3A_413 = arith.addi %add3A_290, %add3A_412 : i32
      %lt3A_414 = arith.constant 125 : i32
      %lt3A_415 = arith.cmpi slt, %add3A_413, %lt3A_414 : i32
      %convert_element_type3A_416 = arith.extui %lt3A_415 : i1 to i32
      %cond3A_417 = arith.constant 0 : i32
      %cond3A_418 = arith.cmpi ne, %convert_element_type3A_416, %cond3A_417 : i32
      scf.if %cond3A_418 {
        %mul3A_419 = arith.constant 80 : i32
        %mul3A_420 = arith.muli %add3A_413, %mul3A_419 : i32
        %dma_start3A_421 = arith.constant 1 : i32
        %dma_start3A_422 = arith.constant 1 : i32
        %dma_start3A_423 = arith.constant 0 : i32
        %dma_start3A_424 = arith.constant 0 : i32
        %dma_start3A_425 = tpu.memref_slice %arg8[%dma_start3A_421, %dma_start3A_423, %dma_start3A_424] : memref<2x80x64xi32, #tpu.memory_space<vmem>> -> memref<1x80x64xi32, #tpu.memory_space<vmem>>
        %dma_start3A_426 = tpu.memref_squeeze %dma_start3A_425 : memref<1x80x64xi32, #tpu.memory_space<vmem>> -> memref<80x64xi32, #tpu.memory_space<vmem>>
        %dma_start3A_427 = tpu.memref_slice %arg6[%mul3A_420] : memref<10000xi32, #tpu.memory_space<vmem>> -> memref<80xi32, #tpu.memory_space<vmem>>
        %dma_start3A_428 = arith.constant 0 : i32
        %dma_start3A_429 = arith.constant 0 : i32
        %dma_start3A_430 = tpu.memref_slice %arg2[%dma_start3A_428, %dma_start3A_429] : memref<10000x64xi32, #tpu.memory_space<hbm>> -> memref<10000x64xi32, #tpu.memory_space<hbm>>
        %dma_start3A_431 = tpu.memref_slice %arg11[%dma_start3A_422] : memref<2x!tpu.dma_semaphore, #tpu.memory_space<semaphore_mem>> -> memref<1x!tpu.dma_semaphore, #tpu.memory_space<semaphore_mem>>
        %dma_start3A_432 = tpu.memref_squeeze %dma_start3A_431 : memref<1x!tpu.dma_semaphore, #tpu.memory_space<semaphore_mem>> -> memref<!tpu.dma_semaphore, #tpu.memory_space<semaphore_mem>>
        tpu.enqueue_indirect_dma source(%dma_start3A_430 : memref<10000x64xi32, #tpu.memory_space<hbm>>) target(%dma_start3A_426 : memref<80x64xi32, #tpu.memory_space<vmem>>) offsets(%dma_start3A_427 : memref<80xi32, #tpu.memory_space<vmem>>) semaphore(%dma_start3A_432 : memref<!tpu.dma_semaphore, #tpu.memory_space<semaphore_mem>>)
        %mul3A_433 = arith.constant 80 : i32
        %mul3A_434 = arith.muli %add3A_413, %mul3A_433 : i32
        %dma_start3A_435 = arith.constant 1 : i32
        %dma_start3A_436 = arith.constant 1 : i32
        %dma_start3A_437 = arith.constant 0 : i32
        %dma_start3A_438 = arith.constant 0 : i32
        %dma_start3A_439 = tpu.memref_slice %arg9[%dma_start3A_435, %dma_start3A_437, %dma_start3A_438] : memref<2x80x64xi32, #tpu.memory_space<vmem>> -> memref<1x80x64xi32, #tpu.memory_space<vmem>>
        %dma_start3A_440 = tpu.memref_squeeze %dma_start3A_439 : memref<1x80x64xi32, #tpu.memory_space<vmem>> -> memref<80x64xi32, #tpu.memory_space<vmem>>
        %dma_start3A_441 = tpu.memref_slice %arg7[%mul3A_434] : memref<10000xi32, #tpu.memory_space<vmem>> -> memref<80xi32, #tpu.memory_space<vmem>>
        %dma_start3A_442 = arith.constant 0 : i32
        %dma_start3A_443 = arith.constant 0 : i32
        %dma_start3A_444 = tpu.memref_slice %arg3[%dma_start3A_442, %dma_start3A_443] : memref<10000x64xi32, #tpu.memory_space<hbm>> -> memref<10000x64xi32, #tpu.memory_space<hbm>>
        %dma_start3A_445 = tpu.memref_slice %arg12[%dma_start3A_436] : memref<2x!tpu.dma_semaphore, #tpu.memory_space<semaphore_mem>> -> memref<1x!tpu.dma_semaphore, #tpu.memory_space<semaphore_mem>>
        %dma_start3A_446 = tpu.memref_squeeze %dma_start3A_445 : memref<1x!tpu.dma_semaphore, #tpu.memory_space<semaphore_mem>> -> memref<!tpu.dma_semaphore, #tpu.memory_space<semaphore_mem>>
        tpu.enqueue_indirect_dma source(%dma_start3A_444 : memref<10000x64xi32, #tpu.memory_space<hbm>>) target(%dma_start3A_440 : memref<80x64xi32, #tpu.memory_space<vmem>>) offsets(%dma_start3A_441 : memref<80xi32, #tpu.memory_space<vmem>>) semaphore(%dma_start3A_446 : memref<!tpu.dma_semaphore, #tpu.memory_space<semaphore_mem>>)
      } else {
      }
    }
    %scan3A_60 = arith.constant 62 : i32
    %dma_wait3A = arith.constant 0 : i32
    %dma_wait3A_61 = arith.constant 0 : i32
    %dma_wait3A_62 = arith.constant 0 : i32
    %dma_wait3A_63 = arith.constant 0 : i32
    %dma_wait3A_64 = tpu.memref_slice %arg8[%dma_wait3A, %dma_wait3A_62, %dma_wait3A_63] : memref<2x80x64xi32, #tpu.memory_space<vmem>> -> memref<1x80x64xi32, #tpu.memory_space<vmem>>
    %dma_wait3A_65 = tpu.memref_squeeze %dma_wait3A_64 : memref<1x80x64xi32, #tpu.memory_space<vmem>> -> memref<80x64xi32, #tpu.memory_space<vmem>>
    %dma_wait3A_66 = arith.constant 0 : i32
    %dma_wait3A_67 = tpu.memref_slice %arg6[%dma_wait3A_66] : memref<10000xi32, #tpu.memory_space<vmem>> -> memref<80xi32, #tpu.memory_space<vmem>>
    %dma_wait3A_68 = arith.constant 0 : i32
    %dma_wait3A_69 = arith.constant 0 : i32
    %dma_wait3A_70 = tpu.memref_slice %arg2[%dma_wait3A_68, %dma_wait3A_69] : memref<10000x64xi32, #tpu.memory_space<hbm>> -> memref<10000x64xi32, #tpu.memory_space<hbm>>
    %dma_wait3A_71 = tpu.memref_slice %arg11[%dma_wait3A_61] : memref<2x!tpu.dma_semaphore, #tpu.memory_space<semaphore_mem>> -> memref<1x!tpu.dma_semaphore, #tpu.memory_space<semaphore_mem>>
    %dma_wait3A_72 = tpu.memref_squeeze %dma_wait3A_71 : memref<1x!tpu.dma_semaphore, #tpu.memory_space<semaphore_mem>> -> memref<!tpu.dma_semaphore, #tpu.memory_space<semaphore_mem>>
    tpu.wait_indirect_dma semaphore(%dma_wait3A_72 : memref<!tpu.dma_semaphore, #tpu.memory_space<semaphore_mem>>) src(%dma_wait3A_70 : memref<10000x64xi32, #tpu.memory_space<hbm>>) dst(%dma_wait3A_65 : memref<80x64xi32, #tpu.memory_space<vmem>>)
    %dma_wait3A_73 = arith.constant 0 : i32
    %dma_wait3A_74 = arith.constant 0 : i32
    %dma_wait3A_75 = arith.constant 0 : i32
    %dma_wait3A_76 = arith.constant 0 : i32
    %dma_wait3A_77 = tpu.memref_slice %arg9[%dma_wait3A_73, %dma_wait3A_75, %dma_wait3A_76] : memref<2x80x64xi32, #tpu.memory_space<vmem>> -> memref<1x80x64xi32, #tpu.memory_space<vmem>>
    %dma_wait3A_78 = tpu.memref_squeeze %dma_wait3A_77 : memref<1x80x64xi32, #tpu.memory_space<vmem>> -> memref<80x64xi32, #tpu.memory_space<vmem>>
    %dma_wait3A_79 = arith.constant 0 : i32
    %dma_wait3A_80 = tpu.memref_slice %arg7[%dma_wait3A_79] : memref<10000xi32, #tpu.memory_space<vmem>> -> memref<80xi32, #tpu.memory_space<vmem>>
    %dma_wait3A_81 = arith.constant 0 : i32
    %dma_wait3A_82 = arith.constant 0 : i32
    %dma_wait3A_83 = tpu.memref_slice %arg3[%dma_wait3A_81, %dma_wait3A_82] : memref<10000x64xi32, #tpu.memory_space<hbm>> -> memref<10000x64xi32, #tpu.memory_space<hbm>>
    %dma_wait3A_84 = tpu.memref_slice %arg12[%dma_wait3A_74] : memref<2x!tpu.dma_semaphore, #tpu.memory_space<semaphore_mem>> -> memref<1x!tpu.dma_semaphore, #tpu.memory_space<semaphore_mem>>
    %dma_wait3A_85 = tpu.memref_squeeze %dma_wait3A_84 : memref<1x!tpu.dma_semaphore, #tpu.memory_space<semaphore_mem>> -> memref<!tpu.dma_semaphore, #tpu.memory_space<semaphore_mem>>
    tpu.wait_indirect_dma semaphore(%dma_wait3A_85 : memref<!tpu.dma_semaphore, #tpu.memory_space<semaphore_mem>>) src(%dma_wait3A_83 : memref<10000x64xi32, #tpu.memory_space<hbm>>) dst(%dma_wait3A_78 : memref<80x64xi32, #tpu.memory_space<vmem>>)
    %add3A_86 = arith.constant 0 : i32
    %add3A_87 = vector.broadcast %add3A_86 : i32 to vector<16xi32>
    %add3A_88 = arith.addi %add3A_87, %iota3A : vector<16xi32>
    %broadcast_in_dim3A = arith.constant 0.000000e+00 : f32
    %broadcast_in_dim3A_89 = vector.broadcast %broadcast_in_dim3A : f32 to vector<16xf32>
    %scan3A_90 = arith.constant 0 : i32
    %scan3A_91 = arith.constant 0 : i32
    %scan3A_92 = arith.constant 0 : i32
    %scan3A_93 = arith.constant 8 : i32
    %scan3A_94 = arith.addi %scan3A_92, %scan3A_93 : i32
    %scan3A_95 = arith.constant 1 : i32
    %scan3A_96 = scf.for %scan3A_159 = %scan3A_92 to %scan3A_94 step %scan3A_95 iter_args(%scan3A_160 = %broadcast_in_dim3A_89) -> (vector<16xf32>)  : i32 {
      %mul3A_161 = arith.constant 8 : i32
      %mul3A_162 = arith.muli %scan3A_159, %mul3A_161 : i32
      %add3A_163 = arith.constant 0 : i32
      %add3A_164 = arith.addi %mul3A_162, %add3A_163 : i32
      %add3A_165 = vector.broadcast %add3A_164 : i32 to vector<16xi32>
      %add3A_166 = arith.addi %iota3A, %add3A_165 : vector<16xi32>
      %and3A = arith.constant 63 : i32
      %and3A_167 = vector.broadcast %and3A : i32 to vector<16xi32>
      %and3A_168 = arith.andi %add3A_166, %and3A_167 : vector<16xi32>
      %gather3A = arith.constant 0 : i32
      %gather3A_169 = arith.constant 0 : i32
      %gather3A_170 = tpu.memref_slice %arg8[%scan3A_90, %gather3A, %gather3A_169] : memref<2x80x64xi32, #tpu.memory_space<vmem>> -> memref<1x80x64xi32, #tpu.memory_space<vmem>>
      %gather3A_171 = tpu.memref_squeeze %gather3A_170 : memref<1x80x64xi32, #tpu.memory_space<vmem>> -> memref<80x64xi32, #tpu.memory_space<vmem>>
      %gather3A_172 = tpu.vector_load_idx %gather3A_171[%add3A_88, %and3A_168] : memref<80x64xi32, #tpu.memory_space<vmem>>[vector<16xi32>, vector<16xi32>], vector<16xi32>,
      %gather3A_173 = arith.constant 0 : i32
      %gather3A_174 = arith.constant 0 : i32
      %gather3A_175 = tpu.memref_slice %arg9[%scan3A_91, %gather3A_173, %gather3A_174] : memref<2x80x64xi32, #tpu.memory_space<vmem>> -> memref<1x80x64xi32, #tpu.memory_space<vmem>>
      %gather3A_176 = tpu.memref_squeeze %gather3A_175 : memref<1x80x64xi32, #tpu.memory_space<vmem>> -> memref<80x64xi32, #tpu.memory_space<vmem>>
      %gather3A_177 = tpu.vector_load_idx %gather3A_176[%add3A_88, %and3A_168] : memref<80x64xi32, #tpu.memory_space<vmem>>[vector<16xi32>, vector<16xi32>], vector<16xi32>,
      %bitcast3A = vector.bitcast %gather3A_172 : vector<16xi32> to vector<32xbf16>
      %bitcast3A_178 = vector.bitcast %gather3A_177 : vector<16xi32> to vector<32xbf16>
      %mul3A_179 = arith.mulf %bitcast3A, %bitcast3A_178 : vector<32xbf16>
      %mul3A_180 = arith.constant 8 : i32
      %mul3A_181 = arith.muli %scan3A_159, %mul3A_180 : i32
      %add3A_182 = arith.constant 1 : i32
      %add3A_183 = arith.addi %mul3A_181, %add3A_182 : i32
      %add3A_184 = vector.broadcast %add3A_183 : i32 to vector<16xi32>
      %add3A_185 = arith.addi %iota3A, %add3A_184 : vector<16xi32>
      %and3A_186 = arith.constant 63 : i32
      %and3A_187 = vector.broadcast %and3A_186 : i32 to vector<16xi32>
      %and3A_188 = arith.andi %add3A_185, %and3A_187 : vector<16xi32>
      %gather3A_189 = arith.constant 0 : i32
      %gather3A_190 = arith.constant 0 : i32
      %gather3A_191 = tpu.memref_slice %arg8[%scan3A_90, %gather3A_189, %gather3A_190] : memref<2x80x64xi32, #tpu.memory_space<vmem>> -> memref<1x80x64xi32, #tpu.memory_space<vmem>>
      %gather3A_192 = tpu.memref_squeeze %gather3A_191 : memref<1x80x64xi32, #tpu.memory_space<vmem>> -> memref<80x64xi32, #tpu.memory_space<vmem>>
      %gather3A_193 = tpu.vector_load_idx %gather3A_192[%add3A_88, %and3A_188] : memref<80x64xi32, #tpu.memory_space<vmem>>[vector<16xi32>, vector<16xi32>], vector<16xi32>,
      %gather3A_194 = arith.constant 0 : i32
      %gather3A_195 = arith.constant 0 : i32
      %gather3A_196 = tpu.memref_slice %arg9[%scan3A_91, %gather3A_194, %gather3A_195] : memref<2x80x64xi32, #tpu.memory_space<vmem>> -> memref<1x80x64xi32, #tpu.memory_space<vmem>>
      %gather3A_197 = tpu.memref_squeeze %gather3A_196 : memref<1x80x64xi32, #tpu.memory_space<vmem>> -> memref<80x64xi32, #tpu.memory_space<vmem>>
      %gather3A_198 = tpu.vector_load_idx %gather3A_197[%add3A_88, %and3A_188] : memref<80x64xi32, #tpu.memory_space<vmem>>[vector<16xi32>, vector<16xi32>], vector<16xi32>,
      %bitcast3A_199 = vector.bitcast %gather3A_193 : vector<16xi32> to vector<32xbf16>
      %bitcast3A_200 = vector.bitcast %gather3A_198 : vector<16xi32> to vector<32xbf16>
      %mul3A_201 = arith.mulf %bitcast3A_199, %bitcast3A_200 : vector<32xbf16>
      %add3A_202 = arith.addf %mul3A_179, %mul3A_201 : vector<32xbf16>
      %mul3A_203 = arith.constant 8 : i32
      %mul3A_204 = arith.muli %scan3A_159, %mul3A_203 : i32
      %add3A_205 = arith.constant 2 : i32
      %add3A_206 = arith.addi %mul3A_204, %add3A_205 : i32
      %add3A_207 = vector.broadcast %add3A_206 : i32 to vector<16xi32>
      %add3A_208 = arith.addi %iota3A, %add3A_207 : vector<16xi32>
      %and3A_209 = arith.constant 63 : i32
      %and3A_210 = vector.broadcast %and3A_209 : i32 to vector<16xi32>
      %and3A_211 = arith.andi %add3A_208, %and3A_210 : vector<16xi32>
      %gather3A_212 = arith.constant 0 : i32
      %gather3A_213 = arith.constant 0 : i32
      %gather3A_214 = tpu.memref_slice %arg8[%scan3A_90, %gather3A_212, %gather3A_213] : memref<2x80x64xi32, #tpu.memory_space<vmem>> -> memref<1x80x64xi32, #tpu.memory_space<vmem>>
      %gather3A_215 = tpu.memref_squeeze %gather3A_214 : memref<1x80x64xi32, #tpu.memory_space<vmem>> -> memref<80x64xi32, #tpu.memory_space<vmem>>
      %gather3A_216 = tpu.vector_load_idx %gather3A_215[%add3A_88, %and3A_211] : memref<80x64xi32, #tpu.memory_space<vmem>>[vector<16xi32>, vector<16xi32>], vector<16xi32>,
      %gather3A_217 = arith.constant 0 : i32
      %gather3A_218 = arith.constant 0 : i32
      %gather3A_219 = tpu.memref_slice %arg9[%scan3A_91, %gather3A_217, %gather3A_218] : memref<2x80x64xi32, #tpu.memory_space<vmem>> -> memref<1x80x64xi32, #tpu.memory_space<vmem>>
      %gather3A_220 = tpu.memref_squeeze %gather3A_219 : memref<1x80x64xi32, #tpu.memory_space<vmem>> -> memref<80x64xi32, #tpu.memory_space<vmem>>
      %gather3A_221 = tpu.vector_load_idx %gather3A_220[%add3A_88, %and3A_211] : memref<80x64xi32, #tpu.memory_space<vmem>>[vector<16xi32>, vector<16xi32>], vector<16xi32>,
      %bitcast3A_222 = vector.bitcast %gather3A_216 : vector<16xi32> to vector<32xbf16>
      %bitcast3A_223 = vector.bitcast %gather3A_221 : vector<16xi32> to vector<32xbf16>
      %mul3A_224 = arith.mulf %bitcast3A_222, %bitcast3A_223 : vector<32xbf16>
      %add3A_225 = arith.addf %add3A_202, %mul3A_224 : vector<32xbf16>
      %mul3A_226 = arith.constant 8 : i32
      %mul3A_227 = arith.muli %scan3A_159, %mul3A_226 : i32
      %add3A_228 = arith.constant 3 : i32
      %add3A_229 = arith.addi %mul3A_227, %add3A_228 : i32
      %add3A_230 = vector.broadcast %add3A_229 : i32 to vector<16xi32>
      %add3A_231 = arith.addi %iota3A, %add3A_230 : vector<16xi32>
      %and3A_232 = arith.constant 63 : i32
      %and3A_233 = vector.broadcast %and3A_232 : i32 to vector<16xi32>
      %and3A_234 = arith.andi %add3A_231, %and3A_233 : vector<16xi32>
      %gather3A_235 = arith.constant 0 : i32
      %gather3A_236 = arith.constant 0 : i32
      %gather3A_237 = tpu.memref_slice %arg8[%scan3A_90, %gather3A_235, %gather3A_236] : memref<2x80x64xi32, #tpu.memory_space<vmem>> -> memref<1x80x64xi32, #tpu.memory_space<vmem>>
      %gather3A_238 = tpu.memref_squeeze %gather3A_237 : memref<1x80x64xi32, #tpu.memory_space<vmem>> -> memref<80x64xi32, #tpu.memory_space<vmem>>
      %gather3A_239 = tpu.vector_load_idx %gather3A_238[%add3A_88, %and3A_234] : memref<80x64xi32, #tpu.memory_space<vmem>>[vector<16xi32>, vector<16xi32>], vector<16xi32>,
      %gather3A_240 = arith.constant 0 : i32
      %gather3A_241 = arith.constant 0 : i32
      %gather3A_242 = tpu.memref_slice %arg9[%scan3A_91, %gather3A_240, %gather3A_241] : memref<2x80x64xi32, #tpu.memory_space<vmem>> -> memref<1x80x64xi32, #tpu.memory_space<vmem>>
      %gather3A_243 = tpu.memref_squeeze %gather3A_242 : memref<1x80x64xi32, #tpu.memory_space<vmem>> -> memref<80x64xi32, #tpu.memory_space<vmem>>
      %gather3A_244 = tpu.vector_load_idx %gather3A_243[%add3A_88, %and3A_234] : memref<80x64xi32, #tpu.memory_space<vmem>>[vector<16xi32>, vector<16xi32>], vector<16xi32>,
      %bitcast3A_245 = vector.bitcast %gather3A_239 : vector<16xi32> to vector<32xbf16>
      %bitcast3A_246 = vector.bitcast %gather3A_244 : vector<16xi32> to vector<32xbf16>
      %mul3A_247 = arith.mulf %bitcast3A_245, %bitcast3A_246 : vector<32xbf16>
      %add3A_248 = arith.addf %add3A_225, %mul3A_247 : vector<32xbf16>
      %mul3A_249 = arith.constant 8 : i32
      %mul3A_250 = arith.muli %scan3A_159, %mul3A_249 : i32
      %add3A_251 = arith.constant 4 : i32
      %add3A_252 = arith.addi %mul3A_250, %add3A_251 : i32
      %add3A_253 = vector.broadcast %add3A_252 : i32 to vector<16xi32>
      %add3A_254 = arith.addi %iota3A, %add3A_253 : vector<16xi32>
      %and3A_255 = arith.constant 63 : i32
      %and3A_256 = vector.broadcast %and3A_255 : i32 to vector<16xi32>
      %and3A_257 = arith.andi %add3A_254, %and3A_256 : vector<16xi32>
      %gather3A_258 = arith.constant 0 : i32
      %gather3A_259 = arith.constant 0 : i32
      %gather3A_260 = tpu.memref_slice %arg8[%scan3A_90, %gather3A_258, %gather3A_259] : memref<2x80x64xi32, #tpu.memory_space<vmem>> -> memref<1x80x64xi32, #tpu.memory_space<vmem>>
      %gather3A_261 = tpu.memref_squeeze %gather3A_260 : memref<1x80x64xi32, #tpu.memory_space<vmem>> -> memref<80x64xi32, #tpu.memory_space<vmem>>
      %gather3A_262 = tpu.vector_load_idx %gather3A_261[%add3A_88, %and3A_257] : memref<80x64xi32, #tpu.memory_space<vmem>>[vector<16xi32>, vector<16xi32>], vector<16xi32>,
      %gather3A_263 = arith.constant 0 : i32
      %gather3A_264 = arith.constant 0 : i32
      %gather3A_265 = tpu.memref_slice %arg9[%scan3A_91, %gather3A_263, %gather3A_264] : memref<2x80x64xi32, #tpu.memory_space<vmem>> -> memref<1x80x64xi32, #tpu.memory_space<vmem>>
      %gather3A_266 = tpu.memref_squeeze %gather3A_265 : memref<1x80x64xi32, #tpu.memory_space<vmem>> -> memref<80x64xi32, #tpu.memory_space<vmem>>
      %gather3A_267 = tpu.vector_load_idx %gather3A_266[%add3A_88, %and3A_257] : memref<80x64xi32, #tpu.memory_space<vmem>>[vector<16xi32>, vector<16xi32>], vector<16xi32>,
      %bitcast3A_268 = vector.bitcast %gather3A_262 : vector<16xi32> to vector<32xbf16>
      %bitcast3A_269 = vector.bitcast %gather3A_267 : vector<16xi32> to vector<32xbf16>
      %mul3A_270 = arith.mulf %bitcast3A_268, %bitcast3A_269 : vector<32xbf16>
      %add3A_271 = arith.addf %add3A_248, %mul3A_270 : vector<32xbf16>
      %mul3A_272 = arith.constant 8 : i32
      %mul3A_273 = arith.muli %scan3A_159, %mul3A_272 : i32
      %add3A_274 = arith.constant 5 : i32
      %add3A_275 = arith.addi %mul3A_273, %add3A_274 : i32
      %add3A_276 = vector.broadcast %add3A_275 : i32 to vector<16xi32>
      %add3A_277 = arith.addi %iota3A, %add3A_276 : vector<16xi32>
      %and3A_278 = arith.constant 63 : i32
      %and3A_279 = vector.broadcast %and3A_278 : i32 to vector<16xi32>
      %and3A_280 = arith.andi %add3A_277, %and3A_279 : vector<16xi32>
      %gather3A_281 = arith.constant 0 : i32
      %gather3A_282 = arith.constant 0 : i32
      %gather3A_283 = tpu.memref_slice %arg8[%scan3A_90, %gather3A_281, %gather3A_282] : memref<2x80x64xi32, #tpu.memory_space<vmem>> -> memref<1x80x64xi32, #tpu.memory_space<vmem>>
      %gather3A_284 = tpu.memref_squeeze %gather3A_283 : memref<1x80x64xi32, #tpu.memory_space<vmem>> -> memref<80x64xi32, #tpu.memory_space<vmem>>
      %gather3A_285 = tpu.vector_load_idx %gather3A_284[%add3A_88, %and3A_280] : memref<80x64xi32, #tpu.memory_space<vmem>>[vector<16xi32>, vector<16xi32>], vector<16xi32>,
      %gather3A_286 = arith.constant 0 : i32
      %gather3A_287 = arith.constant 0 : i32
      %gather3A_288 = tpu.memref_slice %arg9[%scan3A_91, %gather3A_286, %gather3A_287] : memref<2x80x64xi32, #tpu.memory_space<vmem>> -> memref<1x80x64xi32, #tpu.memory_space<vmem>>
      %gather3A_289 = tpu.memref_squeeze %gather3A_288 : memref<1x80x64xi32, #tpu.memory_space<vmem>> -> memref<80x64xi32, #tpu.memory_space<vmem>>
      %gather3A_290 = tpu.vector_load_idx %gather3A_289[%add3A_88, %and3A_280] : memref<80x64xi32, #tpu.memory_space<vmem>>[vector<16xi32>, vector<16xi32>], vector<16xi32>,
      %bitcast3A_291 = vector.bitcast %gather3A_285 : vector<16xi32> to vector<32xbf16>
      %bitcast3A_292 = vector.bitcast %gather3A_290 : vector<16xi32> to vector<32xbf16>
      %mul3A_293 = arith.mulf %bitcast3A_291, %bitcast3A_292 : vector<32xbf16>
      %add3A_294 = arith.addf %add3A_271, %mul3A_293 : vector<32xbf16>
      %mul3A_295 = arith.constant 8 : i32
      %mul3A_296 = arith.muli %scan3A_159, %mul3A_295 : i32
      %add3A_297 = arith.constant 6 : i32
      %add3A_298 = arith.addi %mul3A_296, %add3A_297 : i32
      %add3A_299 = vector.broadcast %add3A_298 : i32 to vector<16xi32>
      %add3A_300 = arith.addi %iota3A, %add3A_299 : vector<16xi32>
      %and3A_301 = arith.constant 63 : i32
      %and3A_302 = vector.broadcast %and3A_301 : i32 to vector<16xi32>
      %and3A_303 = arith.andi %add3A_300, %and3A_302 : vector<16xi32>
      %gather3A_304 = arith.constant 0 : i32
      %gather3A_305 = arith.constant 0 : i32
      %gather3A_306 = tpu.memref_slice %arg8[%scan3A_90, %gather3A_304, %gather3A_305] : memref<2x80x64xi32, #tpu.memory_space<vmem>> -> memref<1x80x64xi32, #tpu.memory_space<vmem>>
      %gather3A_307 = tpu.memref_squeeze %gather3A_306 : memref<1x80x64xi32, #tpu.memory_space<vmem>> -> memref<80x64xi32, #tpu.memory_space<vmem>>
      %gather3A_308 = tpu.vector_load_idx %gather3A_307[%add3A_88, %and3A_303] : memref<80x64xi32, #tpu.memory_space<vmem>>[vector<16xi32>, vector<16xi32>], vector<16xi32>,
      %gather3A_309 = arith.constant 0 : i32
      %gather3A_310 = arith.constant 0 : i32
      %gather3A_311 = tpu.memref_slice %arg9[%scan3A_91, %gather3A_309, %gather3A_310] : memref<2x80x64xi32, #tpu.memory_space<vmem>> -> memref<1x80x64xi32, #tpu.memory_space<vmem>>
      %gather3A_312 = tpu.memref_squeeze %gather3A_311 : memref<1x80x64xi32, #tpu.memory_space<vmem>> -> memref<80x64xi32, #tpu.memory_space<vmem>>
      %gather3A_313 = tpu.vector_load_idx %gather3A_312[%add3A_88, %and3A_303] : memref<80x64xi32, #tpu.memory_space<vmem>>[vector<16xi32>, vector<16xi32>], vector<16xi32>,
      %bitcast3A_314 = vector.bitcast %gather3A_308 : vector<16xi32> to vector<32xbf16>
      %bitcast3A_315 = vector.bitcast %gather3A_313 : vector<16xi32> to vector<32xbf16>
      %mul3A_316 = arith.mulf %bitcast3A_314, %bitcast3A_315 : vector<32xbf16>
      %add3A_317 = arith.addf %add3A_294, %mul3A_316 : vector<32xbf16>
      %mul3A_318 = arith.constant 8 : i32
      %mul3A_319 = arith.muli %scan3A_159, %mul3A_318 : i32
      %add3A_320 = arith.constant 7 : i32
      %add3A_321 = arith.addi %mul3A_319, %add3A_320 : i32
      %add3A_322 = vector.broadcast %add3A_321 : i32 to vector<16xi32>
      %add3A_323 = arith.addi %iota3A, %add3A_322 : vector<16xi32>
      %and3A_324 = arith.constant 63 : i32
      %and3A_325 = vector.broadcast %and3A_324 : i32 to vector<16xi32>
      %and3A_326 = arith.andi %add3A_323, %and3A_325 : vector<16xi32>
      %gather3A_327 = arith.constant 0 : i32
      %gather3A_328 = arith.constant 0 : i32
      %gather3A_329 = tpu.memref_slice %arg8[%scan3A_90, %gather3A_327, %gather3A_328] : memref<2x80x64xi32, #tpu.memory_space<vmem>> -> memref<1x80x64xi32, #tpu.memory_space<vmem>>
      %gather3A_330 = tpu.memref_squeeze %gather3A_329 : memref<1x80x64xi32, #tpu.memory_space<vmem>> -> memref<80x64xi32, #tpu.memory_space<vmem>>
      %gather3A_331 = tpu.vector_load_idx %gather3A_330[%add3A_88, %and3A_326] : memref<80x64xi32, #tpu.memory_space<vmem>>[vector<16xi32>, vector<16xi32>], vector<16xi32>,
      %gather3A_332 = arith.constant 0 : i32
      %gather3A_333 = arith.constant 0 : i32
      %gather3A_334 = tpu.memref_slice %arg9[%scan3A_91, %gather3A_332, %gather3A_333] : memref<2x80x64xi32, #tpu.memory_space<vmem>> -> memref<1x80x64xi32, #tpu.memory_space<vmem>>
      %gather3A_335 = tpu.memref_squeeze %gather3A_334 : memref<1x80x64xi32, #tpu.memory_space<vmem>> -> memref<80x64xi32, #tpu.memory_space<vmem>>
      %gather3A_336 = tpu.vector_load_idx %gather3A_335[%add3A_88, %and3A_326] : memref<80x64xi32, #tpu.memory_space<vmem>>[vector<16xi32>, vector<16xi32>], vector<16xi32>,
      %bitcast3A_337 = vector.bitcast %gather3A_331 : vector<16xi32> to vector<32xbf16>
      %bitcast3A_338 = vector.bitcast %gather3A_336 : vector<16xi32> to vector<32xbf16>
      %mul3A_339 = arith.mulf %bitcast3A_337, %bitcast3A_338 : vector<32xbf16>
      %add3A_340 = arith.addf %add3A_317, %mul3A_339 : vector<32xbf16>
      %unpack3A = tpu.unpack_subelements %add3A_340, 0 {pack_format = #tpu.pack_format<interleaved>} : vector<32xbf16> -> vector<16xf32>
      %unpack3A_341 = tpu.unpack_subelements %add3A_340, 1 {pack_format = #tpu.pack_format<interleaved>} : vector<32xbf16> -> vector<16xf32>
      %add3A_342 = arith.addf %scan3A_160, %unpack3A : vector<16xf32>
      %add3A_343 = arith.addf %add3A_342, %unpack3A_341 : vector<16xf32>
      scf.yield %add3A_343 : vector<16xf32>
    }
    %scan3A_97 = arith.constant 8 : i32
    %swap3A = arith.constant 9920 : index
    %swap3A_98 = tpu.vector_load %arg10[%swap3A] {strides = array<i32>} : memref<10000xf32, #tpu.memory_space<vmem>>, vector<16xf32>,
    tpu.vector_store %arg10[%swap3A], %scan3A_96 {strides = array<i32>} : memref<10000xf32, #tpu.memory_space<vmem>>, vector<16xf32>,
    %add3A_99 = arith.constant 16 : i32
    %add3A_100 = vector.broadcast %add3A_99 : i32 to vector<16xi32>
    %add3A_101 = arith.addi %add3A_100, %iota3A : vector<16xi32>
    %broadcast_in_dim3A_102 = arith.constant 0.000000e+00 : f32
    %broadcast_in_dim3A_103 = vector.broadcast %broadcast_in_dim3A_102 : f32 to vector<16xf32>
    %scan3A_104 = arith.constant 0 : i32
    %scan3A_105 = arith.constant 0 : i32
    %scan3A_106 = arith.constant 0 : i32
    %scan3A_107 = arith.constant 8 : i32
    %scan3A_108 = arith.addi %scan3A_106, %scan3A_107 : i32
    %scan3A_109 = arith.constant 1 : i32
    %scan3A_110 = scf.for %scan3A_159 = %scan3A_106 to %scan3A_108 step %scan3A_109 iter_args(%scan3A_160 = %broadcast_in_dim3A_103) -> (vector<16xf32>)  : i32 {
      %mul3A_161 = arith.constant 8 : i32
      %mul3A_162 = arith.muli %scan3A_159, %mul3A_161 : i32
      %add3A_163 = arith.constant 0 : i32
      %add3A_164 = arith.addi %mul3A_162, %add3A_163 : i32
      %add3A_165 = vector.broadcast %add3A_164 : i32 to vector<16xi32>
      %add3A_166 = arith.addi %iota3A, %add3A_165 : vector<16xi32>
      %and3A = arith.constant 63 : i32
      %and3A_167 = vector.broadcast %and3A : i32 to vector<16xi32>
      %and3A_168 = arith.andi %add3A_166, %and3A_167 : vector<16xi32>
      %gather3A = arith.constant 0 : i32
      %gather3A_169 = arith.constant 0 : i32
      %gather3A_170 = tpu.memref_slice %arg8[%scan3A_104, %gather3A, %gather3A_169] : memref<2x80x64xi32, #tpu.memory_space<vmem>> -> memref<1x80x64xi32, #tpu.memory_space<vmem>>
      %gather3A_171 = tpu.memref_squeeze %gather3A_170 : memref<1x80x64xi32, #tpu.memory_space<vmem>> -> memref<80x64xi32, #tpu.memory_space<vmem>>
      %gather3A_172 = tpu.vector_load_idx %gather3A_171[%add3A_101, %and3A_168] : memref<80x64xi32, #tpu.memory_space<vmem>>[vector<16xi32>, vector<16xi32>], vector<16xi32>,
      %gather3A_173 = arith.constant 0 : i32
      %gather3A_174 = arith.constant 0 : i32
      %gather3A_175 = tpu.memref_slice %arg9[%scan3A_105, %gather3A_173, %gather3A_174] : memref<2x80x64xi32, #tpu.memory_space<vmem>> -> memref<1x80x64xi32, #tpu.memory_space<vmem>>
      %gather3A_176 = tpu.memref_squeeze %gather3A_175 : memref<1x80x64xi32, #tpu.memory_space<vmem>> -> memref<80x64xi32, #tpu.memory_space<vmem>>
      %gather3A_177 = tpu.vector_load_idx %gather3A_176[%add3A_101, %and3A_168] : memref<80x64xi32, #tpu.memory_space<vmem>>[vector<16xi32>, vector<16xi32>], vector<16xi32>,
      %bitcast3A = vector.bitcast %gather3A_172 : vector<16xi32> to vector<32xbf16>
      %bitcast3A_178 = vector.bitcast %gather3A_177 : vector<16xi32> to vector<32xbf16>
      %mul3A_179 = arith.mulf %bitcast3A, %bitcast3A_178 : vector<32xbf16>
      %mul3A_180 = arith.constant 8 : i32
      %mul3A_181 = arith.muli %scan3A_159, %mul3A_180 : i32
      %add3A_182 = arith.constant 1 : i32
      %add3A_183 = arith.addi %mul3A_181, %add3A_182 : i32
      %add3A_184 = vector.broadcast %add3A_183 : i32 to vector<16xi32>
      %add3A_185 = arith.addi %iota3A, %add3A_184 : vector<16xi32>
      %and3A_186 = arith.constant 63 : i32
      %and3A_187 = vector.broadcast %and3A_186 : i32 to vector<16xi32>
      %and3A_188 = arith.andi %add3A_185, %and3A_187 : vector<16xi32>
      %gather3A_189 = arith.constant 0 : i32
      %gather3A_190 = arith.constant 0 : i32
      %gather3A_191 = tpu.memref_slice %arg8[%scan3A_104, %gather3A_189, %gather3A_190] : memref<2x80x64xi32, #tpu.memory_space<vmem>> -> memref<1x80x64xi32, #tpu.memory_space<vmem>>
      %gather3A_192 = tpu.memref_squeeze %gather3A_191 : memref<1x80x64xi32, #tpu.memory_space<vmem>> -> memref<80x64xi32, #tpu.memory_space<vmem>>
      %gather3A_193 = tpu.vector_load_idx %gather3A_192[%add3A_101, %and3A_188] : memref<80x64xi32, #tpu.memory_space<vmem>>[vector<16xi32>, vector<16xi32>], vector<16xi32>,
      %gather3A_194 = arith.constant 0 : i32
      %gather3A_195 = arith.constant 0 : i32
      %gather3A_196 = tpu.memref_slice %arg9[%scan3A_105, %gather3A_194, %gather3A_195] : memref<2x80x64xi32, #tpu.memory_space<vmem>> -> memref<1x80x64xi32, #tpu.memory_space<vmem>>
      %gather3A_197 = tpu.memref_squeeze %gather3A_196 : memref<1x80x64xi32, #tpu.memory_space<vmem>> -> memref<80x64xi32, #tpu.memory_space<vmem>>
      %gather3A_198 = tpu.vector_load_idx %gather3A_197[%add3A_101, %and3A_188] : memref<80x64xi32, #tpu.memory_space<vmem>>[vector<16xi32>, vector<16xi32>], vector<16xi32>,
      %bitcast3A_199 = vector.bitcast %gather3A_193 : vector<16xi32> to vector<32xbf16>
      %bitcast3A_200 = vector.bitcast %gather3A_198 : vector<16xi32> to vector<32xbf16>
      %mul3A_201 = arith.mulf %bitcast3A_199, %bitcast3A_200 : vector<32xbf16>
      %add3A_202 = arith.addf %mul3A_179, %mul3A_201 : vector<32xbf16>
      %mul3A_203 = arith.constant 8 : i32
      %mul3A_204 = arith.muli %scan3A_159, %mul3A_203 : i32
      %add3A_205 = arith.constant 2 : i32
      %add3A_206 = arith.addi %mul3A_204, %add3A_205 : i32
      %add3A_207 = vector.broadcast %add3A_206 : i32 to vector<16xi32>
      %add3A_208 = arith.addi %iota3A, %add3A_207 : vector<16xi32>
      %and3A_209 = arith.constant 63 : i32
      %and3A_210 = vector.broadcast %and3A_209 : i32 to vector<16xi32>
      %and3A_211 = arith.andi %add3A_208, %and3A_210 : vector<16xi32>
      %gather3A_212 = arith.constant 0 : i32
      %gather3A_213 = arith.constant 0 : i32
      %gather3A_214 = tpu.memref_slice %arg8[%scan3A_104, %gather3A_212, %gather3A_213] : memref<2x80x64xi32, #tpu.memory_space<vmem>> -> memref<1x80x64xi32, #tpu.memory_space<vmem>>
      %gather3A_215 = tpu.memref_squeeze %gather3A_214 : memref<1x80x64xi32, #tpu.memory_space<vmem>> -> memref<80x64xi32, #tpu.memory_space<vmem>>
      %gather3A_216 = tpu.vector_load_idx %gather3A_215[%add3A_101, %and3A_211] : memref<80x64xi32, #tpu.memory_space<vmem>>[vector<16xi32>, vector<16xi32>], vector<16xi32>,
      %gather3A_217 = arith.constant 0 : i32
      %gather3A_218 = arith.constant 0 : i32
      %gather3A_219 = tpu.memref_slice %arg9[%scan3A_105, %gather3A_217, %gather3A_218] : memref<2x80x64xi32, #tpu.memory_space<vmem>> -> memref<1x80x64xi32, #tpu.memory_space<vmem>>
      %gather3A_220 = tpu.memref_squeeze %gather3A_219 : memref<1x80x64xi32, #tpu.memory_space<vmem>> -> memref<80x64xi32, #tpu.memory_space<vmem>>
      %gather3A_221 = tpu.vector_load_idx %gather3A_220[%add3A_101, %and3A_211] : memref<80x64xi32, #tpu.memory_space<vmem>>[vector<16xi32>, vector<16xi32>], vector<16xi32>,
      %bitcast3A_222 = vector.bitcast %gather3A_216 : vector<16xi32> to vector<32xbf16>
      %bitcast3A_223 = vector.bitcast %gather3A_221 : vector<16xi32> to vector<32xbf16>
      %mul3A_224 = arith.mulf %bitcast3A_222, %bitcast3A_223 : vector<32xbf16>
      %add3A_225 = arith.addf %add3A_202, %mul3A_224 : vector<32xbf16>
      %mul3A_226 = arith.constant 8 : i32
      %mul3A_227 = arith.muli %scan3A_159, %mul3A_226 : i32
      %add3A_228 = arith.constant 3 : i32
      %add3A_229 = arith.addi %mul3A_227, %add3A_228 : i32
      %add3A_230 = vector.broadcast %add3A_229 : i32 to vector<16xi32>
      %add3A_231 = arith.addi %iota3A, %add3A_230 : vector<16xi32>
      %and3A_232 = arith.constant 63 : i32
      %and3A_233 = vector.broadcast %and3A_232 : i32 to vector<16xi32>
      %and3A_234 = arith.andi %add3A_231, %and3A_233 : vector<16xi32>
      %gather3A_235 = arith.constant 0 : i32
      %gather3A_236 = arith.constant 0 : i32
      %gather3A_237 = tpu.memref_slice %arg8[%scan3A_104, %gather3A_235, %gather3A_236] : memref<2x80x64xi32, #tpu.memory_space<vmem>> -> memref<1x80x64xi32, #tpu.memory_space<vmem>>
      %gather3A_238 = tpu.memref_squeeze %gather3A_237 : memref<1x80x64xi32, #tpu.memory_space<vmem>> -> memref<80x64xi32, #tpu.memory_space<vmem>>
      %gather3A_239 = tpu.vector_load_idx %gather3A_238[%add3A_101, %and3A_234] : memref<80x64xi32, #tpu.memory_space<vmem>>[vector<16xi32>, vector<16xi32>], vector<16xi32>,
      %gather3A_240 = arith.constant 0 : i32
      %gather3A_241 = arith.constant 0 : i32
      %gather3A_242 = tpu.memref_slice %arg9[%scan3A_105, %gather3A_240, %gather3A_241] : memref<2x80x64xi32, #tpu.memory_space<vmem>> -> memref<1x80x64xi32, #tpu.memory_space<vmem>>
      %gather3A_243 = tpu.memref_squeeze %gather3A_242 : memref<1x80x64xi32, #tpu.memory_space<vmem>> -> memref<80x64xi32, #tpu.memory_space<vmem>>
      %gather3A_244 = tpu.vector_load_idx %gather3A_243[%add3A_101, %and3A_234] : memref<80x64xi32, #tpu.memory_space<vmem>>[vector<16xi32>, vector<16xi32>], vector<16xi32>,
      %bitcast3A_245 = vector.bitcast %gather3A_239 : vector<16xi32> to vector<32xbf16>
      %bitcast3A_246 = vector.bitcast %gather3A_244 : vector<16xi32> to vector<32xbf16>
      %mul3A_247 = arith.mulf %bitcast3A_245, %bitcast3A_246 : vector<32xbf16>
      %add3A_248 = arith.addf %add3A_225, %mul3A_247 : vector<32xbf16>
      %mul3A_249 = arith.constant 8 : i32
      %mul3A_250 = arith.muli %scan3A_159, %mul3A_249 : i32
      %add3A_251 = arith.constant 4 : i32
      %add3A_252 = arith.addi %mul3A_250, %add3A_251 : i32
      %add3A_253 = vector.broadcast %add3A_252 : i32 to vector<16xi32>
      %add3A_254 = arith.addi %iota3A, %add3A_253 : vector<16xi32>
      %and3A_255 = arith.constant 63 : i32
      %and3A_256 = vector.broadcast %and3A_255 : i32 to vector<16xi32>
      %and3A_257 = arith.andi %add3A_254, %and3A_256 : vector<16xi32>
      %gather3A_258 = arith.constant 0 : i32
      %gather3A_259 = arith.constant 0 : i32
      %gather3A_260 = tpu.memref_slice %arg8[%scan3A_104, %gather3A_258, %gather3A_259] : memref<2x80x64xi32, #tpu.memory_space<vmem>> -> memref<1x80x64xi32, #tpu.memory_space<vmem>>
      %gather3A_261 = tpu.memref_squeeze %gather3A_260 : memref<1x80x64xi32, #tpu.memory_space<vmem>> -> memref<80x64xi32, #tpu.memory_space<vmem>>
      %gather3A_262 = tpu.vector_load_idx %gather3A_261[%add3A_101, %and3A_257] : memref<80x64xi32, #tpu.memory_space<vmem>>[vector<16xi32>, vector<16xi32>], vector<16xi32>,
      %gather3A_263 = arith.constant 0 : i32
      %gather3A_264 = arith.constant 0 : i32
      %gather3A_265 = tpu.memref_slice %arg9[%scan3A_105, %gather3A_263, %gather3A_264] : memref<2x80x64xi32, #tpu.memory_space<vmem>> -> memref<1x80x64xi32, #tpu.memory_space<vmem>>
      %gather3A_266 = tpu.memref_squeeze %gather3A_265 : memref<1x80x64xi32, #tpu.memory_space<vmem>> -> memref<80x64xi32, #tpu.memory_space<vmem>>
      %gather3A_267 = tpu.vector_load_idx %gather3A_266[%add3A_101, %and3A_257] : memref<80x64xi32, #tpu.memory_space<vmem>>[vector<16xi32>, vector<16xi32>], vector<16xi32>,
      %bitcast3A_268 = vector.bitcast %gather3A_262 : vector<16xi32> to vector<32xbf16>
      %bitcast3A_269 = vector.bitcast %gather3A_267 : vector<16xi32> to vector<32xbf16>
      %mul3A_270 = arith.mulf %bitcast3A_268, %bitcast3A_269 : vector<32xbf16>
      %add3A_271 = arith.addf %add3A_248, %mul3A_270 : vector<32xbf16>
      %mul3A_272 = arith.constant 8 : i32
      %mul3A_273 = arith.muli %scan3A_159, %mul3A_272 : i32
      %add3A_274 = arith.constant 5 : i32
      %add3A_275 = arith.addi %mul3A_273, %add3A_274 : i32
      %add3A_276 = vector.broadcast %add3A_275 : i32 to vector<16xi32>
      %add3A_277 = arith.addi %iota3A, %add3A_276 : vector<16xi32>
      %and3A_278 = arith.constant 63 : i32
      %and3A_279 = vector.broadcast %and3A_278 : i32 to vector<16xi32>
      %and3A_280 = arith.andi %add3A_277, %and3A_279 : vector<16xi32>
      %gather3A_281 = arith.constant 0 : i32
      %gather3A_282 = arith.constant 0 : i32
      %gather3A_283 = tpu.memref_slice %arg8[%scan3A_104, %gather3A_281, %gather3A_282] : memref<2x80x64xi32, #tpu.memory_space<vmem>> -> memref<1x80x64xi32, #tpu.memory_space<vmem>>
      %gather3A_284 = tpu.memref_squeeze %gather3A_283 : memref<1x80x64xi32, #tpu.memory_space<vmem>> -> memref<80x64xi32, #tpu.memory_space<vmem>>
      %gather3A_285 = tpu.vector_load_idx %gather3A_284[%add3A_101, %and3A_280] : memref<80x64xi32, #tpu.memory_space<vmem>>[vector<16xi32>, vector<16xi32>], vector<16xi32>,
      %gather3A_286 = arith.constant 0 : i32
      %gather3A_287 = arith.constant 0 : i32
      %gather3A_288 = tpu.memref_slice %arg9[%scan3A_105, %gather3A_286, %gather3A_287] : memref<2x80x64xi32, #tpu.memory_space<vmem>> -> memref<1x80x64xi32, #tpu.memory_space<vmem>>
      %gather3A_289 = tpu.memref_squeeze %gather3A_288 : memref<1x80x64xi32, #tpu.memory_space<vmem>> -> memref<80x64xi32, #tpu.memory_space<vmem>>
      %gather3A_290 = tpu.vector_load_idx %gather3A_289[%add3A_101, %and3A_280] : memref<80x64xi32, #tpu.memory_space<vmem>>[vector<16xi32>, vector<16xi32>], vector<16xi32>,
      %bitcast3A_291 = vector.bitcast %gather3A_285 : vector<16xi32> to vector<32xbf16>
      %bitcast3A_292 = vector.bitcast %gather3A_290 : vector<16xi32> to vector<32xbf16>
      %mul3A_293 = arith.mulf %bitcast3A_291, %bitcast3A_292 : vector<32xbf16>
      %add3A_294 = arith.addf %add3A_271, %mul3A_293 : vector<32xbf16>
      %mul3A_295 = arith.constant 8 : i32
      %mul3A_296 = arith.muli %scan3A_159, %mul3A_295 : i32
      %add3A_297 = arith.constant 6 : i32
      %add3A_298 = arith.addi %mul3A_296, %add3A_297 : i32
      %add3A_299 = vector.broadcast %add3A_298 : i32 to vector<16xi32>
      %add3A_300 = arith.addi %iota3A, %add3A_299 : vector<16xi32>
      %and3A_301 = arith.constant 63 : i32
      %and3A_302 = vector.broadcast %and3A_301 : i32 to vector<16xi32>
      %and3A_303 = arith.andi %add3A_300, %and3A_302 : vector<16xi32>
      %gather3A_304 = arith.constant 0 : i32
      %gather3A_305 = arith.constant 0 : i32
      %gather3A_306 = tpu.memref_slice %arg8[%scan3A_104, %gather3A_304, %gather3A_305] : memref<2x80x64xi32, #tpu.memory_space<vmem>> -> memref<1x80x64xi32, #tpu.memory_space<vmem>>
      %gather3A_307 = tpu.memref_squeeze %gather3A_306 : memref<1x80x64xi32, #tpu.memory_space<vmem>> -> memref<80x64xi32, #tpu.memory_space<vmem>>
      %gather3A_308 = tpu.vector_load_idx %gather3A_307[%add3A_101, %and3A_303] : memref<80x64xi32, #tpu.memory_space<vmem>>[vector<16xi32>, vector<16xi32>], vector<16xi32>,
      %gather3A_309 = arith.constant 0 : i32
      %gather3A_310 = arith.constant 0 : i32
      %gather3A_311 = tpu.memref_slice %arg9[%scan3A_105, %gather3A_309, %gather3A_310] : memref<2x80x64xi32, #tpu.memory_space<vmem>> -> memref<1x80x64xi32, #tpu.memory_space<vmem>>
      %gather3A_312 = tpu.memref_squeeze %gather3A_311 : memref<1x80x64xi32, #tpu.memory_space<vmem>> -> memref<80x64xi32, #tpu.memory_space<vmem>>
      %gather3A_313 = tpu.vector_load_idx %gather3A_312[%add3A_101, %and3A_303] : memref<80x64xi32, #tpu.memory_space<vmem>>[vector<16xi32>, vector<16xi32>], vector<16xi32>,
      %bitcast3A_314 = vector.bitcast %gather3A_308 : vector<16xi32> to vector<32xbf16>
      %bitcast3A_315 = vector.bitcast %gather3A_313 : vector<16xi32> to vector<32xbf16>
      %mul3A_316 = arith.mulf %bitcast3A_314, %bitcast3A_315 : vector<32xbf16>
      %add3A_317 = arith.addf %add3A_294, %mul3A_316 : vector<32xbf16>
      %mul3A_318 = arith.constant 8 : i32
      %mul3A_319 = arith.muli %scan3A_159, %mul3A_318 : i32
      %add3A_320 = arith.constant 7 : i32
      %add3A_321 = arith.addi %mul3A_319, %add3A_320 : i32
      %add3A_322 = vector.broadcast %add3A_321 : i32 to vector<16xi32>
      %add3A_323 = arith.addi %iota3A, %add3A_322 : vector<16xi32>
      %and3A_324 = arith.constant 63 : i32
      %and3A_325 = vector.broadcast %and3A_324 : i32 to vector<16xi32>
      %and3A_326 = arith.andi %add3A_323, %and3A_325 : vector<16xi32>
      %gather3A_327 = arith.constant 0 : i32
      %gather3A_328 = arith.constant 0 : i32
      %gather3A_329 = tpu.memref_slice %arg8[%scan3A_104, %gather3A_327, %gather3A_328] : memref<2x80x64xi32, #tpu.memory_space<vmem>> -> memref<1x80x64xi32, #tpu.memory_space<vmem>>
      %gather3A_330 = tpu.memref_squeeze %gather3A_329 : memref<1x80x64xi32, #tpu.memory_space<vmem>> -> memref<80x64xi32, #tpu.memory_space<vmem>>
      %gather3A_331 = tpu.vector_load_idx %gather3A_330[%add3A_101, %and3A_326] : memref<80x64xi32, #tpu.memory_space<vmem>>[vector<16xi32>, vector<16xi32>], vector<16xi32>,
      %gather3A_332 = arith.constant 0 : i32
      %gather3A_333 = arith.constant 0 : i32
      %gather3A_334 = tpu.memref_slice %arg9[%scan3A_105, %gather3A_332, %gather3A_333] : memref<2x80x64xi32, #tpu.memory_space<vmem>> -> memref<1x80x64xi32, #tpu.memory_space<vmem>>
      %gather3A_335 = tpu.memref_squeeze %gather3A_334 : memref<1x80x64xi32, #tpu.memory_space<vmem>> -> memref<80x64xi32, #tpu.memory_space<vmem>>
      %gather3A_336 = tpu.vector_load_idx %gather3A_335[%add3A_101, %and3A_326] : memref<80x64xi32, #tpu.memory_space<vmem>>[vector<16xi32>, vector<16xi32>], vector<16xi32>,
      %bitcast3A_337 = vector.bitcast %gather3A_331 : vector<16xi32> to vector<32xbf16>
      %bitcast3A_338 = vector.bitcast %gather3A_336 : vector<16xi32> to vector<32xbf16>
      %mul3A_339 = arith.mulf %bitcast3A_337, %bitcast3A_338 : vector<32xbf16>
      %add3A_340 = arith.addf %add3A_317, %mul3A_339 : vector<32xbf16>
      %unpack3A = tpu.unpack_subelements %add3A_340, 0 {pack_format = #tpu.pack_format<interleaved>} : vector<32xbf16> -> vector<16xf32>
      %unpack3A_341 = tpu.unpack_subelements %add3A_340, 1 {pack_format = #tpu.pack_format<interleaved>} : vector<32xbf16> -> vector<16xf32>
      %add3A_342 = arith.addf %scan3A_160, %unpack3A : vector<16xf32>
      %add3A_343 = arith.addf %add3A_342, %unpack3A_341 : vector<16xf32>
      scf.yield %add3A_343 : vector<16xf32>
    }
    %scan3A_111 = arith.constant 8 : i32
    %swap3A_112 = arith.constant 9936 : index
    %swap3A_113 = tpu.vector_load %arg10[%swap3A_112] {strides = array<i32>} : memref<10000xf32, #tpu.memory_space<vmem>>, vector<16xf32>,
    tpu.vector_store %arg10[%swap3A_112], %scan3A_110 {strides = array<i32>} : memref<10000xf32, #tpu.memory_space<vmem>>, vector<16xf32>,
    %add3A_114 = arith.constant 32 : i32
    %add3A_115 = vector.broadcast %add3A_114 : i32 to vector<16xi32>
    %add3A_116 = arith.addi %add3A_115, %iota3A : vector<16xi32>
    %broadcast_in_dim3A_117 = arith.constant 0.000000e+00 : f32
    %broadcast_in_dim3A_118 = vector.broadcast %broadcast_in_dim3A_117 : f32 to vector<16xf32>
    %scan3A_119 = arith.constant 0 : i32
    %scan3A_120 = arith.constant 0 : i32
    %scan3A_121 = arith.constant 0 : i32
    %scan3A_122 = arith.constant 8 : i32
    %scan3A_123 = arith.addi %scan3A_121, %scan3A_122 : i32
    %scan3A_124 = arith.constant 1 : i32
    %scan3A_125 = scf.for %scan3A_159 = %scan3A_121 to %scan3A_123 step %scan3A_124 iter_args(%scan3A_160 = %broadcast_in_dim3A_118) -> (vector<16xf32>)  : i32 {
      %mul3A_161 = arith.constant 8 : i32
      %mul3A_162 = arith.muli %scan3A_159, %mul3A_161 : i32
      %add3A_163 = arith.constant 0 : i32
      %add3A_164 = arith.addi %mul3A_162, %add3A_163 : i32
      %add3A_165 = vector.broadcast %add3A_164 : i32 to vector<16xi32>
      %add3A_166 = arith.addi %iota3A, %add3A_165 : vector<16xi32>
      %and3A = arith.constant 63 : i32
      %and3A_167 = vector.broadcast %and3A : i32 to vector<16xi32>
      %and3A_168 = arith.andi %add3A_166, %and3A_167 : vector<16xi32>
      %gather3A = arith.constant 0 : i32
      %gather3A_169 = arith.constant 0 : i32
      %gather3A_170 = tpu.memref_slice %arg8[%scan3A_119, %gather3A, %gather3A_169] : memref<2x80x64xi32, #tpu.memory_space<vmem>> -> memref<1x80x64xi32, #tpu.memory_space<vmem>>
      %gather3A_171 = tpu.memref_squeeze %gather3A_170 : memref<1x80x64xi32, #tpu.memory_space<vmem>> -> memref<80x64xi32, #tpu.memory_space<vmem>>
      %gather3A_172 = tpu.vector_load_idx %gather3A_171[%add3A_116, %and3A_168] : memref<80x64xi32, #tpu.memory_space<vmem>>[vector<16xi32>, vector<16xi32>], vector<16xi32>,
      %gather3A_173 = arith.constant 0 : i32
      %gather3A_174 = arith.constant 0 : i32
      %gather3A_175 = tpu.memref_slice %arg9[%scan3A_120, %gather3A_173, %gather3A_174] : memref<2x80x64xi32, #tpu.memory_space<vmem>> -> memref<1x80x64xi32, #tpu.memory_space<vmem>>
      %gather3A_176 = tpu.memref_squeeze %gather3A_175 : memref<1x80x64xi32, #tpu.memory_space<vmem>> -> memref<80x64xi32, #tpu.memory_space<vmem>>
      %gather3A_177 = tpu.vector_load_idx %gather3A_176[%add3A_116, %and3A_168] : memref<80x64xi32, #tpu.memory_space<vmem>>[vector<16xi32>, vector<16xi32>], vector<16xi32>,
      %bitcast3A = vector.bitcast %gather3A_172 : vector<16xi32> to vector<32xbf16>
      %bitcast3A_178 = vector.bitcast %gather3A_177 : vector<16xi32> to vector<32xbf16>
      %mul3A_179 = arith.mulf %bitcast3A, %bitcast3A_178 : vector<32xbf16>
      %mul3A_180 = arith.constant 8 : i32
      %mul3A_181 = arith.muli %scan3A_159, %mul3A_180 : i32
      %add3A_182 = arith.constant 1 : i32
      %add3A_183 = arith.addi %mul3A_181, %add3A_182 : i32
      %add3A_184 = vector.broadcast %add3A_183 : i32 to vector<16xi32>
      %add3A_185 = arith.addi %iota3A, %add3A_184 : vector<16xi32>
      %and3A_186 = arith.constant 63 : i32
      %and3A_187 = vector.broadcast %and3A_186 : i32 to vector<16xi32>
      %and3A_188 = arith.andi %add3A_185, %and3A_187 : vector<16xi32>
      %gather3A_189 = arith.constant 0 : i32
      %gather3A_190 = arith.constant 0 : i32
      %gather3A_191 = tpu.memref_slice %arg8[%scan3A_119, %gather3A_189, %gather3A_190] : memref<2x80x64xi32, #tpu.memory_space<vmem>> -> memref<1x80x64xi32, #tpu.memory_space<vmem>>
      %gather3A_192 = tpu.memref_squeeze %gather3A_191 : memref<1x80x64xi32, #tpu.memory_space<vmem>> -> memref<80x64xi32, #tpu.memory_space<vmem>>
      %gather3A_193 = tpu.vector_load_idx %gather3A_192[%add3A_116, %and3A_188] : memref<80x64xi32, #tpu.memory_space<vmem>>[vector<16xi32>, vector<16xi32>], vector<16xi32>,
      %gather3A_194 = arith.constant 0 : i32
      %gather3A_195 = arith.constant 0 : i32
      %gather3A_196 = tpu.memref_slice %arg9[%scan3A_120, %gather3A_194, %gather3A_195] : memref<2x80x64xi32, #tpu.memory_space<vmem>> -> memref<1x80x64xi32, #tpu.memory_space<vmem>>
      %gather3A_197 = tpu.memref_squeeze %gather3A_196 : memref<1x80x64xi32, #tpu.memory_space<vmem>> -> memref<80x64xi32, #tpu.memory_space<vmem>>
      %gather3A_198 = tpu.vector_load_idx %gather3A_197[%add3A_116, %and3A_188] : memref<80x64xi32, #tpu.memory_space<vmem>>[vector<16xi32>, vector<16xi32>], vector<16xi32>,
      %bitcast3A_199 = vector.bitcast %gather3A_193 : vector<16xi32> to vector<32xbf16>
      %bitcast3A_200 = vector.bitcast %gather3A_198 : vector<16xi32> to vector<32xbf16>
      %mul3A_201 = arith.mulf %bitcast3A_199, %bitcast3A_200 : vector<32xbf16>
      %add3A_202 = arith.addf %mul3A_179, %mul3A_201 : vector<32xbf16>
      %mul3A_203 = arith.constant 8 : i32
      %mul3A_204 = arith.muli %scan3A_159, %mul3A_203 : i32
      %add3A_205 = arith.constant 2 : i32
      %add3A_206 = arith.addi %mul3A_204, %add3A_205 : i32
      %add3A_207 = vector.broadcast %add3A_206 : i32 to vector<16xi32>
      %add3A_208 = arith.addi %iota3A, %add3A_207 : vector<16xi32>
      %and3A_209 = arith.constant 63 : i32
      %and3A_210 = vector.broadcast %and3A_209 : i32 to vector<16xi32>
      %and3A_211 = arith.andi %add3A_208, %and3A_210 : vector<16xi32>
      %gather3A_212 = arith.constant 0 : i32
      %gather3A_213 = arith.constant 0 : i32
      %gather3A_214 = tpu.memref_slice %arg8[%scan3A_119, %gather3A_212, %gather3A_213] : memref<2x80x64xi32, #tpu.memory_space<vmem>> -> memref<1x80x64xi32, #tpu.memory_space<vmem>>
      %gather3A_215 = tpu.memref_squeeze %gather3A_214 : memref<1x80x64xi32, #tpu.memory_space<vmem>> -> memref<80x64xi32, #tpu.memory_space<vmem>>
      %gather3A_216 = tpu.vector_load_idx %gather3A_215[%add3A_116, %and3A_211] : memref<80x64xi32, #tpu.memory_space<vmem>>[vector<16xi32>, vector<16xi32>], vector<16xi32>,
      %gather3A_217 = arith.constant 0 : i32
      %gather3A_218 = arith.constant 0 : i32
      %gather3A_219 = tpu.memref_slice %arg9[%scan3A_120, %gather3A_217, %gather3A_218] : memref<2x80x64xi32, #tpu.memory_space<vmem>> -> memref<1x80x64xi32, #tpu.memory_space<vmem>>
      %gather3A_220 = tpu.memref_squeeze %gather3A_219 : memref<1x80x64xi32, #tpu.memory_space<vmem>> -> memref<80x64xi32, #tpu.memory_space<vmem>>
      %gather3A_221 = tpu.vector_load_idx %gather3A_220[%add3A_116, %and3A_211] : memref<80x64xi32, #tpu.memory_space<vmem>>[vector<16xi32>, vector<16xi32>], vector<16xi32>,
      %bitcast3A_222 = vector.bitcast %gather3A_216 : vector<16xi32> to vector<32xbf16>
      %bitcast3A_223 = vector.bitcast %gather3A_221 : vector<16xi32> to vector<32xbf16>
      %mul3A_224 = arith.mulf %bitcast3A_222, %bitcast3A_223 : vector<32xbf16>
      %add3A_225 = arith.addf %add3A_202, %mul3A_224 : vector<32xbf16>
      %mul3A_226 = arith.constant 8 : i32
      %mul3A_227 = arith.muli %scan3A_159, %mul3A_226 : i32
      %add3A_228 = arith.constant 3 : i32
      %add3A_229 = arith.addi %mul3A_227, %add3A_228 : i32
      %add3A_230 = vector.broadcast %add3A_229 : i32 to vector<16xi32>
      %add3A_231 = arith.addi %iota3A, %add3A_230 : vector<16xi32>
      %and3A_232 = arith.constant 63 : i32
      %and3A_233 = vector.broadcast %and3A_232 : i32 to vector<16xi32>
      %and3A_234 = arith.andi %add3A_231, %and3A_233 : vector<16xi32>
      %gather3A_235 = arith.constant 0 : i32
      %gather3A_236 = arith.constant 0 : i32
      %gather3A_237 = tpu.memref_slice %arg8[%scan3A_119, %gather3A_235, %gather3A_236] : memref<2x80x64xi32, #tpu.memory_space<vmem>> -> memref<1x80x64xi32, #tpu.memory_space<vmem>>
      %gather3A_238 = tpu.memref_squeeze %gather3A_237 : memref<1x80x64xi32, #tpu.memory_space<vmem>> -> memref<80x64xi32, #tpu.memory_space<vmem>>
      %gather3A_239 = tpu.vector_load_idx %gather3A_238[%add3A_116, %and3A_234] : memref<80x64xi32, #tpu.memory_space<vmem>>[vector<16xi32>, vector<16xi32>], vector<16xi32>,
      %gather3A_240 = arith.constant 0 : i32
      %gather3A_241 = arith.constant 0 : i32
      %gather3A_242 = tpu.memref_slice %arg9[%scan3A_120, %gather3A_240, %gather3A_241] : memref<2x80x64xi32, #tpu.memory_space<vmem>> -> memref<1x80x64xi32, #tpu.memory_space<vmem>>
      %gather3A_243 = tpu.memref_squeeze %gather3A_242 : memref<1x80x64xi32, #tpu.memory_space<vmem>> -> memref<80x64xi32, #tpu.memory_space<vmem>>
      %gather3A_244 = tpu.vector_load_idx %gather3A_243[%add3A_116, %and3A_234] : memref<80x64xi32, #tpu.memory_space<vmem>>[vector<16xi32>, vector<16xi32>], vector<16xi32>,
      %bitcast3A_245 = vector.bitcast %gather3A_239 : vector<16xi32> to vector<32xbf16>
      %bitcast3A_246 = vector.bitcast %gather3A_244 : vector<16xi32> to vector<32xbf16>
      %mul3A_247 = arith.mulf %bitcast3A_245, %bitcast3A_246 : vector<32xbf16>
      %add3A_248 = arith.addf %add3A_225, %mul3A_247 : vector<32xbf16>
      %mul3A_249 = arith.constant 8 : i32
      %mul3A_250 = arith.muli %scan3A_159, %mul3A_249 : i32
      %add3A_251 = arith.constant 4 : i32
      %add3A_252 = arith.addi %mul3A_250, %add3A_251 : i32
      %add3A_253 = vector.broadcast %add3A_252 : i32 to vector<16xi32>
      %add3A_254 = arith.addi %iota3A, %add3A_253 : vector<16xi32>
      %and3A_255 = arith.constant 63 : i32
      %and3A_256 = vector.broadcast %and3A_255 : i32 to vector<16xi32>
      %and3A_257 = arith.andi %add3A_254, %and3A_256 : vector<16xi32>
      %gather3A_258 = arith.constant 0 : i32
      %gather3A_259 = arith.constant 0 : i32
      %gather3A_260 = tpu.memref_slice %arg8[%scan3A_119, %gather3A_258, %gather3A_259] : memref<2x80x64xi32, #tpu.memory_space<vmem>> -> memref<1x80x64xi32, #tpu.memory_space<vmem>>
      %gather3A_261 = tpu.memref_squeeze %gather3A_260 : memref<1x80x64xi32, #tpu.memory_space<vmem>> -> memref<80x64xi32, #tpu.memory_space<vmem>>
      %gather3A_262 = tpu.vector_load_idx %gather3A_261[%add3A_116, %and3A_257] : memref<80x64xi32, #tpu.memory_space<vmem>>[vector<16xi32>, vector<16xi32>], vector<16xi32>,
      %gather3A_263 = arith.constant 0 : i32
      %gather3A_264 = arith.constant 0 : i32
      %gather3A_265 = tpu.memref_slice %arg9[%scan3A_120, %gather3A_263, %gather3A_264] : memref<2x80x64xi32, #tpu.memory_space<vmem>> -> memref<1x80x64xi32, #tpu.memory_space<vmem>>
      %gather3A_266 = tpu.memref_squeeze %gather3A_265 : memref<1x80x64xi32, #tpu.memory_space<vmem>> -> memref<80x64xi32, #tpu.memory_space<vmem>>
      %gather3A_267 = tpu.vector_load_idx %gather3A_266[%add3A_116, %and3A_257] : memref<80x64xi32, #tpu.memory_space<vmem>>[vector<16xi32>, vector<16xi32>], vector<16xi32>,
      %bitcast3A_268 = vector.bitcast %gather3A_262 : vector<16xi32> to vector<32xbf16>
      %bitcast3A_269 = vector.bitcast %gather3A_267 : vector<16xi32> to vector<32xbf16>
      %mul3A_270 = arith.mulf %bitcast3A_268, %bitcast3A_269 : vector<32xbf16>
      %add3A_271 = arith.addf %add3A_248, %mul3A_270 : vector<32xbf16>
      %mul3A_272 = arith.constant 8 : i32
      %mul3A_273 = arith.muli %scan3A_159, %mul3A_272 : i32
      %add3A_274 = arith.constant 5 : i32
      %add3A_275 = arith.addi %mul3A_273, %add3A_274 : i32
      %add3A_276 = vector.broadcast %add3A_275 : i32 to vector<16xi32>
      %add3A_277 = arith.addi %iota3A, %add3A_276 : vector<16xi32>
      %and3A_278 = arith.constant 63 : i32
      %and3A_279 = vector.broadcast %and3A_278 : i32 to vector<16xi32>
      %and3A_280 = arith.andi %add3A_277, %and3A_279 : vector<16xi32>
      %gather3A_281 = arith.constant 0 : i32
      %gather3A_282 = arith.constant 0 : i32
      %gather3A_283 = tpu.memref_slice %arg8[%scan3A_119, %gather3A_281, %gather3A_282] : memref<2x80x64xi32, #tpu.memory_space<vmem>> -> memref<1x80x64xi32, #tpu.memory_space<vmem>>
      %gather3A_284 = tpu.memref_squeeze %gather3A_283 : memref<1x80x64xi32, #tpu.memory_space<vmem>> -> memref<80x64xi32, #tpu.memory_space<vmem>>
      %gather3A_285 = tpu.vector_load_idx %gather3A_284[%add3A_116, %and3A_280] : memref<80x64xi32, #tpu.memory_space<vmem>>[vector<16xi32>, vector<16xi32>], vector<16xi32>,
      %gather3A_286 = arith.constant 0 : i32
      %gather3A_287 = arith.constant 0 : i32
      %gather3A_288 = tpu.memref_slice %arg9[%scan3A_120, %gather3A_286, %gather3A_287] : memref<2x80x64xi32, #tpu.memory_space<vmem>> -> memref<1x80x64xi32, #tpu.memory_space<vmem>>
      %gather3A_289 = tpu.memref_squeeze %gather3A_288 : memref<1x80x64xi32, #tpu.memory_space<vmem>> -> memref<80x64xi32, #tpu.memory_space<vmem>>
      %gather3A_290 = tpu.vector_load_idx %gather3A_289[%add3A_116, %and3A_280] : memref<80x64xi32, #tpu.memory_space<vmem>>[vector<16xi32>, vector<16xi32>], vector<16xi32>,
      %bitcast3A_291 = vector.bitcast %gather3A_285 : vector<16xi32> to vector<32xbf16>
      %bitcast3A_292 = vector.bitcast %gather3A_290 : vector<16xi32> to vector<32xbf16>
      %mul3A_293 = arith.mulf %bitcast3A_291, %bitcast3A_292 : vector<32xbf16>
      %add3A_294 = arith.addf %add3A_271, %mul3A_293 : vector<32xbf16>
      %mul3A_295 = arith.constant 8 : i32
      %mul3A_296 = arith.muli %scan3A_159, %mul3A_295 : i32
      %add3A_297 = arith.constant 6 : i32
      %add3A_298 = arith.addi %mul3A_296, %add3A_297 : i32
      %add3A_299 = vector.broadcast %add3A_298 : i32 to vector<16xi32>
      %add3A_300 = arith.addi %iota3A, %add3A_299 : vector<16xi32>
      %and3A_301 = arith.constant 63 : i32
      %and3A_302 = vector.broadcast %and3A_301 : i32 to vector<16xi32>
      %and3A_303 = arith.andi %add3A_300, %and3A_302 : vector<16xi32>
      %gather3A_304 = arith.constant 0 : i32
      %gather3A_305 = arith.constant 0 : i32
      %gather3A_306 = tpu.memref_slice %arg8[%scan3A_119, %gather3A_304, %gather3A_305] : memref<2x80x64xi32, #tpu.memory_space<vmem>> -> memref<1x80x64xi32, #tpu.memory_space<vmem>>
      %gather3A_307 = tpu.memref_squeeze %gather3A_306 : memref<1x80x64xi32, #tpu.memory_space<vmem>> -> memref<80x64xi32, #tpu.memory_space<vmem>>
      %gather3A_308 = tpu.vector_load_idx %gather3A_307[%add3A_116, %and3A_303] : memref<80x64xi32, #tpu.memory_space<vmem>>[vector<16xi32>, vector<16xi32>], vector<16xi32>,
      %gather3A_309 = arith.constant 0 : i32
      %gather3A_310 = arith.constant 0 : i32
      %gather3A_311 = tpu.memref_slice %arg9[%scan3A_120, %gather3A_309, %gather3A_310] : memref<2x80x64xi32, #tpu.memory_space<vmem>> -> memref<1x80x64xi32, #tpu.memory_space<vmem>>
      %gather3A_312 = tpu.memref_squeeze %gather3A_311 : memref<1x80x64xi32, #tpu.memory_space<vmem>> -> memref<80x64xi32, #tpu.memory_space<vmem>>
      %gather3A_313 = tpu.vector_load_idx %gather3A_312[%add3A_116, %and3A_303] : memref<80x64xi32, #tpu.memory_space<vmem>>[vector<16xi32>, vector<16xi32>], vector<16xi32>,
      %bitcast3A_314 = vector.bitcast %gather3A_308 : vector<16xi32> to vector<32xbf16>
      %bitcast3A_315 = vector.bitcast %gather3A_313 : vector<16xi32> to vector<32xbf16>
      %mul3A_316 = arith.mulf %bitcast3A_314, %bitcast3A_315 : vector<32xbf16>
      %add3A_317 = arith.addf %add3A_294, %mul3A_316 : vector<32xbf16>
      %mul3A_318 = arith.constant 8 : i32
      %mul3A_319 = arith.muli %scan3A_159, %mul3A_318 : i32
      %add3A_320 = arith.constant 7 : i32
      %add3A_321 = arith.addi %mul3A_319, %add3A_320 : i32
      %add3A_322 = vector.broadcast %add3A_321 : i32 to vector<16xi32>
      %add3A_323 = arith.addi %iota3A, %add3A_322 : vector<16xi32>
      %and3A_324 = arith.constant 63 : i32
      %and3A_325 = vector.broadcast %and3A_324 : i32 to vector<16xi32>
      %and3A_326 = arith.andi %add3A_323, %and3A_325 : vector<16xi32>
      %gather3A_327 = arith.constant 0 : i32
      %gather3A_328 = arith.constant 0 : i32
      %gather3A_329 = tpu.memref_slice %arg8[%scan3A_119, %gather3A_327, %gather3A_328] : memref<2x80x64xi32, #tpu.memory_space<vmem>> -> memref<1x80x64xi32, #tpu.memory_space<vmem>>
      %gather3A_330 = tpu.memref_squeeze %gather3A_329 : memref<1x80x64xi32, #tpu.memory_space<vmem>> -> memref<80x64xi32, #tpu.memory_space<vmem>>
      %gather3A_331 = tpu.vector_load_idx %gather3A_330[%add3A_116, %and3A_326] : memref<80x64xi32, #tpu.memory_space<vmem>>[vector<16xi32>, vector<16xi32>], vector<16xi32>,
      %gather3A_332 = arith.constant 0 : i32
      %gather3A_333 = arith.constant 0 : i32
      %gather3A_334 = tpu.memref_slice %arg9[%scan3A_120, %gather3A_332, %gather3A_333] : memref<2x80x64xi32, #tpu.memory_space<vmem>> -> memref<1x80x64xi32, #tpu.memory_space<vmem>>
      %gather3A_335 = tpu.memref_squeeze %gather3A_334 : memref<1x80x64xi32, #tpu.memory_space<vmem>> -> memref<80x64xi32, #tpu.memory_space<vmem>>
      %gather3A_336 = tpu.vector_load_idx %gather3A_335[%add3A_116, %and3A_326] : memref<80x64xi32, #tpu.memory_space<vmem>>[vector<16xi32>, vector<16xi32>], vector<16xi32>,
      %bitcast3A_337 = vector.bitcast %gather3A_331 : vector<16xi32> to vector<32xbf16>
      %bitcast3A_338 = vector.bitcast %gather3A_336 : vector<16xi32> to vector<32xbf16>
      %mul3A_339 = arith.mulf %bitcast3A_337, %bitcast3A_338 : vector<32xbf16>
      %add3A_340 = arith.addf %add3A_317, %mul3A_339 : vector<32xbf16>
      %unpack3A = tpu.unpack_subelements %add3A_340, 0 {pack_format = #tpu.pack_format<interleaved>} : vector<32xbf16> -> vector<16xf32>
      %unpack3A_341 = tpu.unpack_subelements %add3A_340, 1 {pack_format = #tpu.pack_format<interleaved>} : vector<32xbf16> -> vector<16xf32>
      %add3A_342 = arith.addf %scan3A_160, %unpack3A : vector<16xf32>
      %add3A_343 = arith.addf %add3A_342, %unpack3A_341 : vector<16xf32>
      scf.yield %add3A_343 : vector<16xf32>
    }
    %scan3A_126 = arith.constant 8 : i32
    %swap3A_127 = arith.constant 9952 : index
    %swap3A_128 = tpu.vector_load %arg10[%swap3A_127] {strides = array<i32>} : memref<10000xf32, #tpu.memory_space<vmem>>, vector<16xf32>,
    tpu.vector_store %arg10[%swap3A_127], %scan3A_125 {strides = array<i32>} : memref<10000xf32, #tpu.memory_space<vmem>>, vector<16xf32>,
    %add3A_129 = arith.constant 48 : i32
    %add3A_130 = vector.broadcast %add3A_129 : i32 to vector<16xi32>
    %add3A_131 = arith.addi %add3A_130, %iota3A : vector<16xi32>
    %broadcast_in_dim3A_132 = arith.constant 0.000000e+00 : f32
    %broadcast_in_dim3A_133 = vector.broadcast %broadcast_in_dim3A_132 : f32 to vector<16xf32>
    %scan3A_134 = arith.constant 0 : i32
    %scan3A_135 = arith.constant 0 : i32
    %scan3A_136 = arith.constant 0 : i32
    %scan3A_137 = arith.constant 8 : i32
    %scan3A_138 = arith.addi %scan3A_136, %scan3A_137 : i32
    %scan3A_139 = arith.constant 1 : i32
    %scan3A_140 = scf.for %scan3A_159 = %scan3A_136 to %scan3A_138 step %scan3A_139 iter_args(%scan3A_160 = %broadcast_in_dim3A_133) -> (vector<16xf32>)  : i32 {
      %mul3A_161 = arith.constant 8 : i32
      %mul3A_162 = arith.muli %scan3A_159, %mul3A_161 : i32
      %add3A_163 = arith.constant 0 : i32
      %add3A_164 = arith.addi %mul3A_162, %add3A_163 : i32
      %add3A_165 = vector.broadcast %add3A_164 : i32 to vector<16xi32>
      %add3A_166 = arith.addi %iota3A, %add3A_165 : vector<16xi32>
      %and3A = arith.constant 63 : i32
      %and3A_167 = vector.broadcast %and3A : i32 to vector<16xi32>
      %and3A_168 = arith.andi %add3A_166, %and3A_167 : vector<16xi32>
      %gather3A = arith.constant 0 : i32
      %gather3A_169 = arith.constant 0 : i32
      %gather3A_170 = tpu.memref_slice %arg8[%scan3A_134, %gather3A, %gather3A_169] : memref<2x80x64xi32, #tpu.memory_space<vmem>> -> memref<1x80x64xi32, #tpu.memory_space<vmem>>
      %gather3A_171 = tpu.memref_squeeze %gather3A_170 : memref<1x80x64xi32, #tpu.memory_space<vmem>> -> memref<80x64xi32, #tpu.memory_space<vmem>>
      %gather3A_172 = tpu.vector_load_idx %gather3A_171[%add3A_131, %and3A_168] : memref<80x64xi32, #tpu.memory_space<vmem>>[vector<16xi32>, vector<16xi32>], vector<16xi32>,
      %gather3A_173 = arith.constant 0 : i32
      %gather3A_174 = arith.constant 0 : i32
      %gather3A_175 = tpu.memref_slice %arg9[%scan3A_135, %gather3A_173, %gather3A_174] : memref<2x80x64xi32, #tpu.memory_space<vmem>> -> memref<1x80x64xi32, #tpu.memory_space<vmem>>
      %gather3A_176 = tpu.memref_squeeze %gather3A_175 : memref<1x80x64xi32, #tpu.memory_space<vmem>> -> memref<80x64xi32, #tpu.memory_space<vmem>>
      %gather3A_177 = tpu.vector_load_idx %gather3A_176[%add3A_131, %and3A_168] : memref<80x64xi32, #tpu.memory_space<vmem>>[vector<16xi32>, vector<16xi32>], vector<16xi32>,
      %bitcast3A = vector.bitcast %gather3A_172 : vector<16xi32> to vector<32xbf16>
      %bitcast3A_178 = vector.bitcast %gather3A_177 : vector<16xi32> to vector<32xbf16>
      %mul3A_179 = arith.mulf %bitcast3A, %bitcast3A_178 : vector<32xbf16>
      %mul3A_180 = arith.constant 8 : i32
      %mul3A_181 = arith.muli %scan3A_159, %mul3A_180 : i32
      %add3A_182 = arith.constant 1 : i32
      %add3A_183 = arith.addi %mul3A_181, %add3A_182 : i32
      %add3A_184 = vector.broadcast %add3A_183 : i32 to vector<16xi32>
      %add3A_185 = arith.addi %iota3A, %add3A_184 : vector<16xi32>
      %and3A_186 = arith.constant 63 : i32
      %and3A_187 = vector.broadcast %and3A_186 : i32 to vector<16xi32>
      %and3A_188 = arith.andi %add3A_185, %and3A_187 : vector<16xi32>
      %gather3A_189 = arith.constant 0 : i32
      %gather3A_190 = arith.constant 0 : i32
      %gather3A_191 = tpu.memref_slice %arg8[%scan3A_134, %gather3A_189, %gather3A_190] : memref<2x80x64xi32, #tpu.memory_space<vmem>> -> memref<1x80x64xi32, #tpu.memory_space<vmem>>
      %gather3A_192 = tpu.memref_squeeze %gather3A_191 : memref<1x80x64xi32, #tpu.memory_space<vmem>> -> memref<80x64xi32, #tpu.memory_space<vmem>>
      %gather3A_193 = tpu.vector_load_idx %gather3A_192[%add3A_131, %and3A_188] : memref<80x64xi32, #tpu.memory_space<vmem>>[vector<16xi32>, vector<16xi32>], vector<16xi32>,
      %gather3A_194 = arith.constant 0 : i32
      %gather3A_195 = arith.constant 0 : i32
      %gather3A_196 = tpu.memref_slice %arg9[%scan3A_135, %gather3A_194, %gather3A_195] : memref<2x80x64xi32, #tpu.memory_space<vmem>> -> memref<1x80x64xi32, #tpu.memory_space<vmem>>
      %gather3A_197 = tpu.memref_squeeze %gather3A_196 : memref<1x80x64xi32, #tpu.memory_space<vmem>> -> memref<80x64xi32, #tpu.memory_space<vmem>>
      %gather3A_198 = tpu.vector_load_idx %gather3A_197[%add3A_131, %and3A_188] : memref<80x64xi32, #tpu.memory_space<vmem>>[vector<16xi32>, vector<16xi32>], vector<16xi32>,
      %bitcast3A_199 = vector.bitcast %gather3A_193 : vector<16xi32> to vector<32xbf16>
      %bitcast3A_200 = vector.bitcast %gather3A_198 : vector<16xi32> to vector<32xbf16>
      %mul3A_201 = arith.mulf %bitcast3A_199, %bitcast3A_200 : vector<32xbf16>
      %add3A_202 = arith.addf %mul3A_179, %mul3A_201 : vector<32xbf16>
      %mul3A_203 = arith.constant 8 : i32
      %mul3A_204 = arith.muli %scan3A_159, %mul3A_203 : i32
      %add3A_205 = arith.constant 2 : i32
      %add3A_206 = arith.addi %mul3A_204, %add3A_205 : i32
      %add3A_207 = vector.broadcast %add3A_206 : i32 to vector<16xi32>
      %add3A_208 = arith.addi %iota3A, %add3A_207 : vector<16xi32>
      %and3A_209 = arith.constant 63 : i32
      %and3A_210 = vector.broadcast %and3A_209 : i32 to vector<16xi32>
      %and3A_211 = arith.andi %add3A_208, %and3A_210 : vector<16xi32>
      %gather3A_212 = arith.constant 0 : i32
      %gather3A_213 = arith.constant 0 : i32
      %gather3A_214 = tpu.memref_slice %arg8[%scan3A_134, %gather3A_212, %gather3A_213] : memref<2x80x64xi32, #tpu.memory_space<vmem>> -> memref<1x80x64xi32, #tpu.memory_space<vmem>>
      %gather3A_215 = tpu.memref_squeeze %gather3A_214 : memref<1x80x64xi32, #tpu.memory_space<vmem>> -> memref<80x64xi32, #tpu.memory_space<vmem>>
      %gather3A_216 = tpu.vector_load_idx %gather3A_215[%add3A_131, %and3A_211] : memref<80x64xi32, #tpu.memory_space<vmem>>[vector<16xi32>, vector<16xi32>], vector<16xi32>,
      %gather3A_217 = arith.constant 0 : i32
      %gather3A_218 = arith.constant 0 : i32
      %gather3A_219 = tpu.memref_slice %arg9[%scan3A_135, %gather3A_217, %gather3A_218] : memref<2x80x64xi32, #tpu.memory_space<vmem>> -> memref<1x80x64xi32, #tpu.memory_space<vmem>>
      %gather3A_220 = tpu.memref_squeeze %gather3A_219 : memref<1x80x64xi32, #tpu.memory_space<vmem>> -> memref<80x64xi32, #tpu.memory_space<vmem>>
      %gather3A_221 = tpu.vector_load_idx %gather3A_220[%add3A_131, %and3A_211] : memref<80x64xi32, #tpu.memory_space<vmem>>[vector<16xi32>, vector<16xi32>], vector<16xi32>,
      %bitcast3A_222 = vector.bitcast %gather3A_216 : vector<16xi32> to vector<32xbf16>
      %bitcast3A_223 = vector.bitcast %gather3A_221 : vector<16xi32> to vector<32xbf16>
      %mul3A_224 = arith.mulf %bitcast3A_222, %bitcast3A_223 : vector<32xbf16>
      %add3A_225 = arith.addf %add3A_202, %mul3A_224 : vector<32xbf16>
      %mul3A_226 = arith.constant 8 : i32
      %mul3A_227 = arith.muli %scan3A_159, %mul3A_226 : i32
      %add3A_228 = arith.constant 3 : i32
      %add3A_229 = arith.addi %mul3A_227, %add3A_228 : i32
      %add3A_230 = vector.broadcast %add3A_229 : i32 to vector<16xi32>
      %add3A_231 = arith.addi %iota3A, %add3A_230 : vector<16xi32>
      %and3A_232 = arith.constant 63 : i32
      %and3A_233 = vector.broadcast %and3A_232 : i32 to vector<16xi32>
      %and3A_234 = arith.andi %add3A_231, %and3A_233 : vector<16xi32>
      %gather3A_235 = arith.constant 0 : i32
      %gather3A_236 = arith.constant 0 : i32
      %gather3A_237 = tpu.memref_slice %arg8[%scan3A_134, %gather3A_235, %gather3A_236] : memref<2x80x64xi32, #tpu.memory_space<vmem>> -> memref<1x80x64xi32, #tpu.memory_space<vmem>>
      %gather3A_238 = tpu.memref_squeeze %gather3A_237 : memref<1x80x64xi32, #tpu.memory_space<vmem>> -> memref<80x64xi32, #tpu.memory_space<vmem>>
      %gather3A_239 = tpu.vector_load_idx %gather3A_238[%add3A_131, %and3A_234] : memref<80x64xi32, #tpu.memory_space<vmem>>[vector<16xi32>, vector<16xi32>], vector<16xi32>,
      %gather3A_240 = arith.constant 0 : i32
      %gather3A_241 = arith.constant 0 : i32
      %gather3A_242 = tpu.memref_slice %arg9[%scan3A_135, %gather3A_240, %gather3A_241] : memref<2x80x64xi32, #tpu.memory_space<vmem>> -> memref<1x80x64xi32, #tpu.memory_space<vmem>>
      %gather3A_243 = tpu.memref_squeeze %gather3A_242 : memref<1x80x64xi32, #tpu.memory_space<vmem>> -> memref<80x64xi32, #tpu.memory_space<vmem>>
      %gather3A_244 = tpu.vector_load_idx %gather3A_243[%add3A_131, %and3A_234] : memref<80x64xi32, #tpu.memory_space<vmem>>[vector<16xi32>, vector<16xi32>], vector<16xi32>,
      %bitcast3A_245 = vector.bitcast %gather3A_239 : vector<16xi32> to vector<32xbf16>
      %bitcast3A_246 = vector.bitcast %gather3A_244 : vector<16xi32> to vector<32xbf16>
      %mul3A_247 = arith.mulf %bitcast3A_245, %bitcast3A_246 : vector<32xbf16>
      %add3A_248 = arith.addf %add3A_225, %mul3A_247 : vector<32xbf16>
      %mul3A_249 = arith.constant 8 : i32
      %mul3A_250 = arith.muli %scan3A_159, %mul3A_249 : i32
      %add3A_251 = arith.constant 4 : i32
      %add3A_252 = arith.addi %mul3A_250, %add3A_251 : i32
      %add3A_253 = vector.broadcast %add3A_252 : i32 to vector<16xi32>
      %add3A_254 = arith.addi %iota3A, %add3A_253 : vector<16xi32>
      %and3A_255 = arith.constant 63 : i32
      %and3A_256 = vector.broadcast %and3A_255 : i32 to vector<16xi32>
      %and3A_257 = arith.andi %add3A_254, %and3A_256 : vector<16xi32>
      %gather3A_258 = arith.constant 0 : i32
      %gather3A_259 = arith.constant 0 : i32
      %gather3A_260 = tpu.memref_slice %arg8[%scan3A_134, %gather3A_258, %gather3A_259] : memref<2x80x64xi32, #tpu.memory_space<vmem>> -> memref<1x80x64xi32, #tpu.memory_space<vmem>>
      %gather3A_261 = tpu.memref_squeeze %gather3A_260 : memref<1x80x64xi32, #tpu.memory_space<vmem>> -> memref<80x64xi32, #tpu.memory_space<vmem>>
      %gather3A_262 = tpu.vector_load_idx %gather3A_261[%add3A_131, %and3A_257] : memref<80x64xi32, #tpu.memory_space<vmem>>[vector<16xi32>, vector<16xi32>], vector<16xi32>,
      %gather3A_263 = arith.constant 0 : i32
      %gather3A_264 = arith.constant 0 : i32
      %gather3A_265 = tpu.memref_slice %arg9[%scan3A_135, %gather3A_263, %gather3A_264] : memref<2x80x64xi32, #tpu.memory_space<vmem>> -> memref<1x80x64xi32, #tpu.memory_space<vmem>>
      %gather3A_266 = tpu.memref_squeeze %gather3A_265 : memref<1x80x64xi32, #tpu.memory_space<vmem>> -> memref<80x64xi32, #tpu.memory_space<vmem>>
      %gather3A_267 = tpu.vector_load_idx %gather3A_266[%add3A_131, %and3A_257] : memref<80x64xi32, #tpu.memory_space<vmem>>[vector<16xi32>, vector<16xi32>], vector<16xi32>,
      %bitcast3A_268 = vector.bitcast %gather3A_262 : vector<16xi32> to vector<32xbf16>
      %bitcast3A_269 = vector.bitcast %gather3A_267 : vector<16xi32> to vector<32xbf16>
      %mul3A_270 = arith.mulf %bitcast3A_268, %bitcast3A_269 : vector<32xbf16>
      %add3A_271 = arith.addf %add3A_248, %mul3A_270 : vector<32xbf16>
      %mul3A_272 = arith.constant 8 : i32
      %mul3A_273 = arith.muli %scan3A_159, %mul3A_272 : i32
      %add3A_274 = arith.constant 5 : i32
      %add3A_275 = arith.addi %mul3A_273, %add3A_274 : i32
      %add3A_276 = vector.broadcast %add3A_275 : i32 to vector<16xi32>
      %add3A_277 = arith.addi %iota3A, %add3A_276 : vector<16xi32>
      %and3A_278 = arith.constant 63 : i32
      %and3A_279 = vector.broadcast %and3A_278 : i32 to vector<16xi32>
      %and3A_280 = arith.andi %add3A_277, %and3A_279 : vector<16xi32>
      %gather3A_281 = arith.constant 0 : i32
      %gather3A_282 = arith.constant 0 : i32
      %gather3A_283 = tpu.memref_slice %arg8[%scan3A_134, %gather3A_281, %gather3A_282] : memref<2x80x64xi32, #tpu.memory_space<vmem>> -> memref<1x80x64xi32, #tpu.memory_space<vmem>>
      %gather3A_284 = tpu.memref_squeeze %gather3A_283 : memref<1x80x64xi32, #tpu.memory_space<vmem>> -> memref<80x64xi32, #tpu.memory_space<vmem>>
      %gather3A_285 = tpu.vector_load_idx %gather3A_284[%add3A_131, %and3A_280] : memref<80x64xi32, #tpu.memory_space<vmem>>[vector<16xi32>, vector<16xi32>], vector<16xi32>,
      %gather3A_286 = arith.constant 0 : i32
      %gather3A_287 = arith.constant 0 : i32
      %gather3A_288 = tpu.memref_slice %arg9[%scan3A_135, %gather3A_286, %gather3A_287] : memref<2x80x64xi32, #tpu.memory_space<vmem>> -> memref<1x80x64xi32, #tpu.memory_space<vmem>>
      %gather3A_289 = tpu.memref_squeeze %gather3A_288 : memref<1x80x64xi32, #tpu.memory_space<vmem>> -> memref<80x64xi32, #tpu.memory_space<vmem>>
      %gather3A_290 = tpu.vector_load_idx %gather3A_289[%add3A_131, %and3A_280] : memref<80x64xi32, #tpu.memory_space<vmem>>[vector<16xi32>, vector<16xi32>], vector<16xi32>,
      %bitcast3A_291 = vector.bitcast %gather3A_285 : vector<16xi32> to vector<32xbf16>
      %bitcast3A_292 = vector.bitcast %gather3A_290 : vector<16xi32> to vector<32xbf16>
      %mul3A_293 = arith.mulf %bitcast3A_291, %bitcast3A_292 : vector<32xbf16>
      %add3A_294 = arith.addf %add3A_271, %mul3A_293 : vector<32xbf16>
      %mul3A_295 = arith.constant 8 : i32
      %mul3A_296 = arith.muli %scan3A_159, %mul3A_295 : i32
      %add3A_297 = arith.constant 6 : i32
      %add3A_298 = arith.addi %mul3A_296, %add3A_297 : i32
      %add3A_299 = vector.broadcast %add3A_298 : i32 to vector<16xi32>
      %add3A_300 = arith.addi %iota3A, %add3A_299 : vector<16xi32>
      %and3A_301 = arith.constant 63 : i32
      %and3A_302 = vector.broadcast %and3A_301 : i32 to vector<16xi32>
      %and3A_303 = arith.andi %add3A_300, %and3A_302 : vector<16xi32>
      %gather3A_304 = arith.constant 0 : i32
      %gather3A_305 = arith.constant 0 : i32
      %gather3A_306 = tpu.memref_slice %arg8[%scan3A_134, %gather3A_304, %gather3A_305] : memref<2x80x64xi32, #tpu.memory_space<vmem>> -> memref<1x80x64xi32, #tpu.memory_space<vmem>>
      %gather3A_307 = tpu.memref_squeeze %gather3A_306 : memref<1x80x64xi32, #tpu.memory_space<vmem>> -> memref<80x64xi32, #tpu.memory_space<vmem>>
      %gather3A_308 = tpu.vector_load_idx %gather3A_307[%add3A_131, %and3A_303] : memref<80x64xi32, #tpu.memory_space<vmem>>[vector<16xi32>, vector<16xi32>], vector<16xi32>,
      %gather3A_309 = arith.constant 0 : i32
      %gather3A_310 = arith.constant 0 : i32
      %gather3A_311 = tpu.memref_slice %arg9[%scan3A_135, %gather3A_309, %gather3A_310] : memref<2x80x64xi32, #tpu.memory_space<vmem>> -> memref<1x80x64xi32, #tpu.memory_space<vmem>>
      %gather3A_312 = tpu.memref_squeeze %gather3A_311 : memref<1x80x64xi32, #tpu.memory_space<vmem>> -> memref<80x64xi32, #tpu.memory_space<vmem>>
      %gather3A_313 = tpu.vector_load_idx %gather3A_312[%add3A_131, %and3A_303] : memref<80x64xi32, #tpu.memory_space<vmem>>[vector<16xi32>, vector<16xi32>], vector<16xi32>,
      %bitcast3A_314 = vector.bitcast %gather3A_308 : vector<16xi32> to vector<32xbf16>
      %bitcast3A_315 = vector.bitcast %gather3A_313 : vector<16xi32> to vector<32xbf16>
      %mul3A_316 = arith.mulf %bitcast3A_314, %bitcast3A_315 : vector<32xbf16>
      %add3A_317 = arith.addf %add3A_294, %mul3A_316 : vector<32xbf16>
      %mul3A_318 = arith.constant 8 : i32
      %mul3A_319 = arith.muli %scan3A_159, %mul3A_318 : i32
      %add3A_320 = arith.constant 7 : i32
      %add3A_321 = arith.addi %mul3A_319, %add3A_320 : i32
      %add3A_322 = vector.broadcast %add3A_321 : i32 to vector<16xi32>
      %add3A_323 = arith.addi %iota3A, %add3A_322 : vector<16xi32>
      %and3A_324 = arith.constant 63 : i32
      %and3A_325 = vector.broadcast %and3A_324 : i32 to vector<16xi32>
      %and3A_326 = arith.andi %add3A_323, %and3A_325 : vector<16xi32>
      %gather3A_327 = arith.constant 0 : i32
      %gather3A_328 = arith.constant 0 : i32
      %gather3A_329 = tpu.memref_slice %arg8[%scan3A_134, %gather3A_327, %gather3A_328] : memref<2x80x64xi32, #tpu.memory_space<vmem>> -> memref<1x80x64xi32, #tpu.memory_space<vmem>>
      %gather3A_330 = tpu.memref_squeeze %gather3A_329 : memref<1x80x64xi32, #tpu.memory_space<vmem>> -> memref<80x64xi32, #tpu.memory_space<vmem>>
      %gather3A_331 = tpu.vector_load_idx %gather3A_330[%add3A_131, %and3A_326] : memref<80x64xi32, #tpu.memory_space<vmem>>[vector<16xi32>, vector<16xi32>], vector<16xi32>,
      %gather3A_332 = arith.constant 0 : i32
      %gather3A_333 = arith.constant 0 : i32
      %gather3A_334 = tpu.memref_slice %arg9[%scan3A_135, %gather3A_332, %gather3A_333] : memref<2x80x64xi32, #tpu.memory_space<vmem>> -> memref<1x80x64xi32, #tpu.memory_space<vmem>>
      %gather3A_335 = tpu.memref_squeeze %gather3A_334 : memref<1x80x64xi32, #tpu.memory_space<vmem>> -> memref<80x64xi32, #tpu.memory_space<vmem>>
      %gather3A_336 = tpu.vector_load_idx %gather3A_335[%add3A_131, %and3A_326] : memref<80x64xi32, #tpu.memory_space<vmem>>[vector<16xi32>, vector<16xi32>], vector<16xi32>,
      %bitcast3A_337 = vector.bitcast %gather3A_331 : vector<16xi32> to vector<32xbf16>
      %bitcast3A_338 = vector.bitcast %gather3A_336 : vector<16xi32> to vector<32xbf16>
      %mul3A_339 = arith.mulf %bitcast3A_337, %bitcast3A_338 : vector<32xbf16>
      %add3A_340 = arith.addf %add3A_317, %mul3A_339 : vector<32xbf16>
      %unpack3A = tpu.unpack_subelements %add3A_340, 0 {pack_format = #tpu.pack_format<interleaved>} : vector<32xbf16> -> vector<16xf32>
      %unpack3A_341 = tpu.unpack_subelements %add3A_340, 1 {pack_format = #tpu.pack_format<interleaved>} : vector<32xbf16> -> vector<16xf32>
      %add3A_342 = arith.addf %scan3A_160, %unpack3A : vector<16xf32>
      %add3A_343 = arith.addf %add3A_342, %unpack3A_341 : vector<16xf32>
      scf.yield %add3A_343 : vector<16xf32>
    }
    %scan3A_141 = arith.constant 8 : i32
    %swap3A_142 = arith.constant 9968 : index
    %swap3A_143 = tpu.vector_load %arg10[%swap3A_142] {strides = array<i32>} : memref<10000xf32, #tpu.memory_space<vmem>>, vector<16xf32>,
    tpu.vector_store %arg10[%swap3A_142], %scan3A_140 {strides = array<i32>} : memref<10000xf32, #tpu.memory_space<vmem>>, vector<16xf32>,
    %add3A_144 = arith.constant 64 : i32
    %add3A_145 = vector.broadcast %add3A_144 : i32 to vector<16xi32>
    %add3A_146 = arith.addi %add3A_145, %iota3A : vector<16xi32>
    %broadcast_in_dim3A_147 = arith.constant 0.000000e+00 : f32
    %broadcast_in_dim3A_148 = vector.broadcast %broadcast_in_dim3A_147 : f32 to vector<16xf32>
    %scan3A_149 = arith.constant 0 : i32
    %scan3A_150 = arith.constant 0 : i32
    %scan3A_151 = arith.constant 0 : i32
    %scan3A_152 = arith.constant 8 : i32
    %scan3A_153 = arith.addi %scan3A_151, %scan3A_152 : i32
    %scan3A_154 = arith.constant 1 : i32
    %scan3A_155 = scf.for %scan3A_159 = %scan3A_151 to %scan3A_153 step %scan3A_154 iter_args(%scan3A_160 = %broadcast_in_dim3A_148) -> (vector<16xf32>)  : i32 {
      %mul3A_161 = arith.constant 8 : i32
      %mul3A_162 = arith.muli %scan3A_159, %mul3A_161 : i32
      %add3A_163 = arith.constant 0 : i32
      %add3A_164 = arith.addi %mul3A_162, %add3A_163 : i32
      %add3A_165 = vector.broadcast %add3A_164 : i32 to vector<16xi32>
      %add3A_166 = arith.addi %iota3A, %add3A_165 : vector<16xi32>
      %and3A = arith.constant 63 : i32
      %and3A_167 = vector.broadcast %and3A : i32 to vector<16xi32>
      %and3A_168 = arith.andi %add3A_166, %and3A_167 : vector<16xi32>
      %gather3A = arith.constant 0 : i32
      %gather3A_169 = arith.constant 0 : i32
      %gather3A_170 = tpu.memref_slice %arg8[%scan3A_149, %gather3A, %gather3A_169] : memref<2x80x64xi32, #tpu.memory_space<vmem>> -> memref<1x80x64xi32, #tpu.memory_space<vmem>>
      %gather3A_171 = tpu.memref_squeeze %gather3A_170 : memref<1x80x64xi32, #tpu.memory_space<vmem>> -> memref<80x64xi32, #tpu.memory_space<vmem>>
      %gather3A_172 = tpu.vector_load_idx %gather3A_171[%add3A_146, %and3A_168] : memref<80x64xi32, #tpu.memory_space<vmem>>[vector<16xi32>, vector<16xi32>], vector<16xi32>,
      %gather3A_173 = arith.constant 0 : i32
      %gather3A_174 = arith.constant 0 : i32
      %gather3A_175 = tpu.memref_slice %arg9[%scan3A_150, %gather3A_173, %gather3A_174] : memref<2x80x64xi32, #tpu.memory_space<vmem>> -> memref<1x80x64xi32, #tpu.memory_space<vmem>>
      %gather3A_176 = tpu.memref_squeeze %gather3A_175 : memref<1x80x64xi32, #tpu.memory_space<vmem>> -> memref<80x64xi32, #tpu.memory_space<vmem>>
      %gather3A_177 = tpu.vector_load_idx %gather3A_176[%add3A_146, %and3A_168] : memref<80x64xi32, #tpu.memory_space<vmem>>[vector<16xi32>, vector<16xi32>], vector<16xi32>,
      %bitcast3A = vector.bitcast %gather3A_172 : vector<16xi32> to vector<32xbf16>
      %bitcast3A_178 = vector.bitcast %gather3A_177 : vector<16xi32> to vector<32xbf16>
      %mul3A_179 = arith.mulf %bitcast3A, %bitcast3A_178 : vector<32xbf16>
      %mul3A_180 = arith.constant 8 : i32
      %mul3A_181 = arith.muli %scan3A_159, %mul3A_180 : i32
      %add3A_182 = arith.constant 1 : i32
      %add3A_183 = arith.addi %mul3A_181, %add3A_182 : i32
      %add3A_184 = vector.broadcast %add3A_183 : i32 to vector<16xi32>
      %add3A_185 = arith.addi %iota3A, %add3A_184 : vector<16xi32>
      %and3A_186 = arith.constant 63 : i32
      %and3A_187 = vector.broadcast %and3A_186 : i32 to vector<16xi32>
      %and3A_188 = arith.andi %add3A_185, %and3A_187 : vector<16xi32>
      %gather3A_189 = arith.constant 0 : i32
      %gather3A_190 = arith.constant 0 : i32
      %gather3A_191 = tpu.memref_slice %arg8[%scan3A_149, %gather3A_189, %gather3A_190] : memref<2x80x64xi32, #tpu.memory_space<vmem>> -> memref<1x80x64xi32, #tpu.memory_space<vmem>>
      %gather3A_192 = tpu.memref_squeeze %gather3A_191 : memref<1x80x64xi32, #tpu.memory_space<vmem>> -> memref<80x64xi32, #tpu.memory_space<vmem>>
      %gather3A_193 = tpu.vector_load_idx %gather3A_192[%add3A_146, %and3A_188] : memref<80x64xi32, #tpu.memory_space<vmem>>[vector<16xi32>, vector<16xi32>], vector<16xi32>,
      %gather3A_194 = arith.constant 0 : i32
      %gather3A_195 = arith.constant 0 : i32
      %gather3A_196 = tpu.memref_slice %arg9[%scan3A_150, %gather3A_194, %gather3A_195] : memref<2x80x64xi32, #tpu.memory_space<vmem>> -> memref<1x80x64xi32, #tpu.memory_space<vmem>>
      %gather3A_197 = tpu.memref_squeeze %gather3A_196 : memref<1x80x64xi32, #tpu.memory_space<vmem>> -> memref<80x64xi32, #tpu.memory_space<vmem>>
      %gather3A_198 = tpu.vector_load_idx %gather3A_197[%add3A_146, %and3A_188] : memref<80x64xi32, #tpu.memory_space<vmem>>[vector<16xi32>, vector<16xi32>], vector<16xi32>,
      %bitcast3A_199 = vector.bitcast %gather3A_193 : vector<16xi32> to vector<32xbf16>
      %bitcast3A_200 = vector.bitcast %gather3A_198 : vector<16xi32> to vector<32xbf16>
      %mul3A_201 = arith.mulf %bitcast3A_199, %bitcast3A_200 : vector<32xbf16>
      %add3A_202 = arith.addf %mul3A_179, %mul3A_201 : vector<32xbf16>
      %mul3A_203 = arith.constant 8 : i32
      %mul3A_204 = arith.muli %scan3A_159, %mul3A_203 : i32
      %add3A_205 = arith.constant 2 : i32
      %add3A_206 = arith.addi %mul3A_204, %add3A_205 : i32
      %add3A_207 = vector.broadcast %add3A_206 : i32 to vector<16xi32>
      %add3A_208 = arith.addi %iota3A, %add3A_207 : vector<16xi32>
      %and3A_209 = arith.constant 63 : i32
      %and3A_210 = vector.broadcast %and3A_209 : i32 to vector<16xi32>
      %and3A_211 = arith.andi %add3A_208, %and3A_210 : vector<16xi32>
      %gather3A_212 = arith.constant 0 : i32
      %gather3A_213 = arith.constant 0 : i32
      %gather3A_214 = tpu.memref_slice %arg8[%scan3A_149, %gather3A_212, %gather3A_213] : memref<2x80x64xi32, #tpu.memory_space<vmem>> -> memref<1x80x64xi32, #tpu.memory_space<vmem>>
      %gather3A_215 = tpu.memref_squeeze %gather3A_214 : memref<1x80x64xi32, #tpu.memory_space<vmem>> -> memref<80x64xi32, #tpu.memory_space<vmem>>
      %gather3A_216 = tpu.vector_load_idx %gather3A_215[%add3A_146, %and3A_211] : memref<80x64xi32, #tpu.memory_space<vmem>>[vector<16xi32>, vector<16xi32>], vector<16xi32>,
      %gather3A_217 = arith.constant 0 : i32
      %gather3A_218 = arith.constant 0 : i32
      %gather3A_219 = tpu.memref_slice %arg9[%scan3A_150, %gather3A_217, %gather3A_218] : memref<2x80x64xi32, #tpu.memory_space<vmem>> -> memref<1x80x64xi32, #tpu.memory_space<vmem>>
      %gather3A_220 = tpu.memref_squeeze %gather3A_219 : memref<1x80x64xi32, #tpu.memory_space<vmem>> -> memref<80x64xi32, #tpu.memory_space<vmem>>
      %gather3A_221 = tpu.vector_load_idx %gather3A_220[%add3A_146, %and3A_211] : memref<80x64xi32, #tpu.memory_space<vmem>>[vector<16xi32>, vector<16xi32>], vector<16xi32>,
      %bitcast3A_222 = vector.bitcast %gather3A_216 : vector<16xi32> to vector<32xbf16>
      %bitcast3A_223 = vector.bitcast %gather3A_221 : vector<16xi32> to vector<32xbf16>
      %mul3A_224 = arith.mulf %bitcast3A_222, %bitcast3A_223 : vector<32xbf16>
      %add3A_225 = arith.addf %add3A_202, %mul3A_224 : vector<32xbf16>
      %mul3A_226 = arith.constant 8 : i32
      %mul3A_227 = arith.muli %scan3A_159, %mul3A_226 : i32
      %add3A_228 = arith.constant 3 : i32
      %add3A_229 = arith.addi %mul3A_227, %add3A_228 : i32
      %add3A_230 = vector.broadcast %add3A_229 : i32 to vector<16xi32>
      %add3A_231 = arith.addi %iota3A, %add3A_230 : vector<16xi32>
      %and3A_232 = arith.constant 63 : i32
      %and3A_233 = vector.broadcast %and3A_232 : i32 to vector<16xi32>
      %and3A_234 = arith.andi %add3A_231, %and3A_233 : vector<16xi32>
      %gather3A_235 = arith.constant 0 : i32
      %gather3A_236 = arith.constant 0 : i32
      %gather3A_237 = tpu.memref_slice %arg8[%scan3A_149, %gather3A_235, %gather3A_236] : memref<2x80x64xi32, #tpu.memory_space<vmem>> -> memref<1x80x64xi32, #tpu.memory_space<vmem>>
      %gather3A_238 = tpu.memref_squeeze %gather3A_237 : memref<1x80x64xi32, #tpu.memory_space<vmem>> -> memref<80x64xi32, #tpu.memory_space<vmem>>
      %gather3A_239 = tpu.vector_load_idx %gather3A_238[%add3A_146, %and3A_234] : memref<80x64xi32, #tpu.memory_space<vmem>>[vector<16xi32>, vector<16xi32>], vector<16xi32>,
      %gather3A_240 = arith.constant 0 : i32
      %gather3A_241 = arith.constant 0 : i32
      %gather3A_242 = tpu.memref_slice %arg9[%scan3A_150, %gather3A_240, %gather3A_241] : memref<2x80x64xi32, #tpu.memory_space<vmem>> -> memref<1x80x64xi32, #tpu.memory_space<vmem>>
      %gather3A_243 = tpu.memref_squeeze %gather3A_242 : memref<1x80x64xi32, #tpu.memory_space<vmem>> -> memref<80x64xi32, #tpu.memory_space<vmem>>
      %gather3A_244 = tpu.vector_load_idx %gather3A_243[%add3A_146, %and3A_234] : memref<80x64xi32, #tpu.memory_space<vmem>>[vector<16xi32>, vector<16xi32>], vector<16xi32>,
      %bitcast3A_245 = vector.bitcast %gather3A_239 : vector<16xi32> to vector<32xbf16>
      %bitcast3A_246 = vector.bitcast %gather3A_244 : vector<16xi32> to vector<32xbf16>
      %mul3A_247 = arith.mulf %bitcast3A_245, %bitcast3A_246 : vector<32xbf16>
      %add3A_248 = arith.addf %add3A_225, %mul3A_247 : vector<32xbf16>
      %mul3A_249 = arith.constant 8 : i32
      %mul3A_250 = arith.muli %scan3A_159, %mul3A_249 : i32
      %add3A_251 = arith.constant 4 : i32
      %add3A_252 = arith.addi %mul3A_250, %add3A_251 : i32
      %add3A_253 = vector.broadcast %add3A_252 : i32 to vector<16xi32>
      %add3A_254 = arith.addi %iota3A, %add3A_253 : vector<16xi32>
      %and3A_255 = arith.constant 63 : i32
      %and3A_256 = vector.broadcast %and3A_255 : i32 to vector<16xi32>
      %and3A_257 = arith.andi %add3A_254, %and3A_256 : vector<16xi32>
      %gather3A_258 = arith.constant 0 : i32
      %gather3A_259 = arith.constant 0 : i32
      %gather3A_260 = tpu.memref_slice %arg8[%scan3A_149, %gather3A_258, %gather3A_259] : memref<2x80x64xi32, #tpu.memory_space<vmem>> -> memref<1x80x64xi32, #tpu.memory_space<vmem>>
      %gather3A_261 = tpu.memref_squeeze %gather3A_260 : memref<1x80x64xi32, #tpu.memory_space<vmem>> -> memref<80x64xi32, #tpu.memory_space<vmem>>
      %gather3A_262 = tpu.vector_load_idx %gather3A_261[%add3A_146, %and3A_257] : memref<80x64xi32, #tpu.memory_space<vmem>>[vector<16xi32>, vector<16xi32>], vector<16xi32>,
      %gather3A_263 = arith.constant 0 : i32
      %gather3A_264 = arith.constant 0 : i32
      %gather3A_265 = tpu.memref_slice %arg9[%scan3A_150, %gather3A_263, %gather3A_264] : memref<2x80x64xi32, #tpu.memory_space<vmem>> -> memref<1x80x64xi32, #tpu.memory_space<vmem>>
      %gather3A_266 = tpu.memref_squeeze %gather3A_265 : memref<1x80x64xi32, #tpu.memory_space<vmem>> -> memref<80x64xi32, #tpu.memory_space<vmem>>
      %gather3A_267 = tpu.vector_load_idx %gather3A_266[%add3A_146, %and3A_257] : memref<80x64xi32, #tpu.memory_space<vmem>>[vector<16xi32>, vector<16xi32>], vector<16xi32>,
      %bitcast3A_268 = vector.bitcast %gather3A_262 : vector<16xi32> to vector<32xbf16>
      %bitcast3A_269 = vector.bitcast %gather3A_267 : vector<16xi32> to vector<32xbf16>
      %mul3A_270 = arith.mulf %bitcast3A_268, %bitcast3A_269 : vector<32xbf16>
      %add3A_271 = arith.addf %add3A_248, %mul3A_270 : vector<32xbf16>
      %mul3A_272 = arith.constant 8 : i32
      %mul3A_273 = arith.muli %scan3A_159, %mul3A_272 : i32
      %add3A_274 = arith.constant 5 : i32
      %add3A_275 = arith.addi %mul3A_273, %add3A_274 : i32
      %add3A_276 = vector.broadcast %add3A_275 : i32 to vector<16xi32>
      %add3A_277 = arith.addi %iota3A, %add3A_276 : vector<16xi32>
      %and3A_278 = arith.constant 63 : i32
      %and3A_279 = vector.broadcast %and3A_278 : i32 to vector<16xi32>
      %and3A_280 = arith.andi %add3A_277, %and3A_279 : vector<16xi32>
      %gather3A_281 = arith.constant 0 : i32
      %gather3A_282 = arith.constant 0 : i32
      %gather3A_283 = tpu.memref_slice %arg8[%scan3A_149, %gather3A_281, %gather3A_282] : memref<2x80x64xi32, #tpu.memory_space<vmem>> -> memref<1x80x64xi32, #tpu.memory_space<vmem>>
      %gather3A_284 = tpu.memref_squeeze %gather3A_283 : memref<1x80x64xi32, #tpu.memory_space<vmem>> -> memref<80x64xi32, #tpu.memory_space<vmem>>
      %gather3A_285 = tpu.vector_load_idx %gather3A_284[%add3A_146, %and3A_280] : memref<80x64xi32, #tpu.memory_space<vmem>>[vector<16xi32>, vector<16xi32>], vector<16xi32>,
      %gather3A_286 = arith.constant 0 : i32
      %gather3A_287 = arith.constant 0 : i32
      %gather3A_288 = tpu.memref_slice %arg9[%scan3A_150, %gather3A_286, %gather3A_287] : memref<2x80x64xi32, #tpu.memory_space<vmem>> -> memref<1x80x64xi32, #tpu.memory_space<vmem>>
      %gather3A_289 = tpu.memref_squeeze %gather3A_288 : memref<1x80x64xi32, #tpu.memory_space<vmem>> -> memref<80x64xi32, #tpu.memory_space<vmem>>
      %gather3A_290 = tpu.vector_load_idx %gather3A_289[%add3A_146, %and3A_280] : memref<80x64xi32, #tpu.memory_space<vmem>>[vector<16xi32>, vector<16xi32>], vector<16xi32>,
      %bitcast3A_291 = vector.bitcast %gather3A_285 : vector<16xi32> to vector<32xbf16>
      %bitcast3A_292 = vector.bitcast %gather3A_290 : vector<16xi32> to vector<32xbf16>
      %mul3A_293 = arith.mulf %bitcast3A_291, %bitcast3A_292 : vector<32xbf16>
      %add3A_294 = arith.addf %add3A_271, %mul3A_293 : vector<32xbf16>
      %mul3A_295 = arith.constant 8 : i32
      %mul3A_296 = arith.muli %scan3A_159, %mul3A_295 : i32
      %add3A_297 = arith.constant 6 : i32
      %add3A_298 = arith.addi %mul3A_296, %add3A_297 : i32
      %add3A_299 = vector.broadcast %add3A_298 : i32 to vector<16xi32>
      %add3A_300 = arith.addi %iota3A, %add3A_299 : vector<16xi32>
      %and3A_301 = arith.constant 63 : i32
      %and3A_302 = vector.broadcast %and3A_301 : i32 to vector<16xi32>
      %and3A_303 = arith.andi %add3A_300, %and3A_302 : vector<16xi32>
      %gather3A_304 = arith.constant 0 : i32
      %gather3A_305 = arith.constant 0 : i32
      %gather3A_306 = tpu.memref_slice %arg8[%scan3A_149, %gather3A_304, %gather3A_305] : memref<2x80x64xi32, #tpu.memory_space<vmem>> -> memref<1x80x64xi32, #tpu.memory_space<vmem>>
      %gather3A_307 = tpu.memref_squeeze %gather3A_306 : memref<1x80x64xi32, #tpu.memory_space<vmem>> -> memref<80x64xi32, #tpu.memory_space<vmem>>
      %gather3A_308 = tpu.vector_load_idx %gather3A_307[%add3A_146, %and3A_303] : memref<80x64xi32, #tpu.memory_space<vmem>>[vector<16xi32>, vector<16xi32>], vector<16xi32>,
      %gather3A_309 = arith.constant 0 : i32
      %gather3A_310 = arith.constant 0 : i32
      %gather3A_311 = tpu.memref_slice %arg9[%scan3A_150, %gather3A_309, %gather3A_310] : memref<2x80x64xi32, #tpu.memory_space<vmem>> -> memref<1x80x64xi32, #tpu.memory_space<vmem>>
      %gather3A_312 = tpu.memref_squeeze %gather3A_311 : memref<1x80x64xi32, #tpu.memory_space<vmem>> -> memref<80x64xi32, #tpu.memory_space<vmem>>
      %gather3A_313 = tpu.vector_load_idx %gather3A_312[%add3A_146, %and3A_303] : memref<80x64xi32, #tpu.memory_space<vmem>>[vector<16xi32>, vector<16xi32>], vector<16xi32>,
      %bitcast3A_314 = vector.bitcast %gather3A_308 : vector<16xi32> to vector<32xbf16>
      %bitcast3A_315 = vector.bitcast %gather3A_313 : vector<16xi32> to vector<32xbf16>
      %mul3A_316 = arith.mulf %bitcast3A_314, %bitcast3A_315 : vector<32xbf16>
      %add3A_317 = arith.addf %add3A_294, %mul3A_316 : vector<32xbf16>
      %mul3A_318 = arith.constant 8 : i32
      %mul3A_319 = arith.muli %scan3A_159, %mul3A_318 : i32
      %add3A_320 = arith.constant 7 : i32
      %add3A_321 = arith.addi %mul3A_319, %add3A_320 : i32
      %add3A_322 = vector.broadcast %add3A_321 : i32 to vector<16xi32>
      %add3A_323 = arith.addi %iota3A, %add3A_322 : vector<16xi32>
      %and3A_324 = arith.constant 63 : i32
      %and3A_325 = vector.broadcast %and3A_324 : i32 to vector<16xi32>
      %and3A_326 = arith.andi %add3A_323, %and3A_325 : vector<16xi32>
      %gather3A_327 = arith.constant 0 : i32
      %gather3A_328 = arith.constant 0 : i32
      %gather3A_329 = tpu.memref_slice %arg8[%scan3A_149, %gather3A_327, %gather3A_328] : memref<2x80x64xi32, #tpu.memory_space<vmem>> -> memref<1x80x64xi32, #tpu.memory_space<vmem>>
      %gather3A_330 = tpu.memref_squeeze %gather3A_329 : memref<1x80x64xi32, #tpu.memory_space<vmem>> -> memref<80x64xi32, #tpu.memory_space<vmem>>
      %gather3A_331 = tpu.vector_load_idx %gather3A_330[%add3A_146, %and3A_326] : memref<80x64xi32, #tpu.memory_space<vmem>>[vector<16xi32>, vector<16xi32>], vector<16xi32>,
      %gather3A_332 = arith.constant 0 : i32
      %gather3A_333 = arith.constant 0 : i32
      %gather3A_334 = tpu.memref_slice %arg9[%scan3A_150, %gather3A_332, %gather3A_333] : memref<2x80x64xi32, #tpu.memory_space<vmem>> -> memref<1x80x64xi32, #tpu.memory_space<vmem>>
      %gather3A_335 = tpu.memref_squeeze %gather3A_334 : memref<1x80x64xi32, #tpu.memory_space<vmem>> -> memref<80x64xi32, #tpu.memory_space<vmem>>
      %gather3A_336 = tpu.vector_load_idx %gather3A_335[%add3A_146, %and3A_326] : memref<80x64xi32, #tpu.memory_space<vmem>>[vector<16xi32>, vector<16xi32>], vector<16xi32>,
      %bitcast3A_337 = vector.bitcast %gather3A_331 : vector<16xi32> to vector<32xbf16>
      %bitcast3A_338 = vector.bitcast %gather3A_336 : vector<16xi32> to vector<32xbf16>
      %mul3A_339 = arith.mulf %bitcast3A_337, %bitcast3A_338 : vector<32xbf16>
      %add3A_340 = arith.addf %add3A_317, %mul3A_339 : vector<32xbf16>
      %unpack3A = tpu.unpack_subelements %add3A_340, 0 {pack_format = #tpu.pack_format<interleaved>} : vector<32xbf16> -> vector<16xf32>
      %unpack3A_341 = tpu.unpack_subelements %add3A_340, 1 {pack_format = #tpu.pack_format<interleaved>} : vector<32xbf16> -> vector<16xf32>
      %add3A_342 = arith.addf %scan3A_160, %unpack3A : vector<16xf32>
      %add3A_343 = arith.addf %add3A_342, %unpack3A_341 : vector<16xf32>
      scf.yield %add3A_343 : vector<16xf32>
    }
    %scan3A_156 = arith.constant 8 : i32
    %swap3A_157 = arith.constant 9984 : index
    %swap3A_158 = tpu.vector_load %arg10[%swap3A_157] {strides = array<i32>} : memref<10000xf32, #tpu.memory_space<vmem>>, vector<16xf32>,
    tpu.vector_store %arg10[%swap3A_157], %scan3A_155 {strides = array<i32>} : memref<10000xf32, #tpu.memory_space<vmem>>, vector<16xf32>,
    "tpu.region"() ({
      %run_scoped3A = tpu.sem_alloc : memref<!tpu.dma_semaphore, #tpu.memory_space<semaphore_mem>>
      %dma_start3A_159 = tpu.memref_slice %arg5[%mul3A_2] : memref<320000xf32, #tpu.memory_space<hbm>> -> memref<10000xf32, #tpu.memory_space<hbm>>
      %dma_start3A_160 = tpu.memref_slice %arg5[%mul3A_2] : memref<320000xf32, #tpu.memory_space<hbm>> -> memref<10000xf32, #tpu.memory_space<hbm>>
      tpu.enqueue_dma source(%arg10 : memref<10000xf32, #tpu.memory_space<vmem>>) target(%dma_start3A_160 : memref<10000xf32, #tpu.memory_space<hbm>>) target_semaphore(%run_scoped3A : memref<!tpu.dma_semaphore, #tpu.memory_space<semaphore_mem>>)
      %dma_wait3A_161 = tpu.memref_slice %arg5[%mul3A_2] : memref<320000xf32, #tpu.memory_space<hbm>> -> memref<10000xf32, #tpu.memory_space<hbm>>
      %dma_wait3A_162 = tpu.memref_slice %arg5[%mul3A_2] : memref<320000xf32, #tpu.memory_space<hbm>> -> memref<10000xf32, #tpu.memory_space<hbm>>
      tpu.wait_dma2 semaphore(%run_scoped3A : memref<!tpu.dma_semaphore, #tpu.memory_space<semaphore_mem>>) src(%arg10 : memref<10000xf32, #tpu.memory_space<vmem>>) dst(%dma_wait3A_162 : memref<10000xf32, #tpu.memory_space<hbm>>)
      tpu.yield
    }) : () -> ()
    return
  }
}

</mosaic_0001>

<sc_bundles>
// kernel: kernel.3.cloned.1.call-start
scs
__scs_entry_jumppad:
0x0: {  	(pc) =	sbr.rel $0x88, $3  }
0x1: {  	(tag) =	ssettag $0x0;
	lr =	simm.s32 $0x1  }
0x2: {  	[smem:$0x3F9E] =	sst lr;
	_ =	strace $0xD0000000  }
0x3: {  	_ = 	snop  }
0x4: {  	_ = 	snop  }
0x5: {  	_ = 	snop  }
0x6: {  	_ = 	snop  }
0x7: {  	_ = 	snop  }
__scs_overlays_trampoline_lowered:
0x8: {  	[smem:$0x3FAD] =	sst s0  }
0x9: {  	[smem:$0x3FAE] =	sst s1  }
0xa: {  	[smem:$0x3FAF] =	sst s2  }
0xb: {  	[smem:$0x3FB0] =	sst s3  }
0xc: {  	[smem:$0x3FB1] =	sst s4  }
0xd: {  	[smem:$0x3FB2] =	sst s5  }
0xe: {  	[smem:$0x3FB3] =	sst s6  }
0xf: {  	[smem:$0x3FB4] =	sst s7  }
0x10: {  	[smem:$0x3FB5] =	sst s8  }
0x11: {  	[smem:$0x3FB6] =	sst s9;
	s0 =	simm.s32 @!p0 $0x0  }
0x12: {  	s1 =	sld [smem:$0x3F9C];
	s0 =	simm.s32 @p0 $0x1  }
0x13: {  	[smem:$0x3FB7] =	sst s0;
	s0 =	simm.s32 @!p1 $0x0  }
0x14: {  	s2 =	sld [smem:$0x3F9B];
	s0 =	simm.s32 @p1 $0x1  }
0x15: {  	[smem:$0x3FB8] =	sst s0;
	s0 =	simm.s32 @!p2 $0x0  }
0x16: {  	s3 =	sld [smem:$0x3FDB];
	s0 =	simm.s32 @p2 $0x1  }
0x17: {  	s4 =	simm.s32 $0x1BF5;
	[smem:$0x3FBA] =	sst s0  }
0x18: {  	s0 =	sld [smem:$0x3F9D];
	_ =	swait.ge [sflag:s4], $0x0  }
0x19: {  	s7 =	sld [smem:$0x3F9E]  }
0x1a: {  	s8 =	sadd.s32 $0xFFFFE003, lr  }
0x1b: {  	s9 =	sadd.s32 $0xFFFFFEF7, lr;
	s5 =	simm.s32 $0xFFFFFFFF;
	p2 =	slt.u32 s8, $0xFFFFF086  }
0x1c: {  	p1 =	slt.u32 s9, $0xF7A;
	s5 =	simm.s32 @!p2 $0x0  }
0x1d: {  	s5 =	simm.s32 @p1 $0x1;
	p0 =	seq.s32 s7, s2  }
0x1e: {  	s7 =	smul.u32 @!p0 $0xF7A, s2;
	p2 =	seq.s32 @!p0 s5, $0x0  }
0x1f: {  	s9 =	smul.u32 $0xF7A, s1;
	s8 =	simm.s32 @!p0 $0x1BF5;
	p2 =	por !p2, p0  }
0x20: {  	[sflag:s8] =	ssyncset.s32 @!p0 $0xFFFFF086;
	s6 =	sadd.s32 @!p0 s3, s7;
	s7 =	simm.s32 @!p0 $0x108  }
0x21: {  	s3 =	sadd.s32 s3, s9;
	s6 =	sadd.s32 @!p0 $0x88, s6;
	s7 =	simm.s32 @p2 $0x1082  }
0x22: {  	[simem:s7], [sflag:s8] =	dma.local @!p0 [hbm:s6], $0xF7A  }
0x23: {  	s9 =	sor.u32 $0xD0000000, s2;
	s6 =	simm.s32 $0x108;
	_ =	swait.ge @!p0 [sflag:s8], $0x0  }
0x24: {  	s3 =	sadd.s32 $0x88, s3;
	s6 =	simm.s32 @!p1 $0x1082;
	[sflag:s4] =	ssyncset.s32 $0xFFFFF086  }
0x25: {  	[simem:s6], [sflag:s4] =	dma.local [hbm:s3], $0xF7A  }
0x26: {  	[smem:$0x3F9E] =	sst s1;
	(tag) =	ssettag s2;
	_ =	strace s9  }
0x27: {  	s1 =	sld [smem:$0x3FAE]  }
0x28: {  	s2 =	sld [smem:$0x3FAF]  }
0x29: {  	s4 =	sld [smem:$0x3FB1]  }
0x2a: {  	p0 =	seq.s32 s5, $0x0;
	s5 =	sld [smem:$0x3FB2]  }
0x2b: {  	s6 =	sld [smem:$0x3FB3]  }
0x2c: {  	s7 =	sld [smem:$0x3FB4]  }
0x2d: {  	s3 =	simm.s32 $0x108;
	s8 =	sld [smem:$0x3FB5]  }
0x2e: {  	s3 =	simm.s32 @!p0 $0x1082;
	s9 =	sld [smem:$0x3FB6]  }
0x2f: {  	lr =	sadd.s32 s0, s3;
	s0 =	sld [smem:$0x3FAD]  }
0x30: {  	s3 =	sld [smem:$0x3FB0]  }
0x31: {  	[smem:$0x3FB9] =	sst s10  }
0x32: {  	s10 =	sld [smem:$0x3FB7];
	_ =	sdelay $0x3  }
0x33: {  	p0 =	seq.s32 s10, $0x1;
	s10 =	sld [smem:$0x3FB9];
	_ =	sdelay $0x3  }
0x34: {  	[smem:$0x3FB9] =	sst s10  }
0x35: {  	s10 =	sld [smem:$0x3FB8];
	_ =	sdelay $0x3  }
0x36: {  	p1 =	seq.s32 s10, $0x1;
	s10 =	sld [smem:$0x3FB9];
	_ =	sdelay $0x3  }
0x37: {  	[smem:$0x3FB9] =	sst s10  }
0x38: {  	s10 =	sld [smem:$0x3FBA]  }
0x39: {  	_ = 	snop;
	(pc) =	sbr.ind lr, $3  }
0x3a: {  	_ = 	snop  }
0x3b: {  	_ = 	snop  }
0x3c: {  	p2 =	seq.s32 s10, $0x1;
	s10 =	sld [smem:$0x3FB9]  }
0x3d: {  	_ =	shalt  }
0x3e: {  	_ =	shalt  }
0x3f: {  	_ =	shalt  }
0x40: {  	_ =	shalt  }
0x41: {  	_ =	shalt  }
0x42: {  	_ =	shalt  }
0x43: {  	_ =	shalt  }
0x44: {  	_ =	shalt  }
0x45: {  	_ =	shalt  }
0x46: {  	_ =	shalt  }
0x47: {  	_ =	shalt  }
0x48: {  	_ =	shalt  }
0x49: {  	_ =	shalt  }
0x4a: {  	_ =	shalt  }
0x4b: {  	_ =	shalt  }
0x4c: {  	_ =	shalt  }
0x4d: {  	_ =	shalt  }
0x4e: {  	_ =	shalt  }
0x4f: {  	_ =	shalt  }
0x50: {  	_ =	shalt  }
0x51: {  	_ =	shalt  }
0x52: {  	_ =	shalt  }
0x53: {  	_ =	shalt  }
0x54: {  	_ =	shalt  }
0x55: {  	_ =	shalt  }
0x56: {  	_ =	shalt  }
0x57: {  	_ =	shalt  }
0x58: {  	_ =	shalt  }
0x59: {  	_ =	shalt  }
0x5a: {  	_ =	shalt  }
0x5b: {  	_ =	shalt  }
0x5c: {  	_ =	shalt  }
0x5d: {  	_ =	shalt  }
0x5e: {  	_ =	shalt  }
0x5f: {  	_ =	shalt  }
0x60: {  	_ =	shalt  }
0x61: {  	_ =	shalt  }
0x62: {  	_ =	shalt  }
0x63: {  	_ =	shalt  }
0x64: {  	_ =	shalt  }
0x65: {  	_ =	shalt  }
0x66: {  	_ =	shalt  }
0x67: {  	_ =	shalt  }
0x68: {  	_ =	shalt  }
0x69: {  	_ =	shalt  }
0x6a: {  	_ =	shalt  }
0x6b: {  	_ =	shalt  }
0x6c: {  	_ =	shalt  }
0x6d: {  	_ =	shalt  }
0x6e: {  	_ =	shalt  }
0x6f: {  	_ =	shalt  }
0x70: {  	_ =	shalt  }
0x71: {  	_ =	shalt  }
0x72: {  	_ =	shalt  }
0x73: {  	_ =	shalt  }
0x74: {  	_ =	shalt  }
0x75: {  	_ =	shalt  }
0x76: {  	_ =	shalt  }
0x77: {  	_ =	shalt  }
0x78: {  	_ =	shalt  }
0x79: {  	_ =	shalt  }
0x7a: {  	_ =	shalt  }
0x7b: {  	_ =	shalt  }
0x7c: {  	_ =	shalt  }
0x7d: {  	_ =	shalt  }
0x7e: {  	_ =	shalt  }
0x7f: {  	_ =	shalt  }
0x80: {  	_ =	shalt  }
0x81: {  	_ =	shalt  }
0x82: {  	_ =	shalt  }
0x83: {  	_ =	shalt  }
0x84: {  	_ =	shalt  }
0x85: {  	_ =	shalt  }
0x86: {  	_ =	shalt  }
0x87: {  	_ =	shalt  }
.Lfunc_end0:
.L_simem_size_0:
called_computation_lowered:
.L_overlay_start_0:
0x88: {  	s2 =	sld [smem:$0x3FD9]  }
0x89: {  	s3 =	sld [smem:$0x3FFE];
	_ =	sdelay $0x1  }
0x8a: {  	s1 =	srdreg.scid  }
0x8b: {  	s0 =	sand.u32 $0x1, s1  }
0x8c: {  	s16 =	sshll.u32 s0, $0xA;
	s2 =	sadd.s32 s3, s2  }
0x8d: {  	s2 =	sadd.s32 s2, s16  }
0x8e: {  	[smem:$0x3FC5] =	sst s2  }
0x8f: {  	_ = 	snop  }
0x90: {  	(tm) =	ssettm $0x1  }
0x91: {  	s17 =	sld [smem:$0x3FFB];
	_ =	sdelay $0x3  }
0x92: {  	_ =	strace s17  }
0x93: {  	s2 =	sld [smem:$0x3FFC];
	_ =	sdelay $0x3  }
0x94: {  	_ =	strace s2  }
0x95: {  	s2 =	sld [smem:$0x3FFD];
	_ =	sdelay $0x3  }
0x96: {  	_ =	strace s2  }
0x97: {  	_ =	strace $0x8FFFFFFF  }
0x98: {  	s18 =	sld [smem:$0x3FDB];
	_ =	sdelay $0x1  }
0x99: {  	s19 =	simm.s32 $_scs_section_size  }
0x9a: {  	s4 =	simm.s32 $_size__tile_overlayer_lowered;
	s5 =	simm.s32 $_tile_overlayer_lowered  }
0x9b: {  	s22 =	simm.s32 $0x1BFF;
	s21 =	sshll.u32 s5, $0x1;
	s2 =	sadd.s32 s19, s18  }
0x9c: {  	s6 =	simm.s32 $0x0;
	s20 =	sshll.u32 s4, $0x1;
	s4 =	sadd.s32 s21, s2  }
0x9d: {  	[timem:s6], [sflag:s22] =	dma.local [hbm:s4], s20  }
0x9e: {  	_ =	swait.ge [sflag:s22], s20  }
0x9f: {  	s3 =	ssub.s32 $0x0, s20;
	[sflag:s22] =	ssyncset.done $0x0  }
0xa0: {  	[sflag:s22] =	ssyncadd.s32 s3;
	_ =	sdelay $0x1  }
0xa1: {  	s23 =	simm.s32 $0x1B8B  }
0xa2: {  	_ =	swait.ge [sflag:s23], $0x1  }
0xa3: {  	[sflag:s23] =	ssyncset.done $0x0  }
0xa4: {  	s25 =	simm.s32 $0x1B8E;
	s24 =	sld [smem:$0x3FFE];
	[sflag:s23] =	ssyncadd.s32 $0xFFFFFFFF  }
0xa5: {  	s26 =	simm.s32 $execute0_lowered;
	[smem:$0x3FD2] =	sst s25  }
0xa6: {  	s4 =	sshll.u32 s26, $0x1;
	_ =	strace $0x80000046;
	[dreg:$0x1] =	wrdreg $0xFFFFFFFF  }
0xa7: {  	s28 =	simm.s32 $_size_execute0_lowered;
	s2 =	sadd.s32 s2, s4;
	[dreg:$0x0] =	wrdreg $0x0  }
0xa8: {  	s4 =	sshll.u32 s28, $0x1;
	[dreg:$0x2] =	wrdreg s2  }
0xa9: {  	[dreg:$0x3] =	wrdreg s4  }
0xaa: {  	[dreg:$0x4] =	wrdreg $0xC0  }
0xab: {  	_ =	task [dreg:s6], $0x5FFFF  }
0xac: {  	[dreg:$0x1] =	wrdreg $0xFFFFFFFF  }
0xad: {  	[dreg:$0x0] =	wrdreg $0x60  }
0xae: {  	[dreg:$0x2] =	wrdreg s24  }
0xaf: {  	[dreg:$0x3] =	wrdreg $0x9  }
0xb0: {  	_ =	task.clear_ibuf [dreg:s6], $0x4FFFF;
	_ =	strace $0x90000046  }
0xb1: {  	s29 =	simm.s32 $0x9;
	_ =	strace $0x80000048  }
0xb2: {  	_ =	swait.ge [sflag:s29], $0x1  }
0xb3: {  	[sflag:s29] =	ssyncadd.s32 $0xFFFFFFFF  }
0xb4: {  	_ =	strace $0x90000048  }
0xb5: {  	_ =	sfence  }
0xb6: {  	s30 =	sld [smem:$0x0];
	_ =	sdelay $0x2  }
0xb7: {  	s31 =	sshll.u32 s1, $0xD;
	s1 =	sshrl.u32 s1, $0x2  }
0xb8: {  	s3 =	sand.u32 $0x4000, s31;
	s1 =	sadd.s32 s1, s30  }
0xb9: {  	s0 =	sor.u32 s3, s0;
	s1 =	sshll.u32 s1, $0x11  }
0xba: {  	s0 =	sor.u32 s1, s0  }
0xbb: {  	s0 =	sadd.s32 $0x8F2B, s0  }
0xbc: {  	[sflag:s0] =	ssyncadd.remote.s32 $0x1  }
0xbd: {  	_ =	sfence.sel $0xFFFF  }
0xbe: {  	[dreg:$0x0] =	wrdreg $0xFFFFFFFF;
	(pc) =	sbr.abs _section_cstart, $3  }
0xbf: {  	[dreg:$0x1] =	wrdreg $0xFFFFFFFF  }
0xc0: {  	_ =	task.clear_ibuf [dreg:s6], $0x2FFFF;
	_ =	strace $0x9FFFFFFF  }
0xc1: {  	(tm) =	ssettm $0x7FFFFFFF  }
tec
execute0_lowered:
.L_overlay_start_1:
0x0: {  	(tag) =	ssettag $0x1  }
0x1: {  	v0 =	vimm.s32 $0xC3824100;
	v1 =	vimm.s32 $0x7C7  }
0x2: {  	vm13 =	vcmask $0x300;
	vm0 =	vcmask $0xF00;
	vm14 =	vcmask $0x704  }
0x3: {  	vm12 =	vcmask $0xB08;
	vm10 =	vcmask $0x1310;
	vm11 =	vcmask $0xF0C  }
0x4: {  	vm9 =	vcmask $0x1714;
	vm8 =	vcmask $0x1B18;
	vm7 =	vcmask $0x1F1C  }
0x5: {  	vm6 =	vcmask $0x2320;
	vm5 =	vcmask $0x2724;
	vm4 =	vcmask $0x2B28  }
0x6: {  	vm3 =	vcmask $0x2F2C;
	vm1 =	vcmask $0x3330;
	vm15 =	vcmask $0x3734  }
0x7: {  	vm2 =	vcmask $0x3B38;
	v5 =	vimm.s32 $0xBC7;
	v6 =	vimm.s32 $0xFC7  }
0x8: {  	v7 =	vimm.s32 $0x13C7;
	v0 =	vunpack.c.0.s8.s32 v0;
	v1 =	vsel vm13, $0x400, v1  }
0x9: {  	v5 =	vsel vm13, $0x800, v5;
	v6 =	vsel vm13, $0xC00, v6;
	v7 =	vsel vm13, $0x1000, v7  }
0xa: {  	v1 =	vsel vm14, $0x441, v1;
	v5 =	vsel vm14, $0x841, v5;
	v6 =	vsel vm14, $0xC41, v6  }
0xb: {  	v7 =	vsel vm14, $0x1041, v7;
	v0 =	vand.u32 $0xFF, v0;
	v1 =	vsel vm12, $0x482, v1  }
0xc: {  	v5 =	vsel vm12, $0x882, v5;
	v6 =	vsel vm12, $0xC82, v6;
	v7 =	vsel vm12, $0x1082, v7  }
0xd: {  	v0 =	vnsel vm0, $0x3C7, v0;
	v1 =	vsel vm11, $0x4C3, v1;
	v5 =	vsel vm11, $0x8C3, v5  }
0xe: {  	v6 =	vsel vm11, $0xCC3, v6;
	v7 =	vsel vm11, $0x10C3, v7;
	v0 =	vsel vm10, $0x104, v0  }
0xf: {  	v1 =	vsel vm10, $0x504, v1;
	v5 =	vsel vm10, $0x904, v5;
	v6 =	vsel vm10, $0xD04, v6  }
0x10: {  	v7 =	vsel vm10, $0x1104, v7;
	v0 =	vsel vm9, $0x145, v0;
	v1 =	vsel vm9, $0x545, v1  }
0x11: {  	v5 =	vsel vm9, $0x945, v5;
	v6 =	vsel vm9, $0xD45, v6;
	v7 =	vsel vm9, $0x1145, v7  }
0x12: {  	v0 =	vsel vm8, $0x186, v0;
	v1 =	vsel vm8, $0x586, v1;
	v5 =	vsel vm8, $0x986, v5  }
0x13: {  	v6 =	vsel vm8, $0xD86, v6;
	v7 =	vsel vm8, $0x1186, v7;
	v0 =	vsel vm7, $0x1C7, v0  }
0x14: {  	v1 =	vsel vm7, $0x5C7, v1;
	v5 =	vsel vm7, $0x9C7, v5;
	v6 =	vsel vm7, $0xDC7, v6  }
0x15: {  	v7 =	vsel vm7, $0x11C7, v7;
	v0 =	vsel vm6, $0x200, v0;
	v1 =	vsel vm6, $0x600, v1  }
0x16: {  	s1 =	srdreg.scid;
	v5 =	vsel vm6, $0xA00, v5;
	v6 =	vsel vm6, $0xE00, v6;
	v7 =	vsel vm6, $0x1200, v7  }
0x17: {  	s0 =	stileid.u32;
	s5 =	rddreg [dreg:$0x0];
	v0 =	vsel vm5, $0x241, v0;
	v1 =	vsel vm5, $0x641, v1;
	v5 =	vsel vm5, $0xA41, v5  }
0x18: {  	s2 =	simm.s32 $0x0;
	s9 =	simm.s32 $0x5;
	s10 =	simm.s32 $0x2710;
	v6 =	vsel vm5, $0xE41, v6;
	v7 =	vsel vm5, $0x1241, v7;
	v0 =	vsel vm4, $0x282, v0  }
0x19: {  	s11 =	simm.s32 $0x50;
	s12 =	simm.s32 $0x4E20;
	s13 =	simm.s32 $0x7620;
	v1 =	vsel vm4, $0x682, v1;
	v5 =	vsel vm4, $0xA82, v5;
	v6 =	vsel vm4, $0xE82, v6  }
0x1a: {  	s14 =	simm.s32 $0x6220;
	s15 =	simm.s32 $0x2760;
	s16 =	simm.s32 $0x8A20;
	v7 =	vsel vm4, $0x1282, v7;
	v0 =	vsel vm3, $0x2C3, v0;
	v1 =	vsel vm3, $0x6C3, v1  }
0x1b: {  	s17 =	simm.s32 $0x1;
	s18 =	simm.s32 $0x3;
	s19 =	simm.s32 $0x2;
	v5 =	vsel vm3, $0xAC3, v5;
	v6 =	vsel vm3, $0xEC3, v6;
	v7 =	vsel vm3, $0x12C3, v7  }
0x1c: {  	s20 =	simm.s32 $0x4;
	s3 =	sand.u32 $0x1, s1;
	s4 =	sshll.u32 s0, $0x1;
	v2 =	vsel vm1, $0x304, v0;
	v0 =	vlaneseq.u32;
	v3 =	vsel vm1, $0x704, v1  }
0x1d: {  	s21 =	simm.s32 $0x9E20;
	s22 =	simm.s32 $0x0;
	s4 =	sor.u32 s3, s4;
	v5 =	vsel vm1, $0xB04, v5;
	v6 =	vsel vm1, $0xF04, v6;
	v9 =	vsel vm1, $0x1304, v7  }
0x1e: {  	[smem:$0x7FF] =	sst s2;
	s6 =	ssub.s32 $0x2, s3;
	s4 =	smul.u32 $0x2710, s4;
	v2 =	vsel vm15, $0x345, v2;
	v1 =	vmul.u32 $0x40, v0;
	v3 =	vsel vm15, $0x745, v3  }
0x1f: {  	s1 =	rddreg [dreg:$0x1];
	_ =	strace $0x80000047;
	s8 =	sshrl.u32 s6, $0x1;
	v5 =	vsel vm15, $0xB45, v5;
	v8 =	vsel vm15, $0xF45, v6;
	v9 =	vsel vm15, $0x1345, v9  }
0x20: {  	s3 =	sadd.s32 $0x14800, s5;
	s8 =	ssub.s32 s6, s8;
	s7 =	sshrl.u32 s4, $0x3;
	v2 =	vsel vm2, $0x386, v2;
	v3 =	vsel vm2, $0x786, v3;
	v5 =	vsel vm2, $0xB86, v5  }
0x21: {  	s4 =	sadd.s32 $0xE00, s5;
	s8 =	smax.u32 s8, $0x1;
	s7 =	sadd.s32 s7, s5;
	v7 =	vsel vm2, $0xF86, v8;
	v9 =	vsel vm2, $0x1386, v9;
	v4 =	vor.u32 $0x400, v1  }
0x22: {  	s5 =	sadd.s32 $0x28200, s7;
	s6 =	sadd.s32 $0x31E40, s7;
	s7 =	sadd.s32 $0x3BC00, s7;
	v6 =	vor.u32 $0x800, v1;
	v8 =	vor.u32 $0xC00, v1;
	v10 =	vor.u32 $0x1000, v1  }
.LBB2_1:
0x23: {  	[tilespmem:s2], [sflag:$0x5] =	stream.linear.gather [hbm4b:s5+s2], $0x2710, $0x38;
	[tilespmem:$0xC530] =	vst v63  }
0x24: {  	_ =	swait.ge [sflag:s9], $0x2710  }
0x25: {  	[sflag:s9] =	ssyncset.done $0x0  }
0x26: {  	[sflag:s9] =	ssyncadd.s32 $0xFFFFD8F0  }
0x27: {  	[tilespmem:s10], [sflag:$0x5] =	stream.linear.gather [hbm4b:s6+s2], $0x2710, $0x38;
	[tilespmem:$0xC530] =	vst v63  }
0x28: {  	_ =	swait.ge [sflag:s9], $0x2710  }
0x29: {  	[sflag:s9] =	ssyncset.done $0x0  }
0x2a: {  	[sflag:s9] =	ssyncadd.s32 $0xFFFFD8F0  }
0x2b: {  	[tilespmem:s12], [sflag:$0x1] =	stream.indirect.gather [hbm4b:s3+s11], $0x40, s2, s11, $0xb8;
	[tilespmem:$0xC530] =	vst v63  }
0x2c: {  	_ = 	snop  }
0x2d: {  	[tilespmem:s13], [sflag:$0x3] =	stream.indirect.gather [hbm4b:s4+s11], $0x40, s10, s11, $0xb8;
	[tilespmem:$0xC530] =	vst v63  }
0x2e: {  	_ = 	snop  }
0x2f: {  	[tilespmem:s14], [sflag:$0x2] =	stream.indirect.gather [hbm4b:s3+s11], $0x40, s11, s11, $0xb8;
	[tilespmem:$0xC530] =	vst v63  }
0x30: {  	s23 =	simm.s32 $0x0  }
0x31: {  	[tilespmem:s16], [sflag:$0x4] =	stream.indirect.gather [hbm4b:s4+s11], $0x40, s15, s11, $0xb8;
	[tilespmem:$0xC530] =	vst v63  }
.LBB2_2:
0x32: {  	s24 =	simm.s32 $0x0  }
0x33: {  	v11 =	vadd.s32 s24, v0  }
0x34: {  	_ =	swait.ge [sflag:s17], $0x1400;
	s28 =	simm.s32 $0x1;
	v11 =	vand.u32 $0x38, v11  }
0x35: {  	[sflag:s17] =	ssyncset.done $0x0;
	v12 =	vadd.s32 s28, v0;
	v11 =	vor.u32 v2, v11  }
0x36: {  	s29 =	simm.s32 $0x2;
	[sflag:s17] =	ssyncadd.s32 $0xFFFFEC00;
	v12 =	vand.u32 $0x3F, v12  }
0x37: {  	v13 =	vadd.s32 s29, v0;
	_ =	swait.ge [sflag:s18], $0x1400;
	v12 =	vor.u32 v1, v12  }
0x38: {  	s30 =	simm.s32 $0x3;
	v13 =	vand.u32 $0x3F, v13;
	[sflag:s18] =	ssyncset.done $0x0  }
0x39: {  	v14 =	vadd.s32 s30, v0;
	v13 =	vor.u32 v1, v13;
	[sflag:s18] =	ssyncadd.s32 $0xFFFFEC00  }
0x3a: {  	s31 =	simm.s32 $0x4;
	v14 =	vand.u32 $0x3F, v14;
	v15 =	vld.idx.msk [tilespmem:v11+s12+$0x0], $0xffff  }
0x3b: {  	v16 =	vadd.s32 s31, v0;
	v14 =	vor.u32 v1, v14;
	v11 =	vld.idx.msk [tilespmem:v11+s13+$0x0], $0xffff  }
0x3c: {  	s25 =	simm.s32 $0x5;
	v16 =	vand.u32 $0x3F, v16;
	v17 =	vld.idx.msk [tilespmem:v12+s12+$0x0], $0xffff  }
0x3d: {  	v18 =	vadd.s32 s25, v0;
	v16 =	vor.u32 v1, v16;
	v12 =	vld.idx.msk [tilespmem:v12+s13+$0x0], $0xffff  }
0x3e: {  	s26 =	simm.s32 $0x6;
	v18 =	vand.u32 $0x3F, v18;
	v19 =	vld.idx.msk [tilespmem:v13+s12+$0x0], $0xffff  }
0x3f: {  	v20 =	vadd.s32 s26, v0;
	v18 =	vor.u32 v1, v18;
	v13 =	vld.idx.msk [tilespmem:v13+s13+$0x0], $0xffff  }
0x40: {  	s28 =	simm.s32 $0x7;
	s25 =	simm.s32 $0x8;
	v20 =	vand.u32 $0x3F, v20;
	v21 =	vld.idx.msk [tilespmem:v14+s12+$0x0], $0xffff  }
0x41: {  	v22 =	vadd.s32 s28, v0;
	v23 =	vadd.s32 s25, v0;
	v20 =	vor.u32 v1, v20;
	v14 =	vld.idx.msk [tilespmem:v14+s13+$0x0], $0xffff  }
0x42: {  	v22 =	vand.u32 $0x3F, v22;
	v23 =	vand.u32 $0x38, v23;
	v24 =	vld.idx.msk [tilespmem:v16+s12+$0x0], $0xffff  }
0x43: {  	v22 =	vor.u32 v1, v22;
	v11 =	vmul.bf16 v11, v15;
	v12 =	vmul.bf16 v12, v17;
	v15 =	vld.idx.msk [tilespmem:v16+s13+$0x0], $0xffff  }
0x44: {  	s29 =	simm.s32 $0x9;
	v16 =	vor.u32 v2, v23;
	v17 =	vld.idx.msk [tilespmem:v18+s12+$0x0], $0xffff  }
0x45: {  	s30 =	simm.s32 $0xA;
	v23 =	vadd.s32 s29, v0;
	v11 =	vadd.bf16 v12, v11;
	v12 =	vmul.bf16 v13, v19;
	v13 =	vld.idx.msk [tilespmem:v18+s13+$0x0], $0xffff  }
0x46: {  	v18 =	vand.u32 $0x3F, v23;
	v19 =	vadd.s32 s30, v0;
	v23 =	vld.idx.msk [tilespmem:v20+s12+$0x0], $0xffff  }
0x47: {  	s31 =	simm.s32 $0xB;
	v18 =	vor.u32 v1, v18;
	v11 =	vadd.bf16 v12, v11;
	v12 =	vmul.bf16 v14, v21;
	v14 =	vld.idx.msk [tilespmem:v20+s13+$0x0], $0xffff  }
0x48: {  	v19 =	vand.u32 $0x3F, v19;
	v20 =	vadd.s32 s31, v0;
	v21 =	vld.idx.msk [tilespmem:v22+s12+$0x0], $0xffff  }
0x49: {  	s25 =	simm.s32 $0xC;
	v19 =	vor.u32 v1, v19;
	v11 =	vadd.bf16 v12, v11;
	v12 =	vmul.bf16 v15, v24;
	v15 =	vld.idx.msk [tilespmem:v22+s13+$0x0], $0xffff  }
0x4a: {  	v20 =	vand.u32 $0x3F, v20;
	v22 =	vld.idx.msk [tilespmem:v16+s12+$0x0], $0xffff;
	v24 =	vadd.s32 s25, v0  }
0x4b: {  	s26 =	simm.s32 $0xD;
	v16 =	vld.idx.msk [tilespmem:v16+s13+$0x0], $0xffff;
	v20 =	vor.u32 v1, v20;
	v11 =	vadd.bf16 v12, v11;
	v12 =	vmul.bf16 v13, v17  }
0x4c: {  	v13 =	vld.idx.msk [tilespmem:v18+s12+$0x0], $0xffff;
	v17 =	vand.u32 $0x3F, v24;
	v24 =	vadd.s32 s26, v0  }
0x4d: {  	s28 =	simm.s32 $0xE;
	v18 =	vld.idx.msk [tilespmem:v18+s13+$0x0], $0xffff;
	v17 =	vor.u32 v1, v17;
	v11 =	vadd.bf16 v12, v11;
	v12 =	vmul.bf16 v14, v23  }
0x4e: {  	v25 =	vld.idx.msk [tilespmem:v19+s13+$0x0], $0xffff;
	v14 =	vand.u32 $0x3F, v24;
	v24 =	vadd.s32 s28, v0  }
0x4f: {  	s29 =	simm.s32 $0xF;
	v23 =	vld.idx.msk [tilespmem:v19+s12+$0x0], $0xffff;
	v26 =	vor.u32 v1, v14;
	v15 =	vmul.bf16 v15, v21;
	v11 =	vadd.bf16 v12, v11  }
0x50: {  	v27 =	vimm.f32 $0.0e+00;
	v14 =	vadd.s32 s29, v0;
	v19 =	vand.u32 $0x3F, v24;
	v12 =	vld.idx.msk [tilespmem:v20+s12+$0x0], $0xffff  }
0x51: {  	s30 =	simm.s32 $0x10;
	v24 =	vand.u32 $0x3F, v14;
	v14 =	vld.idx.msk [tilespmem:v20+s13+$0x0], $0xffff;
	v21 =	vor.u32 v1, v19;
	v29 =	vadd.bf16 v15, v11  }
0x52: {  	v28 =	vadd.s32 s30, v0;
	v22 =	vmul.bf16 v16, v22;
	v19 =	vor.u32 v1, v24;
	v11 =	vld.idx.msk [tilespmem:v17+s12+$0x0], $0xffff  }
0x53: {  	s31 =	simm.s32 $0x11;
	v18 =	vmul.bf16 v18, v13;
	v15 =	vand.u32 $0x38, v28;
	v16 =	vld.idx.msk [tilespmem:v17+s13+$0x0], $0xffff;
	v17 =	vunpack.i.l.bf16.f32 v29  }
0x54: {  	v24 =	vadd.s32 s31, v0;
	v20 =	vor.u32 v2, v15;
	v13 =	vld.idx.msk [tilespmem:v26+s12+$0x0], $0xffff;
	v15 =	vadd.f32 v17, v27  }
0x55: {  	s24 =	simm.s32 $0x17;
	s25 =	simm.s32 $0x1F;
	s26 =	simm.s32 $0x12;
	v22 =	vadd.bf16 v18, v22;
	v23 =	vmul.bf16 v25, v23;
	v18 =	vunpack.i.u.bf16.f32 v29;
	v17 =	vld.idx.msk [tilespmem:v26+s13+$0x0], $0xffff  }
.LBB2_3:
0x56: {  	p0 =	sne.s32 s25, $0x3F;
	v24 =	vand.u32 $0x3F, v24;
	v25 =	vadd.s32 s26, v0;
	v26 =	vld.idx.msk [tilespmem:v21+s12+$0x0], $0xffff;
	v15 =	vadd.f32 v15, v18  }
0x57: {  	s26 =	sadd.s32 $0xFFFFFFFC, s24;
	v12 =	vmul.bf16 v14, v12;
	v18 =	vor.u32 v1, v24;
	v22 =	vadd.bf16 v23, v22;
	v14 =	vld.idx.msk [tilespmem:v21+s13+$0x0], $0xffff  }
0x58: {  	v21 =	vand.u32 $0x3F, v25;
	v23 =	vadd.s32 s26, v0;
	v24 =	vld.idx.msk [tilespmem:v19+s12+$0x0], $0xffff  }
0x59: {  	s26 =	sadd.s32 $0xFFFFFFFD, s24;
	v21 =	vor.u32 v1, v21;
	v11 =	vmul.bf16 v16, v11;
	v12 =	vadd.bf16 v12, v22;
	v16 =	vld.idx.msk [tilespmem:v19+s13+$0x0], $0xffff  }
0x5a: {  	v19 =	vand.u32 $0x3F, v23;
	v23 =	vadd.s32 s26, v0;
	v22 =	vld.idx.msk [tilespmem:v20+s12+$0x0], $0xffff  }
0x5b: {  	s26 =	sadd.s32 $0xFFFFFFFE, s24;
	v19 =	vor.u32 v1, v19;
	v20 =	vld.idx.msk [tilespmem:v20+s13+$0x0], $0xffff;
	v11 =	vadd.bf16 v11, v12;
	v12 =	vmul.bf16 v17, v13  }
0x5c: {  	v17 =	vand.u32 $0x3F, v23;
	v23 =	vadd.s32 s26, v0;
	v13 =	vld.idx.msk [tilespmem:v18+s12+$0x0], $0xffff  }
0x5d: {  	s26 =	sadd.s32 $0xFFFFFFFF, s24;
	v17 =	vor.u32 v1, v17;
	v18 =	vld.idx.msk [tilespmem:v18+s13+$0x0], $0xffff;
	v11 =	vadd.bf16 v12, v11;
	v12 =	vmul.bf16 v14, v26  }
0x5e: {  	v14 =	vand.u32 $0x3F, v23;
	v23 =	vadd.s32 s26, v0;
	v26 =	vadd.s32 s24, v0;
	s24 =	smov.u32 s25;
	v25 =	vld.idx.msk [tilespmem:v21+s12+$0x0], $0xffff  }
0x5f: {  	v28 =	vor.u32 v1, v14;
	v16 =	vmul.bf16 v16, v24;
	v27 =	vld.idx.msk [tilespmem:v21+s13+$0x0], $0xffff;
	v11 =	vadd.bf16 v12, v11  }
0x60: {  	s26 =	sadd.s32 $0xFFFFFFF9, s25;
	v21 =	vand.u32 $0x3F, v23;
	v23 =	vand.u32 $0x3F, v26;
	v12 =	vld.idx.msk [tilespmem:v19+s12+$0x0], $0xffff  }
.Ltmp0:
0x61: {  	v24 =	vadd.s32 s26, v0;
	v21 =	vor.u32 v1, v21;
	v14 =	vld.idx.msk [tilespmem:v19+s13+$0x0], $0xffff;
	v26 =	vadd.bf16 v16, v11;
	(pc) =	sbr.rel @p0 .LBB2_3-.Ltmp0, $4  }
0x62: {  	v24 =	vand.u32 $0x38, v24;
	v19 =	vor.u32 v1, v23;
	v11 =	vld.idx.msk [tilespmem:v17+s12+$0x0], $0xffff  }
0x63: {  	s26 =	sadd.s32 $0xFFFFFFFA, s25;
	v22 =	vmul.bf16 v20, v22;
	v18 =	vmul.bf16 v18, v13;
	v16 =	vld.idx.msk [tilespmem:v17+s13+$0x0], $0xffff;
	v17 =	vunpack.i.l.bf16.f32 v26  }
0x64: {  	v20 =	vor.u32 v2, v24;
	v24 =	vadd.s32 s26, v0;
	v13 =	vld.idx.msk [tilespmem:v28+s12+$0x0], $0xffff;
	v15 =	vadd.f32 v17, v15  }
0x65: {  	s25 =	sadd.s32 $0x8, s25;
	s26 =	sadd.s32 $0xFFFFFFFB, s24;
	v22 =	vadd.bf16 v18, v22;
	v23 =	vmul.bf16 v27, v25;
	v18 =	vunpack.i.u.bf16.f32 v26;
	v17 =	vld.idx.msk [tilespmem:v28+s13+$0x0], $0xffff  }
0x66: {  	_ =	sdelay $0x3  }
0x67: {  	v24 =	vand.u32 $0x3F, v24;
	v25 =	vld.idx.msk [tilespmem:v21+s12+$0x0], $0xffff  }
0x68: {  	v26 =	vadd.s32 s26, v0;
	v21 =	vld.idx.msk [tilespmem:v21+s13+$0x0], $0xffff;
	v24 =	vor.u32 v1, v24  }
0x69: {  	s25 =	sadd.s32 $0xFFFFFFFC, s24;
	v27 =	vld.idx.msk [tilespmem:v19+s12+$0x0], $0xffff;
	v26 =	vand.u32 $0x3F, v26  }
0x6a: {  	v19 =	vld.idx.msk [tilespmem:v19+s13+$0x0], $0xffff;
	v28 =	vadd.s32 s25, v0;
	v26 =	vor.u32 v1, v26  }
0x6b: {  	s26 =	sadd.s32 $0xFFFFFFFD, s24;
	v29 =	vld.idx.msk [tilespmem:v20+s12+$0x0], $0xffff;
	v28 =	vand.u32 $0x3F, v28  }
0x6c: {  	v20 =	vld.idx.msk [tilespmem:v20+s13+$0x0], $0xffff;
	v30 =	vadd.s32 s26, v0;
	v28 =	vor.u32 v1, v28  }
0x6d: {  	s29 =	sadd.s32 $0xFFFFFFFE, s24;
	v30 =	vand.u32 $0x3F, v30;
	v31 =	vld.idx.msk [tilespmem:v24+s12+$0x0], $0xffff  }
0x6e: {  	v32 =	vadd.s32 s29, v0;
	v30 =	vor.u32 v1, v30;
	v24 =	vld.idx.msk [tilespmem:v24+s13+$0x0], $0xffff  }
0x6f: {  	s30 =	sadd.s32 $0xFFFFFFFF, s24;
	v12 =	vmul.bf16 v14, v12;
	v32 =	vand.u32 $0x3F, v32;
	v33 =	vld.idx.msk [tilespmem:v26+s12+$0x0], $0xffff  }
0x70: {  	v34 =	vadd.s32 s30, v0;
	v22 =	vadd.bf16 v23, v22;
	v32 =	vor.u32 v1, v32;
	v26 =	vld.idx.msk [tilespmem:v26+s13+$0x0], $0xffff  }
0x71: {  	v14 =	vadd.s32 s24, v0;
	v34 =	vand.u32 $0x3F, v34;
	v23 =	vld.idx.msk [tilespmem:v28+s12+$0x0], $0xffff  }
0x72: {  	v11 =	vmul.bf16 v16, v11;
	v34 =	vor.u32 v1, v34;
	v12 =	vadd.bf16 v12, v22;
	v28 =	vld.idx.msk [tilespmem:v28+s13+$0x0], $0xffff  }
0x73: {  	v14 =	vand.u32 $0x3F, v14;
	v20 =	vmul.bf16 v20, v29;
	v62 =	vld.idx.msk [tilespmem:v30+s12+$0x0], $0xffff;
	v24 =	vmul.bf16 v24, v31  }
0x74: {  	v14 =	vor.u32 v1, v14;
	v11 =	vadd.bf16 v11, v12;
	v12 =	vmul.bf16 v17, v13;
	v16 =	vld.idx.msk [tilespmem:v30+s13+$0x0], $0xffff  }
0x75: {  	v13 =	vld.idx.msk [tilespmem:v32+s13+$0x0], $0xffff;
	v22 =	vmul.bf16 v26, v33;
	v20 =	vadd.bf16 v24, v20  }
0x76: {  	v11 =	vadd.bf16 v12, v11;
	v24 =	vld.idx.msk [tilespmem:v32+s12+$0x0], $0xffff  }
0x77: {  	v12 =	vmul.bf16 v21, v25;
	v21 =	vld.idx.msk [tilespmem:v34+s13+$0x0], $0xffff;
	v17 =	vadd.bf16 v22, v20;
	v20 =	vmul.bf16 v28, v23  }
0x78: {  	v22 =	vld.idx.msk [tilespmem:v34+s12+$0x0], $0xffff  }
0x79: {  	v11 =	vadd.bf16 v12, v11;
	v12 =	vld.idx.msk [tilespmem:v14+s13+$0x0], $0xffff;
	v16 =	vmul.bf16 v16, v62;
	v17 =	vadd.bf16 v20, v17  }
0x7a: {  	v23 =	vld.idx.msk [tilespmem:v14+s12+$0x0], $0xffff  }
0x7b: {  	v14 =	vmul.bf16 v19, v27;
	v13 =	vmul.bf16 v13, v24;
	v16 =	vadd.bf16 v16, v17;
	_ =	sdelay $0x1  }
0x7c: {  	v11 =	vadd.bf16 v14, v11;
	v14 =	vmul.bf16 v21, v22;
	v13 =	vadd.bf16 v13, v16  }
0x7d: {  	v15 =	vadd.f32 v15, v18  }
0x7e: {  	v12 =	vmul.bf16 v12, v23;
	v16 =	vunpack.i.l.bf16.f32 v11;
	v13 =	vadd.bf16 v14, v13  }
0x7f: {  	v14 =	vadd.f32 v16, v15  }
0x80: {  	s31 =	simm.s32 $0x0;
	v11 =	vunpack.i.u.bf16.f32 v11;
	v12 =	vadd.bf16 v12, v13  }
0x81: {  	v11 =	vadd.f32 v14, v11;
	v13 =	vadd.s32 s31, v0  }
0x82: {  	s30 =	simm.s32 $0x4;
	v13 =	vand.u32 $0x38, v13;
	v14 =	vunpack.i.l.bf16.f32 v12  }
0x83: {  	s25 =	simm.s32 $0x1;
	v16 =	vadd.s32 s30, v0;
	v13 =	vor.u32 v3, v13;
	v11 =	vadd.f32 v14, v11  }
0x84: {  	v16 =	vand.u32 $0x3F, v16;
	v12 =	vunpack.i.u.bf16.f32 v12;
	v14 =	vadd.s32 s25, v0  }
0x85: {  	s24 =	smul.u32 $0xA0, s23;
	s26 =	simm.s32 $0x2;
	v16 =	vor.u32 v4, v16;
	v14 =	vand.u32 $0x3F, v14;
	v11 =	vadd.f32 v11, v12  }
0x86: {  	v12 =	vadd.s32 s26, v0;
	v14 =	vor.u32 v4, v14  }
0x87: {  	s29 =	simm.s32 $0x3;
	v12 =	vand.u32 $0x3F, v12;
	[tilespmem:s24+$0x9E20] =	vst v11  }
0x88: {  	v11 =	vadd.s32 s29, v0;
	v12 =	vor.u32 v4, v12;
	v15 =	vld.idx.msk [tilespmem:v13+s12+$0x0], $0xffff  }
0x89: {  	v11 =	vand.u32 $0x3F, v11;
	v13 =	vld.idx.msk [tilespmem:v13+s13+$0x0], $0xffff  }
0x8a: {  	s31 =	simm.s32 $0x5;
	v24 =	vld.idx.msk [tilespmem:v16+s12+$0x0], $0xffff;
	v11 =	vor.u32 v4, v11  }
0x8b: {  	v18 =	vadd.s32 s31, v0;
	v17 =	vld.idx.msk [tilespmem:v14+s12+$0x0], $0xffff  }
0x8c: {  	v18 =	vand.u32 $0x3F, v18;
	s26 =	simm.s32 $0x6;
	v14 =	vld.idx.msk [tilespmem:v14+s13+$0x0], $0xffff  }
0x8d: {  	v18 =	vor.u32 v4, v18;
	v20 =	vadd.s32 s26, v0;
	v19 =	vld.idx.msk [tilespmem:v12+s12+$0x0], $0xffff  }
0x8e: {  	s30 =	simm.s32 $0x8;
	s29 =	simm.s32 $0x7;
	v20 =	vand.u32 $0x3F, v20;
	v12 =	vld.idx.msk [tilespmem:v12+s13+$0x0], $0xffff  }
0x8f: {  	v23 =	vadd.s32 s30, v0;
	v22 =	vadd.s32 s29, v0;
	v20 =	vor.u32 v4, v20;
	v21 =	vld.idx.msk [tilespmem:v11+s12+$0x0], $0xffff  }
0x90: {  	v23 =	vand.u32 $0x38, v23;
	v22 =	vand.u32 $0x3F, v22;
	v11 =	vld.idx.msk [tilespmem:v11+s13+$0x0], $0xffff  }
0x91: {  	v22 =	vor.u32 v4, v22;
	v13 =	vmul.bf16 v13, v15;
	v15 =	vld.idx.msk [tilespmem:v16+s13+$0x0], $0xffff;
	v14 =	vmul.bf16 v14, v17  }
0x92: {  	s31 =	simm.s32 $0x9;
	v16 =	vor.u32 v3, v23;
	v17 =	vld.idx.msk [tilespmem:v18+s12+$0x0], $0xffff  }
0x93: {  	s26 =	simm.s32 $0xA;
	v23 =	vadd.s32 s31, v0;
	v13 =	vadd.bf16 v14, v13;
	v12 =	vmul.bf16 v12, v19;
	v14 =	vld.idx.msk [tilespmem:v18+s13+$0x0], $0xffff  }
0x94: {  	v18 =	vand.u32 $0x3F, v23;
	v19 =	vadd.s32 s26, v0;
	v23 =	vld.idx.msk [tilespmem:v20+s12+$0x0], $0xffff  }
0x95: {  	s29 =	simm.s32 $0xB;
	v18 =	vor.u32 v4, v18;
	v12 =	vadd.bf16 v12, v13;
	v11 =	vmul.bf16 v11, v21;
	v13 =	vld.idx.msk [tilespmem:v20+s13+$0x0], $0xffff  }
0x96: {  	v19 =	vand.u32 $0x3F, v19;
	v20 =	vadd.s32 s29, v0;
	v21 =	vld.idx.msk [tilespmem:v22+s12+$0x0], $0xffff  }
0x97: {  	s30 =	simm.s32 $0xC;
	v19 =	vor.u32 v4, v19;
	v11 =	vadd.bf16 v11, v12;
	v12 =	vmul.bf16 v15, v24;
	v15 =	vld.idx.msk [tilespmem:v22+s13+$0x0], $0xffff  }
0x98: {  	v20 =	vand.u32 $0x3F, v20;
	v22 =	vld.idx.msk [tilespmem:v16+s12+$0x0], $0xffff;
	v24 =	vadd.s32 s30, v0  }
0x99: {  	s31 =	simm.s32 $0xD;
	v16 =	vld.idx.msk [tilespmem:v16+s13+$0x0], $0xffff;
	v20 =	vor.u32 v4, v20;
	v11 =	vadd.bf16 v12, v11;
	v12 =	vmul.bf16 v14, v17  }
0x9a: {  	v17 =	vld.idx.msk [tilespmem:v18+s12+$0x0], $0xffff;
	v14 =	vand.u32 $0x3F, v24;
	v24 =	vadd.s32 s31, v0  }
0x9b: {  	s26 =	simm.s32 $0xE;
	v18 =	vld.idx.msk [tilespmem:v18+s13+$0x0], $0xffff;
	v25 =	vor.u32 v4, v14;
	v11 =	vadd.bf16 v12, v11;
	v12 =	vmul.bf16 v13, v23  }
0x9c: {  	v14 =	vadd.s32 s26, v0;
	v26 =	vld.idx.msk [tilespmem:v19+s13+$0x0], $0xffff;
	v13 =	vand.u32 $0x3F, v24  }
0x9d: {  	s29 =	simm.s32 $0xF;
	s30 =	simm.s32 $0x10;
	v23 =	vld.idx.msk [tilespmem:v19+s12+$0x0], $0xffff;
	v27 =	vor.u32 v4, v13;
	v13 =	vmul.bf16 v15, v21;
	v11 =	vadd.bf16 v12, v11  }
0x9e: {  	v19 =	vadd.s32 s29, v0;
	v24 =	vadd.s32 s30, v0;
	v21 =	vand.u32 $0x3F, v14;
	v14 =	vld.idx.msk [tilespmem:v20+s13+$0x0], $0xffff  }
0x9f: {  	v19 =	vand.u32 $0x3F, v19;
	v12 =	vld.idx.msk [tilespmem:v20+s12+$0x0], $0xffff;
	v21 =	vor.u32 v4, v21;
	v63 =	vadd.bf16 v13, v11  }
0xa0: {  	v15 =	vimm.f32 $0.0e+00;
	v22 =	vmul.bf16 v16, v22;
	v19 =	vor.u32 v4, v19;
	v11 =	vld.idx.msk [tilespmem:v25+s12+$0x0], $0xffff  }
0xa1: {  	s31 =	simm.s32 $0x11;
	v17 =	vmul.bf16 v18, v17;
	v13 =	vand.u32 $0x38, v24;
	v16 =	vld.idx.msk [tilespmem:v25+s13+$0x0], $0xffff;
	v18 =	vunpack.i.l.bf16.f32 v63  }
0xa2: {  	v24 =	vadd.s32 s31, v0;
	v20 =	vor.u32 v3, v13;
	v13 =	vld.idx.msk [tilespmem:v27+s12+$0x0], $0xffff;
	v15 =	vadd.f32 v18, v15  }
0xa3: {  	s28 =	simm.s32 $0x12;
	s25 =	simm.s32 $0x17;
	s26 =	simm.s32 $0x1F;
	v22 =	vadd.bf16 v17, v22;
	v23 =	vmul.bf16 v26, v23;
	v17 =	vld.idx.msk [tilespmem:v27+s13+$0x0], $0xffff;
	v18 =	vunpack.i.u.bf16.f32 v63  }
.LBB2_5:
0xa4: {  	p0 =	sne.s32 s26, $0x3F;
	v24 =	vand.u32 $0x3F, v24;
	v25 =	vadd.s32 s28, v0;
	v26 =	vld.idx.msk [tilespmem:v21+s12+$0x0], $0xffff;
	v15 =	vadd.f32 v15, v18  }
0xa5: {  	s28 =	sadd.s32 $0xFFFFFFFC, s25;
	v12 =	vmul.bf16 v14, v12;
	v18 =	vor.u32 v4, v24;
	v22 =	vadd.bf16 v23, v22;
	v14 =	vld.idx.msk [tilespmem:v21+s13+$0x0], $0xffff  }
0xa6: {  	v21 =	vand.u32 $0x3F, v25;
	v23 =	vadd.s32 s28, v0;
	v24 =	vld.idx.msk [tilespmem:v19+s12+$0x0], $0xffff  }
0xa7: {  	s28 =	sadd.s32 $0xFFFFFFFD, s25;
	v21 =	vor.u32 v4, v21;
	v11 =	vmul.bf16 v16, v11;
	v12 =	vadd.bf16 v12, v22;
	v16 =	vld.idx.msk [tilespmem:v19+s13+$0x0], $0xffff  }
0xa8: {  	v19 =	vand.u32 $0x3F, v23;
	v23 =	vadd.s32 s28, v0;
	v22 =	vld.idx.msk [tilespmem:v20+s12+$0x0], $0xffff  }
0xa9: {  	s28 =	sadd.s32 $0xFFFFFFFE, s25;
	v19 =	vor.u32 v4, v19;
	v20 =	vld.idx.msk [tilespmem:v20+s13+$0x0], $0xffff;
	v11 =	vadd.bf16 v11, v12;
	v12 =	vmul.bf16 v17, v13  }
0xaa: {  	v17 =	vand.u32 $0x3F, v23;
	v23 =	vadd.s32 s28, v0;
	v13 =	vld.idx.msk [tilespmem:v18+s12+$0x0], $0xffff  }
0xab: {  	s28 =	sadd.s32 $0xFFFFFFFF, s25;
	v17 =	vor.u32 v4, v17;
	v18 =	vld.idx.msk [tilespmem:v18+s13+$0x0], $0xffff;
	v11 =	vadd.bf16 v12, v11;
	v12 =	vmul.bf16 v14, v26  }
0xac: {  	v14 =	vand.u32 $0x3F, v23;
	v23 =	vadd.s32 s28, v0;
	v26 =	vadd.s32 s25, v0;
	s25 =	smov.u32 s26;
	v25 =	vld.idx.msk [tilespmem:v21+s12+$0x0], $0xffff  }
0xad: {  	v28 =	vor.u32 v4, v14;
	v16 =	vmul.bf16 v16, v24;
	v27 =	vld.idx.msk [tilespmem:v21+s13+$0x0], $0xffff;
	v11 =	vadd.bf16 v12, v11  }
0xae: {  	s28 =	sadd.s32 $0xFFFFFFF9, s26;
	v21 =	vand.u32 $0x3F, v23;
	v23 =	vand.u32 $0x3F, v26;
	v12 =	vld.idx.msk [tilespmem:v19+s12+$0x0], $0xffff  }
.Ltmp1:
0xaf: {  	v24 =	vadd.s32 s28, v0;
	v21 =	vor.u32 v4, v21;
	v14 =	vld.idx.msk [tilespmem:v19+s13+$0x0], $0xffff;
	v26 =	vadd.bf16 v16, v11;
	(pc) =	sbr.rel @p0 .LBB2_5-.Ltmp1, $4  }
0xb0: {  	v24 =	vand.u32 $0x38, v24;
	v19 =	vor.u32 v4, v23;
	v11 =	vld.idx.msk [tilespmem:v17+s12+$0x0], $0xffff  }
0xb1: {  	s28 =	sadd.s32 $0xFFFFFFFA, s26;
	v22 =	vmul.bf16 v20, v22;
	v18 =	vmul.bf16 v18, v13;
	v16 =	vld.idx.msk [tilespmem:v17+s13+$0x0], $0xffff;
	v17 =	vunpack.i.l.bf16.f32 v26  }
0xb2: {  	v20 =	vor.u32 v3, v24;
	v24 =	vadd.s32 s28, v0;
	v13 =	vld.idx.msk [tilespmem:v28+s12+$0x0], $0xffff;
	v15 =	vadd.f32 v17, v15  }
0xb3: {  	s26 =	sadd.s32 $0x8, s26;
	s28 =	sadd.s32 $0xFFFFFFFB, s25;
	v22 =	vadd.bf16 v18, v22;
	v23 =	vmul.bf16 v27, v25;
	v18 =	vunpack.i.u.bf16.f32 v26;
	v17 =	vld.idx.msk [tilespmem:v28+s13+$0x0], $0xffff  }
0xb4: {  	_ =	sdelay $0x3  }
0xb5: {  	v24 =	vand.u32 $0x3F, v24;
	v25 =	vld.idx.msk [tilespmem:v21+s12+$0x0], $0xffff  }
0xb6: {  	v26 =	vadd.s32 s28, v0;
	v21 =	vld.idx.msk [tilespmem:v21+s13+$0x0], $0xffff;
	v24 =	vor.u32 v4, v24  }
0xb7: {  	s26 =	sadd.s32 $0xFFFFFFFC, s25;
	v27 =	vld.idx.msk [tilespmem:v19+s12+$0x0], $0xffff;
	v26 =	vand.u32 $0x3F, v26  }
0xb8: {  	v19 =	vld.idx.msk [tilespmem:v19+s13+$0x0], $0xffff;
	v28 =	vadd.s32 s26, v0;
	v26 =	vor.u32 v4, v26  }
0xb9: {  	s30 =	sadd.s32 $0xFFFFFFFD, s25;
	v29 =	vld.idx.msk [tilespmem:v20+s12+$0x0], $0xffff;
	v28 =	vand.u32 $0x3F, v28  }
0xba: {  	v20 =	vld.idx.msk [tilespmem:v20+s13+$0x0], $0xffff;
	v30 =	vadd.s32 s30, v0;
	v28 =	vor.u32 v4, v28  }
0xbb: {  	s31 =	sadd.s32 $0xFFFFFFFE, s25;
	v30 =	vand.u32 $0x3F, v30;
	v31 =	vld.idx.msk [tilespmem:v24+s12+$0x0], $0xffff  }
0xbc: {  	v32 =	vadd.s32 s31, v0;
	v30 =	vor.u32 v4, v30;
	v24 =	vld.idx.msk [tilespmem:v24+s13+$0x0], $0xffff  }
0xbd: {  	s29 =	sadd.s32 $0xFFFFFFFF, s25;
	v12 =	vmul.bf16 v14, v12;
	v32 =	vand.u32 $0x3F, v32;
	v33 =	vld.idx.msk [tilespmem:v26+s12+$0x0], $0xffff  }
0xbe: {  	v34 =	vadd.s32 s29, v0;
	v22 =	vadd.bf16 v23, v22;
	v32 =	vor.u32 v4, v32;
	v26 =	vld.idx.msk [tilespmem:v26+s13+$0x0], $0xffff  }
0xbf: {  	v14 =	vadd.s32 s25, v0;
	v34 =	vand.u32 $0x3F, v34;
	v23 =	vld.idx.msk [tilespmem:v28+s12+$0x0], $0xffff  }
0xc0: {  	v11 =	vmul.bf16 v16, v11;
	v34 =	vor.u32 v4, v34;
	v12 =	vadd.bf16 v12, v22;
	v28 =	vld.idx.msk [tilespmem:v28+s13+$0x0], $0xffff  }
0xc1: {  	v14 =	vand.u32 $0x3F, v14;
	v20 =	vmul.bf16 v20, v29;
	v62 =	vld.idx.msk [tilespmem:v30+s12+$0x0], $0xffff;
	v24 =	vmul.bf16 v24, v31  }
0xc2: {  	v14 =	vor.u32 v4, v14;
	v11 =	vadd.bf16 v11, v12;
	v12 =	vmul.bf16 v17, v13;
	v16 =	vld.idx.msk [tilespmem:v30+s13+$0x0], $0xffff  }
0xc3: {  	v13 =	vld.idx.msk [tilespmem:v32+s13+$0x0], $0xffff;
	v22 =	vmul.bf16 v26, v33;
	v20 =	vadd.bf16 v24, v20  }
0xc4: {  	v11 =	vadd.bf16 v12, v11;
	v24 =	vld.idx.msk [tilespmem:v32+s12+$0x0], $0xffff  }
0xc5: {  	v12 =	vmul.bf16 v21, v25;
	v21 =	vld.idx.msk [tilespmem:v34+s13+$0x0], $0xffff;
	v17 =	vadd.bf16 v22, v20;
	v20 =	vmul.bf16 v28, v23  }
0xc6: {  	v22 =	vld.idx.msk [tilespmem:v34+s12+$0x0], $0xffff  }
0xc7: {  	v11 =	vadd.bf16 v12, v11;
	v12 =	vld.idx.msk [tilespmem:v14+s13+$0x0], $0xffff;
	v16 =	vmul.bf16 v16, v62;
	v17 =	vadd.bf16 v20, v17  }
0xc8: {  	v23 =	vld.idx.msk [tilespmem:v14+s12+$0x0], $0xffff  }
0xc9: {  	v14 =	vmul.bf16 v19, v27;
	v13 =	vmul.bf16 v13, v24;
	v16 =	vadd.bf16 v16, v17;
	_ =	sdelay $0x1  }
0xca: {  	v11 =	vadd.bf16 v14, v11;
	v14 =	vmul.bf16 v21, v22;
	v13 =	vadd.bf16 v13, v16  }
0xcb: {  	v15 =	vadd.f32 v15, v18  }
0xcc: {  	v12 =	vmul.bf16 v12, v23;
	v16 =	vunpack.i.l.bf16.f32 v11;
	v13 =	vadd.bf16 v14, v13  }
0xcd: {  	v14 =	vadd.f32 v16, v15  }
0xce: {  	s30 =	simm.s32 $0x0;
	v11 =	vunpack.i.u.bf16.f32 v11;
	v12 =	vadd.bf16 v12, v13  }
0xcf: {  	v11 =	vadd.f32 v14, v11;
	v13 =	vadd.s32 s30, v0  }
0xd0: {  	s30 =	simm.s32 $0x4;
	v13 =	vand.u32 $0x38, v13;
	v14 =	vunpack.i.l.bf16.f32 v12  }
0xd1: {  	s31 =	simm.s32 $0x1;
	v16 =	vadd.s32 s30, v0;
	v13 =	vor.u32 v5, v13;
	v11 =	vadd.f32 v14, v11  }
0xd2: {  	v12 =	vunpack.i.u.bf16.f32 v12;
	v16 =	vand.u32 $0x3F, v16;
	v14 =	vadd.s32 s31, v0  }
0xd3: {  	s26 =	simm.s32 $0x2;
	v16 =	vor.u32 v6, v16;
	v14 =	vand.u32 $0x3F, v14;
	v11 =	vadd.f32 v11, v12  }
0xd4: {  	v12 =	vadd.s32 s26, v0;
	v14 =	vor.u32 v6, v14  }
0xd5: {  	s29 =	simm.s32 $0x3;
	v12 =	vand.u32 $0x3F, v12;
	[tilespmem:s24+$0x9E30] =	vst v11  }
0xd6: {  	v11 =	vadd.s32 s29, v0;
	v12 =	vor.u32 v6, v12;
	v15 =	vld.idx.msk [tilespmem:v13+s12+$0x0], $0xffff  }
0xd7: {  	v11 =	vand.u32 $0x3F, v11;
	v13 =	vld.idx.msk [tilespmem:v13+s13+$0x0], $0xffff  }
0xd8: {  	s31 =	simm.s32 $0x5;
	v24 =	vld.idx.msk [tilespmem:v16+s12+$0x0], $0xffff;
	v11 =	vor.u32 v6, v11  }
0xd9: {  	v18 =	vadd.s32 s31, v0;
	v17 =	vld.idx.msk [tilespmem:v14+s12+$0x0], $0xffff  }
0xda: {  	s26 =	simm.s32 $0x6;
	v18 =	vand.u32 $0x3F, v18;
	v14 =	vld.idx.msk [tilespmem:v14+s13+$0x0], $0xffff  }
0xdb: {  	v20 =	vadd.s32 s26, v0;
	v18 =	vor.u32 v6, v18;
	v19 =	vld.idx.msk [tilespmem:v12+s12+$0x0], $0xffff  }
0xdc: {  	s30 =	simm.s32 $0x8;
	s29 =	simm.s32 $0x7;
	v20 =	vand.u32 $0x3F, v20;
	v12 =	vld.idx.msk [tilespmem:v12+s13+$0x0], $0xffff  }
0xdd: {  	v23 =	vadd.s32 s30, v0;
	v22 =	vadd.s32 s29, v0;
	v20 =	vor.u32 v6, v20;
	v21 =	vld.idx.msk [tilespmem:v11+s12+$0x0], $0xffff  }
0xde: {  	v23 =	vand.u32 $0x38, v23;
	v22 =	vand.u32 $0x3F, v22;
	v11 =	vld.idx.msk [tilespmem:v11+s13+$0x0], $0xffff  }
0xdf: {  	v22 =	vor.u32 v6, v22;
	v13 =	vmul.bf16 v13, v15;
	v15 =	vld.idx.msk [tilespmem:v16+s13+$0x0], $0xffff;
	v14 =	vmul.bf16 v14, v17  }
0xe0: {  	s31 =	simm.s32 $0x9;
	v16 =	vor.u32 v5, v23;
	v17 =	vld.idx.msk [tilespmem:v18+s12+$0x0], $0xffff  }
0xe1: {  	s26 =	simm.s32 $0xA;
	v23 =	vadd.s32 s31, v0;
	v13 =	vadd.bf16 v14, v13;
	v12 =	vmul.bf16 v12, v19;
	v14 =	vld.idx.msk [tilespmem:v18+s13+$0x0], $0xffff  }
0xe2: {  	v18 =	vand.u32 $0x3F, v23;
	v19 =	vadd.s32 s26, v0;
	v23 =	vld.idx.msk [tilespmem:v20+s12+$0x0], $0xffff  }
0xe3: {  	s29 =	simm.s32 $0xB;
	v18 =	vor.u32 v6, v18;
	v12 =	vadd.bf16 v12, v13;
	v11 =	vmul.bf16 v11, v21;
	v13 =	vld.idx.msk [tilespmem:v20+s13+$0x0], $0xffff  }
0xe4: {  	v19 =	vand.u32 $0x3F, v19;
	v20 =	vadd.s32 s29, v0;
	v21 =	vld.idx.msk [tilespmem:v22+s12+$0x0], $0xffff  }
0xe5: {  	s30 =	simm.s32 $0xC;
	v19 =	vor.u32 v6, v19;
	v11 =	vadd.bf16 v11, v12;
	v12 =	vmul.bf16 v15, v24;
	v15 =	vld.idx.msk [tilespmem:v22+s13+$0x0], $0xffff  }
0xe6: {  	v20 =	vand.u32 $0x3F, v20;
	v22 =	vld.idx.msk [tilespmem:v16+s12+$0x0], $0xffff;
	v24 =	vadd.s32 s30, v0  }
0xe7: {  	s31 =	simm.s32 $0xD;
	v16 =	vld.idx.msk [tilespmem:v16+s13+$0x0], $0xffff;
	v20 =	vor.u32 v6, v20;
	v11 =	vadd.bf16 v12, v11;
	v12 =	vmul.bf16 v14, v17  }
0xe8: {  	v17 =	vld.idx.msk [tilespmem:v18+s12+$0x0], $0xffff;
	v14 =	vand.u32 $0x3F, v24;
	v24 =	vadd.s32 s31, v0  }
0xe9: {  	s26 =	simm.s32 $0xE;
	v18 =	vld.idx.msk [tilespmem:v18+s13+$0x0], $0xffff;
	v25 =	vor.u32 v6, v14;
	v11 =	vadd.bf16 v12, v11;
	v12 =	vmul.bf16 v13, v23  }
0xea: {  	v14 =	vadd.s32 s26, v0;
	v26 =	vld.idx.msk [tilespmem:v19+s13+$0x0], $0xffff;
	v13 =	vand.u32 $0x3F, v24  }
0xeb: {  	s29 =	simm.s32 $0xF;
	s30 =	simm.s32 $0x10;
	v23 =	vld.idx.msk [tilespmem:v19+s12+$0x0], $0xffff;
	v27 =	vor.u32 v6, v13;
	v13 =	vmul.bf16 v15, v21;
	v11 =	vadd.bf16 v12, v11  }
0xec: {  	v19 =	vadd.s32 s29, v0;
	v24 =	vadd.s32 s30, v0;
	v21 =	vand.u32 $0x3F, v14;
	v14 =	vld.idx.msk [tilespmem:v20+s13+$0x0], $0xffff  }
0xed: {  	v19 =	vand.u32 $0x3F, v19;
	v12 =	vld.idx.msk [tilespmem:v20+s12+$0x0], $0xffff;
	v21 =	vor.u32 v6, v21;
	v63 =	vadd.bf16 v13, v11  }
0xee: {  	v15 =	vimm.f32 $0.0e+00;
	v22 =	vmul.bf16 v16, v22;
	v19 =	vor.u32 v6, v19;
	v11 =	vld.idx.msk [tilespmem:v25+s12+$0x0], $0xffff  }
0xef: {  	s31 =	simm.s32 $0x11;
	v17 =	vmul.bf16 v18, v17;
	v13 =	vand.u32 $0x38, v24;
	v16 =	vld.idx.msk [tilespmem:v25+s13+$0x0], $0xffff;
	v18 =	vunpack.i.l.bf16.f32 v63  }
0xf0: {  	v24 =	vadd.s32 s31, v0;
	v20 =	vor.u32 v5, v13;
	v13 =	vld.idx.msk [tilespmem:v27+s12+$0x0], $0xffff;
	v15 =	vadd.f32 v18, v15  }
0xf1: {  	s25 =	simm.s32 $0x17;
	s28 =	simm.s32 $0x12;
	s26 =	simm.s32 $0x1F;
	v22 =	vadd.bf16 v17, v22;
	v23 =	vmul.bf16 v26, v23;
	v17 =	vld.idx.msk [tilespmem:v27+s13+$0x0], $0xffff;
	v18 =	vunpack.i.u.bf16.f32 v63  }
.LBB2_7:
0xf2: {  	p0 =	sne.s32 s26, $0x3F;
	v24 =	vand.u32 $0x3F, v24;
	v25 =	vadd.s32 s28, v0;
	v26 =	vld.idx.msk [tilespmem:v21+s12+$0x0], $0xffff;
	v15 =	vadd.f32 v15, v18  }
0xf3: {  	s28 =	sadd.s32 $0xFFFFFFFC, s25;
	v12 =	vmul.bf16 v14, v12;
	v18 =	vor.u32 v6, v24;
	v22 =	vadd.bf16 v23, v22;
	v14 =	vld.idx.msk [tilespmem:v21+s13+$0x0], $0xffff  }
0xf4: {  	v21 =	vand.u32 $0x3F, v25;
	v23 =	vadd.s32 s28, v0;
	v24 =	vld.idx.msk [tilespmem:v19+s12+$0x0], $0xffff  }
0xf5: {  	s28 =	sadd.s32 $0xFFFFFFFD, s25;
	v21 =	vor.u32 v6, v21;
	v11 =	vmul.bf16 v16, v11;
	v12 =	vadd.bf16 v12, v22;
	v16 =	vld.idx.msk [tilespmem:v19+s13+$0x0], $0xffff  }
0xf6: {  	v19 =	vand.u32 $0x3F, v23;
	v23 =	vadd.s32 s28, v0;
	v22 =	vld.idx.msk [tilespmem:v20+s12+$0x0], $0xffff  }
0xf7: {  	s28 =	sadd.s32 $0xFFFFFFFE, s25;
	v19 =	vor.u32 v6, v19;
	v20 =	vld.idx.msk [tilespmem:v20+s13+$0x0], $0xffff;
	v11 =	vadd.bf16 v11, v12;
	v12 =	vmul.bf16 v17, v13  }
0xf8: {  	v17 =	vand.u32 $0x3F, v23;
	v23 =	vadd.s32 s28, v0;
	v13 =	vld.idx.msk [tilespmem:v18+s12+$0x0], $0xffff  }
0xf9: {  	s28 =	sadd.s32 $0xFFFFFFFF, s25;
	v17 =	vor.u32 v6, v17;
	v18 =	vld.idx.msk [tilespmem:v18+s13+$0x0], $0xffff;
	v11 =	vadd.bf16 v12, v11;
	v12 =	vmul.bf16 v14, v26  }
0xfa: {  	v14 =	vand.u32 $0x3F, v23;
	v23 =	vadd.s32 s28, v0;
	v26 =	vadd.s32 s25, v0;
	s25 =	smov.u32 s26;
	v25 =	vld.idx.msk [tilespmem:v21+s12+$0x0], $0xffff  }
0xfb: {  	v28 =	vor.u32 v6, v14;
	v16 =	vmul.bf16 v16, v24;
	v27 =	vld.idx.msk [tilespmem:v21+s13+$0x0], $0xffff;
	v11 =	vadd.bf16 v12, v11  }
0xfc: {  	s28 =	sadd.s32 $0xFFFFFFF9, s26;
	v21 =	vand.u32 $0x3F, v23;
	v23 =	vand.u32 $0x3F, v26;
	v12 =	vld.idx.msk [tilespmem:v19+s12+$0x0], $0xffff  }
.Ltmp2:
0xfd: {  	v24 =	vadd.s32 s28, v0;
	v21 =	vor.u32 v6, v21;
	v14 =	vld.idx.msk [tilespmem:v19+s13+$0x0], $0xffff;
	v26 =	vadd.bf16 v16, v11;
	(pc) =	sbr.rel @p0 .LBB2_7-.Ltmp2, $4  }
0xfe: {  	v24 =	vand.u32 $0x38, v24;
	v19 =	vor.u32 v6, v23;
	v11 =	vld.idx.msk [tilespmem:v17+s12+$0x0], $0xffff  }
0xff: {  	s28 =	sadd.s32 $0xFFFFFFFA, s26;
	v22 =	vmul.bf16 v20, v22;
	v18 =	vmul.bf16 v18, v13;
	v16 =	vld.idx.msk [tilespmem:v17+s13+$0x0], $0xffff;
	v17 =	vunpack.i.l.bf16.f32 v26  }
0x100: {  	v20 =	vor.u32 v5, v24;
	v24 =	vadd.s32 s28, v0;
	v13 =	vld.idx.msk [tilespmem:v28+s12+$0x0], $0xffff;
	v15 =	vadd.f32 v17, v15  }
0x101: {  	s26 =	sadd.s32 $0x8, s26;
	s28 =	sadd.s32 $0xFFFFFFFB, s25;
	v22 =	vadd.bf16 v18, v22;
	v23 =	vmul.bf16 v27, v25;
	v18 =	vunpack.i.u.bf16.f32 v26;
	v17 =	vld.idx.msk [tilespmem:v28+s13+$0x0], $0xffff  }
0x102: {  	_ =	sdelay $0x3  }
0x103: {  	v24 =	vand.u32 $0x3F, v24;
	v25 =	vld.idx.msk [tilespmem:v21+s12+$0x0], $0xffff  }
0x104: {  	v26 =	vadd.s32 s28, v0;
	v21 =	vld.idx.msk [tilespmem:v21+s13+$0x0], $0xffff;
	v24 =	vor.u32 v6, v24  }
0x105: {  	s26 =	sadd.s32 $0xFFFFFFFC, s25;
	v27 =	vld.idx.msk [tilespmem:v19+s12+$0x0], $0xffff;
	v26 =	vand.u32 $0x3F, v26  }
0x106: {  	v19 =	vld.idx.msk [tilespmem:v19+s13+$0x0], $0xffff;
	v28 =	vadd.s32 s26, v0;
	v26 =	vor.u32 v6, v26  }
0x107: {  	s30 =	sadd.s32 $0xFFFFFFFD, s25;
	v29 =	vld.idx.msk [tilespmem:v20+s12+$0x0], $0xffff;
	v28 =	vand.u32 $0x3F, v28  }
0x108: {  	v20 =	vld.idx.msk [tilespmem:v20+s13+$0x0], $0xffff;
	v30 =	vadd.s32 s30, v0;
	v28 =	vor.u32 v6, v28  }
0x109: {  	s31 =	sadd.s32 $0xFFFFFFFE, s25;
	v30 =	vand.u32 $0x3F, v30;
	v31 =	vld.idx.msk [tilespmem:v24+s12+$0x0], $0xffff  }
0x10a: {  	v32 =	vadd.s32 s31, v0;
	v30 =	vor.u32 v6, v30;
	v24 =	vld.idx.msk [tilespmem:v24+s13+$0x0], $0xffff  }
0x10b: {  	s29 =	sadd.s32 $0xFFFFFFFF, s25;
	v12 =	vmul.bf16 v14, v12;
	v32 =	vand.u32 $0x3F, v32;
	v33 =	vld.idx.msk [tilespmem:v26+s12+$0x0], $0xffff  }
0x10c: {  	v34 =	vadd.s32 s29, v0;
	v22 =	vadd.bf16 v23, v22;
	v32 =	vor.u32 v6, v32;
	v26 =	vld.idx.msk [tilespmem:v26+s13+$0x0], $0xffff  }
0x10d: {  	v14 =	vadd.s32 s25, v0;
	v34 =	vand.u32 $0x3F, v34;
	v23 =	vld.idx.msk [tilespmem:v28+s12+$0x0], $0xffff  }
0x10e: {  	v11 =	vmul.bf16 v16, v11;
	v34 =	vor.u32 v6, v34;
	v12 =	vadd.bf16 v12, v22;
	v28 =	vld.idx.msk [tilespmem:v28+s13+$0x0], $0xffff  }
0x10f: {  	v14 =	vand.u32 $0x3F, v14;
	v20 =	vmul.bf16 v20, v29;
	v62 =	vld.idx.msk [tilespmem:v30+s12+$0x0], $0xffff;
	v24 =	vmul.bf16 v24, v31  }
0x110: {  	v14 =	vor.u32 v6, v14;
	v11 =	vadd.bf16 v11, v12;
	v12 =	vmul.bf16 v17, v13;
	v16 =	vld.idx.msk [tilespmem:v30+s13+$0x0], $0xffff  }
0x111: {  	v13 =	vld.idx.msk [tilespmem:v32+s13+$0x0], $0xffff;
	v22 =	vmul.bf16 v26, v33;
	v20 =	vadd.bf16 v24, v20  }
0x112: {  	v11 =	vadd.bf16 v12, v11;
	v24 =	vld.idx.msk [tilespmem:v32+s12+$0x0], $0xffff  }
0x113: {  	v12 =	vmul.bf16 v21, v25;
	v21 =	vld.idx.msk [tilespmem:v34+s13+$0x0], $0xffff;
	v17 =	vadd.bf16 v22, v20;
	v20 =	vmul.bf16 v28, v23  }
0x114: {  	v22 =	vld.idx.msk [tilespmem:v34+s12+$0x0], $0xffff  }
0x115: {  	v11 =	vadd.bf16 v12, v11;
	v12 =	vld.idx.msk [tilespmem:v14+s13+$0x0], $0xffff;
	v16 =	vmul.bf16 v16, v62;
	v17 =	vadd.bf16 v20, v17  }
0x116: {  	v23 =	vld.idx.msk [tilespmem:v14+s12+$0x0], $0xffff  }
0x117: {  	v14 =	vmul.bf16 v19, v27;
	v13 =	vmul.bf16 v13, v24;
	v16 =	vadd.bf16 v16, v17;
	_ =	sdelay $0x1  }
0x118: {  	v11 =	vadd.bf16 v14, v11;
	v14 =	vmul.bf16 v21, v22;
	v13 =	vadd.bf16 v13, v16  }
0x119: {  	v15 =	vadd.f32 v15, v18  }
0x11a: {  	v12 =	vmul.bf16 v12, v23;
	v16 =	vunpack.i.l.bf16.f32 v11;
	v13 =	vadd.bf16 v14, v13  }
0x11b: {  	v14 =	vadd.f32 v16, v15  }
0x11c: {  	s30 =	simm.s32 $0x0;
	v11 =	vunpack.i.u.bf16.f32 v11;
	v12 =	vadd.bf16 v12, v13  }
0x11d: {  	v11 =	vadd.f32 v14, v11;
	v13 =	vadd.s32 s30, v0  }
0x11e: {  	s30 =	simm.s32 $0x4;
	v13 =	vand.u32 $0x38, v13;
	v14 =	vunpack.i.l.bf16.f32 v12  }
0x11f: {  	s31 =	simm.s32 $0x1;
	v16 =	vadd.s32 s30, v0;
	v13 =	vor.u32 v7, v13;
	v11 =	vadd.f32 v14, v11  }
0x120: {  	v12 =	vunpack.i.u.bf16.f32 v12;
	v16 =	vand.u32 $0x3F, v16;
	v14 =	vadd.s32 s31, v0  }
0x121: {  	s26 =	simm.s32 $0x2;
	v16 =	vor.u32 v8, v16;
	v14 =	vand.u32 $0x3F, v14;
	v11 =	vadd.f32 v11, v12  }
0x122: {  	v12 =	vadd.s32 s26, v0;
	v14 =	vor.u32 v8, v14  }
0x123: {  	s29 =	simm.s32 $0x3;
	v12 =	vand.u32 $0x3F, v12;
	[tilespmem:s24+$0x9E40] =	vst v11  }
0x124: {  	v11 =	vadd.s32 s29, v0;
	v12 =	vor.u32 v8, v12;
	v15 =	vld.idx.msk [tilespmem:v13+s12+$0x0], $0xffff  }
0x125: {  	v11 =	vand.u32 $0x3F, v11;
	v13 =	vld.idx.msk [tilespmem:v13+s13+$0x0], $0xffff  }
0x126: {  	s31 =	simm.s32 $0x5;
	v24 =	vld.idx.msk [tilespmem:v16+s12+$0x0], $0xffff;
	v11 =	vor.u32 v8, v11  }
0x127: {  	v18 =	vadd.s32 s31, v0;
	v17 =	vld.idx.msk [tilespmem:v14+s12+$0x0], $0xffff  }
0x128: {  	s26 =	simm.s32 $0x6;
	v18 =	vand.u32 $0x3F, v18;
	v14 =	vld.idx.msk [tilespmem:v14+s13+$0x0], $0xffff  }
0x129: {  	v20 =	vadd.s32 s26, v0;
	v18 =	vor.u32 v8, v18;
	v19 =	vld.idx.msk [tilespmem:v12+s12+$0x0], $0xffff  }
0x12a: {  	s30 =	simm.s32 $0x8;
	s29 =	simm.s32 $0x7;
	v20 =	vand.u32 $0x3F, v20;
	v12 =	vld.idx.msk [tilespmem:v12+s13+$0x0], $0xffff  }
0x12b: {  	v23 =	vadd.s32 s30, v0;
	v22 =	vadd.s32 s29, v0;
	v20 =	vor.u32 v8, v20;
	v21 =	vld.idx.msk [tilespmem:v11+s12+$0x0], $0xffff  }
0x12c: {  	v23 =	vand.u32 $0x38, v23;
	v22 =	vand.u32 $0x3F, v22;
	v11 =	vld.idx.msk [tilespmem:v11+s13+$0x0], $0xffff  }
0x12d: {  	v22 =	vor.u32 v8, v22;
	v13 =	vmul.bf16 v13, v15;
	v15 =	vld.idx.msk [tilespmem:v16+s13+$0x0], $0xffff;
	v14 =	vmul.bf16 v14, v17  }
0x12e: {  	s31 =	simm.s32 $0x9;
	v16 =	vor.u32 v7, v23;
	v17 =	vld.idx.msk [tilespmem:v18+s12+$0x0], $0xffff  }
0x12f: {  	s26 =	simm.s32 $0xA;
	v23 =	vadd.s32 s31, v0;
	v13 =	vadd.bf16 v14, v13;
	v12 =	vmul.bf16 v12, v19;
	v14 =	vld.idx.msk [tilespmem:v18+s13+$0x0], $0xffff  }
0x130: {  	v18 =	vand.u32 $0x3F, v23;
	v19 =	vadd.s32 s26, v0;
	v23 =	vld.idx.msk [tilespmem:v20+s12+$0x0], $0xffff  }
0x131: {  	s29 =	simm.s32 $0xB;
	v18 =	vor.u32 v8, v18;
	v12 =	vadd.bf16 v12, v13;
	v11 =	vmul.bf16 v11, v21;
	v13 =	vld.idx.msk [tilespmem:v20+s13+$0x0], $0xffff  }
0x132: {  	v19 =	vand.u32 $0x3F, v19;
	v20 =	vadd.s32 s29, v0;
	v21 =	vld.idx.msk [tilespmem:v22+s12+$0x0], $0xffff  }
0x133: {  	s30 =	simm.s32 $0xC;
	v19 =	vor.u32 v8, v19;
	v11 =	vadd.bf16 v11, v12;
	v12 =	vmul.bf16 v15, v24;
	v15 =	vld.idx.msk [tilespmem:v22+s13+$0x0], $0xffff  }
0x134: {  	v20 =	vand.u32 $0x3F, v20;
	v22 =	vld.idx.msk [tilespmem:v16+s12+$0x0], $0xffff;
	v24 =	vadd.s32 s30, v0  }
0x135: {  	s31 =	simm.s32 $0xD;
	v16 =	vld.idx.msk [tilespmem:v16+s13+$0x0], $0xffff;
	v20 =	vor.u32 v8, v20;
	v11 =	vadd.bf16 v12, v11;
	v12 =	vmul.bf16 v14, v17  }
0x136: {  	v17 =	vld.idx.msk [tilespmem:v18+s12+$0x0], $0xffff;
	v14 =	vand.u32 $0x3F, v24;
	v24 =	vadd.s32 s31, v0  }
0x137: {  	s26 =	simm.s32 $0xE;
	v18 =	vld.idx.msk [tilespmem:v18+s13+$0x0], $0xffff;
	v25 =	vor.u32 v8, v14;
	v11 =	vadd.bf16 v12, v11;
	v12 =	vmul.bf16 v13, v23  }
0x138: {  	v14 =	vadd.s32 s26, v0;
	v26 =	vld.idx.msk [tilespmem:v19+s13+$0x0], $0xffff;
	v13 =	vand.u32 $0x3F, v24  }
0x139: {  	s29 =	simm.s32 $0xF;
	s30 =	simm.s32 $0x10;
	v23 =	vld.idx.msk [tilespmem:v19+s12+$0x0], $0xffff;
	v27 =	vor.u32 v8, v13;
	v13 =	vmul.bf16 v15, v21;
	v11 =	vadd.bf16 v12, v11  }
0x13a: {  	v19 =	vadd.s32 s29, v0;
	v24 =	vadd.s32 s30, v0;
	v21 =	vand.u32 $0x3F, v14;
	v14 =	vld.idx.msk [tilespmem:v20+s13+$0x0], $0xffff  }
0x13b: {  	v19 =	vand.u32 $0x3F, v19;
	v12 =	vld.idx.msk [tilespmem:v20+s12+$0x0], $0xffff;
	v21 =	vor.u32 v8, v21;
	v63 =	vadd.bf16 v13, v11  }
0x13c: {  	v15 =	vimm.f32 $0.0e+00;
	v22 =	vmul.bf16 v16, v22;
	v19 =	vor.u32 v8, v19;
	v11 =	vld.idx.msk [tilespmem:v25+s12+$0x0], $0xffff  }
0x13d: {  	s31 =	simm.s32 $0x11;
	v17 =	vmul.bf16 v18, v17;
	v13 =	vand.u32 $0x38, v24;
	v16 =	vld.idx.msk [tilespmem:v25+s13+$0x0], $0xffff;
	v18 =	vunpack.i.l.bf16.f32 v63  }
0x13e: {  	v24 =	vadd.s32 s31, v0;
	v20 =	vor.u32 v7, v13;
	v13 =	vld.idx.msk [tilespmem:v27+s12+$0x0], $0xffff;
	v15 =	vadd.f32 v18, v15  }
0x13f: {  	s25 =	simm.s32 $0x17;
	s28 =	simm.s32 $0x12;
	s26 =	simm.s32 $0x1F;
	v22 =	vadd.bf16 v17, v22;
	v23 =	vmul.bf16 v26, v23;
	v17 =	vld.idx.msk [tilespmem:v27+s13+$0x0], $0xffff;
	v18 =	vunpack.i.u.bf16.f32 v63  }
.LBB2_9:
0x140: {  	p0 =	sne.s32 s26, $0x3F;
	v24 =	vand.u32 $0x3F, v24;
	v25 =	vadd.s32 s28, v0;
	v26 =	vld.idx.msk [tilespmem:v21+s12+$0x0], $0xffff;
	v15 =	vadd.f32 v15, v18  }
0x141: {  	s28 =	sadd.s32 $0xFFFFFFFC, s25;
	v12 =	vmul.bf16 v14, v12;
	v18 =	vor.u32 v8, v24;
	v22 =	vadd.bf16 v23, v22;
	v14 =	vld.idx.msk [tilespmem:v21+s13+$0x0], $0xffff  }
0x142: {  	v21 =	vand.u32 $0x3F, v25;
	v23 =	vadd.s32 s28, v0;
	v24 =	vld.idx.msk [tilespmem:v19+s12+$0x0], $0xffff  }
0x143: {  	s28 =	sadd.s32 $0xFFFFFFFD, s25;
	v21 =	vor.u32 v8, v21;
	v11 =	vmul.bf16 v16, v11;
	v12 =	vadd.bf16 v12, v22;
	v16 =	vld.idx.msk [tilespmem:v19+s13+$0x0], $0xffff  }
0x144: {  	v19 =	vand.u32 $0x3F, v23;
	v23 =	vadd.s32 s28, v0;
	v22 =	vld.idx.msk [tilespmem:v20+s12+$0x0], $0xffff  }
0x145: {  	s28 =	sadd.s32 $0xFFFFFFFE, s25;
	v19 =	vor.u32 v8, v19;
	v20 =	vld.idx.msk [tilespmem:v20+s13+$0x0], $0xffff;
	v11 =	vadd.bf16 v11, v12;
	v12 =	vmul.bf16 v17, v13  }
0x146: {  	v17 =	vand.u32 $0x3F, v23;
	v23 =	vadd.s32 s28, v0;
	v13 =	vld.idx.msk [tilespmem:v18+s12+$0x0], $0xffff  }
0x147: {  	s28 =	sadd.s32 $0xFFFFFFFF, s25;
	v17 =	vor.u32 v8, v17;
	v18 =	vld.idx.msk [tilespmem:v18+s13+$0x0], $0xffff;
	v11 =	vadd.bf16 v12, v11;
	v12 =	vmul.bf16 v14, v26  }
0x148: {  	v14 =	vand.u32 $0x3F, v23;
	v23 =	vadd.s32 s28, v0;
	v26 =	vadd.s32 s25, v0;
	s25 =	smov.u32 s26;
	v25 =	vld.idx.msk [tilespmem:v21+s12+$0x0], $0xffff  }
0x149: {  	v28 =	vor.u32 v8, v14;
	v16 =	vmul.bf16 v16, v24;
	v27 =	vld.idx.msk [tilespmem:v21+s13+$0x0], $0xffff;
	v11 =	vadd.bf16 v12, v11  }
0x14a: {  	s28 =	sadd.s32 $0xFFFFFFF9, s26;
	v21 =	vand.u32 $0x3F, v23;
	v23 =	vand.u32 $0x3F, v26;
	v12 =	vld.idx.msk [tilespmem:v19+s12+$0x0], $0xffff  }
.Ltmp3:
0x14b: {  	v24 =	vadd.s32 s28, v0;
	v21 =	vor.u32 v8, v21;
	v14 =	vld.idx.msk [tilespmem:v19+s13+$0x0], $0xffff;
	v26 =	vadd.bf16 v16, v11;
	(pc) =	sbr.rel @p0 .LBB2_9-.Ltmp3, $4  }
0x14c: {  	v24 =	vand.u32 $0x38, v24;
	v19 =	vor.u32 v8, v23;
	v11 =	vld.idx.msk [tilespmem:v17+s12+$0x0], $0xffff  }
0x14d: {  	s28 =	sadd.s32 $0xFFFFFFFA, s26;
	v22 =	vmul.bf16 v20, v22;
	v18 =	vmul.bf16 v18, v13;
	v16 =	vld.idx.msk [tilespmem:v17+s13+$0x0], $0xffff;
	v17 =	vunpack.i.l.bf16.f32 v26  }
0x14e: {  	v20 =	vor.u32 v7, v24;
	v24 =	vadd.s32 s28, v0;
	v13 =	vld.idx.msk [tilespmem:v28+s12+$0x0], $0xffff;
	v15 =	vadd.f32 v17, v15  }
0x14f: {  	s26 =	sadd.s32 $0x8, s26;
	s28 =	sadd.s32 $0xFFFFFFFB, s25;
	v22 =	vadd.bf16 v18, v22;
	v23 =	vmul.bf16 v27, v25;
	v18 =	vunpack.i.u.bf16.f32 v26;
	v17 =	vld.idx.msk [tilespmem:v28+s13+$0x0], $0xffff  }
0x150: {  	_ =	sdelay $0x3  }
0x151: {  	v24 =	vand.u32 $0x3F, v24;
	v25 =	vld.idx.msk [tilespmem:v21+s12+$0x0], $0xffff  }
0x152: {  	v26 =	vadd.s32 s28, v0;
	v21 =	vld.idx.msk [tilespmem:v21+s13+$0x0], $0xffff;
	v24 =	vor.u32 v8, v24  }
0x153: {  	s26 =	sadd.s32 $0xFFFFFFFC, s25;
	v27 =	vld.idx.msk [tilespmem:v19+s12+$0x0], $0xffff;
	v26 =	vand.u32 $0x3F, v26  }
0x154: {  	v19 =	vld.idx.msk [tilespmem:v19+s13+$0x0], $0xffff;
	v28 =	vadd.s32 s26, v0;
	v26 =	vor.u32 v8, v26  }
0x155: {  	s30 =	sadd.s32 $0xFFFFFFFD, s25;
	v29 =	vld.idx.msk [tilespmem:v20+s12+$0x0], $0xffff;
	v28 =	vand.u32 $0x3F, v28  }
0x156: {  	v20 =	vld.idx.msk [tilespmem:v20+s13+$0x0], $0xffff;
	v30 =	vadd.s32 s30, v0;
	v28 =	vor.u32 v8, v28  }
0x157: {  	s31 =	sadd.s32 $0xFFFFFFFE, s25;
	v30 =	vand.u32 $0x3F, v30;
	v31 =	vld.idx.msk [tilespmem:v24+s12+$0x0], $0xffff  }
0x158: {  	v32 =	vadd.s32 s31, v0;
	v30 =	vor.u32 v8, v30;
	v24 =	vld.idx.msk [tilespmem:v24+s13+$0x0], $0xffff  }
0x159: {  	s29 =	sadd.s32 $0xFFFFFFFF, s25;
	v12 =	vmul.bf16 v14, v12;
	v32 =	vand.u32 $0x3F, v32;
	v33 =	vld.idx.msk [tilespmem:v26+s12+$0x0], $0xffff  }
0x15a: {  	v34 =	vadd.s32 s29, v0;
	v22 =	vadd.bf16 v23, v22;
	v32 =	vor.u32 v8, v32;
	v26 =	vld.idx.msk [tilespmem:v26+s13+$0x0], $0xffff  }
0x15b: {  	v14 =	vadd.s32 s25, v0;
	v34 =	vand.u32 $0x3F, v34;
	v23 =	vld.idx.msk [tilespmem:v28+s12+$0x0], $0xffff  }
0x15c: {  	v11 =	vmul.bf16 v16, v11;
	v34 =	vor.u32 v8, v34;
	v12 =	vadd.bf16 v12, v22;
	v28 =	vld.idx.msk [tilespmem:v28+s13+$0x0], $0xffff  }
0x15d: {  	v14 =	vand.u32 $0x3F, v14;
	v20 =	vmul.bf16 v20, v29;
	v62 =	vld.idx.msk [tilespmem:v30+s12+$0x0], $0xffff;
	v24 =	vmul.bf16 v24, v31  }
0x15e: {  	v14 =	vor.u32 v8, v14;
	v11 =	vadd.bf16 v11, v12;
	v12 =	vmul.bf16 v17, v13;
	v16 =	vld.idx.msk [tilespmem:v30+s13+$0x0], $0xffff  }
0x15f: {  	v13 =	vld.idx.msk [tilespmem:v32+s13+$0x0], $0xffff;
	v22 =	vmul.bf16 v26, v33;
	v20 =	vadd.bf16 v24, v20  }
0x160: {  	v11 =	vadd.bf16 v12, v11;
	v24 =	vld.idx.msk [tilespmem:v32+s12+$0x0], $0xffff  }
0x161: {  	v12 =	vmul.bf16 v21, v25;
	v21 =	vld.idx.msk [tilespmem:v34+s13+$0x0], $0xffff;
	v17 =	vadd.bf16 v22, v20;
	v20 =	vmul.bf16 v28, v23  }
0x162: {  	v22 =	vld.idx.msk [tilespmem:v34+s12+$0x0], $0xffff  }
0x163: {  	v11 =	vadd.bf16 v12, v11;
	v12 =	vld.idx.msk [tilespmem:v14+s13+$0x0], $0xffff;
	v16 =	vmul.bf16 v16, v62;
	v17 =	vadd.bf16 v20, v17  }
0x164: {  	v23 =	vld.idx.msk [tilespmem:v14+s12+$0x0], $0xffff  }
0x165: {  	v14 =	vmul.bf16 v19, v27;
	v13 =	vmul.bf16 v13, v24;
	v16 =	vadd.bf16 v16, v17;
	_ =	sdelay $0x1  }
0x166: {  	v11 =	vadd.bf16 v14, v11;
	v14 =	vmul.bf16 v21, v22;
	v13 =	vadd.bf16 v13, v16  }
0x167: {  	v15 =	vadd.f32 v15, v18  }
0x168: {  	v12 =	vmul.bf16 v12, v23;
	v16 =	vunpack.i.l.bf16.f32 v11;
	v13 =	vadd.bf16 v14, v13  }
0x169: {  	v14 =	vadd.f32 v16, v15  }
0x16a: {  	s30 =	simm.s32 $0x0;
	v11 =	vunpack.i.u.bf16.f32 v11;
	v12 =	vadd.bf16 v12, v13  }
0x16b: {  	v11 =	vadd.f32 v14, v11;
	v13 =	vadd.s32 s30, v0  }
0x16c: {  	s30 =	simm.s32 $0x4;
	v13 =	vand.u32 $0x38, v13;
	v14 =	vunpack.i.l.bf16.f32 v12  }
0x16d: {  	s31 =	simm.s32 $0x1;
	v16 =	vadd.s32 s30, v0;
	v13 =	vor.u32 v9, v13;
	v11 =	vadd.f32 v14, v11  }
0x16e: {  	v12 =	vunpack.i.u.bf16.f32 v12;
	v16 =	vand.u32 $0x3F, v16;
	v14 =	vadd.s32 s31, v0  }
0x16f: {  	s26 =	simm.s32 $0x2;
	v16 =	vor.u32 v10, v16;
	v14 =	vand.u32 $0x3F, v14;
	v11 =	vadd.f32 v11, v12  }
0x170: {  	v12 =	vadd.s32 s26, v0;
	v14 =	vor.u32 v10, v14  }
0x171: {  	s29 =	simm.s32 $0x3;
	v12 =	vand.u32 $0x3F, v12;
	[tilespmem:s24+$0x9E50] =	vst v11  }
0x172: {  	v11 =	vadd.s32 s29, v0;
	v12 =	vor.u32 v10, v12;
	v15 =	vld.idx.msk [tilespmem:v13+s12+$0x0], $0xffff  }
0x173: {  	v11 =	vand.u32 $0x3F, v11;
	v13 =	vld.idx.msk [tilespmem:v13+s13+$0x0], $0xffff  }
0x174: {  	s31 =	simm.s32 $0x5;
	v24 =	vld.idx.msk [tilespmem:v16+s12+$0x0], $0xffff;
	v11 =	vor.u32 v10, v11  }
0x175: {  	v18 =	vadd.s32 s31, v0;
	v17 =	vld.idx.msk [tilespmem:v14+s12+$0x0], $0xffff  }
0x176: {  	s26 =	simm.s32 $0x6;
	v18 =	vand.u32 $0x3F, v18;
	v14 =	vld.idx.msk [tilespmem:v14+s13+$0x0], $0xffff  }
0x177: {  	v20 =	vadd.s32 s26, v0;
	v18 =	vor.u32 v10, v18;
	v19 =	vld.idx.msk [tilespmem:v12+s12+$0x0], $0xffff  }
0x178: {  	s30 =	simm.s32 $0x8;
	s29 =	simm.s32 $0x7;
	v20 =	vand.u32 $0x3F, v20;
	v12 =	vld.idx.msk [tilespmem:v12+s13+$0x0], $0xffff  }
0x179: {  	v23 =	vadd.s32 s30, v0;
	v22 =	vadd.s32 s29, v0;
	v20 =	vor.u32 v10, v20;
	v21 =	vld.idx.msk [tilespmem:v11+s12+$0x0], $0xffff  }
0x17a: {  	v23 =	vand.u32 $0x38, v23;
	v22 =	vand.u32 $0x3F, v22;
	v11 =	vld.idx.msk [tilespmem:v11+s13+$0x0], $0xffff  }
0x17b: {  	v22 =	vor.u32 v10, v22;
	v13 =	vmul.bf16 v13, v15;
	v15 =	vld.idx.msk [tilespmem:v16+s13+$0x0], $0xffff;
	v14 =	vmul.bf16 v14, v17  }
0x17c: {  	s31 =	simm.s32 $0x9;
	v16 =	vor.u32 v9, v23;
	v17 =	vld.idx.msk [tilespmem:v18+s12+$0x0], $0xffff  }
0x17d: {  	s26 =	simm.s32 $0xA;
	v23 =	vadd.s32 s31, v0;
	v13 =	vadd.bf16 v14, v13;
	v12 =	vmul.bf16 v12, v19;
	v14 =	vld.idx.msk [tilespmem:v18+s13+$0x0], $0xffff  }
0x17e: {  	v18 =	vand.u32 $0x3F, v23;
	v19 =	vadd.s32 s26, v0;
	v23 =	vld.idx.msk [tilespmem:v20+s12+$0x0], $0xffff  }
0x17f: {  	s29 =	simm.s32 $0xB;
	v18 =	vor.u32 v10, v18;
	v12 =	vadd.bf16 v12, v13;
	v11 =	vmul.bf16 v11, v21;
	v13 =	vld.idx.msk [tilespmem:v20+s13+$0x0], $0xffff  }
0x180: {  	v19 =	vand.u32 $0x3F, v19;
	v20 =	vadd.s32 s29, v0;
	v21 =	vld.idx.msk [tilespmem:v22+s12+$0x0], $0xffff  }
0x181: {  	s30 =	simm.s32 $0xC;
	v19 =	vor.u32 v10, v19;
	v11 =	vadd.bf16 v11, v12;
	v12 =	vmul.bf16 v15, v24;
	v15 =	vld.idx.msk [tilespmem:v22+s13+$0x0], $0xffff  }
0x182: {  	v20 =	vand.u32 $0x3F, v20;
	v22 =	vld.idx.msk [tilespmem:v16+s12+$0x0], $0xffff;
	v24 =	vadd.s32 s30, v0  }
0x183: {  	s31 =	simm.s32 $0xD;
	v16 =	vld.idx.msk [tilespmem:v16+s13+$0x0], $0xffff;
	v20 =	vor.u32 v10, v20;
	v11 =	vadd.bf16 v12, v11;
	v12 =	vmul.bf16 v14, v17  }
0x184: {  	v17 =	vld.idx.msk [tilespmem:v18+s12+$0x0], $0xffff;
	v14 =	vand.u32 $0x3F, v24;
	v24 =	vadd.s32 s31, v0  }
0x185: {  	s26 =	simm.s32 $0xE;
	v18 =	vld.idx.msk [tilespmem:v18+s13+$0x0], $0xffff;
	v25 =	vor.u32 v10, v14;
	v11 =	vadd.bf16 v12, v11;
	v12 =	vmul.bf16 v13, v23  }
0x186: {  	v14 =	vadd.s32 s26, v0;
	v26 =	vld.idx.msk [tilespmem:v19+s13+$0x0], $0xffff;
	v13 =	vand.u32 $0x3F, v24  }
0x187: {  	s29 =	simm.s32 $0xF;
	s30 =	simm.s32 $0x10;
	v23 =	vld.idx.msk [tilespmem:v19+s12+$0x0], $0xffff;
	v27 =	vor.u32 v10, v13;
	v13 =	vmul.bf16 v15, v21;
	v11 =	vadd.bf16 v12, v11  }
0x188: {  	v19 =	vadd.s32 s29, v0;
	v24 =	vadd.s32 s30, v0;
	v21 =	vand.u32 $0x3F, v14;
	v14 =	vld.idx.msk [tilespmem:v20+s13+$0x0], $0xffff  }
0x189: {  	v19 =	vand.u32 $0x3F, v19;
	v12 =	vld.idx.msk [tilespmem:v20+s12+$0x0], $0xffff;
	v21 =	vor.u32 v10, v21;
	v63 =	vadd.bf16 v13, v11  }
0x18a: {  	v15 =	vimm.f32 $0.0e+00;
	v22 =	vmul.bf16 v16, v22;
	v19 =	vor.u32 v10, v19;
	v11 =	vld.idx.msk [tilespmem:v25+s12+$0x0], $0xffff  }
0x18b: {  	s31 =	simm.s32 $0x11;
	v17 =	vmul.bf16 v18, v17;
	v13 =	vand.u32 $0x38, v24;
	v16 =	vld.idx.msk [tilespmem:v25+s13+$0x0], $0xffff;
	v18 =	vunpack.i.l.bf16.f32 v63  }
0x18c: {  	v24 =	vadd.s32 s31, v0;
	v20 =	vor.u32 v9, v13;
	v13 =	vld.idx.msk [tilespmem:v27+s12+$0x0], $0xffff;
	v15 =	vadd.f32 v18, v15  }
0x18d: {  	s25 =	simm.s32 $0x17;
	s28 =	simm.s32 $0x12;
	s26 =	simm.s32 $0x1F;
	v22 =	vadd.bf16 v17, v22;
	v23 =	vmul.bf16 v26, v23;
	v17 =	vld.idx.msk [tilespmem:v27+s13+$0x0], $0xffff;
	v18 =	vunpack.i.u.bf16.f32 v63  }
.LBB2_11:
0x18e: {  	p0 =	sne.s32 s26, $0x3F;
	v24 =	vand.u32 $0x3F, v24;
	v25 =	vadd.s32 s28, v0;
	v26 =	vld.idx.msk [tilespmem:v21+s12+$0x0], $0xffff;
	v15 =	vadd.f32 v15, v18  }
0x18f: {  	s28 =	sadd.s32 $0xFFFFFFFC, s25;
	v12 =	vmul.bf16 v14, v12;
	v18 =	vor.u32 v10, v24;
	v22 =	vadd.bf16 v23, v22;
	v14 =	vld.idx.msk [tilespmem:v21+s13+$0x0], $0xffff  }
0x190: {  	v21 =	vand.u32 $0x3F, v25;
	v23 =	vadd.s32 s28, v0;
	v24 =	vld.idx.msk [tilespmem:v19+s12+$0x0], $0xffff  }
0x191: {  	s28 =	sadd.s32 $0xFFFFFFFD, s25;
	v21 =	vor.u32 v10, v21;
	v11 =	vmul.bf16 v16, v11;
	v12 =	vadd.bf16 v12, v22;
	v16 =	vld.idx.msk [tilespmem:v19+s13+$0x0], $0xffff  }
0x192: {  	v19 =	vand.u32 $0x3F, v23;
	v23 =	vadd.s32 s28, v0;
	v22 =	vld.idx.msk [tilespmem:v20+s12+$0x0], $0xffff  }
0x193: {  	s28 =	sadd.s32 $0xFFFFFFFE, s25;
	v19 =	vor.u32 v10, v19;
	v20 =	vld.idx.msk [tilespmem:v20+s13+$0x0], $0xffff;
	v11 =	vadd.bf16 v11, v12;
	v12 =	vmul.bf16 v17, v13  }
0x194: {  	v17 =	vand.u32 $0x3F, v23;
	v23 =	vadd.s32 s28, v0;
	v13 =	vld.idx.msk [tilespmem:v18+s12+$0x0], $0xffff  }
0x195: {  	s28 =	sadd.s32 $0xFFFFFFFF, s25;
	v17 =	vor.u32 v10, v17;
	v18 =	vld.idx.msk [tilespmem:v18+s13+$0x0], $0xffff;
	v11 =	vadd.bf16 v12, v11;
	v12 =	vmul.bf16 v14, v26  }
0x196: {  	v14 =	vand.u32 $0x3F, v23;
	v23 =	vadd.s32 s28, v0;
	v26 =	vadd.s32 s25, v0;
	s25 =	smov.u32 s26;
	v25 =	vld.idx.msk [tilespmem:v21+s12+$0x0], $0xffff  }
0x197: {  	v28 =	vor.u32 v10, v14;
	v16 =	vmul.bf16 v16, v24;
	v27 =	vld.idx.msk [tilespmem:v21+s13+$0x0], $0xffff;
	v11 =	vadd.bf16 v12, v11  }
0x198: {  	s28 =	sadd.s32 $0xFFFFFFF9, s26;
	v21 =	vand.u32 $0x3F, v23;
	v23 =	vand.u32 $0x3F, v26;
	v12 =	vld.idx.msk [tilespmem:v19+s12+$0x0], $0xffff  }
.Ltmp4:
0x199: {  	v24 =	vadd.s32 s28, v0;
	v21 =	vor.u32 v10, v21;
	v14 =	vld.idx.msk [tilespmem:v19+s13+$0x0], $0xffff;
	v26 =	vadd.bf16 v16, v11;
	(pc) =	sbr.rel @p0 .LBB2_11-.Ltmp4, $4  }
0x19a: {  	v24 =	vand.u32 $0x38, v24;
	v19 =	vor.u32 v10, v23;
	v11 =	vld.idx.msk [tilespmem:v17+s12+$0x0], $0xffff  }
0x19b: {  	s28 =	sadd.s32 $0xFFFFFFFA, s26;
	v22 =	vmul.bf16 v20, v22;
	v18 =	vmul.bf16 v18, v13;
	v16 =	vld.idx.msk [tilespmem:v17+s13+$0x0], $0xffff;
	v17 =	vunpack.i.l.bf16.f32 v26  }
0x19c: {  	v20 =	vor.u32 v9, v24;
	v24 =	vadd.s32 s28, v0;
	v13 =	vld.idx.msk [tilespmem:v28+s12+$0x0], $0xffff;
	v15 =	vadd.f32 v17, v15  }
0x19d: {  	s26 =	sadd.s32 $0x8, s26;
	s28 =	sadd.s32 $0xFFFFFFFB, s25;
	v22 =	vadd.bf16 v18, v22;
	v23 =	vmul.bf16 v27, v25;
	v18 =	vunpack.i.u.bf16.f32 v26;
	v17 =	vld.idx.msk [tilespmem:v28+s13+$0x0], $0xffff  }
0x19e: {  	_ =	sdelay $0x3  }
0x19f: {  	v24 =	vand.u32 $0x3F, v24;
	v25 =	vld.idx.msk [tilespmem:v21+s12+$0x0], $0xffff  }
0x1a0: {  	v26 =	vadd.s32 s28, v0;
	v21 =	vld.idx.msk [tilespmem:v21+s13+$0x0], $0xffff;
	v24 =	vor.u32 v10, v24  }
0x1a1: {  	s26 =	sadd.s32 $0xFFFFFFFC, s25;
	v27 =	vld.idx.msk [tilespmem:v19+s12+$0x0], $0xffff;
	v26 =	vand.u32 $0x3F, v26  }
0x1a2: {  	v19 =	vld.idx.msk [tilespmem:v19+s13+$0x0], $0xffff;
	v28 =	vadd.s32 s26, v0;
	v26 =	vor.u32 v10, v26  }
0x1a3: {  	s29 =	sadd.s32 $0xFFFFFFFD, s25;
	v29 =	vld.idx.msk [tilespmem:v20+s12+$0x0], $0xffff;
	v28 =	vand.u32 $0x3F, v28  }
0x1a4: {  	v20 =	vld.idx.msk [tilespmem:v20+s13+$0x0], $0xffff;
	v30 =	vadd.s32 s29, v0;
	v28 =	vor.u32 v10, v28  }
0x1a5: {  	s30 =	sadd.s32 $0xFFFFFFFE, s25;
	v30 =	vand.u32 $0x3F, v30;
	v31 =	vld.idx.msk [tilespmem:v24+s12+$0x0], $0xffff  }
0x1a6: {  	v32 =	vadd.s32 s30, v0;
	v30 =	vor.u32 v10, v30;
	v24 =	vld.idx.msk [tilespmem:v24+s13+$0x0], $0xffff  }
0x1a7: {  	s31 =	sadd.s32 $0xFFFFFFFF, s25;
	v12 =	vmul.bf16 v14, v12;
	v32 =	vand.u32 $0x3F, v32;
	v33 =	vld.idx.msk [tilespmem:v26+s12+$0x0], $0xffff  }
0x1a8: {  	v34 =	vadd.s32 s31, v0;
	v22 =	vadd.bf16 v23, v22;
	v32 =	vor.u32 v10, v32;
	v26 =	vld.idx.msk [tilespmem:v26+s13+$0x0], $0xffff  }
0x1a9: {  	v14 =	vadd.s32 s25, v0;
	v34 =	vand.u32 $0x3F, v34;
	v23 =	vld.idx.msk [tilespmem:v28+s12+$0x0], $0xffff  }
0x1aa: {  	v11 =	vmul.bf16 v16, v11;
	v34 =	vor.u32 v10, v34;
	v12 =	vadd.bf16 v12, v22;
	v28 =	vld.idx.msk [tilespmem:v28+s13+$0x0], $0xffff  }
0x1ab: {  	v14 =	vand.u32 $0x3F, v14;
	v20 =	vmul.bf16 v20, v29;
	v61 =	vld.idx.msk [tilespmem:v30+s12+$0x0], $0xffff;
	v24 =	vmul.bf16 v24, v31  }
0x1ac: {  	v14 =	vor.u32 v10, v14;
	v11 =	vadd.bf16 v11, v12;
	v12 =	vmul.bf16 v17, v13;
	v16 =	vld.idx.msk [tilespmem:v30+s13+$0x0], $0xffff  }
0x1ad: {  	v13 =	vld.idx.msk [tilespmem:v32+s13+$0x0], $0xffff;
	v22 =	vmul.bf16 v26, v33;
	v20 =	vadd.bf16 v24, v20  }
0x1ae: {  	v11 =	vadd.bf16 v12, v11;
	v24 =	vld.idx.msk [tilespmem:v32+s12+$0x0], $0xffff  }
0x1af: {  	v12 =	vmul.bf16 v21, v25;
	v21 =	vld.idx.msk [tilespmem:v34+s13+$0x0], $0xffff;
	v17 =	vadd.bf16 v22, v20;
	v20 =	vmul.bf16 v28, v23  }
0x1b0: {  	v22 =	vld.idx.msk [tilespmem:v34+s12+$0x0], $0xffff  }
0x1b1: {  	v11 =	vadd.bf16 v12, v11;
	v12 =	vld.idx.msk [tilespmem:v14+s13+$0x0], $0xffff;
	v16 =	vmul.bf16 v16, v61;
	v17 =	vadd.bf16 v20, v17  }
0x1b2: {  	v23 =	vld.idx.msk [tilespmem:v14+s12+$0x0], $0xffff  }
0x1b3: {  	v14 =	vmul.bf16 v19, v27;
	v13 =	vmul.bf16 v13, v24;
	v16 =	vadd.bf16 v16, v17;
	_ =	sdelay $0x1  }
0x1b4: {  	v11 =	vadd.bf16 v14, v11;
	v14 =	vmul.bf16 v21, v22;
	v13 =	vadd.bf16 v13, v16  }
0x1b5: {  	v15 =	vadd.f32 v15, v18  }
0x1b6: {  	v12 =	vmul.bf16 v12, v23;
	v16 =	vunpack.i.l.bf16.f32 v11;
	v13 =	vadd.bf16 v14, v13  }
0x1b7: {  	v14 =	vadd.f32 v16, v15  }
0x1b8: {  	v11 =	vunpack.i.u.bf16.f32 v11;
	v12 =	vadd.bf16 v12, v13  }
0x1b9: {  	v11 =	vadd.f32 v14, v11  }
0x1ba: {  	v13 =	vunpack.i.l.bf16.f32 v12  }
0x1bb: {  	v11 =	vadd.f32 v13, v11  }
0x1bc: {  	v12 =	vunpack.i.u.bf16.f32 v12  }
0x1bd: {  	v11 =	vadd.f32 v11, v12;
	_ =	sdelay $0x1  }
0x1be: {  	s26 =	sadd.s32 $0xA0, s24;
	[tilespmem:s24+$0x9E60] =	vst v11  }
0x1bf: {  	[tilespmem:s12], [sflag:$0x1] =	stream.indirect.gather [hbm4b:s3+s11], $0x40, s26, s11, $0xb8;
	[tilespmem:$0xC530] =	vst v63  }
0x1c0: {  	s29 =	sadd.s32 $0x27B0, s24;
	s30 =	simm.s32 $0x0  }
0x1c1: {  	v11 =	vadd.s32 s30, v0;
	[tilespmem:s13], [sflag:$0x3] =	stream.indirect.gather [hbm4b:s4+s11], $0x40, s29, s11, $0xb8;
	[tilespmem:$0xC530] =	vst v63  }
0x1c2: {  	s31 =	simm.s32 $0x1;
	v11 =	vand.u32 $0x38, v11;
	_ =	swait.ge [sflag:s19], $0x1400  }
0x1c3: {  	v12 =	vadd.s32 s31, v0;
	v11 =	vor.u32 v2, v11;
	[sflag:s19] =	ssyncset.done $0x0  }
0x1c4: {  	v12 =	vand.u32 $0x3F, v12;
	s26 =	simm.s32 $0x2;
	[sflag:s19] =	ssyncadd.s32 $0xFFFFEC00  }
0x1c5: {  	v12 =	vor.u32 v1, v12;
	v13 =	vadd.s32 s26, v0;
	_ =	swait.ge [sflag:s20], $0x1400  }
0x1c6: {  	s30 =	simm.s32 $0x4;
	v13 =	vand.u32 $0x3F, v13;
	[sflag:s20] =	ssyncset.done $0x0  }
0x1c7: {  	v16 =	vadd.s32 s30, v0;
	s29 =	simm.s32 $0x3;
	v13 =	vor.u32 v1, v13;
	[sflag:s20] =	ssyncadd.s32 $0xFFFFEC00  }
0x1c8: {  	v16 =	vand.u32 $0x3F, v16;
	v14 =	vadd.s32 s29, v0;
	v15 =	vld.idx.msk [tilespmem:v11+s14+$0x0], $0xffff  }
0x1c9: {  	v16 =	vor.u32 v1, v16;
	v14 =	vand.u32 $0x3F, v14;
	v11 =	vld.idx.msk [tilespmem:v11+s16+$0x0], $0xffff  }
0x1ca: {  	s31 =	simm.s32 $0x5;
	v14 =	vor.u32 v1, v14;
	v17 =	vld.idx.msk [tilespmem:v12+s14+$0x0], $0xffff  }
0x1cb: {  	v18 =	vadd.s32 s31, v0;
	v12 =	vld.idx.msk [tilespmem:v12+s16+$0x0], $0xffff  }
0x1cc: {  	v18 =	vand.u32 $0x3F, v18;
	s26 =	simm.s32 $0x6;
	v19 =	vld.idx.msk [tilespmem:v13+s14+$0x0], $0xffff  }
0x1cd: {  	v18 =	vor.u32 v1, v18;
	v20 =	vadd.s32 s26, v0;
	v13 =	vld.idx.msk [tilespmem:v13+s16+$0x0], $0xffff  }
0x1ce: {  	s30 =	simm.s32 $0x8;
	s29 =	simm.s32 $0x7;
	v20 =	vand.u32 $0x3F, v20;
	v24 =	vld.idx.msk [tilespmem:v16+s14+$0x0], $0xffff  }
0x1cf: {  	v23 =	vadd.s32 s30, v0;
	v22 =	vadd.s32 s29, v0;
	v20 =	vor.u32 v1, v20;
	v21 =	vld.idx.msk [tilespmem:v14+s14+$0x0], $0xffff  }
0x1d0: {  	v23 =	vand.u32 $0x38, v23;
	v22 =	vand.u32 $0x3F, v22;
	v14 =	vld.idx.msk [tilespmem:v14+s16+$0x0], $0xffff  }
0x1d1: {  	v22 =	vor.u32 v1, v22;
	v11 =	vmul.bf16 v11, v15;
	v12 =	vmul.bf16 v12, v17;
	v15 =	vld.idx.msk [tilespmem:v16+s16+$0x0], $0xffff  }
0x1d2: {  	s31 =	simm.s32 $0x9;
	v16 =	vor.u32 v2, v23;
	v17 =	vld.idx.msk [tilespmem:v18+s14+$0x0], $0xffff  }
0x1d3: {  	s26 =	simm.s32 $0xA;
	v23 =	vadd.s32 s31, v0;
	v11 =	vadd.bf16 v12, v11;
	v12 =	vmul.bf16 v13, v19;
	v13 =	vld.idx.msk [tilespmem:v18+s16+$0x0], $0xffff  }
0x1d4: {  	v18 =	vand.u32 $0x3F, v23;
	v19 =	vadd.s32 s26, v0;
	v23 =	vld.idx.msk [tilespmem:v20+s14+$0x0], $0xffff  }
0x1d5: {  	s29 =	simm.s32 $0xB;
	v18 =	vor.u32 v1, v18;
	v11 =	vadd.bf16 v12, v11;
	v12 =	vmul.bf16 v14, v21;
	v14 =	vld.idx.msk [tilespmem:v20+s16+$0x0], $0xffff  }
0x1d6: {  	v19 =	vand.u32 $0x3F, v19;
	v20 =	vadd.s32 s29, v0;
	v21 =	vld.idx.msk [tilespmem:v22+s14+$0x0], $0xffff  }
0x1d7: {  	s30 =	simm.s32 $0xC;
	v19 =	vor.u32 v1, v19;
	v11 =	vadd.bf16 v12, v11;
	v12 =	vmul.bf16 v15, v24;
	v15 =	vld.idx.msk [tilespmem:v22+s16+$0x0], $0xffff  }
0x1d8: {  	v20 =	vand.u32 $0x3F, v20;
	v22 =	vld.idx.msk [tilespmem:v16+s14+$0x0], $0xffff;
	v24 =	vadd.s32 s30, v0  }
0x1d9: {  	s31 =	simm.s32 $0xD;
	v16 =	vld.idx.msk [tilespmem:v16+s16+$0x0], $0xffff;
	v20 =	vor.u32 v1, v20;
	v11 =	vadd.bf16 v12, v11;
	v12 =	vmul.bf16 v13, v17  }
0x1da: {  	v13 =	vld.idx.msk [tilespmem:v18+s14+$0x0], $0xffff;
	v17 =	vand.u32 $0x3F, v24;
	v24 =	vadd.s32 s31, v0  }
0x1db: {  	s26 =	simm.s32 $0xE;
	v18 =	vld.idx.msk [tilespmem:v18+s16+$0x0], $0xffff;
	v17 =	vor.u32 v1, v17;
	v11 =	vadd.bf16 v12, v11;
	v12 =	vmul.bf16 v14, v23  }
0x1dc: {  	v25 =	vld.idx.msk [tilespmem:v19+s16+$0x0], $0xffff;
	v14 =	vand.u32 $0x3F, v24;
	v24 =	vadd.s32 s26, v0  }
0x1dd: {  	s29 =	simm.s32 $0xF;
	v23 =	vld.idx.msk [tilespmem:v19+s14+$0x0], $0xffff;
	v26 =	vor.u32 v1, v14;
	v15 =	vmul.bf16 v15, v21;
	v11 =	vadd.bf16 v12, v11  }
0x1de: {  	v27 =	vimm.f32 $0.0e+00;
	v14 =	vadd.s32 s29, v0;
	v19 =	vand.u32 $0x3F, v24;
	v12 =	vld.idx.msk [tilespmem:v20+s14+$0x0], $0xffff  }
0x1df: {  	s30 =	simm.s32 $0x10;
	v24 =	vand.u32 $0x3F, v14;
	v14 =	vld.idx.msk [tilespmem:v20+s16+$0x0], $0xffff;
	v21 =	vor.u32 v1, v19;
	v63 =	vadd.bf16 v15, v11  }
0x1e0: {  	v62 =	vadd.s32 s30, v0;
	v22 =	vmul.bf16 v16, v22;
	v19 =	vor.u32 v1, v24;
	v11 =	vld.idx.msk [tilespmem:v17+s14+$0x0], $0xffff  }
0x1e1: {  	s31 =	simm.s32 $0x11;
	v18 =	vmul.bf16 v18, v13;
	v15 =	vand.u32 $0x38, v62;
	v16 =	vld.idx.msk [tilespmem:v17+s16+$0x0], $0xffff;
	v17 =	vunpack.i.l.bf16.f32 v63  }
0x1e2: {  	v24 =	vadd.s32 s31, v0;
	v20 =	vor.u32 v2, v15;
	v13 =	vld.idx.msk [tilespmem:v26+s14+$0x0], $0xffff;
	v15 =	vadd.f32 v17, v27  }
0x1e3: {  	s25 =	simm.s32 $0x17;
	s28 =	simm.s32 $0x12;
	s26 =	simm.s32 $0x1F;
	v22 =	vadd.bf16 v18, v22;
	v23 =	vmul.bf16 v25, v23;
	v18 =	vunpack.i.u.bf16.f32 v63;
	v17 =	vld.idx.msk [tilespmem:v26+s16+$0x0], $0xffff  }
.LBB2_13:
0x1e4: {  	p0 =	sne.s32 s26, $0x3F;
	v24 =	vand.u32 $0x3F, v24;
	v25 =	vadd.s32 s28, v0;
	v26 =	vld.idx.msk [tilespmem:v21+s14+$0x0], $0xffff;
	v15 =	vadd.f32 v15, v18  }
0x1e5: {  	s28 =	sadd.s32 $0xFFFFFFFC, s25;
	v12 =	vmul.bf16 v14, v12;
	v18 =	vor.u32 v1, v24;
	v22 =	vadd.bf16 v23, v22;
	v14 =	vld.idx.msk [tilespmem:v21+s16+$0x0], $0xffff  }
0x1e6: {  	v21 =	vand.u32 $0x3F, v25;
	v23 =	vadd.s32 s28, v0;
	v24 =	vld.idx.msk [tilespmem:v19+s14+$0x0], $0xffff  }
0x1e7: {  	s28 =	sadd.s32 $0xFFFFFFFD, s25;
	v21 =	vor.u32 v1, v21;
	v11 =	vmul.bf16 v16, v11;
	v12 =	vadd.bf16 v12, v22;
	v16 =	vld.idx.msk [tilespmem:v19+s16+$0x0], $0xffff  }
0x1e8: {  	v19 =	vand.u32 $0x3F, v23;
	v23 =	vadd.s32 s28, v0;
	v22 =	vld.idx.msk [tilespmem:v20+s14+$0x0], $0xffff  }
0x1e9: {  	s28 =	sadd.s32 $0xFFFFFFFE, s25;
	v19 =	vor.u32 v1, v19;
	v20 =	vld.idx.msk [tilespmem:v20+s16+$0x0], $0xffff;
	v11 =	vadd.bf16 v11, v12;
	v12 =	vmul.bf16 v17, v13  }
0x1ea: {  	v17 =	vand.u32 $0x3F, v23;
	v23 =	vadd.s32 s28, v0;
	v13 =	vld.idx.msk [tilespmem:v18+s14+$0x0], $0xffff  }
0x1eb: {  	s28 =	sadd.s32 $0xFFFFFFFF, s25;
	v17 =	vor.u32 v1, v17;
	v18 =	vld.idx.msk [tilespmem:v18+s16+$0x0], $0xffff;
	v11 =	vadd.bf16 v12, v11;
	v12 =	vmul.bf16 v14, v26  }
0x1ec: {  	v14 =	vand.u32 $0x3F, v23;
	v23 =	vadd.s32 s28, v0;
	v26 =	vadd.s32 s25, v0;
	s25 =	smov.u32 s26;
	v25 =	vld.idx.msk [tilespmem:v21+s14+$0x0], $0xffff  }
0x1ed: {  	v28 =	vor.u32 v1, v14;
	v16 =	vmul.bf16 v16, v24;
	v27 =	vld.idx.msk [tilespmem:v21+s16+$0x0], $0xffff;
	v11 =	vadd.bf16 v12, v11  }
0x1ee: {  	s28 =	sadd.s32 $0xFFFFFFF9, s26;
	v21 =	vand.u32 $0x3F, v23;
	v23 =	vand.u32 $0x3F, v26;
	v12 =	vld.idx.msk [tilespmem:v19+s14+$0x0], $0xffff  }
.Ltmp5:
0x1ef: {  	v24 =	vadd.s32 s28, v0;
	v21 =	vor.u32 v1, v21;
	v14 =	vld.idx.msk [tilespmem:v19+s16+$0x0], $0xffff;
	v26 =	vadd.bf16 v16, v11;
	(pc) =	sbr.rel @p0 .LBB2_13-.Ltmp5, $4  }
0x1f0: {  	v24 =	vand.u32 $0x38, v24;
	v19 =	vor.u32 v1, v23;
	v11 =	vld.idx.msk [tilespmem:v17+s14+$0x0], $0xffff  }
0x1f1: {  	s28 =	sadd.s32 $0xFFFFFFFA, s26;
	v22 =	vmul.bf16 v20, v22;
	v18 =	vmul.bf16 v18, v13;
	v16 =	vld.idx.msk [tilespmem:v17+s16+$0x0], $0xffff;
	v17 =	vunpack.i.l.bf16.f32 v26  }
0x1f2: {  	v20 =	vor.u32 v2, v24;
	v24 =	vadd.s32 s28, v0;
	v13 =	vld.idx.msk [tilespmem:v28+s14+$0x0], $0xffff;
	v15 =	vadd.f32 v17, v15  }
0x1f3: {  	s26 =	sadd.s32 $0x8, s26;
	s28 =	sadd.s32 $0xFFFFFFFB, s25;
	v22 =	vadd.bf16 v18, v22;
	v23 =	vmul.bf16 v27, v25;
	v18 =	vunpack.i.u.bf16.f32 v26;
	v17 =	vld.idx.msk [tilespmem:v28+s16+$0x0], $0xffff  }
0x1f4: {  	_ =	sdelay $0x3  }
0x1f5: {  	v24 =	vand.u32 $0x3F, v24;
	v25 =	vld.idx.msk [tilespmem:v21+s14+$0x0], $0xffff  }
0x1f6: {  	v26 =	vadd.s32 s28, v0;
	v21 =	vld.idx.msk [tilespmem:v21+s16+$0x0], $0xffff;
	v24 =	vor.u32 v1, v24  }
0x1f7: {  	s26 =	sadd.s32 $0xFFFFFFFC, s25;
	v27 =	vld.idx.msk [tilespmem:v19+s14+$0x0], $0xffff;
	v26 =	vand.u32 $0x3F, v26  }
0x1f8: {  	v19 =	vld.idx.msk [tilespmem:v19+s16+$0x0], $0xffff;
	v28 =	vadd.s32 s26, v0;
	v26 =	vor.u32 v1, v26  }
0x1f9: {  	s30 =	sadd.s32 $0xFFFFFFFD, s25;
	v29 =	vld.idx.msk [tilespmem:v20+s14+$0x0], $0xffff;
	v28 =	vand.u32 $0x3F, v28  }
0x1fa: {  	v20 =	vld.idx.msk [tilespmem:v20+s16+$0x0], $0xffff;
	v30 =	vadd.s32 s30, v0;
	v28 =	vor.u32 v1, v28  }
0x1fb: {  	s31 =	sadd.s32 $0xFFFFFFFE, s25;
	v30 =	vand.u32 $0x3F, v30;
	v31 =	vld.idx.msk [tilespmem:v24+s14+$0x0], $0xffff  }
0x1fc: {  	v32 =	vadd.s32 s31, v0;
	v30 =	vor.u32 v1, v30;
	v24 =	vld.idx.msk [tilespmem:v24+s16+$0x0], $0xffff  }
0x1fd: {  	s29 =	sadd.s32 $0xFFFFFFFF, s25;
	v12 =	vmul.bf16 v14, v12;
	v32 =	vand.u32 $0x3F, v32;
	v33 =	vld.idx.msk [tilespmem:v26+s14+$0x0], $0xffff  }
0x1fe: {  	v34 =	vadd.s32 s29, v0;
	v22 =	vadd.bf16 v23, v22;
	v32 =	vor.u32 v1, v32;
	v26 =	vld.idx.msk [tilespmem:v26+s16+$0x0], $0xffff  }
0x1ff: {  	v14 =	vadd.s32 s25, v0;
	v34 =	vand.u32 $0x3F, v34;
	v23 =	vld.idx.msk [tilespmem:v28+s14+$0x0], $0xffff  }
0x200: {  	v11 =	vmul.bf16 v16, v11;
	v34 =	vor.u32 v1, v34;
	v12 =	vadd.bf16 v12, v22;
	v28 =	vld.idx.msk [tilespmem:v28+s16+$0x0], $0xffff  }
0x201: {  	v14 =	vand.u32 $0x3F, v14;
	v20 =	vmul.bf16 v20, v29;
	v62 =	vld.idx.msk [tilespmem:v30+s14+$0x0], $0xffff;
	v24 =	vmul.bf16 v24, v31  }
0x202: {  	v14 =	vor.u32 v1, v14;
	v11 =	vadd.bf16 v11, v12;
	v12 =	vmul.bf16 v17, v13;
	v16 =	vld.idx.msk [tilespmem:v30+s16+$0x0], $0xffff  }
0x203: {  	v13 =	vld.idx.msk [tilespmem:v32+s16+$0x0], $0xffff;
	v22 =	vmul.bf16 v26, v33;
	v20 =	vadd.bf16 v24, v20  }
0x204: {  	v11 =	vadd.bf16 v12, v11;
	v24 =	vld.idx.msk [tilespmem:v32+s14+$0x0], $0xffff  }
0x205: {  	v12 =	vmul.bf16 v21, v25;
	v21 =	vld.idx.msk [tilespmem:v34+s16+$0x0], $0xffff;
	v17 =	vadd.bf16 v22, v20;
	v20 =	vmul.bf16 v28, v23  }
0x206: {  	v22 =	vld.idx.msk [tilespmem:v34+s14+$0x0], $0xffff  }
0x207: {  	v11 =	vadd.bf16 v12, v11;
	v12 =	vld.idx.msk [tilespmem:v14+s16+$0x0], $0xffff;
	v16 =	vmul.bf16 v16, v62;
	v17 =	vadd.bf16 v20, v17  }
0x208: {  	v23 =	vld.idx.msk [tilespmem:v14+s14+$0x0], $0xffff  }
0x209: {  	v14 =	vmul.bf16 v19, v27;
	v13 =	vmul.bf16 v13, v24;
	v16 =	vadd.bf16 v16, v17;
	_ =	sdelay $0x1  }
0x20a: {  	v11 =	vadd.bf16 v14, v11;
	v14 =	vmul.bf16 v21, v22;
	v13 =	vadd.bf16 v13, v16  }
0x20b: {  	v15 =	vadd.f32 v15, v18  }
0x20c: {  	v12 =	vmul.bf16 v12, v23;
	v16 =	vunpack.i.l.bf16.f32 v11;
	v13 =	vadd.bf16 v14, v13  }
0x20d: {  	v14 =	vadd.f32 v16, v15  }
0x20e: {  	s30 =	simm.s32 $0x0;
	v11 =	vunpack.i.u.bf16.f32 v11;
	v12 =	vadd.bf16 v12, v13  }
0x20f: {  	v11 =	vadd.f32 v14, v11;
	v13 =	vadd.s32 s30, v0  }
0x210: {  	s30 =	simm.s32 $0x4;
	v13 =	vand.u32 $0x38, v13;
	v14 =	vunpack.i.l.bf16.f32 v12  }
0x211: {  	s31 =	simm.s32 $0x1;
	v16 =	vadd.s32 s30, v0;
	v13 =	vor.u32 v3, v13;
	v11 =	vadd.f32 v14, v11  }
0x212: {  	v12 =	vunpack.i.u.bf16.f32 v12;
	v16 =	vand.u32 $0x3F, v16;
	v14 =	vadd.s32 s31, v0  }
0x213: {  	s26 =	simm.s32 $0x2;
	v16 =	vor.u32 v4, v16;
	v14 =	vand.u32 $0x3F, v14;
	v11 =	vadd.f32 v11, v12  }
0x214: {  	v12 =	vadd.s32 s26, v0;
	v14 =	vor.u32 v4, v14  }
0x215: {  	s29 =	simm.s32 $0x3;
	v12 =	vand.u32 $0x3F, v12;
	[tilespmem:s24+$0x9E70] =	vst v11  }
0x216: {  	v11 =	vadd.s32 s29, v0;
	v12 =	vor.u32 v4, v12;
	v15 =	vld.idx.msk [tilespmem:v13+s14+$0x0], $0xffff  }
0x217: {  	v11 =	vand.u32 $0x3F, v11;
	v13 =	vld.idx.msk [tilespmem:v13+s16+$0x0], $0xffff  }
0x218: {  	s31 =	simm.s32 $0x5;
	v24 =	vld.idx.msk [tilespmem:v16+s14+$0x0], $0xffff;
	v11 =	vor.u32 v4, v11  }
0x219: {  	v18 =	vadd.s32 s31, v0;
	v17 =	vld.idx.msk [tilespmem:v14+s14+$0x0], $0xffff  }
0x21a: {  	s26 =	simm.s32 $0x6;
	v18 =	vand.u32 $0x3F, v18;
	v14 =	vld.idx.msk [tilespmem:v14+s16+$0x0], $0xffff  }
0x21b: {  	v20 =	vadd.s32 s26, v0;
	v18 =	vor.u32 v4, v18;
	v19 =	vld.idx.msk [tilespmem:v12+s14+$0x0], $0xffff  }
0x21c: {  	s30 =	simm.s32 $0x8;
	s29 =	simm.s32 $0x7;
	v20 =	vand.u32 $0x3F, v20;
	v12 =	vld.idx.msk [tilespmem:v12+s16+$0x0], $0xffff  }
0x21d: {  	v23 =	vadd.s32 s30, v0;
	v22 =	vadd.s32 s29, v0;
	v20 =	vor.u32 v4, v20;
	v21 =	vld.idx.msk [tilespmem:v11+s14+$0x0], $0xffff  }
0x21e: {  	v23 =	vand.u32 $0x38, v23;
	v22 =	vand.u32 $0x3F, v22;
	v11 =	vld.idx.msk [tilespmem:v11+s16+$0x0], $0xffff  }
0x21f: {  	v22 =	vor.u32 v4, v22;
	v13 =	vmul.bf16 v13, v15;
	v15 =	vld.idx.msk [tilespmem:v16+s16+$0x0], $0xffff;
	v14 =	vmul.bf16 v14, v17  }
0x220: {  	s31 =	simm.s32 $0x9;
	v16 =	vor.u32 v3, v23;
	v17 =	vld.idx.msk [tilespmem:v18+s14+$0x0], $0xffff  }
0x221: {  	s26 =	simm.s32 $0xA;
	v23 =	vadd.s32 s31, v0;
	v13 =	vadd.bf16 v14, v13;
	v12 =	vmul.bf16 v12, v19;
	v14 =	vld.idx.msk [tilespmem:v18+s16+$0x0], $0xffff  }
0x222: {  	v18 =	vand.u32 $0x3F, v23;
	v19 =	vadd.s32 s26, v0;
	v23 =	vld.idx.msk [tilespmem:v20+s14+$0x0], $0xffff  }
0x223: {  	s29 =	simm.s32 $0xB;
	v18 =	vor.u32 v4, v18;
	v12 =	vadd.bf16 v12, v13;
	v11 =	vmul.bf16 v11, v21;
	v13 =	vld.idx.msk [tilespmem:v20+s16+$0x0], $0xffff  }
0x224: {  	v19 =	vand.u32 $0x3F, v19;
	v20 =	vadd.s32 s29, v0;
	v21 =	vld.idx.msk [tilespmem:v22+s14+$0x0], $0xffff  }
0x225: {  	s30 =	simm.s32 $0xC;
	v19 =	vor.u32 v4, v19;
	v11 =	vadd.bf16 v11, v12;
	v12 =	vmul.bf16 v15, v24;
	v15 =	vld.idx.msk [tilespmem:v22+s16+$0x0], $0xffff  }
0x226: {  	v20 =	vand.u32 $0x3F, v20;
	v22 =	vld.idx.msk [tilespmem:v16+s14+$0x0], $0xffff;
	v24 =	vadd.s32 s30, v0  }
0x227: {  	s31 =	simm.s32 $0xD;
	v16 =	vld.idx.msk [tilespmem:v16+s16+$0x0], $0xffff;
	v20 =	vor.u32 v4, v20;
	v11 =	vadd.bf16 v12, v11;
	v12 =	vmul.bf16 v14, v17  }
0x228: {  	v17 =	vld.idx.msk [tilespmem:v18+s14+$0x0], $0xffff;
	v14 =	vand.u32 $0x3F, v24;
	v24 =	vadd.s32 s31, v0  }
0x229: {  	s26 =	simm.s32 $0xE;
	v18 =	vld.idx.msk [tilespmem:v18+s16+$0x0], $0xffff;
	v25 =	vor.u32 v4, v14;
	v11 =	vadd.bf16 v12, v11;
	v12 =	vmul.bf16 v13, v23  }
0x22a: {  	v14 =	vadd.s32 s26, v0;
	v26 =	vld.idx.msk [tilespmem:v19+s16+$0x0], $0xffff;
	v13 =	vand.u32 $0x3F, v24  }
0x22b: {  	s29 =	simm.s32 $0xF;
	s30 =	simm.s32 $0x10;
	v23 =	vld.idx.msk [tilespmem:v19+s14+$0x0], $0xffff;
	v27 =	vor.u32 v4, v13;
	v13 =	vmul.bf16 v15, v21;
	v11 =	vadd.bf16 v12, v11  }
0x22c: {  	v19 =	vadd.s32 s29, v0;
	v24 =	vadd.s32 s30, v0;
	v21 =	vand.u32 $0x3F, v14;
	v14 =	vld.idx.msk [tilespmem:v20+s16+$0x0], $0xffff  }
0x22d: {  	v19 =	vand.u32 $0x3F, v19;
	v12 =	vld.idx.msk [tilespmem:v20+s14+$0x0], $0xffff;
	v21 =	vor.u32 v4, v21;
	v63 =	vadd.bf16 v13, v11  }
0x22e: {  	v15 =	vimm.f32 $0.0e+00;
	v22 =	vmul.bf16 v16, v22;
	v19 =	vor.u32 v4, v19;
	v11 =	vld.idx.msk [tilespmem:v25+s14+$0x0], $0xffff  }
0x22f: {  	s31 =	simm.s32 $0x11;
	v17 =	vmul.bf16 v18, v17;
	v13 =	vand.u32 $0x38, v24;
	v16 =	vld.idx.msk [tilespmem:v25+s16+$0x0], $0xffff;
	v18 =	vunpack.i.l.bf16.f32 v63  }
0x230: {  	v24 =	vadd.s32 s31, v0;
	v20 =	vor.u32 v3, v13;
	v13 =	vld.idx.msk [tilespmem:v27+s14+$0x0], $0xffff;
	v15 =	vadd.f32 v18, v15  }
0x231: {  	s25 =	simm.s32 $0x17;
	s28 =	simm.s32 $0x12;
	s26 =	simm.s32 $0x1F;
	v22 =	vadd.bf16 v17, v22;
	v23 =	vmul.bf16 v26, v23;
	v17 =	vld.idx.msk [tilespmem:v27+s16+$0x0], $0xffff;
	v18 =	vunpack.i.u.bf16.f32 v63  }
.LBB2_15:
0x232: {  	p0 =	sne.s32 s26, $0x3F;
	v24 =	vand.u32 $0x3F, v24;
	v25 =	vadd.s32 s28, v0;
	v26 =	vld.idx.msk [tilespmem:v21+s14+$0x0], $0xffff;
	v15 =	vadd.f32 v15, v18  }
0x233: {  	s28 =	sadd.s32 $0xFFFFFFFC, s25;
	v12 =	vmul.bf16 v14, v12;
	v18 =	vor.u32 v4, v24;
	v22 =	vadd.bf16 v23, v22;
	v14 =	vld.idx.msk [tilespmem:v21+s16+$0x0], $0xffff  }
0x234: {  	v21 =	vand.u32 $0x3F, v25;
	v23 =	vadd.s32 s28, v0;
	v24 =	vld.idx.msk [tilespmem:v19+s14+$0x0], $0xffff  }
0x235: {  	s28 =	sadd.s32 $0xFFFFFFFD, s25;
	v21 =	vor.u32 v4, v21;
	v11 =	vmul.bf16 v16, v11;
	v12 =	vadd.bf16 v12, v22;
	v16 =	vld.idx.msk [tilespmem:v19+s16+$0x0], $0xffff  }
0x236: {  	v19 =	vand.u32 $0x3F, v23;
	v23 =	vadd.s32 s28, v0;
	v22 =	vld.idx.msk [tilespmem:v20+s14+$0x0], $0xffff  }
0x237: {  	s28 =	sadd.s32 $0xFFFFFFFE, s25;
	v19 =	vor.u32 v4, v19;
	v20 =	vld.idx.msk [tilespmem:v20+s16+$0x0], $0xffff;
	v11 =	vadd.bf16 v11, v12;
	v12 =	vmul.bf16 v17, v13  }
0x238: {  	v17 =	vand.u32 $0x3F, v23;
	v23 =	vadd.s32 s28, v0;
	v13 =	vld.idx.msk [tilespmem:v18+s14+$0x0], $0xffff  }
0x239: {  	s28 =	sadd.s32 $0xFFFFFFFF, s25;
	v17 =	vor.u32 v4, v17;
	v18 =	vld.idx.msk [tilespmem:v18+s16+$0x0], $0xffff;
	v11 =	vadd.bf16 v12, v11;
	v12 =	vmul.bf16 v14, v26  }
0x23a: {  	v14 =	vand.u32 $0x3F, v23;
	v23 =	vadd.s32 s28, v0;
	v26 =	vadd.s32 s25, v0;
	s25 =	smov.u32 s26;
	v25 =	vld.idx.msk [tilespmem:v21+s14+$0x0], $0xffff  }
0x23b: {  	v28 =	vor.u32 v4, v14;
	v16 =	vmul.bf16 v16, v24;
	v27 =	vld.idx.msk [tilespmem:v21+s16+$0x0], $0xffff;
	v11 =	vadd.bf16 v12, v11  }
0x23c: {  	s28 =	sadd.s32 $0xFFFFFFF9, s26;
	v21 =	vand.u32 $0x3F, v23;
	v23 =	vand.u32 $0x3F, v26;
	v12 =	vld.idx.msk [tilespmem:v19+s14+$0x0], $0xffff  }
.Ltmp6:
0x23d: {  	v24 =	vadd.s32 s28, v0;
	v21 =	vor.u32 v4, v21;
	v14 =	vld.idx.msk [tilespmem:v19+s16+$0x0], $0xffff;
	v26 =	vadd.bf16 v16, v11;
	(pc) =	sbr.rel @p0 .LBB2_15-.Ltmp6, $4  }
0x23e: {  	v24 =	vand.u32 $0x38, v24;
	v19 =	vor.u32 v4, v23;
	v11 =	vld.idx.msk [tilespmem:v17+s14+$0x0], $0xffff  }
0x23f: {  	s28 =	sadd.s32 $0xFFFFFFFA, s26;
	v22 =	vmul.bf16 v20, v22;
	v18 =	vmul.bf16 v18, v13;
	v16 =	vld.idx.msk [tilespmem:v17+s16+$0x0], $0xffff;
	v17 =	vunpack.i.l.bf16.f32 v26  }
0x240: {  	v20 =	vor.u32 v3, v24;
	v24 =	vadd.s32 s28, v0;
	v13 =	vld.idx.msk [tilespmem:v28+s14+$0x0], $0xffff;
	v15 =	vadd.f32 v17, v15  }
0x241: {  	s26 =	sadd.s32 $0x8, s26;
	s28 =	sadd.s32 $0xFFFFFFFB, s25;
	v22 =	vadd.bf16 v18, v22;
	v23 =	vmul.bf16 v27, v25;
	v18 =	vunpack.i.u.bf16.f32 v26;
	v17 =	vld.idx.msk [tilespmem:v28+s16+$0x0], $0xffff  }
0x242: {  	_ =	sdelay $0x3  }
0x243: {  	v24 =	vand.u32 $0x3F, v24;
	v25 =	vld.idx.msk [tilespmem:v21+s14+$0x0], $0xffff  }
0x244: {  	v26 =	vadd.s32 s28, v0;
	v21 =	vld.idx.msk [tilespmem:v21+s16+$0x0], $0xffff;
	v24 =	vor.u32 v4, v24  }
0x245: {  	s26 =	sadd.s32 $0xFFFFFFFC, s25;
	v27 =	vld.idx.msk [tilespmem:v19+s14+$0x0], $0xffff;
	v26 =	vand.u32 $0x3F, v26  }
0x246: {  	v19 =	vld.idx.msk [tilespmem:v19+s16+$0x0], $0xffff;
	v28 =	vadd.s32 s26, v0;
	v26 =	vor.u32 v4, v26  }
0x247: {  	s30 =	sadd.s32 $0xFFFFFFFD, s25;
	v29 =	vld.idx.msk [tilespmem:v20+s14+$0x0], $0xffff;
	v28 =	vand.u32 $0x3F, v28  }
0x248: {  	v20 =	vld.idx.msk [tilespmem:v20+s16+$0x0], $0xffff;
	v30 =	vadd.s32 s30, v0;
	v28 =	vor.u32 v4, v28  }
0x249: {  	s31 =	sadd.s32 $0xFFFFFFFE, s25;
	v30 =	vand.u32 $0x3F, v30;
	v31 =	vld.idx.msk [tilespmem:v24+s14+$0x0], $0xffff  }
0x24a: {  	v32 =	vadd.s32 s31, v0;
	v30 =	vor.u32 v4, v30;
	v24 =	vld.idx.msk [tilespmem:v24+s16+$0x0], $0xffff  }
0x24b: {  	s29 =	sadd.s32 $0xFFFFFFFF, s25;
	v12 =	vmul.bf16 v14, v12;
	v32 =	vand.u32 $0x3F, v32;
	v33 =	vld.idx.msk [tilespmem:v26+s14+$0x0], $0xffff  }
0x24c: {  	v34 =	vadd.s32 s29, v0;
	v22 =	vadd.bf16 v23, v22;
	v32 =	vor.u32 v4, v32;
	v26 =	vld.idx.msk [tilespmem:v26+s16+$0x0], $0xffff  }
0x24d: {  	v14 =	vadd.s32 s25, v0;
	v34 =	vand.u32 $0x3F, v34;
	v23 =	vld.idx.msk [tilespmem:v28+s14+$0x0], $0xffff  }
0x24e: {  	v11 =	vmul.bf16 v16, v11;
	v34 =	vor.u32 v4, v34;
	v12 =	vadd.bf16 v12, v22;
	v28 =	vld.idx.msk [tilespmem:v28+s16+$0x0], $0xffff  }
0x24f: {  	v14 =	vand.u32 $0x3F, v14;
	v20 =	vmul.bf16 v20, v29;
	v62 =	vld.idx.msk [tilespmem:v30+s14+$0x0], $0xffff;
	v24 =	vmul.bf16 v24, v31  }
0x250: {  	v14 =	vor.u32 v4, v14;
	v11 =	vadd.bf16 v11, v12;
	v12 =	vmul.bf16 v17, v13;
	v16 =	vld.idx.msk [tilespmem:v30+s16+$0x0], $0xffff  }
0x251: {  	v13 =	vld.idx.msk [tilespmem:v32+s16+$0x0], $0xffff;
	v22 =	vmul.bf16 v26, v33;
	v20 =	vadd.bf16 v24, v20  }
0x252: {  	v11 =	vadd.bf16 v12, v11;
	v24 =	vld.idx.msk [tilespmem:v32+s14+$0x0], $0xffff  }
0x253: {  	v12 =	vmul.bf16 v21, v25;
	v21 =	vld.idx.msk [tilespmem:v34+s16+$0x0], $0xffff;
	v17 =	vadd.bf16 v22, v20;
	v20 =	vmul.bf16 v28, v23  }
0x254: {  	v22 =	vld.idx.msk [tilespmem:v34+s14+$0x0], $0xffff  }
0x255: {  	v11 =	vadd.bf16 v12, v11;
	v12 =	vld.idx.msk [tilespmem:v14+s16+$0x0], $0xffff;
	v16 =	vmul.bf16 v16, v62;
	v17 =	vadd.bf16 v20, v17  }
0x256: {  	v23 =	vld.idx.msk [tilespmem:v14+s14+$0x0], $0xffff  }
0x257: {  	v14 =	vmul.bf16 v19, v27;
	v13 =	vmul.bf16 v13, v24;
	v16 =	vadd.bf16 v16, v17;
	_ =	sdelay $0x1  }
0x258: {  	v11 =	vadd.bf16 v14, v11;
	v14 =	vmul.bf16 v21, v22;
	v13 =	vadd.bf16 v13, v16  }
0x259: {  	v15 =	vadd.f32 v15, v18  }
0x25a: {  	v12 =	vmul.bf16 v12, v23;
	v16 =	vunpack.i.l.bf16.f32 v11;
	v13 =	vadd.bf16 v14, v13  }
0x25b: {  	v14 =	vadd.f32 v16, v15  }
0x25c: {  	s30 =	simm.s32 $0x0;
	v11 =	vunpack.i.u.bf16.f32 v11;
	v12 =	vadd.bf16 v12, v13  }
0x25d: {  	v11 =	vadd.f32 v14, v11;
	v13 =	vadd.s32 s30, v0  }
0x25e: {  	s30 =	simm.s32 $0x4;
	v13 =	vand.u32 $0x38, v13;
	v14 =	vunpack.i.l.bf16.f32 v12  }
0x25f: {  	s31 =	simm.s32 $0x1;
	v16 =	vadd.s32 s30, v0;
	v13 =	vor.u32 v5, v13;
	v11 =	vadd.f32 v14, v11  }
0x260: {  	v12 =	vunpack.i.u.bf16.f32 v12;
	v16 =	vand.u32 $0x3F, v16;
	v14 =	vadd.s32 s31, v0  }
0x261: {  	s26 =	simm.s32 $0x2;
	v16 =	vor.u32 v6, v16;
	v14 =	vand.u32 $0x3F, v14;
	v11 =	vadd.f32 v11, v12  }
0x262: {  	v12 =	vadd.s32 s26, v0;
	v14 =	vor.u32 v6, v14  }
0x263: {  	s29 =	simm.s32 $0x3;
	v12 =	vand.u32 $0x3F, v12;
	[tilespmem:s24+$0x9E80] =	vst v11  }
0x264: {  	v11 =	vadd.s32 s29, v0;
	v12 =	vor.u32 v6, v12;
	v15 =	vld.idx.msk [tilespmem:v13+s14+$0x0], $0xffff  }
0x265: {  	v11 =	vand.u32 $0x3F, v11;
	v13 =	vld.idx.msk [tilespmem:v13+s16+$0x0], $0xffff  }
0x266: {  	s31 =	simm.s32 $0x5;
	v24 =	vld.idx.msk [tilespmem:v16+s14+$0x0], $0xffff;
	v11 =	vor.u32 v6, v11  }
0x267: {  	v18 =	vadd.s32 s31, v0;
	v17 =	vld.idx.msk [tilespmem:v14+s14+$0x0], $0xffff  }
0x268: {  	s26 =	simm.s32 $0x6;
	v18 =	vand.u32 $0x3F, v18;
	v14 =	vld.idx.msk [tilespmem:v14+s16+$0x0], $0xffff  }
0x269: {  	v20 =	vadd.s32 s26, v0;
	v18 =	vor.u32 v6, v18;
	v19 =	vld.idx.msk [tilespmem:v12+s14+$0x0], $0xffff  }
0x26a: {  	s30 =	simm.s32 $0x8;
	s29 =	simm.s32 $0x7;
	v20 =	vand.u32 $0x3F, v20;
	v12 =	vld.idx.msk [tilespmem:v12+s16+$0x0], $0xffff  }
0x26b: {  	v23 =	vadd.s32 s30, v0;
	v22 =	vadd.s32 s29, v0;
	v20 =	vor.u32 v6, v20;
	v21 =	vld.idx.msk [tilespmem:v11+s14+$0x0], $0xffff  }
0x26c: {  	v23 =	vand.u32 $0x38, v23;
	v22 =	vand.u32 $0x3F, v22;
	v11 =	vld.idx.msk [tilespmem:v11+s16+$0x0], $0xffff  }
0x26d: {  	v22 =	vor.u32 v6, v22;
	v13 =	vmul.bf16 v13, v15;
	v15 =	vld.idx.msk [tilespmem:v16+s16+$0x0], $0xffff;
	v14 =	vmul.bf16 v14, v17  }
0x26e: {  	s31 =	simm.s32 $0x9;
	v16 =	vor.u32 v5, v23;
	v17 =	vld.idx.msk [tilespmem:v18+s14+$0x0], $0xffff  }
0x26f: {  	s26 =	simm.s32 $0xA;
	v23 =	vadd.s32 s31, v0;
	v13 =	vadd.bf16 v14, v13;
	v12 =	vmul.bf16 v12, v19;
	v14 =	vld.idx.msk [tilespmem:v18+s16+$0x0], $0xffff  }
0x270: {  	v18 =	vand.u32 $0x3F, v23;
	v19 =	vadd.s32 s26, v0;
	v23 =	vld.idx.msk [tilespmem:v20+s14+$0x0], $0xffff  }
0x271: {  	s29 =	simm.s32 $0xB;
	v18 =	vor.u32 v6, v18;
	v12 =	vadd.bf16 v12, v13;
	v11 =	vmul.bf16 v11, v21;
	v13 =	vld.idx.msk [tilespmem:v20+s16+$0x0], $0xffff  }
0x272: {  	v19 =	vand.u32 $0x3F, v19;
	v20 =	vadd.s32 s29, v0;
	v21 =	vld.idx.msk [tilespmem:v22+s14+$0x0], $0xffff  }
0x273: {  	s30 =	simm.s32 $0xC;
	v19 =	vor.u32 v6, v19;
	v11 =	vadd.bf16 v11, v12;
	v12 =	vmul.bf16 v15, v24;
	v15 =	vld.idx.msk [tilespmem:v22+s16+$0x0], $0xffff  }
0x274: {  	v20 =	vand.u32 $0x3F, v20;
	v22 =	vld.idx.msk [tilespmem:v16+s14+$0x0], $0xffff;
	v24 =	vadd.s32 s30, v0  }
0x275: {  	s31 =	simm.s32 $0xD;
	v16 =	vld.idx.msk [tilespmem:v16+s16+$0x0], $0xffff;
	v20 =	vor.u32 v6, v20;
	v11 =	vadd.bf16 v12, v11;
	v12 =	vmul.bf16 v14, v17  }
0x276: {  	v17 =	vld.idx.msk [tilespmem:v18+s14+$0x0], $0xffff;
	v14 =	vand.u32 $0x3F, v24;
	v24 =	vadd.s32 s31, v0  }
0x277: {  	s26 =	simm.s32 $0xE;
	v18 =	vld.idx.msk [tilespmem:v18+s16+$0x0], $0xffff;
	v25 =	vor.u32 v6, v14;
	v11 =	vadd.bf16 v12, v11;
	v12 =	vmul.bf16 v13, v23  }
0x278: {  	v14 =	vadd.s32 s26, v0;
	v26 =	vld.idx.msk [tilespmem:v19+s16+$0x0], $0xffff;
	v13 =	vand.u32 $0x3F, v24  }
0x279: {  	s29 =	simm.s32 $0xF;
	s30 =	simm.s32 $0x10;
	v23 =	vld.idx.msk [tilespmem:v19+s14+$0x0], $0xffff;
	v27 =	vor.u32 v6, v13;
	v13 =	vmul.bf16 v15, v21;
	v11 =	vadd.bf16 v12, v11  }
0x27a: {  	v19 =	vadd.s32 s29, v0;
	v24 =	vadd.s32 s30, v0;
	v21 =	vand.u32 $0x3F, v14;
	v14 =	vld.idx.msk [tilespmem:v20+s16+$0x0], $0xffff  }
0x27b: {  	v19 =	vand.u32 $0x3F, v19;
	v12 =	vld.idx.msk [tilespmem:v20+s14+$0x0], $0xffff;
	v21 =	vor.u32 v6, v21;
	v63 =	vadd.bf16 v13, v11  }
0x27c: {  	v15 =	vimm.f32 $0.0e+00;
	v22 =	vmul.bf16 v16, v22;
	v19 =	vor.u32 v6, v19;
	v11 =	vld.idx.msk [tilespmem:v25+s14+$0x0], $0xffff  }
0x27d: {  	s31 =	simm.s32 $0x11;
	v17 =	vmul.bf16 v18, v17;
	v13 =	vand.u32 $0x38, v24;
	v16 =	vld.idx.msk [tilespmem:v25+s16+$0x0], $0xffff;
	v18 =	vunpack.i.l.bf16.f32 v63  }
0x27e: {  	v24 =	vadd.s32 s31, v0;
	v20 =	vor.u32 v5, v13;
	v13 =	vld.idx.msk [tilespmem:v27+s14+$0x0], $0xffff;
	v15 =	vadd.f32 v18, v15  }
0x27f: {  	s25 =	simm.s32 $0x17;
	s28 =	simm.s32 $0x12;
	s26 =	simm.s32 $0x1F;
	v22 =	vadd.bf16 v17, v22;
	v23 =	vmul.bf16 v26, v23;
	v17 =	vld.idx.msk [tilespmem:v27+s16+$0x0], $0xffff;
	v18 =	vunpack.i.u.bf16.f32 v63  }
.LBB2_17:
0x280: {  	p0 =	sne.s32 s26, $0x3F;
	v24 =	vand.u32 $0x3F, v24;
	v25 =	vadd.s32 s28, v0;
	v26 =	vld.idx.msk [tilespmem:v21+s14+$0x0], $0xffff;
	v15 =	vadd.f32 v15, v18  }
0x281: {  	s28 =	sadd.s32 $0xFFFFFFFC, s25;
	v12 =	vmul.bf16 v14, v12;
	v18 =	vor.u32 v6, v24;
	v22 =	vadd.bf16 v23, v22;
	v14 =	vld.idx.msk [tilespmem:v21+s16+$0x0], $0xffff  }
0x282: {  	v21 =	vand.u32 $0x3F, v25;
	v23 =	vadd.s32 s28, v0;
	v24 =	vld.idx.msk [tilespmem:v19+s14+$0x0], $0xffff  }
0x283: {  	s28 =	sadd.s32 $0xFFFFFFFD, s25;
	v21 =	vor.u32 v6, v21;
	v11 =	vmul.bf16 v16, v11;
	v12 =	vadd.bf16 v12, v22;
	v16 =	vld.idx.msk [tilespmem:v19+s16+$0x0], $0xffff  }
0x284: {  	v19 =	vand.u32 $0x3F, v23;
	v23 =	vadd.s32 s28, v0;
	v22 =	vld.idx.msk [tilespmem:v20+s14+$0x0], $0xffff  }
0x285: {  	s28 =	sadd.s32 $0xFFFFFFFE, s25;
	v19 =	vor.u32 v6, v19;
	v20 =	vld.idx.msk [tilespmem:v20+s16+$0x0], $0xffff;
	v11 =	vadd.bf16 v11, v12;
	v12 =	vmul.bf16 v17, v13  }
0x286: {  	v17 =	vand.u32 $0x3F, v23;
	v23 =	vadd.s32 s28, v0;
	v13 =	vld.idx.msk [tilespmem:v18+s14+$0x0], $0xffff  }
0x287: {  	s28 =	sadd.s32 $0xFFFFFFFF, s25;
	v17 =	vor.u32 v6, v17;
	v18 =	vld.idx.msk [tilespmem:v18+s16+$0x0], $0xffff;
	v11 =	vadd.bf16 v12, v11;
	v12 =	vmul.bf16 v14, v26  }
0x288: {  	v14 =	vand.u32 $0x3F, v23;
	v23 =	vadd.s32 s28, v0;
	v26 =	vadd.s32 s25, v0;
	s25 =	smov.u32 s26;
	v25 =	vld.idx.msk [tilespmem:v21+s14+$0x0], $0xffff  }
0x289: {  	v28 =	vor.u32 v6, v14;
	v16 =	vmul.bf16 v16, v24;
	v27 =	vld.idx.msk [tilespmem:v21+s16+$0x0], $0xffff;
	v11 =	vadd.bf16 v12, v11  }
0x28a: {  	s28 =	sadd.s32 $0xFFFFFFF9, s26;
	v21 =	vand.u32 $0x3F, v23;
	v23 =	vand.u32 $0x3F, v26;
	v12 =	vld.idx.msk [tilespmem:v19+s14+$0x0], $0xffff  }
.Ltmp7:
0x28b: {  	v24 =	vadd.s32 s28, v0;
	v21 =	vor.u32 v6, v21;
	v14 =	vld.idx.msk [tilespmem:v19+s16+$0x0], $0xffff;
	v26 =	vadd.bf16 v16, v11;
	(pc) =	sbr.rel @p0 .LBB2_17-.Ltmp7, $4  }
0x28c: {  	v24 =	vand.u32 $0x38, v24;
	v19 =	vor.u32 v6, v23;
	v11 =	vld.idx.msk [tilespmem:v17+s14+$0x0], $0xffff  }
0x28d: {  	s28 =	sadd.s32 $0xFFFFFFFA, s26;
	v22 =	vmul.bf16 v20, v22;
	v18 =	vmul.bf16 v18, v13;
	v16 =	vld.idx.msk [tilespmem:v17+s16+$0x0], $0xffff;
	v17 =	vunpack.i.l.bf16.f32 v26  }
0x28e: {  	v20 =	vor.u32 v5, v24;
	v24 =	vadd.s32 s28, v0;
	v13 =	vld.idx.msk [tilespmem:v28+s14+$0x0], $0xffff;
	v15 =	vadd.f32 v17, v15  }
0x28f: {  	s26 =	sadd.s32 $0x8, s26;
	s28 =	sadd.s32 $0xFFFFFFFB, s25;
	v22 =	vadd.bf16 v18, v22;
	v23 =	vmul.bf16 v27, v25;
	v18 =	vunpack.i.u.bf16.f32 v26;
	v17 =	vld.idx.msk [tilespmem:v28+s16+$0x0], $0xffff  }
0x290: {  	_ =	sdelay $0x3  }
0x291: {  	v24 =	vand.u32 $0x3F, v24;
	v25 =	vld.idx.msk [tilespmem:v21+s14+$0x0], $0xffff  }
0x292: {  	v26 =	vadd.s32 s28, v0;
	v21 =	vld.idx.msk [tilespmem:v21+s16+$0x0], $0xffff;
	v24 =	vor.u32 v6, v24  }
0x293: {  	s26 =	sadd.s32 $0xFFFFFFFC, s25;
	v27 =	vld.idx.msk [tilespmem:v19+s14+$0x0], $0xffff;
	v26 =	vand.u32 $0x3F, v26  }
0x294: {  	v19 =	vld.idx.msk [tilespmem:v19+s16+$0x0], $0xffff;
	v28 =	vadd.s32 s26, v0;
	v26 =	vor.u32 v6, v26  }
0x295: {  	s30 =	sadd.s32 $0xFFFFFFFD, s25;
	v29 =	vld.idx.msk [tilespmem:v20+s14+$0x0], $0xffff;
	v28 =	vand.u32 $0x3F, v28  }
0x296: {  	v20 =	vld.idx.msk [tilespmem:v20+s16+$0x0], $0xffff;
	v30 =	vadd.s32 s30, v0;
	v28 =	vor.u32 v6, v28  }
0x297: {  	s31 =	sadd.s32 $0xFFFFFFFE, s25;
	v30 =	vand.u32 $0x3F, v30;
	v31 =	vld.idx.msk [tilespmem:v24+s14+$0x0], $0xffff  }
0x298: {  	v32 =	vadd.s32 s31, v0;
	v30 =	vor.u32 v6, v30;
	v24 =	vld.idx.msk [tilespmem:v24+s16+$0x0], $0xffff  }
0x299: {  	s29 =	sadd.s32 $0xFFFFFFFF, s25;
	v12 =	vmul.bf16 v14, v12;
	v32 =	vand.u32 $0x3F, v32;
	v33 =	vld.idx.msk [tilespmem:v26+s14+$0x0], $0xffff  }
0x29a: {  	v34 =	vadd.s32 s29, v0;
	v22 =	vadd.bf16 v23, v22;
	v32 =	vor.u32 v6, v32;
	v26 =	vld.idx.msk [tilespmem:v26+s16+$0x0], $0xffff  }
0x29b: {  	v14 =	vadd.s32 s25, v0;
	v34 =	vand.u32 $0x3F, v34;
	v23 =	vld.idx.msk [tilespmem:v28+s14+$0x0], $0xffff  }
0x29c: {  	v11 =	vmul.bf16 v16, v11;
	v34 =	vor.u32 v6, v34;
	v12 =	vadd.bf16 v12, v22;
	v28 =	vld.idx.msk [tilespmem:v28+s16+$0x0], $0xffff  }
0x29d: {  	v14 =	vand.u32 $0x3F, v14;
	v20 =	vmul.bf16 v20, v29;
	v62 =	vld.idx.msk [tilespmem:v30+s14+$0x0], $0xffff;
	v24 =	vmul.bf16 v24, v31  }
0x29e: {  	v14 =	vor.u32 v6, v14;
	v11 =	vadd.bf16 v11, v12;
	v12 =	vmul.bf16 v17, v13;
	v16 =	vld.idx.msk [tilespmem:v30+s16+$0x0], $0xffff  }
0x29f: {  	v13 =	vld.idx.msk [tilespmem:v32+s16+$0x0], $0xffff;
	v22 =	vmul.bf16 v26, v33;
	v20 =	vadd.bf16 v24, v20  }
0x2a0: {  	v11 =	vadd.bf16 v12, v11;
	v24 =	vld.idx.msk [tilespmem:v32+s14+$0x0], $0xffff  }
0x2a1: {  	v12 =	vmul.bf16 v21, v25;
	v21 =	vld.idx.msk [tilespmem:v34+s16+$0x0], $0xffff;
	v17 =	vadd.bf16 v22, v20;
	v20 =	vmul.bf16 v28, v23  }
0x2a2: {  	v22 =	vld.idx.msk [tilespmem:v34+s14+$0x0], $0xffff  }
0x2a3: {  	v11 =	vadd.bf16 v12, v11;
	v12 =	vld.idx.msk [tilespmem:v14+s16+$0x0], $0xffff;
	v16 =	vmul.bf16 v16, v62;
	v17 =	vadd.bf16 v20, v17  }
0x2a4: {  	v23 =	vld.idx.msk [tilespmem:v14+s14+$0x0], $0xffff  }
0x2a5: {  	v14 =	vmul.bf16 v19, v27;
	v13 =	vmul.bf16 v13, v24;
	v16 =	vadd.bf16 v16, v17;
	_ =	sdelay $0x1  }
0x2a6: {  	v11 =	vadd.bf16 v14, v11;
	v14 =	vmul.bf16 v21, v22;
	v13 =	vadd.bf16 v13, v16  }
0x2a7: {  	v15 =	vadd.f32 v15, v18  }
0x2a8: {  	v12 =	vmul.bf16 v12, v23;
	v16 =	vunpack.i.l.bf16.f32 v11;
	v13 =	vadd.bf16 v14, v13  }
0x2a9: {  	v14 =	vadd.f32 v16, v15  }
0x2aa: {  	s30 =	simm.s32 $0x0;
	v11 =	vunpack.i.u.bf16.f32 v11;
	v12 =	vadd.bf16 v12, v13  }
0x2ab: {  	v11 =	vadd.f32 v14, v11;
	v13 =	vadd.s32 s30, v0  }
0x2ac: {  	s30 =	simm.s32 $0x4;
	v13 =	vand.u32 $0x38, v13;
	v14 =	vunpack.i.l.bf16.f32 v12  }
0x2ad: {  	s31 =	simm.s32 $0x1;
	v16 =	vadd.s32 s30, v0;
	v13 =	vor.u32 v7, v13;
	v11 =	vadd.f32 v14, v11  }
0x2ae: {  	v12 =	vunpack.i.u.bf16.f32 v12;
	v16 =	vand.u32 $0x3F, v16;
	v14 =	vadd.s32 s31, v0  }
0x2af: {  	s26 =	simm.s32 $0x2;
	v16 =	vor.u32 v8, v16;
	v14 =	vand.u32 $0x3F, v14;
	v11 =	vadd.f32 v11, v12  }
0x2b0: {  	v12 =	vadd.s32 s26, v0;
	v14 =	vor.u32 v8, v14  }
0x2b1: {  	s29 =	simm.s32 $0x3;
	v12 =	vand.u32 $0x3F, v12;
	[tilespmem:s24+$0x9E90] =	vst v11  }
0x2b2: {  	v11 =	vadd.s32 s29, v0;
	v12 =	vor.u32 v8, v12;
	v15 =	vld.idx.msk [tilespmem:v13+s14+$0x0], $0xffff  }
0x2b3: {  	v11 =	vand.u32 $0x3F, v11;
	v13 =	vld.idx.msk [tilespmem:v13+s16+$0x0], $0xffff  }
0x2b4: {  	s31 =	simm.s32 $0x5;
	v24 =	vld.idx.msk [tilespmem:v16+s14+$0x0], $0xffff;
	v11 =	vor.u32 v8, v11  }
0x2b5: {  	v18 =	vadd.s32 s31, v0;
	v17 =	vld.idx.msk [tilespmem:v14+s14+$0x0], $0xffff  }
0x2b6: {  	s26 =	simm.s32 $0x6;
	v18 =	vand.u32 $0x3F, v18;
	v14 =	vld.idx.msk [tilespmem:v14+s16+$0x0], $0xffff  }
0x2b7: {  	v20 =	vadd.s32 s26, v0;
	v18 =	vor.u32 v8, v18;
	v19 =	vld.idx.msk [tilespmem:v12+s14+$0x0], $0xffff  }
0x2b8: {  	s30 =	simm.s32 $0x8;
	s29 =	simm.s32 $0x7;
	v20 =	vand.u32 $0x3F, v20;
	v12 =	vld.idx.msk [tilespmem:v12+s16+$0x0], $0xffff  }
0x2b9: {  	v23 =	vadd.s32 s30, v0;
	v22 =	vadd.s32 s29, v0;
	v20 =	vor.u32 v8, v20;
	v21 =	vld.idx.msk [tilespmem:v11+s14+$0x0], $0xffff  }
0x2ba: {  	v23 =	vand.u32 $0x38, v23;
	v22 =	vand.u32 $0x3F, v22;
	v11 =	vld.idx.msk [tilespmem:v11+s16+$0x0], $0xffff  }
0x2bb: {  	v22 =	vor.u32 v8, v22;
	v13 =	vmul.bf16 v13, v15;
	v15 =	vld.idx.msk [tilespmem:v16+s16+$0x0], $0xffff;
	v14 =	vmul.bf16 v14, v17  }
0x2bc: {  	s31 =	simm.s32 $0x9;
	v16 =	vor.u32 v7, v23;
	v17 =	vld.idx.msk [tilespmem:v18+s14+$0x0], $0xffff  }
0x2bd: {  	s26 =	simm.s32 $0xA;
	v23 =	vadd.s32 s31, v0;
	v13 =	vadd.bf16 v14, v13;
	v12 =	vmul.bf16 v12, v19;
	v14 =	vld.idx.msk [tilespmem:v18+s16+$0x0], $0xffff  }
0x2be: {  	v18 =	vand.u32 $0x3F, v23;
	v19 =	vadd.s32 s26, v0;
	v23 =	vld.idx.msk [tilespmem:v20+s14+$0x0], $0xffff  }
0x2bf: {  	s29 =	simm.s32 $0xB;
	v18 =	vor.u32 v8, v18;
	v12 =	vadd.bf16 v12, v13;
	v11 =	vmul.bf16 v11, v21;
	v13 =	vld.idx.msk [tilespmem:v20+s16+$0x0], $0xffff  }
0x2c0: {  	v19 =	vand.u32 $0x3F, v19;
	v20 =	vadd.s32 s29, v0;
	v21 =	vld.idx.msk [tilespmem:v22+s14+$0x0], $0xffff  }
0x2c1: {  	s30 =	simm.s32 $0xC;
	v19 =	vor.u32 v8, v19;
	v11 =	vadd.bf16 v11, v12;
	v12 =	vmul.bf16 v15, v24;
	v15 =	vld.idx.msk [tilespmem:v22+s16+$0x0], $0xffff  }
0x2c2: {  	v20 =	vand.u32 $0x3F, v20;
	v22 =	vld.idx.msk [tilespmem:v16+s14+$0x0], $0xffff;
	v24 =	vadd.s32 s30, v0  }
0x2c3: {  	s31 =	simm.s32 $0xD;
	v16 =	vld.idx.msk [tilespmem:v16+s16+$0x0], $0xffff;
	v20 =	vor.u32 v8, v20;
	v11 =	vadd.bf16 v12, v11;
	v12 =	vmul.bf16 v14, v17  }
0x2c4: {  	v17 =	vld.idx.msk [tilespmem:v18+s14+$0x0], $0xffff;
	v14 =	vand.u32 $0x3F, v24;
	v24 =	vadd.s32 s31, v0  }
0x2c5: {  	s26 =	simm.s32 $0xE;
	v18 =	vld.idx.msk [tilespmem:v18+s16+$0x0], $0xffff;
	v25 =	vor.u32 v8, v14;
	v11 =	vadd.bf16 v12, v11;
	v12 =	vmul.bf16 v13, v23  }
0x2c6: {  	v14 =	vadd.s32 s26, v0;
	v26 =	vld.idx.msk [tilespmem:v19+s16+$0x0], $0xffff;
	v13 =	vand.u32 $0x3F, v24  }
0x2c7: {  	s29 =	simm.s32 $0xF;
	s30 =	simm.s32 $0x10;
	v23 =	vld.idx.msk [tilespmem:v19+s14+$0x0], $0xffff;
	v27 =	vor.u32 v8, v13;
	v13 =	vmul.bf16 v15, v21;
	v11 =	vadd.bf16 v12, v11  }
0x2c8: {  	v19 =	vadd.s32 s29, v0;
	v24 =	vadd.s32 s30, v0;
	v21 =	vand.u32 $0x3F, v14;
	v14 =	vld.idx.msk [tilespmem:v20+s16+$0x0], $0xffff  }
0x2c9: {  	v19 =	vand.u32 $0x3F, v19;
	v12 =	vld.idx.msk [tilespmem:v20+s14+$0x0], $0xffff;
	v21 =	vor.u32 v8, v21;
	v63 =	vadd.bf16 v13, v11  }
0x2ca: {  	v15 =	vimm.f32 $0.0e+00;
	v22 =	vmul.bf16 v16, v22;
	v19 =	vor.u32 v8, v19;
	v11 =	vld.idx.msk [tilespmem:v25+s14+$0x0], $0xffff  }
0x2cb: {  	s31 =	simm.s32 $0x11;
	v17 =	vmul.bf16 v18, v17;
	v13 =	vand.u32 $0x38, v24;
	v16 =	vld.idx.msk [tilespmem:v25+s16+$0x0], $0xffff;
	v18 =	vunpack.i.l.bf16.f32 v63  }
0x2cc: {  	v24 =	vadd.s32 s31, v0;
	v20 =	vor.u32 v7, v13;
	v13 =	vld.idx.msk [tilespmem:v27+s14+$0x0], $0xffff;
	v15 =	vadd.f32 v18, v15  }
0x2cd: {  	s25 =	simm.s32 $0x17;
	s28 =	simm.s32 $0x12;
	s26 =	simm.s32 $0x1F;
	v22 =	vadd.bf16 v17, v22;
	v23 =	vmul.bf16 v26, v23;
	v17 =	vld.idx.msk [tilespmem:v27+s16+$0x0], $0xffff;
	v18 =	vunpack.i.u.bf16.f32 v63  }
.LBB2_19:
0x2ce: {  	p0 =	sne.s32 s26, $0x3F;
	v24 =	vand.u32 $0x3F, v24;
	v25 =	vadd.s32 s28, v0;
	v26 =	vld.idx.msk [tilespmem:v21+s14+$0x0], $0xffff;
	v15 =	vadd.f32 v15, v18  }
0x2cf: {  	s28 =	sadd.s32 $0xFFFFFFFC, s25;
	v12 =	vmul.bf16 v14, v12;
	v18 =	vor.u32 v8, v24;
	v22 =	vadd.bf16 v23, v22;
	v14 =	vld.idx.msk [tilespmem:v21+s16+$0x0], $0xffff  }
0x2d0: {  	v21 =	vand.u32 $0x3F, v25;
	v23 =	vadd.s32 s28, v0;
	v24 =	vld.idx.msk [tilespmem:v19+s14+$0x0], $0xffff  }
0x2d1: {  	s28 =	sadd.s32 $0xFFFFFFFD, s25;
	v21 =	vor.u32 v8, v21;
	v11 =	vmul.bf16 v16, v11;
	v12 =	vadd.bf16 v12, v22;
	v16 =	vld.idx.msk [tilespmem:v19+s16+$0x0], $0xffff  }
0x2d2: {  	v19 =	vand.u32 $0x3F, v23;
	v23 =	vadd.s32 s28, v0;
	v22 =	vld.idx.msk [tilespmem:v20+s14+$0x0], $0xffff  }
0x2d3: {  	s28 =	sadd.s32 $0xFFFFFFFE, s25;
	v19 =	vor.u32 v8, v19;
	v20 =	vld.idx.msk [tilespmem:v20+s16+$0x0], $0xffff;
	v11 =	vadd.bf16 v11, v12;
	v12 =	vmul.bf16 v17, v13  }
0x2d4: {  	v17 =	vand.u32 $0x3F, v23;
	v23 =	vadd.s32 s28, v0;
	v13 =	vld.idx.msk [tilespmem:v18+s14+$0x0], $0xffff  }
0x2d5: {  	s28 =	sadd.s32 $0xFFFFFFFF, s25;
	v17 =	vor.u32 v8, v17;
	v18 =	vld.idx.msk [tilespmem:v18+s16+$0x0], $0xffff;
	v11 =	vadd.bf16 v12, v11;
	v12 =	vmul.bf16 v14, v26  }
0x2d6: {  	v14 =	vand.u32 $0x3F, v23;
	v23 =	vadd.s32 s28, v0;
	v26 =	vadd.s32 s25, v0;
	s25 =	smov.u32 s26;
	v25 =	vld.idx.msk [tilespmem:v21+s14+$0x0], $0xffff  }
0x2d7: {  	v28 =	vor.u32 v8, v14;
	v16 =	vmul.bf16 v16, v24;
	v27 =	vld.idx.msk [tilespmem:v21+s16+$0x0], $0xffff;
	v11 =	vadd.bf16 v12, v11  }
0x2d8: {  	s28 =	sadd.s32 $0xFFFFFFF9, s26;
	v21 =	vand.u32 $0x3F, v23;
	v23 =	vand.u32 $0x3F, v26;
	v12 =	vld.idx.msk [tilespmem:v19+s14+$0x0], $0xffff  }
.Ltmp8:
0x2d9: {  	v24 =	vadd.s32 s28, v0;
	v21 =	vor.u32 v8, v21;
	v14 =	vld.idx.msk [tilespmem:v19+s16+$0x0], $0xffff;
	v26 =	vadd.bf16 v16, v11;
	(pc) =	sbr.rel @p0 .LBB2_19-.Ltmp8, $4  }
0x2da: {  	v24 =	vand.u32 $0x38, v24;
	v19 =	vor.u32 v8, v23;
	v11 =	vld.idx.msk [tilespmem:v17+s14+$0x0], $0xffff  }
0x2db: {  	s28 =	sadd.s32 $0xFFFFFFFA, s26;
	v22 =	vmul.bf16 v20, v22;
	v18 =	vmul.bf16 v18, v13;
	v16 =	vld.idx.msk [tilespmem:v17+s16+$0x0], $0xffff;
	v17 =	vunpack.i.l.bf16.f32 v26  }
0x2dc: {  	v20 =	vor.u32 v7, v24;
	v24 =	vadd.s32 s28, v0;
	v13 =	vld.idx.msk [tilespmem:v28+s14+$0x0], $0xffff;
	v15 =	vadd.f32 v17, v15  }
0x2dd: {  	s26 =	sadd.s32 $0x8, s26;
	s28 =	sadd.s32 $0xFFFFFFFB, s25;
	v22 =	vadd.bf16 v18, v22;
	v23 =	vmul.bf16 v27, v25;
	v18 =	vunpack.i.u.bf16.f32 v26;
	v17 =	vld.idx.msk [tilespmem:v28+s16+$0x0], $0xffff  }
0x2de: {  	_ =	sdelay $0x3  }
0x2df: {  	v24 =	vand.u32 $0x3F, v24;
	v25 =	vld.idx.msk [tilespmem:v21+s14+$0x0], $0xffff  }
0x2e0: {  	v26 =	vadd.s32 s28, v0;
	v21 =	vld.idx.msk [tilespmem:v21+s16+$0x0], $0xffff;
	v24 =	vor.u32 v8, v24  }
0x2e1: {  	s26 =	sadd.s32 $0xFFFFFFFC, s25;
	v27 =	vld.idx.msk [tilespmem:v19+s14+$0x0], $0xffff;
	v26 =	vand.u32 $0x3F, v26  }
0x2e2: {  	v19 =	vld.idx.msk [tilespmem:v19+s16+$0x0], $0xffff;
	v28 =	vadd.s32 s26, v0;
	v26 =	vor.u32 v8, v26  }
0x2e3: {  	s30 =	sadd.s32 $0xFFFFFFFD, s25;
	v29 =	vld.idx.msk [tilespmem:v20+s14+$0x0], $0xffff;
	v28 =	vand.u32 $0x3F, v28  }
0x2e4: {  	v20 =	vld.idx.msk [tilespmem:v20+s16+$0x0], $0xffff;
	v30 =	vadd.s32 s30, v0;
	v28 =	vor.u32 v8, v28  }
0x2e5: {  	s31 =	sadd.s32 $0xFFFFFFFE, s25;
	v30 =	vand.u32 $0x3F, v30;
	v31 =	vld.idx.msk [tilespmem:v24+s14+$0x0], $0xffff  }
0x2e6: {  	v32 =	vadd.s32 s31, v0;
	v30 =	vor.u32 v8, v30;
	v24 =	vld.idx.msk [tilespmem:v24+s16+$0x0], $0xffff  }
0x2e7: {  	s29 =	sadd.s32 $0xFFFFFFFF, s25;
	v12 =	vmul.bf16 v14, v12;
	v32 =	vand.u32 $0x3F, v32;
	v33 =	vld.idx.msk [tilespmem:v26+s14+$0x0], $0xffff  }
0x2e8: {  	v34 =	vadd.s32 s29, v0;
	v22 =	vadd.bf16 v23, v22;
	v32 =	vor.u32 v8, v32;
	v26 =	vld.idx.msk [tilespmem:v26+s16+$0x0], $0xffff  }
0x2e9: {  	v14 =	vadd.s32 s25, v0;
	v34 =	vand.u32 $0x3F, v34;
	v23 =	vld.idx.msk [tilespmem:v28+s14+$0x0], $0xffff  }
0x2ea: {  	v11 =	vmul.bf16 v16, v11;
	v34 =	vor.u32 v8, v34;
	v12 =	vadd.bf16 v12, v22;
	v28 =	vld.idx.msk [tilespmem:v28+s16+$0x0], $0xffff  }
0x2eb: {  	v14 =	vand.u32 $0x3F, v14;
	v20 =	vmul.bf16 v20, v29;
	v62 =	vld.idx.msk [tilespmem:v30+s14+$0x0], $0xffff;
	v24 =	vmul.bf16 v24, v31  }
0x2ec: {  	v14 =	vor.u32 v8, v14;
	v11 =	vadd.bf16 v11, v12;
	v12 =	vmul.bf16 v17, v13;
	v16 =	vld.idx.msk [tilespmem:v30+s16+$0x0], $0xffff  }
0x2ed: {  	v13 =	vld.idx.msk [tilespmem:v32+s16+$0x0], $0xffff;
	v22 =	vmul.bf16 v26, v33;
	v20 =	vadd.bf16 v24, v20  }
0x2ee: {  	v11 =	vadd.bf16 v12, v11;
	v24 =	vld.idx.msk [tilespmem:v32+s14+$0x0], $0xffff  }
0x2ef: {  	v12 =	vmul.bf16 v21, v25;
	v21 =	vld.idx.msk [tilespmem:v34+s16+$0x0], $0xffff;
	v17 =	vadd.bf16 v22, v20;
	v20 =	vmul.bf16 v28, v23  }
0x2f0: {  	v22 =	vld.idx.msk [tilespmem:v34+s14+$0x0], $0xffff  }
0x2f1: {  	v11 =	vadd.bf16 v12, v11;
	v12 =	vld.idx.msk [tilespmem:v14+s16+$0x0], $0xffff;
	v16 =	vmul.bf16 v16, v62;
	v17 =	vadd.bf16 v20, v17  }
0x2f2: {  	v23 =	vld.idx.msk [tilespmem:v14+s14+$0x0], $0xffff  }
0x2f3: {  	v14 =	vmul.bf16 v19, v27;
	v13 =	vmul.bf16 v13, v24;
	v16 =	vadd.bf16 v16, v17;
	_ =	sdelay $0x1  }
0x2f4: {  	v11 =	vadd.bf16 v14, v11;
	v14 =	vmul.bf16 v21, v22;
	v13 =	vadd.bf16 v13, v16  }
0x2f5: {  	v15 =	vadd.f32 v15, v18  }
0x2f6: {  	v12 =	vmul.bf16 v12, v23;
	v16 =	vunpack.i.l.bf16.f32 v11;
	v13 =	vadd.bf16 v14, v13  }
0x2f7: {  	v14 =	vadd.f32 v16, v15  }
0x2f8: {  	s30 =	simm.s32 $0x0;
	v11 =	vunpack.i.u.bf16.f32 v11;
	v12 =	vadd.bf16 v12, v13  }
0x2f9: {  	v11 =	vadd.f32 v14, v11;
	v13 =	vadd.s32 s30, v0  }
0x2fa: {  	s30 =	simm.s32 $0x4;
	v13 =	vand.u32 $0x38, v13;
	v14 =	vunpack.i.l.bf16.f32 v12  }
0x2fb: {  	s31 =	simm.s32 $0x1;
	v16 =	vadd.s32 s30, v0;
	v13 =	vor.u32 v9, v13;
	v11 =	vadd.f32 v14, v11  }
0x2fc: {  	v12 =	vunpack.i.u.bf16.f32 v12;
	v16 =	vand.u32 $0x3F, v16;
	v14 =	vadd.s32 s31, v0  }
0x2fd: {  	s26 =	simm.s32 $0x2;
	v16 =	vor.u32 v10, v16;
	v14 =	vand.u32 $0x3F, v14;
	v11 =	vadd.f32 v11, v12  }
0x2fe: {  	v12 =	vadd.s32 s26, v0;
	v14 =	vor.u32 v10, v14  }
0x2ff: {  	s29 =	simm.s32 $0x3;
	v12 =	vand.u32 $0x3F, v12;
	[tilespmem:s24+$0x9EA0] =	vst v11  }
0x300: {  	v11 =	vadd.s32 s29, v0;
	v12 =	vor.u32 v10, v12;
	v15 =	vld.idx.msk [tilespmem:v13+s14+$0x0], $0xffff  }
0x301: {  	v11 =	vand.u32 $0x3F, v11;
	v13 =	vld.idx.msk [tilespmem:v13+s16+$0x0], $0xffff  }
0x302: {  	s31 =	simm.s32 $0x5;
	v24 =	vld.idx.msk [tilespmem:v16+s14+$0x0], $0xffff;
	v11 =	vor.u32 v10, v11  }
0x303: {  	v18 =	vadd.s32 s31, v0;
	v17 =	vld.idx.msk [tilespmem:v14+s14+$0x0], $0xffff  }
0x304: {  	s26 =	simm.s32 $0x6;
	v18 =	vand.u32 $0x3F, v18;
	v14 =	vld.idx.msk [tilespmem:v14+s16+$0x0], $0xffff  }
0x305: {  	v20 =	vadd.s32 s26, v0;
	v18 =	vor.u32 v10, v18;
	v19 =	vld.idx.msk [tilespmem:v12+s14+$0x0], $0xffff  }
0x306: {  	s30 =	simm.s32 $0x8;
	s29 =	simm.s32 $0x7;
	v20 =	vand.u32 $0x3F, v20;
	v12 =	vld.idx.msk [tilespmem:v12+s16+$0x0], $0xffff  }
0x307: {  	v23 =	vadd.s32 s30, v0;
	v22 =	vadd.s32 s29, v0;
	v20 =	vor.u32 v10, v20;
	v21 =	vld.idx.msk [tilespmem:v11+s14+$0x0], $0xffff  }
0x308: {  	v23 =	vand.u32 $0x38, v23;
	v22 =	vand.u32 $0x3F, v22;
	v11 =	vld.idx.msk [tilespmem:v11+s16+$0x0], $0xffff  }
0x309: {  	v22 =	vor.u32 v10, v22;
	v13 =	vmul.bf16 v13, v15;
	v15 =	vld.idx.msk [tilespmem:v16+s16+$0x0], $0xffff;
	v14 =	vmul.bf16 v14, v17  }
0x30a: {  	s31 =	simm.s32 $0x9;
	v16 =	vor.u32 v9, v23;
	v17 =	vld.idx.msk [tilespmem:v18+s14+$0x0], $0xffff  }
0x30b: {  	s26 =	simm.s32 $0xA;
	v23 =	vadd.s32 s31, v0;
	v13 =	vadd.bf16 v14, v13;
	v12 =	vmul.bf16 v12, v19;
	v14 =	vld.idx.msk [tilespmem:v18+s16+$0x0], $0xffff  }
0x30c: {  	v18 =	vand.u32 $0x3F, v23;
	v19 =	vadd.s32 s26, v0;
	v23 =	vld.idx.msk [tilespmem:v20+s14+$0x0], $0xffff  }
0x30d: {  	s29 =	simm.s32 $0xB;
	v18 =	vor.u32 v10, v18;
	v12 =	vadd.bf16 v12, v13;
	v11 =	vmul.bf16 v11, v21;
	v13 =	vld.idx.msk [tilespmem:v20+s16+$0x0], $0xffff  }
0x30e: {  	v19 =	vand.u32 $0x3F, v19;
	v20 =	vadd.s32 s29, v0;
	v21 =	vld.idx.msk [tilespmem:v22+s14+$0x0], $0xffff  }
0x30f: {  	s30 =	simm.s32 $0xC;
	v19 =	vor.u32 v10, v19;
	v11 =	vadd.bf16 v11, v12;
	v12 =	vmul.bf16 v15, v24;
	v15 =	vld.idx.msk [tilespmem:v22+s16+$0x0], $0xffff  }
0x310: {  	v20 =	vand.u32 $0x3F, v20;
	v22 =	vld.idx.msk [tilespmem:v16+s14+$0x0], $0xffff;
	v24 =	vadd.s32 s30, v0  }
0x311: {  	s31 =	simm.s32 $0xD;
	v16 =	vld.idx.msk [tilespmem:v16+s16+$0x0], $0xffff;
	v20 =	vor.u32 v10, v20;
	v11 =	vadd.bf16 v12, v11;
	v12 =	vmul.bf16 v14, v17  }
0x312: {  	v17 =	vld.idx.msk [tilespmem:v18+s14+$0x0], $0xffff;
	v14 =	vand.u32 $0x3F, v24;
	v24 =	vadd.s32 s31, v0  }
0x313: {  	s26 =	simm.s32 $0xE;
	v18 =	vld.idx.msk [tilespmem:v18+s16+$0x0], $0xffff;
	v25 =	vor.u32 v10, v14;
	v11 =	vadd.bf16 v12, v11;
	v12 =	vmul.bf16 v13, v23  }
0x314: {  	v14 =	vadd.s32 s26, v0;
	v26 =	vld.idx.msk [tilespmem:v19+s16+$0x0], $0xffff;
	v13 =	vand.u32 $0x3F, v24  }
0x315: {  	s29 =	simm.s32 $0xF;
	s30 =	simm.s32 $0x10;
	v23 =	vld.idx.msk [tilespmem:v19+s14+$0x0], $0xffff;
	v27 =	vor.u32 v10, v13;
	v13 =	vmul.bf16 v15, v21;
	v11 =	vadd.bf16 v12, v11  }
0x316: {  	v19 =	vadd.s32 s29, v0;
	v24 =	vadd.s32 s30, v0;
	v21 =	vand.u32 $0x3F, v14;
	v14 =	vld.idx.msk [tilespmem:v20+s16+$0x0], $0xffff  }
0x317: {  	v19 =	vand.u32 $0x3F, v19;
	v12 =	vld.idx.msk [tilespmem:v20+s14+$0x0], $0xffff;
	v21 =	vor.u32 v10, v21;
	v63 =	vadd.bf16 v13, v11  }
0x318: {  	v15 =	vimm.f32 $0.0e+00;
	v22 =	vmul.bf16 v16, v22;
	v19 =	vor.u32 v10, v19;
	v11 =	vld.idx.msk [tilespmem:v25+s14+$0x0], $0xffff  }
0x319: {  	s31 =	simm.s32 $0x11;
	v17 =	vmul.bf16 v18, v17;
	v13 =	vand.u32 $0x38, v24;
	v16 =	vld.idx.msk [tilespmem:v25+s16+$0x0], $0xffff;
	v18 =	vunpack.i.l.bf16.f32 v63  }
0x31a: {  	v24 =	vadd.s32 s31, v0;
	v20 =	vor.u32 v9, v13;
	v13 =	vld.idx.msk [tilespmem:v27+s14+$0x0], $0xffff;
	v15 =	vadd.f32 v18, v15  }
0x31b: {  	s25 =	simm.s32 $0x17;
	s28 =	simm.s32 $0x12;
	s26 =	simm.s32 $0x1F;
	v22 =	vadd.bf16 v17, v22;
	v23 =	vmul.bf16 v26, v23;
	v17 =	vld.idx.msk [tilespmem:v27+s16+$0x0], $0xffff;
	v18 =	vunpack.i.u.bf16.f32 v63  }
.LBB2_21:
0x31c: {  	p0 =	sne.s32 s26, $0x3F;
	v24 =	vand.u32 $0x3F, v24;
	v25 =	vadd.s32 s28, v0;
	v26 =	vld.idx.msk [tilespmem:v21+s14+$0x0], $0xffff;
	v15 =	vadd.f32 v15, v18  }
0x31d: {  	s28 =	sadd.s32 $0xFFFFFFFC, s25;
	v12 =	vmul.bf16 v14, v12;
	v18 =	vor.u32 v10, v24;
	v22 =	vadd.bf16 v23, v22;
	v14 =	vld.idx.msk [tilespmem:v21+s16+$0x0], $0xffff  }
0x31e: {  	v21 =	vand.u32 $0x3F, v25;
	v23 =	vadd.s32 s28, v0;
	v24 =	vld.idx.msk [tilespmem:v19+s14+$0x0], $0xffff  }
0x31f: {  	s28 =	sadd.s32 $0xFFFFFFFD, s25;
	v21 =	vor.u32 v10, v21;
	v11 =	vmul.bf16 v16, v11;
	v12 =	vadd.bf16 v12, v22;
	v16 =	vld.idx.msk [tilespmem:v19+s16+$0x0], $0xffff  }
0x320: {  	v19 =	vand.u32 $0x3F, v23;
	v23 =	vadd.s32 s28, v0;
	v22 =	vld.idx.msk [tilespmem:v20+s14+$0x0], $0xffff  }
0x321: {  	s28 =	sadd.s32 $0xFFFFFFFE, s25;
	v19 =	vor.u32 v10, v19;
	v20 =	vld.idx.msk [tilespmem:v20+s16+$0x0], $0xffff;
	v11 =	vadd.bf16 v11, v12;
	v12 =	vmul.bf16 v17, v13  }
0x322: {  	v17 =	vand.u32 $0x3F, v23;
	v23 =	vadd.s32 s28, v0;
	v13 =	vld.idx.msk [tilespmem:v18+s14+$0x0], $0xffff  }
0x323: {  	s28 =	sadd.s32 $0xFFFFFFFF, s25;
	v17 =	vor.u32 v10, v17;
	v18 =	vld.idx.msk [tilespmem:v18+s16+$0x0], $0xffff;
	v11 =	vadd.bf16 v12, v11;
	v12 =	vmul.bf16 v14, v26  }
0x324: {  	v14 =	vand.u32 $0x3F, v23;
	v23 =	vadd.s32 s28, v0;
	v26 =	vadd.s32 s25, v0;
	s25 =	smov.u32 s26;
	v25 =	vld.idx.msk [tilespmem:v21+s14+$0x0], $0xffff  }
0x325: {  	v28 =	vor.u32 v10, v14;
	v16 =	vmul.bf16 v16, v24;
	v27 =	vld.idx.msk [tilespmem:v21+s16+$0x0], $0xffff;
	v11 =	vadd.bf16 v12, v11  }
0x326: {  	s28 =	sadd.s32 $0xFFFFFFF9, s26;
	v21 =	vand.u32 $0x3F, v23;
	v23 =	vand.u32 $0x3F, v26;
	v12 =	vld.idx.msk [tilespmem:v19+s14+$0x0], $0xffff  }
.Ltmp9:
0x327: {  	v24 =	vadd.s32 s28, v0;
	v21 =	vor.u32 v10, v21;
	v14 =	vld.idx.msk [tilespmem:v19+s16+$0x0], $0xffff;
	v26 =	vadd.bf16 v16, v11;
	(pc) =	sbr.rel @p0 .LBB2_21-.Ltmp9, $4  }
0x328: {  	v24 =	vand.u32 $0x38, v24;
	v19 =	vor.u32 v10, v23;
	v11 =	vld.idx.msk [tilespmem:v17+s14+$0x0], $0xffff  }
0x329: {  	s28 =	sadd.s32 $0xFFFFFFFA, s26;
	v22 =	vmul.bf16 v20, v22;
	v18 =	vmul.bf16 v18, v13;
	v16 =	vld.idx.msk [tilespmem:v17+s16+$0x0], $0xffff;
	v17 =	vunpack.i.l.bf16.f32 v26  }
0x32a: {  	v20 =	vor.u32 v9, v24;
	v24 =	vadd.s32 s28, v0;
	v13 =	vld.idx.msk [tilespmem:v28+s14+$0x0], $0xffff;
	v15 =	vadd.f32 v17, v15  }
0x32b: {  	s26 =	sadd.s32 $0x8, s26;
	s28 =	sadd.s32 $0xFFFFFFFB, s25;
	v22 =	vadd.bf16 v18, v22;
	v23 =	vmul.bf16 v27, v25;
	v18 =	vunpack.i.u.bf16.f32 v26;
	v17 =	vld.idx.msk [tilespmem:v28+s16+$0x0], $0xffff  }
0x32c: {  	_ =	sdelay $0x3  }
0x32d: {  	v24 =	vand.u32 $0x3F, v24;
	v25 =	vld.idx.msk [tilespmem:v21+s14+$0x0], $0xffff  }
0x32e: {  	v26 =	vadd.s32 s28, v0;
	v42 =	vld.idx.msk [tilespmem:v21+s16+$0x0], $0xffff;
	v24 =	vor.u32 v10, v24  }
0x32f: {  	s26 =	sadd.s32 $0xFFFFFFFC, s25;
	v27 =	vld.idx.msk [tilespmem:v19+s14+$0x0], $0xffff;
	v26 =	vand.u32 $0x3F, v26  }
0x330: {  	v43 =	vld.idx.msk [tilespmem:v19+s16+$0x0], $0xffff;
	v28 =	vadd.s32 s26, v0;
	v26 =	vor.u32 v10, v26  }
0x331: {  	s29 =	sadd.s32 $0xFFFFFFFD, s25;
	v29 =	vld.idx.msk [tilespmem:v20+s14+$0x0], $0xffff;
	v28 =	vand.u32 $0x3F, v28  }
0x332: {  	v44 =	vld.idx.msk [tilespmem:v20+s16+$0x0], $0xffff;
	v30 =	vadd.s32 s29, v0;
	v28 =	vor.u32 v10, v28  }
0x333: {  	s30 =	sadd.s32 $0xFFFFFFFE, s25;
	v30 =	vand.u32 $0x3F, v30;
	v31 =	vld.idx.msk [tilespmem:v24+s14+$0x0], $0xffff  }
0x334: {  	v32 =	vadd.s32 s30, v0;
	v30 =	vor.u32 v10, v30;
	v24 =	vld.idx.msk [tilespmem:v24+s16+$0x0], $0xffff  }
0x335: {  	s31 =	sadd.s32 $0xFFFFFFFF, s25;
	v32 =	vand.u32 $0x3F, v32;
	v33 =	vld.idx.msk [tilespmem:v26+s14+$0x0], $0xffff  }
0x336: {  	v34 =	vadd.s32 s31, v0;
	v32 =	vor.u32 v10, v32;
	v26 =	vld.idx.msk [tilespmem:v26+s16+$0x0], $0xffff  }
0x337: {  	v12 =	vmul.bf16 v14, v12;
	v34 =	vand.u32 $0x3F, v34;
	v45 =	vld.idx.msk [tilespmem:v28+s14+$0x0], $0xffff  }
0x338: {  	v46 =	vadd.s32 s25, v0;
	v22 =	vadd.bf16 v23, v22;
	v34 =	vor.u32 v10, v34;
	v28 =	vld.idx.msk [tilespmem:v28+s16+$0x0], $0xffff  }
0x339: {  	v14 =	vand.u32 $0x3F, v46;
	v20 =	vmul.bf16 v44, v29;
	v47 =	vld.idx.msk [tilespmem:v30+s14+$0x0], $0xffff;
	v24 =	vmul.bf16 v24, v31  }
0x33a: {  	v11 =	vmul.bf16 v16, v11;
	v14 =	vor.u32 v10, v14;
	v48 =	vld.idx.msk [tilespmem:v30+s16+$0x0], $0xffff  }
0x33b: {  	v12 =	vadd.bf16 v12, v22;
	v50 =	vld.idx.msk [tilespmem:v32+s14+$0x0], $0xffff;
	v49 =	vmul.bf16 v26, v33;
	v20 =	vadd.bf16 v24, v20  }
0x33c: {  	v51 =	vmul.bf16 v17, v13;
	v52 =	vld.idx.msk [tilespmem:v32+s16+$0x0], $0xffff  }
0x33d: {  	v11 =	vadd.bf16 v11, v12;
	v55 =	vld.idx.msk [tilespmem:v34+s14+$0x0], $0xffff;
	v54 =	vmul.bf16 v28, v45;
	v53 =	vadd.bf16 v49, v20  }
0x33e: {  	v56 =	vmul.bf16 v42, v25;
	v57 =	vld.idx.msk [tilespmem:v34+s16+$0x0], $0xffff  }
0x33f: {  	v11 =	vadd.bf16 v51, v11;
	v58 =	vld.idx.msk [tilespmem:v14+s14+$0x0], $0xffff;
	v16 =	vmul.bf16 v48, v47;
	v17 =	vadd.bf16 v54, v53  }
0x340: {  	v60 =	vmul.bf16 v43, v27;
	v59 =	vld.idx.msk [tilespmem:v14+s16+$0x0], $0xffff  }
0x341: {  	v11 =	vadd.bf16 v56, v11;
	v13 =	vmul.bf16 v52, v50;
	v16 =	vadd.bf16 v16, v17;
	_ =	sdelay $0x1  }
0x342: {  	v11 =	vadd.bf16 v60, v11;
	v61 =	vmul.bf16 v57, v55;
	v13 =	vadd.bf16 v13, v16  }
0x343: {  	v15 =	vadd.f32 v15, v18  }
0x344: {  	v12 =	vmul.bf16 v59, v58;
	v62 =	vunpack.i.l.bf16.f32 v11;
	v13 =	vadd.bf16 v61, v13  }
0x345: {  	v63 =	vadd.f32 v62, v15  }
0x346: {  	v11 =	vunpack.i.u.bf16.f32 v11;
	v12 =	vadd.bf16 v12, v13  }
0x347: {  	v11 =	vadd.f32 v63, v11  }
0x348: {  	p0 =	seq.s32 s23, $0x3D;
	v13 =	vunpack.i.l.bf16.f32 v12  }
.Ltmp10:
0x349: {  	v11 =	vadd.f32 v13, v11;
	(pc) =	sbr.rel @p0 .LBB2_24-.Ltmp10, $3  }
0x34a: {  	v12 =	vunpack.i.u.bf16.f32 v12  }
0x34b: {  	v11 =	vadd.f32 v11, v12;
	_ =	sdelay $0x1  }
0x34c: {  	[tilespmem:s24+$0x9EB0] =	vst v11  }
.Ltmp11:
0x34d: {  	(pc) =	sbr.rel .LBB2_2-.Ltmp11, $4  }
0x34e: {  	s25 =	sadd.s32 $0xF0, s24  }
0x34f: {  	[tilespmem:s14], [sflag:$0x2] =	stream.indirect.gather [hbm4b:s3+s11], $0x40, s25, s11, $0xb8;
	[tilespmem:$0xC530] =	vst v63  }
0x350: {  	s31 =	sadd.s32 $0x2800, s24;
	s23 =	sadd.s32 $0x1, s23  }
0x351: {  	[tilespmem:s16], [sflag:$0x4] =	stream.indirect.gather [hbm4b:s4+s11], $0x40, s31, s11, $0xb8;
	[tilespmem:$0xC530] =	vst v63  }
.LBB2_24:
0x352: {  	s23 =	simm.s32 $0x0  }
0x353: {  	v11 =	vadd.s32 s23, v0  }
0x354: {  	_ =	swait.ge [sflag:s17], $0x1400;
	s30 =	simm.s32 $0x1;
	v11 =	vand.u32 $0x38, v11  }
0x355: {  	[sflag:s17] =	ssyncset.done $0x0;
	v12 =	vadd.s32 s30, v0;
	v11 =	vor.u32 v2, v11  }
0x356: {  	s31 =	simm.s32 $0x2;
	[sflag:s17] =	ssyncadd.s32 $0xFFFFEC00;
	v12 =	vand.u32 $0x3F, v12  }
0x357: {  	v13 =	vadd.s32 s31, v0;
	_ =	swait.ge [sflag:s18], $0x1400;
	v12 =	vor.u32 v1, v12  }
0x358: {  	s24 =	simm.s32 $0x3;
	v13 =	vand.u32 $0x3F, v13;
	[sflag:s18] =	ssyncset.done $0x0  }
0x359: {  	v14 =	vadd.s32 s24, v0;
	v13 =	vor.u32 v1, v13;
	[sflag:s18] =	ssyncadd.s32 $0xFFFFEC00  }
0x35a: {  	s25 =	simm.s32 $0x4;
	v14 =	vand.u32 $0x3F, v14;
	v15 =	vld.idx.msk [tilespmem:v11+s12+$0x0], $0xffff  }
0x35b: {  	v16 =	vadd.s32 s25, v0;
	v14 =	vor.u32 v1, v14;
	v11 =	vld.idx.msk [tilespmem:v11+s13+$0x0], $0xffff  }
0x35c: {  	s26 =	simm.s32 $0x5;
	v16 =	vand.u32 $0x3F, v16;
	v17 =	vld.idx.msk [tilespmem:v12+s12+$0x0], $0xffff  }
0x35d: {  	v18 =	vadd.s32 s26, v0;
	v16 =	vor.u32 v1, v16;
	v12 =	vld.idx.msk [tilespmem:v12+s13+$0x0], $0xffff  }
0x35e: {  	s28 =	simm.s32 $0x6;
	v18 =	vand.u32 $0x3F, v18;
	v19 =	vld.idx.msk [tilespmem:v13+s12+$0x0], $0xffff  }
0x35f: {  	v20 =	vadd.s32 s28, v0;
	v18 =	vor.u32 v1, v18;
	v13 =	vld.idx.msk [tilespmem:v13+s13+$0x0], $0xffff  }
0x360: {  	s29 =	simm.s32 $0x7;
	s24 =	simm.s32 $0x8;
	v20 =	vand.u32 $0x3F, v20;
	v21 =	vld.idx.msk [tilespmem:v14+s12+$0x0], $0xffff  }
0x361: {  	v22 =	vadd.s32 s29, v0;
	v23 =	vadd.s32 s24, v0;
	v20 =	vor.u32 v1, v20;
	v14 =	vld.idx.msk [tilespmem:v14+s13+$0x0], $0xffff  }
0x362: {  	v22 =	vand.u32 $0x3F, v22;
	v23 =	vand.u32 $0x38, v23;
	v24 =	vld.idx.msk [tilespmem:v16+s12+$0x0], $0xffff  }
0x363: {  	v22 =	vor.u32 v1, v22;
	v11 =	vmul.bf16 v11, v15;
	v12 =	vmul.bf16 v12, v17;
	v15 =	vld.idx.msk [tilespmem:v16+s13+$0x0], $0xffff  }
0x364: {  	s30 =	simm.s32 $0x9;
	v16 =	vor.u32 v2, v23;
	v17 =	vld.idx.msk [tilespmem:v18+s12+$0x0], $0xffff  }
0x365: {  	s31 =	simm.s32 $0xA;
	v23 =	vadd.s32 s30, v0;
	v11 =	vadd.bf16 v12, v11;
	v12 =	vmul.bf16 v13, v19;
	v13 =	vld.idx.msk [tilespmem:v18+s13+$0x0], $0xffff  }
0x366: {  	v18 =	vand.u32 $0x3F, v23;
	v19 =	vadd.s32 s31, v0;
	v23 =	vld.idx.msk [tilespmem:v20+s12+$0x0], $0xffff  }
0x367: {  	s24 =	simm.s32 $0xB;
	v18 =	vor.u32 v1, v18;
	v11 =	vadd.bf16 v12, v11;
	v12 =	vmul.bf16 v14, v21;
	v14 =	vld.idx.msk [tilespmem:v20+s13+$0x0], $0xffff  }
0x368: {  	v19 =	vand.u32 $0x3F, v19;
	v20 =	vadd.s32 s24, v0;
	v21 =	vld.idx.msk [tilespmem:v22+s12+$0x0], $0xffff  }
0x369: {  	s25 =	simm.s32 $0xC;
	v19 =	vor.u32 v1, v19;
	v11 =	vadd.bf16 v12, v11;
	v12 =	vmul.bf16 v15, v24;
	v15 =	vld.idx.msk [tilespmem:v22+s13+$0x0], $0xffff  }
0x36a: {  	v20 =	vand.u32 $0x3F, v20;
	v22 =	vld.idx.msk [tilespmem:v16+s12+$0x0], $0xffff;
	v24 =	vadd.s32 s25, v0  }
0x36b: {  	s26 =	simm.s32 $0xD;
	v16 =	vld.idx.msk [tilespmem:v16+s13+$0x0], $0xffff;
	v20 =	vor.u32 v1, v20;
	v11 =	vadd.bf16 v12, v11;
	v12 =	vmul.bf16 v13, v17  }
0x36c: {  	v13 =	vld.idx.msk [tilespmem:v18+s12+$0x0], $0xffff;
	v17 =	vand.u32 $0x3F, v24;
	v24 =	vadd.s32 s26, v0  }
0x36d: {  	s28 =	simm.s32 $0xE;
	v18 =	vld.idx.msk [tilespmem:v18+s13+$0x0], $0xffff;
	v17 =	vor.u32 v1, v17;
	v11 =	vadd.bf16 v12, v11;
	v12 =	vmul.bf16 v14, v23  }
0x36e: {  	v25 =	vld.idx.msk [tilespmem:v19+s13+$0x0], $0xffff;
	v14 =	vand.u32 $0x3F, v24;
	v24 =	vadd.s32 s28, v0  }
0x36f: {  	s29 =	simm.s32 $0xF;
	v23 =	vld.idx.msk [tilespmem:v19+s12+$0x0], $0xffff;
	v26 =	vor.u32 v1, v14;
	v15 =	vmul.bf16 v15, v21;
	v11 =	vadd.bf16 v12, v11  }
0x370: {  	v27 =	vimm.f32 $0.0e+00;
	v14 =	vadd.s32 s29, v0;
	v19 =	vand.u32 $0x3F, v24;
	v12 =	vld.idx.msk [tilespmem:v20+s12+$0x0], $0xffff  }
0x371: {  	s30 =	simm.s32 $0x10;
	v24 =	vand.u32 $0x3F, v14;
	v14 =	vld.idx.msk [tilespmem:v20+s13+$0x0], $0xffff;
	v21 =	vor.u32 v1, v19;
	v29 =	vadd.bf16 v15, v11  }
0x372: {  	v28 =	vadd.s32 s30, v0;
	v22 =	vmul.bf16 v16, v22;
	v19 =	vor.u32 v1, v24;
	v11 =	vld.idx.msk [tilespmem:v17+s12+$0x0], $0xffff  }
0x373: {  	s31 =	simm.s32 $0x11;
	v18 =	vmul.bf16 v18, v13;
	v15 =	vand.u32 $0x38, v28;
	v16 =	vld.idx.msk [tilespmem:v17+s13+$0x0], $0xffff;
	v17 =	vunpack.i.l.bf16.f32 v29  }
0x374: {  	v24 =	vadd.s32 s31, v0;
	v20 =	vor.u32 v2, v15;
	v13 =	vld.idx.msk [tilespmem:v26+s12+$0x0], $0xffff;
	v15 =	vadd.f32 v17, v27  }
0x375: {  	s23 =	simm.s32 $0x17;
	s24 =	simm.s32 $0x1F;
	s25 =	simm.s32 $0x12;
	v22 =	vadd.bf16 v18, v22;
	v23 =	vmul.bf16 v25, v23;
	v18 =	vunpack.i.u.bf16.f32 v29;
	v17 =	vld.idx.msk [tilespmem:v26+s13+$0x0], $0xffff  }
.LBB2_25:
0x376: {  	p0 =	sne.s32 s24, $0x3F;
	v24 =	vand.u32 $0x3F, v24;
	v25 =	vadd.s32 s25, v0;
	v26 =	vld.idx.msk [tilespmem:v21+s12+$0x0], $0xffff;
	v15 =	vadd.f32 v15, v18  }
0x377: {  	s25 =	sadd.s32 $0xFFFFFFFC, s23;
	v12 =	vmul.bf16 v14, v12;
	v18 =	vor.u32 v1, v24;
	v22 =	vadd.bf16 v23, v22;
	v14 =	vld.idx.msk [tilespmem:v21+s13+$0x0], $0xffff  }
0x378: {  	v21 =	vand.u32 $0x3F, v25;
	v23 =	vadd.s32 s25, v0;
	v24 =	vld.idx.msk [tilespmem:v19+s12+$0x0], $0xffff  }
0x379: {  	s25 =	sadd.s32 $0xFFFFFFFD, s23;
	v21 =	vor.u32 v1, v21;
	v11 =	vmul.bf16 v16, v11;
	v12 =	vadd.bf16 v12, v22;
	v16 =	vld.idx.msk [tilespmem:v19+s13+$0x0], $0xffff  }
0x37a: {  	v19 =	vand.u32 $0x3F, v23;
	v23 =	vadd.s32 s25, v0;
	v22 =	vld.idx.msk [tilespmem:v20+s12+$0x0], $0xffff  }
0x37b: {  	s25 =	sadd.s32 $0xFFFFFFFE, s23;
	v19 =	vor.u32 v1, v19;
	v20 =	vld.idx.msk [tilespmem:v20+s13+$0x0], $0xffff;
	v11 =	vadd.bf16 v11, v12;
	v12 =	vmul.bf16 v17, v13  }
0x37c: {  	v17 =	vand.u32 $0x3F, v23;
	v23 =	vadd.s32 s25, v0;
	v13 =	vld.idx.msk [tilespmem:v18+s12+$0x0], $0xffff  }
0x37d: {  	s25 =	sadd.s32 $0xFFFFFFFF, s23;
	v17 =	vor.u32 v1, v17;
	v18 =	vld.idx.msk [tilespmem:v18+s13+$0x0], $0xffff;
	v11 =	vadd.bf16 v12, v11;
	v12 =	vmul.bf16 v14, v26  }
0x37e: {  	v14 =	vand.u32 $0x3F, v23;
	v23 =	vadd.s32 s25, v0;
	v26 =	vadd.s32 s23, v0;
	s23 =	smov.u32 s24;
	v25 =	vld.idx.msk [tilespmem:v21+s12+$0x0], $0xffff  }
0x37f: {  	v28 =	vor.u32 v1, v14;
	v16 =	vmul.bf16 v16, v24;
	v27 =	vld.idx.msk [tilespmem:v21+s13+$0x0], $0xffff;
	v11 =	vadd.bf16 v12, v11  }
0x380: {  	s25 =	sadd.s32 $0xFFFFFFF9, s24;
	v21 =	vand.u32 $0x3F, v23;
	v23 =	vand.u32 $0x3F, v26;
	v12 =	vld.idx.msk [tilespmem:v19+s12+$0x0], $0xffff  }
.Ltmp12:
0x381: {  	v24 =	vadd.s32 s25, v0;
	v21 =	vor.u32 v1, v21;
	v14 =	vld.idx.msk [tilespmem:v19+s13+$0x0], $0xffff;
	v26 =	vadd.bf16 v16, v11;
	(pc) =	sbr.rel @p0 .LBB2_25-.Ltmp12, $4  }
0x382: {  	v24 =	vand.u32 $0x38, v24;
	v19 =	vor.u32 v1, v23;
	v11 =	vld.idx.msk [tilespmem:v17+s12+$0x0], $0xffff  }
0x383: {  	s25 =	sadd.s32 $0xFFFFFFFA, s24;
	v22 =	vmul.bf16 v20, v22;
	v18 =	vmul.bf16 v18, v13;
	v16 =	vld.idx.msk [tilespmem:v17+s13+$0x0], $0xffff;
	v17 =	vunpack.i.l.bf16.f32 v26  }
0x384: {  	v20 =	vor.u32 v2, v24;
	v24 =	vadd.s32 s25, v0;
	v13 =	vld.idx.msk [tilespmem:v28+s12+$0x0], $0xffff;
	v15 =	vadd.f32 v17, v15  }
0x385: {  	s24 =	sadd.s32 $0x8, s24;
	s25 =	sadd.s32 $0xFFFFFFFB, s23;
	v22 =	vadd.bf16 v18, v22;
	v23 =	vmul.bf16 v27, v25;
	v18 =	vunpack.i.u.bf16.f32 v26;
	v17 =	vld.idx.msk [tilespmem:v28+s13+$0x0], $0xffff  }
0x386: {  	_ =	sdelay $0x3  }
0x387: {  	v24 =	vand.u32 $0x3F, v24;
	v25 =	vld.idx.msk [tilespmem:v21+s12+$0x0], $0xffff  }
0x388: {  	v26 =	vadd.s32 s25, v0;
	v21 =	vld.idx.msk [tilespmem:v21+s13+$0x0], $0xffff;
	v24 =	vor.u32 v1, v24  }
0x389: {  	s24 =	sadd.s32 $0xFFFFFFFC, s23;
	v27 =	vld.idx.msk [tilespmem:v19+s12+$0x0], $0xffff;
	v26 =	vand.u32 $0x3F, v26  }
0x38a: {  	v19 =	vld.idx.msk [tilespmem:v19+s13+$0x0], $0xffff;
	v28 =	vadd.s32 s24, v0;
	v26 =	vor.u32 v1, v26  }
0x38b: {  	s31 =	sadd.s32 $0xFFFFFFFD, s23;
	v29 =	vld.idx.msk [tilespmem:v20+s12+$0x0], $0xffff;
	v28 =	vand.u32 $0x3F, v28  }
0x38c: {  	v20 =	vld.idx.msk [tilespmem:v20+s13+$0x0], $0xffff;
	v30 =	vadd.s32 s31, v0;
	v28 =	vor.u32 v1, v28  }
0x38d: {  	s25 =	sadd.s32 $0xFFFFFFFE, s23;
	v30 =	vand.u32 $0x3F, v30;
	v31 =	vld.idx.msk [tilespmem:v24+s12+$0x0], $0xffff  }
0x38e: {  	v32 =	vadd.s32 s25, v0;
	v30 =	vor.u32 v1, v30;
	v24 =	vld.idx.msk [tilespmem:v24+s13+$0x0], $0xffff  }
0x38f: {  	s26 =	sadd.s32 $0xFFFFFFFF, s23;
	v12 =	vmul.bf16 v14, v12;
	v32 =	vand.u32 $0x3F, v32;
	v33 =	vld.idx.msk [tilespmem:v26+s12+$0x0], $0xffff  }
0x390: {  	v34 =	vadd.s32 s26, v0;
	v22 =	vadd.bf16 v23, v22;
	v32 =	vor.u32 v1, v32;
	v26 =	vld.idx.msk [tilespmem:v26+s13+$0x0], $0xffff  }
0x391: {  	v14 =	vadd.s32 s23, v0;
	v34 =	vand.u32 $0x3F, v34;
	v23 =	vld.idx.msk [tilespmem:v28+s12+$0x0], $0xffff  }
0x392: {  	v11 =	vmul.bf16 v16, v11;
	v34 =	vor.u32 v1, v34;
	v12 =	vadd.bf16 v12, v22;
	v28 =	vld.idx.msk [tilespmem:v28+s13+$0x0], $0xffff  }
0x393: {  	v14 =	vand.u32 $0x3F, v14;
	v20 =	vmul.bf16 v20, v29;
	v62 =	vld.idx.msk [tilespmem:v30+s12+$0x0], $0xffff;
	v24 =	vmul.bf16 v24, v31  }
0x394: {  	v14 =	vor.u32 v1, v14;
	v11 =	vadd.bf16 v11, v12;
	v12 =	vmul.bf16 v17, v13;
	v16 =	vld.idx.msk [tilespmem:v30+s13+$0x0], $0xffff  }
0x395: {  	v13 =	vld.idx.msk [tilespmem:v32+s13+$0x0], $0xffff;
	v22 =	vmul.bf16 v26, v33;
	v20 =	vadd.bf16 v24, v20  }
0x396: {  	v11 =	vadd.bf16 v12, v11;
	v24 =	vld.idx.msk [tilespmem:v32+s12+$0x0], $0xffff  }
0x397: {  	v12 =	vmul.bf16 v21, v25;
	v21 =	vld.idx.msk [tilespmem:v34+s13+$0x0], $0xffff;
	v17 =	vadd.bf16 v22, v20;
	v20 =	vmul.bf16 v28, v23  }
0x398: {  	v22 =	vld.idx.msk [tilespmem:v34+s12+$0x0], $0xffff  }
0x399: {  	v11 =	vadd.bf16 v12, v11;
	v12 =	vld.idx.msk [tilespmem:v14+s13+$0x0], $0xffff;
	v16 =	vmul.bf16 v16, v62;
	v17 =	vadd.bf16 v20, v17  }
0x39a: {  	v23 =	vld.idx.msk [tilespmem:v14+s12+$0x0], $0xffff  }
0x39b: {  	v14 =	vmul.bf16 v19, v27;
	v13 =	vmul.bf16 v13, v24;
	v16 =	vadd.bf16 v16, v17;
	_ =	sdelay $0x1  }
0x39c: {  	v11 =	vadd.bf16 v14, v11;
	v14 =	vmul.bf16 v21, v22;
	v13 =	vadd.bf16 v13, v16  }
0x39d: {  	v15 =	vadd.f32 v15, v18  }
0x39e: {  	v12 =	vmul.bf16 v12, v23;
	v16 =	vunpack.i.l.bf16.f32 v11;
	v13 =	vadd.bf16 v14, v13  }
0x39f: {  	v14 =	vadd.f32 v16, v15  }
0x3a0: {  	s28 =	simm.s32 $0x0;
	v11 =	vunpack.i.u.bf16.f32 v11;
	v12 =	vadd.bf16 v12, v13  }
0x3a1: {  	v11 =	vadd.f32 v14, v11;
	v13 =	vadd.s32 s28, v0  }
0x3a2: {  	s24 =	simm.s32 $0x4;
	v13 =	vand.u32 $0x38, v13;
	v14 =	vunpack.i.l.bf16.f32 v12  }
0x3a3: {  	s29 =	simm.s32 $0x1;
	v16 =	vadd.s32 s24, v0;
	v13 =	vor.u32 v3, v13;
	v11 =	vadd.f32 v14, v11  }
0x3a4: {  	v16 =	vand.u32 $0x3F, v16;
	v12 =	vunpack.i.u.bf16.f32 v12;
	v14 =	vadd.s32 s29, v0  }
0x3a5: {  	s30 =	simm.s32 $0x2;
	v16 =	vor.u32 v4, v16;
	v14 =	vand.u32 $0x3F, v14;
	v11 =	vadd.f32 v11, v12  }
0x3a6: {  	v12 =	vadd.s32 s30, v0;
	v14 =	vor.u32 v4, v14  }
0x3a7: {  	s31 =	simm.s32 $0x3;
	v12 =	vand.u32 $0x3F, v12;
	[tilespmem:$0xC4E0] =	vst v11  }
0x3a8: {  	v11 =	vadd.s32 s31, v0;
	v12 =	vor.u32 v4, v12;
	v15 =	vld.idx.msk [tilespmem:v13+s12+$0x0], $0xffff  }
0x3a9: {  	v11 =	vand.u32 $0x3F, v11;
	v13 =	vld.idx.msk [tilespmem:v13+s13+$0x0], $0xffff  }
0x3aa: {  	s25 =	simm.s32 $0x5;
	v24 =	vld.idx.msk [tilespmem:v16+s12+$0x0], $0xffff;
	v11 =	vor.u32 v4, v11  }
0x3ab: {  	v18 =	vadd.s32 s25, v0;
	v17 =	vld.idx.msk [tilespmem:v14+s12+$0x0], $0xffff  }
0x3ac: {  	s26 =	simm.s32 $0x6;
	v18 =	vand.u32 $0x3F, v18;
	v14 =	vld.idx.msk [tilespmem:v14+s13+$0x0], $0xffff  }
0x3ad: {  	v18 =	vor.u32 v4, v18;
	v20 =	vadd.s32 s26, v0;
	s28 =	simm.s32 $0x7;
	v19 =	vld.idx.msk [tilespmem:v12+s12+$0x0], $0xffff  }
0x3ae: {  	v20 =	vand.u32 $0x3F, v20;
	v22 =	vadd.s32 s28, v0;
	v12 =	vld.idx.msk [tilespmem:v12+s13+$0x0], $0xffff  }
0x3af: {  	v20 =	vor.u32 v4, v20;
	v22 =	vand.u32 $0x3F, v22;
	s29 =	simm.s32 $0x8;
	v21 =	vld.idx.msk [tilespmem:v11+s12+$0x0], $0xffff  }
0x3b0: {  	v22 =	vor.u32 v4, v22;
	v23 =	vadd.s32 s29, v0;
	v11 =	vld.idx.msk [tilespmem:v11+s13+$0x0], $0xffff  }
0x3b1: {  	v23 =	vand.u32 $0x38, v23;
	v13 =	vmul.bf16 v13, v15;
	v15 =	vld.idx.msk [tilespmem:v16+s13+$0x0], $0xffff;
	v14 =	vmul.bf16 v14, v17  }
0x3b2: {  	s30 =	simm.s32 $0x9;
	v16 =	vor.u32 v3, v23;
	v17 =	vld.idx.msk [tilespmem:v18+s12+$0x0], $0xffff  }
0x3b3: {  	s31 =	simm.s32 $0xA;
	v23 =	vadd.s32 s30, v0;
	v13 =	vadd.bf16 v14, v13;
	v12 =	vmul.bf16 v12, v19;
	v14 =	vld.idx.msk [tilespmem:v18+s13+$0x0], $0xffff  }
0x3b4: {  	v18 =	vand.u32 $0x3F, v23;
	v19 =	vadd.s32 s31, v0;
	v23 =	vld.idx.msk [tilespmem:v20+s12+$0x0], $0xffff  }
0x3b5: {  	s24 =	simm.s32 $0xB;
	v18 =	vor.u32 v4, v18;
	v12 =	vadd.bf16 v12, v13;
	v11 =	vmul.bf16 v11, v21;
	v13 =	vld.idx.msk [tilespmem:v20+s13+$0x0], $0xffff  }
0x3b6: {  	v19 =	vand.u32 $0x3F, v19;
	v20 =	vadd.s32 s24, v0;
	v21 =	vld.idx.msk [tilespmem:v22+s12+$0x0], $0xffff  }
0x3b7: {  	s25 =	simm.s32 $0xC;
	v19 =	vor.u32 v4, v19;
	v11 =	vadd.bf16 v11, v12;
	v12 =	vmul.bf16 v15, v24;
	v15 =	vld.idx.msk [tilespmem:v22+s13+$0x0], $0xffff  }
0x3b8: {  	v20 =	vand.u32 $0x3F, v20;
	v22 =	vld.idx.msk [tilespmem:v16+s12+$0x0], $0xffff;
	v24 =	vadd.s32 s25, v0  }
0x3b9: {  	s26 =	simm.s32 $0xD;
	v16 =	vld.idx.msk [tilespmem:v16+s13+$0x0], $0xffff;
	v20 =	vor.u32 v4, v20;
	v11 =	vadd.bf16 v12, v11;
	v12 =	vmul.bf16 v14, v17  }
0x3ba: {  	v17 =	vld.idx.msk [tilespmem:v18+s12+$0x0], $0xffff;
	v14 =	vand.u32 $0x3F, v24;
	v24 =	vadd.s32 s26, v0  }
0x3bb: {  	s28 =	simm.s32 $0xE;
	v18 =	vld.idx.msk [tilespmem:v18+s13+$0x0], $0xffff;
	v25 =	vor.u32 v4, v14;
	v11 =	vadd.bf16 v12, v11;
	v12 =	vmul.bf16 v13, v23  }
0x3bc: {  	v14 =	vadd.s32 s28, v0;
	v26 =	vld.idx.msk [tilespmem:v19+s13+$0x0], $0xffff;
	v13 =	vand.u32 $0x3F, v24  }
0x3bd: {  	s29 =	simm.s32 $0xF;
	s30 =	simm.s32 $0x10;
	v23 =	vld.idx.msk [tilespmem:v19+s12+$0x0], $0xffff;
	v27 =	vor.u32 v4, v13;
	v13 =	vmul.bf16 v15, v21;
	v11 =	vadd.bf16 v12, v11  }
0x3be: {  	v19 =	vadd.s32 s29, v0;
	v24 =	vadd.s32 s30, v0;
	v21 =	vand.u32 $0x3F, v14;
	v14 =	vld.idx.msk [tilespmem:v20+s13+$0x0], $0xffff  }
0x3bf: {  	v19 =	vand.u32 $0x3F, v19;
	v12 =	vld.idx.msk [tilespmem:v20+s12+$0x0], $0xffff;
	v21 =	vor.u32 v4, v21;
	v63 =	vadd.bf16 v13, v11  }
0x3c0: {  	v15 =	vimm.f32 $0.0e+00;
	v22 =	vmul.bf16 v16, v22;
	v19 =	vor.u32 v4, v19;
	v11 =	vld.idx.msk [tilespmem:v25+s12+$0x0], $0xffff  }
0x3c1: {  	s31 =	simm.s32 $0x11;
	v17 =	vmul.bf16 v18, v17;
	v13 =	vand.u32 $0x38, v24;
	v16 =	vld.idx.msk [tilespmem:v25+s13+$0x0], $0xffff;
	v18 =	vunpack.i.l.bf16.f32 v63  }
0x3c2: {  	v24 =	vadd.s32 s31, v0;
	v20 =	vor.u32 v3, v13;
	v13 =	vld.idx.msk [tilespmem:v27+s12+$0x0], $0xffff;
	v15 =	vadd.f32 v18, v15  }
0x3c3: {  	s23 =	simm.s32 $0x17;
	s24 =	simm.s32 $0x1F;
	s25 =	simm.s32 $0x12;
	v22 =	vadd.bf16 v17, v22;
	v23 =	vmul.bf16 v26, v23;
	v17 =	vld.idx.msk [tilespmem:v27+s13+$0x0], $0xffff;
	v18 =	vunpack.i.u.bf16.f32 v63  }
.LBB2_27:
0x3c4: {  	p0 =	sne.s32 s24, $0x3F;
	v24 =	vand.u32 $0x3F, v24;
	v25 =	vadd.s32 s25, v0;
	v26 =	vld.idx.msk [tilespmem:v21+s12+$0x0], $0xffff;
	v15 =	vadd.f32 v15, v18  }
0x3c5: {  	s25 =	sadd.s32 $0xFFFFFFFC, s23;
	v12 =	vmul.bf16 v14, v12;
	v18 =	vor.u32 v4, v24;
	v22 =	vadd.bf16 v23, v22;
	v14 =	vld.idx.msk [tilespmem:v21+s13+$0x0], $0xffff  }
0x3c6: {  	v21 =	vand.u32 $0x3F, v25;
	v23 =	vadd.s32 s25, v0;
	v24 =	vld.idx.msk [tilespmem:v19+s12+$0x0], $0xffff  }
0x3c7: {  	s25 =	sadd.s32 $0xFFFFFFFD, s23;
	v21 =	vor.u32 v4, v21;
	v11 =	vmul.bf16 v16, v11;
	v12 =	vadd.bf16 v12, v22;
	v16 =	vld.idx.msk [tilespmem:v19+s13+$0x0], $0xffff  }
0x3c8: {  	v19 =	vand.u32 $0x3F, v23;
	v23 =	vadd.s32 s25, v0;
	v22 =	vld.idx.msk [tilespmem:v20+s12+$0x0], $0xffff  }
0x3c9: {  	s25 =	sadd.s32 $0xFFFFFFFE, s23;
	v19 =	vor.u32 v4, v19;
	v20 =	vld.idx.msk [tilespmem:v20+s13+$0x0], $0xffff;
	v11 =	vadd.bf16 v11, v12;
	v12 =	vmul.bf16 v17, v13  }
0x3ca: {  	v17 =	vand.u32 $0x3F, v23;
	v23 =	vadd.s32 s25, v0;
	v13 =	vld.idx.msk [tilespmem:v18+s12+$0x0], $0xffff  }
0x3cb: {  	s25 =	sadd.s32 $0xFFFFFFFF, s23;
	v17 =	vor.u32 v4, v17;
	v18 =	vld.idx.msk [tilespmem:v18+s13+$0x0], $0xffff;
	v11 =	vadd.bf16 v12, v11;
	v12 =	vmul.bf16 v14, v26  }
0x3cc: {  	v14 =	vand.u32 $0x3F, v23;
	v23 =	vadd.s32 s25, v0;
	v26 =	vadd.s32 s23, v0;
	s23 =	smov.u32 s24;
	v25 =	vld.idx.msk [tilespmem:v21+s12+$0x0], $0xffff  }
0x3cd: {  	v28 =	vor.u32 v4, v14;
	v16 =	vmul.bf16 v16, v24;
	v27 =	vld.idx.msk [tilespmem:v21+s13+$0x0], $0xffff;
	v11 =	vadd.bf16 v12, v11  }
0x3ce: {  	s25 =	sadd.s32 $0xFFFFFFF9, s24;
	v21 =	vand.u32 $0x3F, v23;
	v23 =	vand.u32 $0x3F, v26;
	v12 =	vld.idx.msk [tilespmem:v19+s12+$0x0], $0xffff  }
.Ltmp13:
0x3cf: {  	v24 =	vadd.s32 s25, v0;
	v21 =	vor.u32 v4, v21;
	v14 =	vld.idx.msk [tilespmem:v19+s13+$0x0], $0xffff;
	v26 =	vadd.bf16 v16, v11;
	(pc) =	sbr.rel @p0 .LBB2_27-.Ltmp13, $4  }
0x3d0: {  	v24 =	vand.u32 $0x38, v24;
	v19 =	vor.u32 v4, v23;
	v11 =	vld.idx.msk [tilespmem:v17+s12+$0x0], $0xffff  }
0x3d1: {  	s25 =	sadd.s32 $0xFFFFFFFA, s24;
	v22 =	vmul.bf16 v20, v22;
	v18 =	vmul.bf16 v18, v13;
	v16 =	vld.idx.msk [tilespmem:v17+s13+$0x0], $0xffff;
	v17 =	vunpack.i.l.bf16.f32 v26  }
0x3d2: {  	v20 =	vor.u32 v3, v24;
	v24 =	vadd.s32 s25, v0;
	v13 =	vld.idx.msk [tilespmem:v28+s12+$0x0], $0xffff;
	v15 =	vadd.f32 v17, v15  }
0x3d3: {  	s24 =	sadd.s32 $0x8, s24;
	s25 =	sadd.s32 $0xFFFFFFFB, s23;
	v22 =	vadd.bf16 v18, v22;
	v23 =	vmul.bf16 v27, v25;
	v18 =	vunpack.i.u.bf16.f32 v26;
	v17 =	vld.idx.msk [tilespmem:v28+s13+$0x0], $0xffff  }
0x3d4: {  	_ =	sdelay $0x3  }
0x3d5: {  	v24 =	vand.u32 $0x3F, v24;
	v25 =	vld.idx.msk [tilespmem:v21+s12+$0x0], $0xffff  }
0x3d6: {  	v26 =	vadd.s32 s25, v0;
	v21 =	vld.idx.msk [tilespmem:v21+s13+$0x0], $0xffff;
	v24 =	vor.u32 v4, v24  }
0x3d7: {  	s24 =	sadd.s32 $0xFFFFFFFC, s23;
	v27 =	vld.idx.msk [tilespmem:v19+s12+$0x0], $0xffff;
	v26 =	vand.u32 $0x3F, v26  }
0x3d8: {  	v19 =	vld.idx.msk [tilespmem:v19+s13+$0x0], $0xffff;
	v28 =	vadd.s32 s24, v0;
	v26 =	vor.u32 v4, v26  }
0x3d9: {  	s31 =	sadd.s32 $0xFFFFFFFD, s23;
	v29 =	vld.idx.msk [tilespmem:v20+s12+$0x0], $0xffff;
	v28 =	vand.u32 $0x3F, v28  }
0x3da: {  	v20 =	vld.idx.msk [tilespmem:v20+s13+$0x0], $0xffff;
	v30 =	vadd.s32 s31, v0;
	v28 =	vor.u32 v4, v28  }
0x3db: {  	s25 =	sadd.s32 $0xFFFFFFFE, s23;
	v30 =	vand.u32 $0x3F, v30;
	v31 =	vld.idx.msk [tilespmem:v24+s12+$0x0], $0xffff  }
0x3dc: {  	v32 =	vadd.s32 s25, v0;
	v30 =	vor.u32 v4, v30;
	v24 =	vld.idx.msk [tilespmem:v24+s13+$0x0], $0xffff  }
0x3dd: {  	s26 =	sadd.s32 $0xFFFFFFFF, s23;
	v12 =	vmul.bf16 v14, v12;
	v32 =	vand.u32 $0x3F, v32;
	v33 =	vld.idx.msk [tilespmem:v26+s12+$0x0], $0xffff  }
0x3de: {  	v34 =	vadd.s32 s26, v0;
	v22 =	vadd.bf16 v23, v22;
	v32 =	vor.u32 v4, v32;
	v26 =	vld.idx.msk [tilespmem:v26+s13+$0x0], $0xffff  }
0x3df: {  	v14 =	vadd.s32 s23, v0;
	v34 =	vand.u32 $0x3F, v34;
	v23 =	vld.idx.msk [tilespmem:v28+s12+$0x0], $0xffff  }
0x3e0: {  	v11 =	vmul.bf16 v16, v11;
	v34 =	vor.u32 v4, v34;
	v12 =	vadd.bf16 v12, v22;
	v28 =	vld.idx.msk [tilespmem:v28+s13+$0x0], $0xffff  }
0x3e1: {  	v14 =	vand.u32 $0x3F, v14;
	v20 =	vmul.bf16 v20, v29;
	v62 =	vld.idx.msk [tilespmem:v30+s12+$0x0], $0xffff;
	v24 =	vmul.bf16 v24, v31  }
0x3e2: {  	v14 =	vor.u32 v4, v14;
	v11 =	vadd.bf16 v11, v12;
	v12 =	vmul.bf16 v17, v13;
	v16 =	vld.idx.msk [tilespmem:v30+s13+$0x0], $0xffff  }
0x3e3: {  	v13 =	vld.idx.msk [tilespmem:v32+s13+$0x0], $0xffff;
	v22 =	vmul.bf16 v26, v33;
	v20 =	vadd.bf16 v24, v20  }
0x3e4: {  	v11 =	vadd.bf16 v12, v11;
	v24 =	vld.idx.msk [tilespmem:v32+s12+$0x0], $0xffff  }
0x3e5: {  	v12 =	vmul.bf16 v21, v25;
	v21 =	vld.idx.msk [tilespmem:v34+s13+$0x0], $0xffff;
	v17 =	vadd.bf16 v22, v20;
	v20 =	vmul.bf16 v28, v23  }
0x3e6: {  	v22 =	vld.idx.msk [tilespmem:v34+s12+$0x0], $0xffff  }
0x3e7: {  	v11 =	vadd.bf16 v12, v11;
	v12 =	vld.idx.msk [tilespmem:v14+s13+$0x0], $0xffff;
	v16 =	vmul.bf16 v16, v62;
	v17 =	vadd.bf16 v20, v17  }
0x3e8: {  	v23 =	vld.idx.msk [tilespmem:v14+s12+$0x0], $0xffff  }
0x3e9: {  	v14 =	vmul.bf16 v19, v27;
	v13 =	vmul.bf16 v13, v24;
	v16 =	vadd.bf16 v16, v17;
	_ =	sdelay $0x1  }
0x3ea: {  	v11 =	vadd.bf16 v14, v11;
	v14 =	vmul.bf16 v21, v22;
	v13 =	vadd.bf16 v13, v16  }
0x3eb: {  	v15 =	vadd.f32 v15, v18  }
0x3ec: {  	v12 =	vmul.bf16 v12, v23;
	v16 =	vunpack.i.l.bf16.f32 v11;
	v13 =	vadd.bf16 v14, v13  }
0x3ed: {  	v14 =	vadd.f32 v16, v15  }
0x3ee: {  	s28 =	simm.s32 $0x0;
	v11 =	vunpack.i.u.bf16.f32 v11;
	v12 =	vadd.bf16 v12, v13  }
0x3ef: {  	v11 =	vadd.f32 v14, v11;
	v13 =	vadd.s32 s28, v0  }
0x3f0: {  	s24 =	simm.s32 $0x4;
	v13 =	vand.u32 $0x38, v13;
	v14 =	vunpack.i.l.bf16.f32 v12  }
0x3f1: {  	s29 =	simm.s32 $0x1;
	v16 =	vadd.s32 s24, v0;
	v13 =	vor.u32 v5, v13;
	v11 =	vadd.f32 v14, v11  }
0x3f2: {  	v16 =	vand.u32 $0x3F, v16;
	v12 =	vunpack.i.u.bf16.f32 v12;
	v14 =	vadd.s32 s29, v0  }
0x3f3: {  	s30 =	simm.s32 $0x2;
	v16 =	vor.u32 v6, v16;
	v14 =	vand.u32 $0x3F, v14;
	v11 =	vadd.f32 v11, v12  }
0x3f4: {  	v12 =	vadd.s32 s30, v0;
	v14 =	vor.u32 v6, v14  }
0x3f5: {  	s31 =	simm.s32 $0x3;
	v12 =	vand.u32 $0x3F, v12;
	[tilespmem:$0xC4F0] =	vst v11  }
0x3f6: {  	v11 =	vadd.s32 s31, v0;
	v12 =	vor.u32 v6, v12;
	v15 =	vld.idx.msk [tilespmem:v13+s12+$0x0], $0xffff  }
0x3f7: {  	v11 =	vand.u32 $0x3F, v11;
	v13 =	vld.idx.msk [tilespmem:v13+s13+$0x0], $0xffff  }
0x3f8: {  	s25 =	simm.s32 $0x5;
	v24 =	vld.idx.msk [tilespmem:v16+s12+$0x0], $0xffff;
	v11 =	vor.u32 v6, v11  }
0x3f9: {  	v18 =	vadd.s32 s25, v0;
	v17 =	vld.idx.msk [tilespmem:v14+s12+$0x0], $0xffff  }
0x3fa: {  	s26 =	simm.s32 $0x6;
	v18 =	vand.u32 $0x3F, v18;
	v14 =	vld.idx.msk [tilespmem:v14+s13+$0x0], $0xffff  }
0x3fb: {  	v18 =	vor.u32 v6, v18;
	v20 =	vadd.s32 s26, v0;
	s28 =	simm.s32 $0x7;
	v19 =	vld.idx.msk [tilespmem:v12+s12+$0x0], $0xffff  }
0x3fc: {  	v20 =	vand.u32 $0x3F, v20;
	v22 =	vadd.s32 s28, v0;
	v12 =	vld.idx.msk [tilespmem:v12+s13+$0x0], $0xffff  }
0x3fd: {  	v20 =	vor.u32 v6, v20;
	v22 =	vand.u32 $0x3F, v22;
	s29 =	simm.s32 $0x8;
	v21 =	vld.idx.msk [tilespmem:v11+s12+$0x0], $0xffff  }
0x3fe: {  	v22 =	vor.u32 v6, v22;
	v23 =	vadd.s32 s29, v0;
	v11 =	vld.idx.msk [tilespmem:v11+s13+$0x0], $0xffff  }
0x3ff: {  	v23 =	vand.u32 $0x38, v23;
	v13 =	vmul.bf16 v13, v15;
	v15 =	vld.idx.msk [tilespmem:v16+s13+$0x0], $0xffff;
	v14 =	vmul.bf16 v14, v17  }
0x400: {  	s30 =	simm.s32 $0x9;
	v16 =	vor.u32 v5, v23;
	v17 =	vld.idx.msk [tilespmem:v18+s12+$0x0], $0xffff  }
0x401: {  	s31 =	simm.s32 $0xA;
	v23 =	vadd.s32 s30, v0;
	v13 =	vadd.bf16 v14, v13;
	v12 =	vmul.bf16 v12, v19;
	v14 =	vld.idx.msk [tilespmem:v18+s13+$0x0], $0xffff  }
0x402: {  	v18 =	vand.u32 $0x3F, v23;
	v19 =	vadd.s32 s31, v0;
	v23 =	vld.idx.msk [tilespmem:v20+s12+$0x0], $0xffff  }
0x403: {  	s24 =	simm.s32 $0xB;
	v18 =	vor.u32 v6, v18;
	v12 =	vadd.bf16 v12, v13;
	v11 =	vmul.bf16 v11, v21;
	v13 =	vld.idx.msk [tilespmem:v20+s13+$0x0], $0xffff  }
0x404: {  	v19 =	vand.u32 $0x3F, v19;
	v20 =	vadd.s32 s24, v0;
	v21 =	vld.idx.msk [tilespmem:v22+s12+$0x0], $0xffff  }
0x405: {  	s25 =	simm.s32 $0xC;
	v19 =	vor.u32 v6, v19;
	v11 =	vadd.bf16 v11, v12;
	v12 =	vmul.bf16 v15, v24;
	v15 =	vld.idx.msk [tilespmem:v22+s13+$0x0], $0xffff  }
0x406: {  	v20 =	vand.u32 $0x3F, v20;
	v22 =	vld.idx.msk [tilespmem:v16+s12+$0x0], $0xffff;
	v24 =	vadd.s32 s25, v0  }
0x407: {  	s26 =	simm.s32 $0xD;
	v16 =	vld.idx.msk [tilespmem:v16+s13+$0x0], $0xffff;
	v20 =	vor.u32 v6, v20;
	v11 =	vadd.bf16 v12, v11;
	v12 =	vmul.bf16 v14, v17  }
0x408: {  	v17 =	vld.idx.msk [tilespmem:v18+s12+$0x0], $0xffff;
	v14 =	vand.u32 $0x3F, v24;
	v24 =	vadd.s32 s26, v0  }
0x409: {  	s28 =	simm.s32 $0xE;
	v18 =	vld.idx.msk [tilespmem:v18+s13+$0x0], $0xffff;
	v25 =	vor.u32 v6, v14;
	v11 =	vadd.bf16 v12, v11;
	v12 =	vmul.bf16 v13, v23  }
0x40a: {  	v14 =	vadd.s32 s28, v0;
	v26 =	vld.idx.msk [tilespmem:v19+s13+$0x0], $0xffff;
	v13 =	vand.u32 $0x3F, v24  }
0x40b: {  	s29 =	simm.s32 $0xF;
	s30 =	simm.s32 $0x10;
	v23 =	vld.idx.msk [tilespmem:v19+s12+$0x0], $0xffff;
	v27 =	vor.u32 v6, v13;
	v13 =	vmul.bf16 v15, v21;
	v11 =	vadd.bf16 v12, v11  }
0x40c: {  	v19 =	vadd.s32 s29, v0;
	v24 =	vadd.s32 s30, v0;
	v21 =	vand.u32 $0x3F, v14;
	v14 =	vld.idx.msk [tilespmem:v20+s13+$0x0], $0xffff  }
0x40d: {  	v19 =	vand.u32 $0x3F, v19;
	v12 =	vld.idx.msk [tilespmem:v20+s12+$0x0], $0xffff;
	v21 =	vor.u32 v6, v21;
	v63 =	vadd.bf16 v13, v11  }
0x40e: {  	v15 =	vimm.f32 $0.0e+00;
	v22 =	vmul.bf16 v16, v22;
	v19 =	vor.u32 v6, v19;
	v11 =	vld.idx.msk [tilespmem:v25+s12+$0x0], $0xffff  }
0x40f: {  	s31 =	simm.s32 $0x11;
	v17 =	vmul.bf16 v18, v17;
	v13 =	vand.u32 $0x38, v24;
	v16 =	vld.idx.msk [tilespmem:v25+s13+$0x0], $0xffff;
	v18 =	vunpack.i.l.bf16.f32 v63  }
0x410: {  	v24 =	vadd.s32 s31, v0;
	v20 =	vor.u32 v5, v13;
	v13 =	vld.idx.msk [tilespmem:v27+s12+$0x0], $0xffff;
	v15 =	vadd.f32 v18, v15  }
0x411: {  	s23 =	simm.s32 $0x17;
	s24 =	simm.s32 $0x1F;
	s25 =	simm.s32 $0x12;
	v22 =	vadd.bf16 v17, v22;
	v23 =	vmul.bf16 v26, v23;
	v17 =	vld.idx.msk [tilespmem:v27+s13+$0x0], $0xffff;
	v18 =	vunpack.i.u.bf16.f32 v63  }
.LBB2_29:
0x412: {  	p0 =	sne.s32 s24, $0x3F;
	v24 =	vand.u32 $0x3F, v24;
	v25 =	vadd.s32 s25, v0;
	v26 =	vld.idx.msk [tilespmem:v21+s12+$0x0], $0xffff;
	v15 =	vadd.f32 v15, v18  }
0x413: {  	s25 =	sadd.s32 $0xFFFFFFFC, s23;
	v12 =	vmul.bf16 v14, v12;
	v18 =	vor.u32 v6, v24;
	v22 =	vadd.bf16 v23, v22;
	v14 =	vld.idx.msk [tilespmem:v21+s13+$0x0], $0xffff  }
0x414: {  	v21 =	vand.u32 $0x3F, v25;
	v23 =	vadd.s32 s25, v0;
	v24 =	vld.idx.msk [tilespmem:v19+s12+$0x0], $0xffff  }
0x415: {  	s25 =	sadd.s32 $0xFFFFFFFD, s23;
	v21 =	vor.u32 v6, v21;
	v11 =	vmul.bf16 v16, v11;
	v12 =	vadd.bf16 v12, v22;
	v16 =	vld.idx.msk [tilespmem:v19+s13+$0x0], $0xffff  }
0x416: {  	v19 =	vand.u32 $0x3F, v23;
	v23 =	vadd.s32 s25, v0;
	v22 =	vld.idx.msk [tilespmem:v20+s12+$0x0], $0xffff  }
0x417: {  	s25 =	sadd.s32 $0xFFFFFFFE, s23;
	v19 =	vor.u32 v6, v19;
	v20 =	vld.idx.msk [tilespmem:v20+s13+$0x0], $0xffff;
	v11 =	vadd.bf16 v11, v12;
	v12 =	vmul.bf16 v17, v13  }
0x418: {  	v17 =	vand.u32 $0x3F, v23;
	v23 =	vadd.s32 s25, v0;
	v13 =	vld.idx.msk [tilespmem:v18+s12+$0x0], $0xffff  }
0x419: {  	s25 =	sadd.s32 $0xFFFFFFFF, s23;
	v17 =	vor.u32 v6, v17;
	v18 =	vld.idx.msk [tilespmem:v18+s13+$0x0], $0xffff;
	v11 =	vadd.bf16 v12, v11;
	v12 =	vmul.bf16 v14, v26  }
0x41a: {  	v14 =	vand.u32 $0x3F, v23;
	v23 =	vadd.s32 s25, v0;
	v26 =	vadd.s32 s23, v0;
	s23 =	smov.u32 s24;
	v25 =	vld.idx.msk [tilespmem:v21+s12+$0x0], $0xffff  }
0x41b: {  	v28 =	vor.u32 v6, v14;
	v16 =	vmul.bf16 v16, v24;
	v27 =	vld.idx.msk [tilespmem:v21+s13+$0x0], $0xffff;
	v11 =	vadd.bf16 v12, v11  }
0x41c: {  	s25 =	sadd.s32 $0xFFFFFFF9, s24;
	v21 =	vand.u32 $0x3F, v23;
	v23 =	vand.u32 $0x3F, v26;
	v12 =	vld.idx.msk [tilespmem:v19+s12+$0x0], $0xffff  }
.Ltmp14:
0x41d: {  	v24 =	vadd.s32 s25, v0;
	v21 =	vor.u32 v6, v21;
	v14 =	vld.idx.msk [tilespmem:v19+s13+$0x0], $0xffff;
	v26 =	vadd.bf16 v16, v11;
	(pc) =	sbr.rel @p0 .LBB2_29-.Ltmp14, $4  }
0x41e: {  	v24 =	vand.u32 $0x38, v24;
	v19 =	vor.u32 v6, v23;
	v11 =	vld.idx.msk [tilespmem:v17+s12+$0x0], $0xffff  }
0x41f: {  	s25 =	sadd.s32 $0xFFFFFFFA, s24;
	v22 =	vmul.bf16 v20, v22;
	v18 =	vmul.bf16 v18, v13;
	v16 =	vld.idx.msk [tilespmem:v17+s13+$0x0], $0xffff;
	v17 =	vunpack.i.l.bf16.f32 v26  }
0x420: {  	v20 =	vor.u32 v5, v24;
	v24 =	vadd.s32 s25, v0;
	v13 =	vld.idx.msk [tilespmem:v28+s12+$0x0], $0xffff;
	v15 =	vadd.f32 v17, v15  }
0x421: {  	s24 =	sadd.s32 $0x8, s24;
	s25 =	sadd.s32 $0xFFFFFFFB, s23;
	v22 =	vadd.bf16 v18, v22;
	v23 =	vmul.bf16 v27, v25;
	v18 =	vunpack.i.u.bf16.f32 v26;
	v17 =	vld.idx.msk [tilespmem:v28+s13+$0x0], $0xffff  }
0x422: {  	_ =	sdelay $0x3  }
0x423: {  	v24 =	vand.u32 $0x3F, v24;
	v25 =	vld.idx.msk [tilespmem:v21+s12+$0x0], $0xffff  }
0x424: {  	v26 =	vadd.s32 s25, v0;
	v21 =	vld.idx.msk [tilespmem:v21+s13+$0x0], $0xffff;
	v24 =	vor.u32 v6, v24  }
0x425: {  	s24 =	sadd.s32 $0xFFFFFFFC, s23;
	v27 =	vld.idx.msk [tilespmem:v19+s12+$0x0], $0xffff;
	v26 =	vand.u32 $0x3F, v26  }
0x426: {  	v19 =	vld.idx.msk [tilespmem:v19+s13+$0x0], $0xffff;
	v28 =	vadd.s32 s24, v0;
	v26 =	vor.u32 v6, v26  }
0x427: {  	s31 =	sadd.s32 $0xFFFFFFFD, s23;
	v29 =	vld.idx.msk [tilespmem:v20+s12+$0x0], $0xffff;
	v28 =	vand.u32 $0x3F, v28  }
0x428: {  	v20 =	vld.idx.msk [tilespmem:v20+s13+$0x0], $0xffff;
	v30 =	vadd.s32 s31, v0;
	v28 =	vor.u32 v6, v28  }
0x429: {  	s25 =	sadd.s32 $0xFFFFFFFE, s23;
	v30 =	vand.u32 $0x3F, v30;
	v31 =	vld.idx.msk [tilespmem:v24+s12+$0x0], $0xffff  }
0x42a: {  	v32 =	vadd.s32 s25, v0;
	v30 =	vor.u32 v6, v30;
	v24 =	vld.idx.msk [tilespmem:v24+s13+$0x0], $0xffff  }
0x42b: {  	s26 =	sadd.s32 $0xFFFFFFFF, s23;
	v12 =	vmul.bf16 v14, v12;
	v32 =	vand.u32 $0x3F, v32;
	v33 =	vld.idx.msk [tilespmem:v26+s12+$0x0], $0xffff  }
0x42c: {  	v34 =	vadd.s32 s26, v0;
	v22 =	vadd.bf16 v23, v22;
	v32 =	vor.u32 v6, v32;
	v26 =	vld.idx.msk [tilespmem:v26+s13+$0x0], $0xffff  }
0x42d: {  	v14 =	vadd.s32 s23, v0;
	v34 =	vand.u32 $0x3F, v34;
	v23 =	vld.idx.msk [tilespmem:v28+s12+$0x0], $0xffff  }
0x42e: {  	v11 =	vmul.bf16 v16, v11;
	v34 =	vor.u32 v6, v34;
	v12 =	vadd.bf16 v12, v22;
	v28 =	vld.idx.msk [tilespmem:v28+s13+$0x0], $0xffff  }
0x42f: {  	v14 =	vand.u32 $0x3F, v14;
	v20 =	vmul.bf16 v20, v29;
	v62 =	vld.idx.msk [tilespmem:v30+s12+$0x0], $0xffff;
	v24 =	vmul.bf16 v24, v31  }
0x430: {  	v14 =	vor.u32 v6, v14;
	v11 =	vadd.bf16 v11, v12;
	v12 =	vmul.bf16 v17, v13;
	v16 =	vld.idx.msk [tilespmem:v30+s13+$0x0], $0xffff  }
0x431: {  	v13 =	vld.idx.msk [tilespmem:v32+s13+$0x0], $0xffff;
	v22 =	vmul.bf16 v26, v33;
	v20 =	vadd.bf16 v24, v20  }
0x432: {  	v11 =	vadd.bf16 v12, v11;
	v24 =	vld.idx.msk [tilespmem:v32+s12+$0x0], $0xffff  }
0x433: {  	v12 =	vmul.bf16 v21, v25;
	v21 =	vld.idx.msk [tilespmem:v34+s13+$0x0], $0xffff;
	v17 =	vadd.bf16 v22, v20;
	v20 =	vmul.bf16 v28, v23  }
0x434: {  	v22 =	vld.idx.msk [tilespmem:v34+s12+$0x0], $0xffff  }
0x435: {  	v11 =	vadd.bf16 v12, v11;
	v12 =	vld.idx.msk [tilespmem:v14+s13+$0x0], $0xffff;
	v16 =	vmul.bf16 v16, v62;
	v17 =	vadd.bf16 v20, v17  }
0x436: {  	v23 =	vld.idx.msk [tilespmem:v14+s12+$0x0], $0xffff  }
0x437: {  	v14 =	vmul.bf16 v19, v27;
	v13 =	vmul.bf16 v13, v24;
	v16 =	vadd.bf16 v16, v17;
	_ =	sdelay $0x1  }
0x438: {  	v11 =	vadd.bf16 v14, v11;
	v14 =	vmul.bf16 v21, v22;
	v13 =	vadd.bf16 v13, v16  }
0x439: {  	v15 =	vadd.f32 v15, v18  }
0x43a: {  	v12 =	vmul.bf16 v12, v23;
	v16 =	vunpack.i.l.bf16.f32 v11;
	v13 =	vadd.bf16 v14, v13  }
0x43b: {  	v14 =	vadd.f32 v16, v15  }
0x43c: {  	s28 =	simm.s32 $0x0;
	v11 =	vunpack.i.u.bf16.f32 v11;
	v12 =	vadd.bf16 v12, v13  }
0x43d: {  	v11 =	vadd.f32 v14, v11;
	v13 =	vadd.s32 s28, v0  }
0x43e: {  	s24 =	simm.s32 $0x4;
	v13 =	vand.u32 $0x38, v13;
	v14 =	vunpack.i.l.bf16.f32 v12  }
0x43f: {  	s29 =	simm.s32 $0x1;
	v16 =	vadd.s32 s24, v0;
	v13 =	vor.u32 v7, v13;
	v11 =	vadd.f32 v14, v11  }
0x440: {  	v16 =	vand.u32 $0x3F, v16;
	v12 =	vunpack.i.u.bf16.f32 v12;
	v14 =	vadd.s32 s29, v0  }
0x441: {  	s30 =	simm.s32 $0x2;
	v16 =	vor.u32 v8, v16;
	v14 =	vand.u32 $0x3F, v14;
	v11 =	vadd.f32 v11, v12  }
0x442: {  	v12 =	vadd.s32 s30, v0;
	v14 =	vor.u32 v8, v14  }
0x443: {  	s31 =	simm.s32 $0x3;
	v12 =	vand.u32 $0x3F, v12;
	[tilespmem:$0xC500] =	vst v11  }
0x444: {  	v11 =	vadd.s32 s31, v0;
	v12 =	vor.u32 v8, v12;
	v15 =	vld.idx.msk [tilespmem:v13+s12+$0x0], $0xffff  }
0x445: {  	v11 =	vand.u32 $0x3F, v11;
	v13 =	vld.idx.msk [tilespmem:v13+s13+$0x0], $0xffff  }
0x446: {  	s25 =	simm.s32 $0x5;
	v24 =	vld.idx.msk [tilespmem:v16+s12+$0x0], $0xffff;
	v11 =	vor.u32 v8, v11  }
0x447: {  	v18 =	vadd.s32 s25, v0;
	v17 =	vld.idx.msk [tilespmem:v14+s12+$0x0], $0xffff  }
0x448: {  	s26 =	simm.s32 $0x6;
	v18 =	vand.u32 $0x3F, v18;
	v14 =	vld.idx.msk [tilespmem:v14+s13+$0x0], $0xffff  }
0x449: {  	v18 =	vor.u32 v8, v18;
	v20 =	vadd.s32 s26, v0;
	s28 =	simm.s32 $0x7;
	v19 =	vld.idx.msk [tilespmem:v12+s12+$0x0], $0xffff  }
0x44a: {  	v20 =	vand.u32 $0x3F, v20;
	v22 =	vadd.s32 s28, v0;
	v12 =	vld.idx.msk [tilespmem:v12+s13+$0x0], $0xffff  }
0x44b: {  	v20 =	vor.u32 v8, v20;
	v22 =	vand.u32 $0x3F, v22;
	s29 =	simm.s32 $0x8;
	v21 =	vld.idx.msk [tilespmem:v11+s12+$0x0], $0xffff  }
0x44c: {  	v22 =	vor.u32 v8, v22;
	v23 =	vadd.s32 s29, v0;
	v11 =	vld.idx.msk [tilespmem:v11+s13+$0x0], $0xffff  }
0x44d: {  	v23 =	vand.u32 $0x38, v23;
	v13 =	vmul.bf16 v13, v15;
	v15 =	vld.idx.msk [tilespmem:v16+s13+$0x0], $0xffff;
	v14 =	vmul.bf16 v14, v17  }
0x44e: {  	s30 =	simm.s32 $0x9;
	v16 =	vor.u32 v7, v23;
	v17 =	vld.idx.msk [tilespmem:v18+s12+$0x0], $0xffff  }
0x44f: {  	s31 =	simm.s32 $0xA;
	v23 =	vadd.s32 s30, v0;
	v13 =	vadd.bf16 v14, v13;
	v12 =	vmul.bf16 v12, v19;
	v14 =	vld.idx.msk [tilespmem:v18+s13+$0x0], $0xffff  }
0x450: {  	v18 =	vand.u32 $0x3F, v23;
	v19 =	vadd.s32 s31, v0;
	v23 =	vld.idx.msk [tilespmem:v20+s12+$0x0], $0xffff  }
0x451: {  	s24 =	simm.s32 $0xB;
	v18 =	vor.u32 v8, v18;
	v12 =	vadd.bf16 v12, v13;
	v11 =	vmul.bf16 v11, v21;
	v13 =	vld.idx.msk [tilespmem:v20+s13+$0x0], $0xffff  }
0x452: {  	v19 =	vand.u32 $0x3F, v19;
	v20 =	vadd.s32 s24, v0;
	v21 =	vld.idx.msk [tilespmem:v22+s12+$0x0], $0xffff  }
0x453: {  	s25 =	simm.s32 $0xC;
	v19 =	vor.u32 v8, v19;
	v11 =	vadd.bf16 v11, v12;
	v12 =	vmul.bf16 v15, v24;
	v15 =	vld.idx.msk [tilespmem:v22+s13+$0x0], $0xffff  }
0x454: {  	v20 =	vand.u32 $0x3F, v20;
	v22 =	vld.idx.msk [tilespmem:v16+s12+$0x0], $0xffff;
	v24 =	vadd.s32 s25, v0  }
0x455: {  	s26 =	simm.s32 $0xD;
	v16 =	vld.idx.msk [tilespmem:v16+s13+$0x0], $0xffff;
	v20 =	vor.u32 v8, v20;
	v11 =	vadd.bf16 v12, v11;
	v12 =	vmul.bf16 v14, v17  }
0x456: {  	v17 =	vld.idx.msk [tilespmem:v18+s12+$0x0], $0xffff;
	v14 =	vand.u32 $0x3F, v24;
	v24 =	vadd.s32 s26, v0  }
0x457: {  	s28 =	simm.s32 $0xE;
	v18 =	vld.idx.msk [tilespmem:v18+s13+$0x0], $0xffff;
	v25 =	vor.u32 v8, v14;
	v11 =	vadd.bf16 v12, v11;
	v12 =	vmul.bf16 v13, v23  }
0x458: {  	v14 =	vadd.s32 s28, v0;
	v26 =	vld.idx.msk [tilespmem:v19+s13+$0x0], $0xffff;
	v13 =	vand.u32 $0x3F, v24  }
0x459: {  	s29 =	simm.s32 $0xF;
	s30 =	simm.s32 $0x10;
	v23 =	vld.idx.msk [tilespmem:v19+s12+$0x0], $0xffff;
	v27 =	vor.u32 v8, v13;
	v13 =	vmul.bf16 v15, v21;
	v11 =	vadd.bf16 v12, v11  }
0x45a: {  	v19 =	vadd.s32 s29, v0;
	v24 =	vadd.s32 s30, v0;
	v21 =	vand.u32 $0x3F, v14;
	v14 =	vld.idx.msk [tilespmem:v20+s13+$0x0], $0xffff  }
0x45b: {  	v19 =	vand.u32 $0x3F, v19;
	v12 =	vld.idx.msk [tilespmem:v20+s12+$0x0], $0xffff;
	v21 =	vor.u32 v8, v21;
	v63 =	vadd.bf16 v13, v11  }
0x45c: {  	v15 =	vimm.f32 $0.0e+00;
	v22 =	vmul.bf16 v16, v22;
	v19 =	vor.u32 v8, v19;
	v11 =	vld.idx.msk [tilespmem:v25+s12+$0x0], $0xffff  }
0x45d: {  	s31 =	simm.s32 $0x11;
	v17 =	vmul.bf16 v18, v17;
	v13 =	vand.u32 $0x38, v24;
	v16 =	vld.idx.msk [tilespmem:v25+s13+$0x0], $0xffff;
	v18 =	vunpack.i.l.bf16.f32 v63  }
0x45e: {  	v24 =	vadd.s32 s31, v0;
	v20 =	vor.u32 v7, v13;
	v13 =	vld.idx.msk [tilespmem:v27+s12+$0x0], $0xffff;
	v15 =	vadd.f32 v18, v15  }
0x45f: {  	s23 =	simm.s32 $0x17;
	s24 =	simm.s32 $0x1F;
	s25 =	simm.s32 $0x12;
	v22 =	vadd.bf16 v17, v22;
	v23 =	vmul.bf16 v26, v23;
	v17 =	vld.idx.msk [tilespmem:v27+s13+$0x0], $0xffff;
	v18 =	vunpack.i.u.bf16.f32 v63  }
.LBB2_31:
0x460: {  	p0 =	sne.s32 s24, $0x3F;
	v24 =	vand.u32 $0x3F, v24;
	v25 =	vadd.s32 s25, v0;
	v26 =	vld.idx.msk [tilespmem:v21+s12+$0x0], $0xffff;
	v15 =	vadd.f32 v15, v18  }
0x461: {  	s25 =	sadd.s32 $0xFFFFFFFC, s23;
	v12 =	vmul.bf16 v14, v12;
	v18 =	vor.u32 v8, v24;
	v22 =	vadd.bf16 v23, v22;
	v14 =	vld.idx.msk [tilespmem:v21+s13+$0x0], $0xffff  }
0x462: {  	v21 =	vand.u32 $0x3F, v25;
	v23 =	vadd.s32 s25, v0;
	v24 =	vld.idx.msk [tilespmem:v19+s12+$0x0], $0xffff  }
0x463: {  	s25 =	sadd.s32 $0xFFFFFFFD, s23;
	v21 =	vor.u32 v8, v21;
	v11 =	vmul.bf16 v16, v11;
	v12 =	vadd.bf16 v12, v22;
	v16 =	vld.idx.msk [tilespmem:v19+s13+$0x0], $0xffff  }
0x464: {  	v19 =	vand.u32 $0x3F, v23;
	v23 =	vadd.s32 s25, v0;
	v22 =	vld.idx.msk [tilespmem:v20+s12+$0x0], $0xffff  }
0x465: {  	s25 =	sadd.s32 $0xFFFFFFFE, s23;
	v19 =	vor.u32 v8, v19;
	v20 =	vld.idx.msk [tilespmem:v20+s13+$0x0], $0xffff;
	v11 =	vadd.bf16 v11, v12;
	v12 =	vmul.bf16 v17, v13  }
0x466: {  	v17 =	vand.u32 $0x3F, v23;
	v23 =	vadd.s32 s25, v0;
	v13 =	vld.idx.msk [tilespmem:v18+s12+$0x0], $0xffff  }
0x467: {  	s25 =	sadd.s32 $0xFFFFFFFF, s23;
	v17 =	vor.u32 v8, v17;
	v18 =	vld.idx.msk [tilespmem:v18+s13+$0x0], $0xffff;
	v11 =	vadd.bf16 v12, v11;
	v12 =	vmul.bf16 v14, v26  }
0x468: {  	v14 =	vand.u32 $0x3F, v23;
	v23 =	vadd.s32 s25, v0;
	v26 =	vadd.s32 s23, v0;
	s23 =	smov.u32 s24;
	v25 =	vld.idx.msk [tilespmem:v21+s12+$0x0], $0xffff  }
0x469: {  	v28 =	vor.u32 v8, v14;
	v16 =	vmul.bf16 v16, v24;
	v27 =	vld.idx.msk [tilespmem:v21+s13+$0x0], $0xffff;
	v11 =	vadd.bf16 v12, v11  }
0x46a: {  	s25 =	sadd.s32 $0xFFFFFFF9, s24;
	v21 =	vand.u32 $0x3F, v23;
	v23 =	vand.u32 $0x3F, v26;
	v12 =	vld.idx.msk [tilespmem:v19+s12+$0x0], $0xffff  }
.Ltmp15:
0x46b: {  	v24 =	vadd.s32 s25, v0;
	v21 =	vor.u32 v8, v21;
	v14 =	vld.idx.msk [tilespmem:v19+s13+$0x0], $0xffff;
	v26 =	vadd.bf16 v16, v11;
	(pc) =	sbr.rel @p0 .LBB2_31-.Ltmp15, $4  }
0x46c: {  	v24 =	vand.u32 $0x38, v24;
	v19 =	vor.u32 v8, v23;
	v11 =	vld.idx.msk [tilespmem:v17+s12+$0x0], $0xffff  }
0x46d: {  	s25 =	sadd.s32 $0xFFFFFFFA, s24;
	v22 =	vmul.bf16 v20, v22;
	v18 =	vmul.bf16 v18, v13;
	v16 =	vld.idx.msk [tilespmem:v17+s13+$0x0], $0xffff;
	v17 =	vunpack.i.l.bf16.f32 v26  }
0x46e: {  	v20 =	vor.u32 v7, v24;
	v24 =	vadd.s32 s25, v0;
	v13 =	vld.idx.msk [tilespmem:v28+s12+$0x0], $0xffff;
	v15 =	vadd.f32 v17, v15  }
0x46f: {  	s24 =	sadd.s32 $0x8, s24;
	s25 =	sadd.s32 $0xFFFFFFFB, s23;
	v22 =	vadd.bf16 v18, v22;
	v23 =	vmul.bf16 v27, v25;
	v18 =	vunpack.i.u.bf16.f32 v26;
	v17 =	vld.idx.msk [tilespmem:v28+s13+$0x0], $0xffff  }
0x470: {  	_ =	sdelay $0x3  }
0x471: {  	v24 =	vand.u32 $0x3F, v24;
	v25 =	vld.idx.msk [tilespmem:v21+s12+$0x0], $0xffff  }
0x472: {  	v26 =	vadd.s32 s25, v0;
	v21 =	vld.idx.msk [tilespmem:v21+s13+$0x0], $0xffff;
	v24 =	vor.u32 v8, v24  }
0x473: {  	s24 =	sadd.s32 $0xFFFFFFFC, s23;
	v27 =	vld.idx.msk [tilespmem:v19+s12+$0x0], $0xffff;
	v26 =	vand.u32 $0x3F, v26  }
0x474: {  	v19 =	vld.idx.msk [tilespmem:v19+s13+$0x0], $0xffff;
	v28 =	vadd.s32 s24, v0;
	v26 =	vor.u32 v8, v26  }
0x475: {  	s31 =	sadd.s32 $0xFFFFFFFD, s23;
	v29 =	vld.idx.msk [tilespmem:v20+s12+$0x0], $0xffff;
	v28 =	vand.u32 $0x3F, v28  }
0x476: {  	v20 =	vld.idx.msk [tilespmem:v20+s13+$0x0], $0xffff;
	v30 =	vadd.s32 s31, v0;
	v28 =	vor.u32 v8, v28  }
0x477: {  	s25 =	sadd.s32 $0xFFFFFFFE, s23;
	v30 =	vand.u32 $0x3F, v30;
	v31 =	vld.idx.msk [tilespmem:v24+s12+$0x0], $0xffff  }
0x478: {  	v32 =	vadd.s32 s25, v0;
	v30 =	vor.u32 v8, v30;
	v24 =	vld.idx.msk [tilespmem:v24+s13+$0x0], $0xffff  }
0x479: {  	s26 =	sadd.s32 $0xFFFFFFFF, s23;
	v12 =	vmul.bf16 v14, v12;
	v32 =	vand.u32 $0x3F, v32;
	v33 =	vld.idx.msk [tilespmem:v26+s12+$0x0], $0xffff  }
0x47a: {  	v34 =	vadd.s32 s26, v0;
	v22 =	vadd.bf16 v23, v22;
	v32 =	vor.u32 v8, v32;
	v26 =	vld.idx.msk [tilespmem:v26+s13+$0x0], $0xffff  }
0x47b: {  	v14 =	vadd.s32 s23, v0;
	v34 =	vand.u32 $0x3F, v34;
	v23 =	vld.idx.msk [tilespmem:v28+s12+$0x0], $0xffff  }
0x47c: {  	v11 =	vmul.bf16 v16, v11;
	v34 =	vor.u32 v8, v34;
	v12 =	vadd.bf16 v12, v22;
	v28 =	vld.idx.msk [tilespmem:v28+s13+$0x0], $0xffff  }
0x47d: {  	v14 =	vand.u32 $0x3F, v14;
	v20 =	vmul.bf16 v20, v29;
	v62 =	vld.idx.msk [tilespmem:v30+s12+$0x0], $0xffff;
	v24 =	vmul.bf16 v24, v31  }
0x47e: {  	v14 =	vor.u32 v8, v14;
	v11 =	vadd.bf16 v11, v12;
	v12 =	vmul.bf16 v17, v13;
	v16 =	vld.idx.msk [tilespmem:v30+s13+$0x0], $0xffff  }
0x47f: {  	v13 =	vld.idx.msk [tilespmem:v32+s13+$0x0], $0xffff;
	v22 =	vmul.bf16 v26, v33;
	v20 =	vadd.bf16 v24, v20  }
0x480: {  	v11 =	vadd.bf16 v12, v11;
	v24 =	vld.idx.msk [tilespmem:v32+s12+$0x0], $0xffff  }
0x481: {  	v12 =	vmul.bf16 v21, v25;
	v21 =	vld.idx.msk [tilespmem:v34+s13+$0x0], $0xffff;
	v17 =	vadd.bf16 v22, v20;
	v20 =	vmul.bf16 v28, v23  }
0x482: {  	v22 =	vld.idx.msk [tilespmem:v34+s12+$0x0], $0xffff  }
0x483: {  	v11 =	vadd.bf16 v12, v11;
	v12 =	vld.idx.msk [tilespmem:v14+s13+$0x0], $0xffff;
	v16 =	vmul.bf16 v16, v62;
	v17 =	vadd.bf16 v20, v17  }
0x484: {  	v23 =	vld.idx.msk [tilespmem:v14+s12+$0x0], $0xffff  }
0x485: {  	v14 =	vmul.bf16 v19, v27;
	v13 =	vmul.bf16 v13, v24;
	v16 =	vadd.bf16 v16, v17;
	_ =	sdelay $0x1  }
0x486: {  	v11 =	vadd.bf16 v14, v11;
	v14 =	vmul.bf16 v21, v22;
	v13 =	vadd.bf16 v13, v16  }
0x487: {  	v15 =	vadd.f32 v15, v18  }
0x488: {  	v12 =	vmul.bf16 v12, v23;
	v16 =	vunpack.i.l.bf16.f32 v11;
	v13 =	vadd.bf16 v14, v13  }
0x489: {  	v14 =	vadd.f32 v16, v15  }
0x48a: {  	s28 =	simm.s32 $0x0;
	v11 =	vunpack.i.u.bf16.f32 v11;
	v12 =	vadd.bf16 v12, v13  }
0x48b: {  	v11 =	vadd.f32 v14, v11;
	v13 =	vadd.s32 s28, v0  }
0x48c: {  	s24 =	simm.s32 $0x4;
	v13 =	vand.u32 $0x38, v13;
	v14 =	vunpack.i.l.bf16.f32 v12  }
0x48d: {  	s29 =	simm.s32 $0x1;
	v16 =	vadd.s32 s24, v0;
	v13 =	vor.u32 v9, v13;
	v11 =	vadd.f32 v14, v11  }
0x48e: {  	v16 =	vand.u32 $0x3F, v16;
	v12 =	vunpack.i.u.bf16.f32 v12;
	v14 =	vadd.s32 s29, v0  }
0x48f: {  	s30 =	simm.s32 $0x2;
	v16 =	vor.u32 v10, v16;
	v14 =	vand.u32 $0x3F, v14;
	v11 =	vadd.f32 v11, v12  }
0x490: {  	v12 =	vadd.s32 s30, v0;
	v14 =	vor.u32 v10, v14  }
0x491: {  	s31 =	simm.s32 $0x3;
	v12 =	vand.u32 $0x3F, v12;
	[tilespmem:$0xC510] =	vst v11  }
0x492: {  	v11 =	vadd.s32 s31, v0;
	v12 =	vor.u32 v10, v12;
	v15 =	vld.idx.msk [tilespmem:v13+s12+$0x0], $0xffff  }
0x493: {  	v11 =	vand.u32 $0x3F, v11;
	v13 =	vld.idx.msk [tilespmem:v13+s13+$0x0], $0xffff  }
0x494: {  	s25 =	simm.s32 $0x5;
	v24 =	vld.idx.msk [tilespmem:v16+s12+$0x0], $0xffff;
	v11 =	vor.u32 v10, v11  }
0x495: {  	v18 =	vadd.s32 s25, v0;
	v17 =	vld.idx.msk [tilespmem:v14+s12+$0x0], $0xffff  }
0x496: {  	s26 =	simm.s32 $0x6;
	v18 =	vand.u32 $0x3F, v18;
	v14 =	vld.idx.msk [tilespmem:v14+s13+$0x0], $0xffff  }
0x497: {  	v18 =	vor.u32 v10, v18;
	v20 =	vadd.s32 s26, v0;
	s28 =	simm.s32 $0x7;
	v19 =	vld.idx.msk [tilespmem:v12+s12+$0x0], $0xffff  }
0x498: {  	v20 =	vand.u32 $0x3F, v20;
	v22 =	vadd.s32 s28, v0;
	v12 =	vld.idx.msk [tilespmem:v12+s13+$0x0], $0xffff  }
0x499: {  	v20 =	vor.u32 v10, v20;
	v22 =	vand.u32 $0x3F, v22;
	s29 =	simm.s32 $0x8;
	v21 =	vld.idx.msk [tilespmem:v11+s12+$0x0], $0xffff  }
0x49a: {  	v22 =	vor.u32 v10, v22;
	v23 =	vadd.s32 s29, v0;
	v11 =	vld.idx.msk [tilespmem:v11+s13+$0x0], $0xffff  }
0x49b: {  	v23 =	vand.u32 $0x38, v23;
	v13 =	vmul.bf16 v13, v15;
	v15 =	vld.idx.msk [tilespmem:v16+s13+$0x0], $0xffff;
	v14 =	vmul.bf16 v14, v17  }
0x49c: {  	s30 =	simm.s32 $0x9;
	v16 =	vor.u32 v9, v23;
	v17 =	vld.idx.msk [tilespmem:v18+s12+$0x0], $0xffff  }
0x49d: {  	s31 =	simm.s32 $0xA;
	v23 =	vadd.s32 s30, v0;
	v13 =	vadd.bf16 v14, v13;
	v12 =	vmul.bf16 v12, v19;
	v14 =	vld.idx.msk [tilespmem:v18+s13+$0x0], $0xffff  }
0x49e: {  	v18 =	vand.u32 $0x3F, v23;
	v19 =	vadd.s32 s31, v0;
	v23 =	vld.idx.msk [tilespmem:v20+s12+$0x0], $0xffff  }
0x49f: {  	s24 =	simm.s32 $0xB;
	v18 =	vor.u32 v10, v18;
	v12 =	vadd.bf16 v12, v13;
	v11 =	vmul.bf16 v11, v21;
	v13 =	vld.idx.msk [tilespmem:v20+s13+$0x0], $0xffff  }
0x4a0: {  	v19 =	vand.u32 $0x3F, v19;
	v20 =	vadd.s32 s24, v0;
	v21 =	vld.idx.msk [tilespmem:v22+s12+$0x0], $0xffff  }
0x4a1: {  	s25 =	simm.s32 $0xC;
	v19 =	vor.u32 v10, v19;
	v11 =	vadd.bf16 v11, v12;
	v12 =	vmul.bf16 v15, v24;
	v15 =	vld.idx.msk [tilespmem:v22+s13+$0x0], $0xffff  }
0x4a2: {  	v20 =	vand.u32 $0x3F, v20;
	v22 =	vld.idx.msk [tilespmem:v16+s12+$0x0], $0xffff;
	v24 =	vadd.s32 s25, v0  }
0x4a3: {  	s26 =	simm.s32 $0xD;
	v16 =	vld.idx.msk [tilespmem:v16+s13+$0x0], $0xffff;
	v20 =	vor.u32 v10, v20;
	v11 =	vadd.bf16 v12, v11;
	v12 =	vmul.bf16 v14, v17  }
0x4a4: {  	v17 =	vld.idx.msk [tilespmem:v18+s12+$0x0], $0xffff;
	v14 =	vand.u32 $0x3F, v24;
	v24 =	vadd.s32 s26, v0  }
0x4a5: {  	s28 =	simm.s32 $0xE;
	v18 =	vld.idx.msk [tilespmem:v18+s13+$0x0], $0xffff;
	v25 =	vor.u32 v10, v14;
	v11 =	vadd.bf16 v12, v11;
	v12 =	vmul.bf16 v13, v23  }
0x4a6: {  	v14 =	vadd.s32 s28, v0;
	v26 =	vld.idx.msk [tilespmem:v19+s13+$0x0], $0xffff;
	v13 =	vand.u32 $0x3F, v24  }
0x4a7: {  	s29 =	simm.s32 $0xF;
	s30 =	simm.s32 $0x10;
	v23 =	vld.idx.msk [tilespmem:v19+s12+$0x0], $0xffff;
	v27 =	vor.u32 v10, v13;
	v13 =	vmul.bf16 v15, v21;
	v11 =	vadd.bf16 v12, v11  }
0x4a8: {  	v19 =	vadd.s32 s29, v0;
	v24 =	vadd.s32 s30, v0;
	v21 =	vand.u32 $0x3F, v14;
	v14 =	vld.idx.msk [tilespmem:v20+s13+$0x0], $0xffff  }
0x4a9: {  	v19 =	vand.u32 $0x3F, v19;
	v12 =	vld.idx.msk [tilespmem:v20+s12+$0x0], $0xffff;
	v21 =	vor.u32 v10, v21;
	v63 =	vadd.bf16 v13, v11  }
0x4aa: {  	v15 =	vimm.f32 $0.0e+00;
	v22 =	vmul.bf16 v16, v22;
	v19 =	vor.u32 v10, v19;
	v11 =	vld.idx.msk [tilespmem:v25+s12+$0x0], $0xffff  }
0x4ab: {  	s31 =	simm.s32 $0x11;
	v17 =	vmul.bf16 v18, v17;
	v13 =	vand.u32 $0x38, v24;
	v16 =	vld.idx.msk [tilespmem:v25+s13+$0x0], $0xffff;
	v18 =	vunpack.i.l.bf16.f32 v63  }
0x4ac: {  	v24 =	vadd.s32 s31, v0;
	v20 =	vor.u32 v9, v13;
	v13 =	vld.idx.msk [tilespmem:v27+s12+$0x0], $0xffff;
	v15 =	vadd.f32 v18, v15  }
0x4ad: {  	s23 =	simm.s32 $0x17;
	s24 =	simm.s32 $0x1F;
	s25 =	simm.s32 $0x12;
	v22 =	vadd.bf16 v17, v22;
	v23 =	vmul.bf16 v26, v23;
	v17 =	vld.idx.msk [tilespmem:v27+s13+$0x0], $0xffff;
	v18 =	vunpack.i.u.bf16.f32 v63  }
.LBB2_33:
0x4ae: {  	p0 =	sne.s32 s24, $0x3F;
	v24 =	vand.u32 $0x3F, v24;
	v25 =	vadd.s32 s25, v0;
	v26 =	vld.idx.msk [tilespmem:v21+s12+$0x0], $0xffff;
	v15 =	vadd.f32 v15, v18  }
0x4af: {  	s25 =	sadd.s32 $0xFFFFFFFC, s23;
	v12 =	vmul.bf16 v14, v12;
	v18 =	vor.u32 v10, v24;
	v22 =	vadd.bf16 v23, v22;
	v14 =	vld.idx.msk [tilespmem:v21+s13+$0x0], $0xffff  }
0x4b0: {  	v21 =	vand.u32 $0x3F, v25;
	v23 =	vadd.s32 s25, v0;
	v24 =	vld.idx.msk [tilespmem:v19+s12+$0x0], $0xffff  }
0x4b1: {  	s25 =	sadd.s32 $0xFFFFFFFD, s23;
	v21 =	vor.u32 v10, v21;
	v11 =	vmul.bf16 v16, v11;
	v12 =	vadd.bf16 v12, v22;
	v16 =	vld.idx.msk [tilespmem:v19+s13+$0x0], $0xffff  }
0x4b2: {  	v19 =	vand.u32 $0x3F, v23;
	v23 =	vadd.s32 s25, v0;
	v22 =	vld.idx.msk [tilespmem:v20+s12+$0x0], $0xffff  }
0x4b3: {  	s25 =	sadd.s32 $0xFFFFFFFE, s23;
	v19 =	vor.u32 v10, v19;
	v20 =	vld.idx.msk [tilespmem:v20+s13+$0x0], $0xffff;
	v11 =	vadd.bf16 v11, v12;
	v12 =	vmul.bf16 v17, v13  }
0x4b4: {  	v17 =	vand.u32 $0x3F, v23;
	v23 =	vadd.s32 s25, v0;
	v13 =	vld.idx.msk [tilespmem:v18+s12+$0x0], $0xffff  }
0x4b5: {  	s25 =	sadd.s32 $0xFFFFFFFF, s23;
	v17 =	vor.u32 v10, v17;
	v18 =	vld.idx.msk [tilespmem:v18+s13+$0x0], $0xffff;
	v11 =	vadd.bf16 v12, v11;
	v12 =	vmul.bf16 v14, v26  }
0x4b6: {  	v14 =	vand.u32 $0x3F, v23;
	v23 =	vadd.s32 s25, v0;
	v26 =	vadd.s32 s23, v0;
	s23 =	smov.u32 s24;
	v25 =	vld.idx.msk [tilespmem:v21+s12+$0x0], $0xffff  }
0x4b7: {  	v28 =	vor.u32 v10, v14;
	v16 =	vmul.bf16 v16, v24;
	v27 =	vld.idx.msk [tilespmem:v21+s13+$0x0], $0xffff;
	v11 =	vadd.bf16 v12, v11  }
0x4b8: {  	s25 =	sadd.s32 $0xFFFFFFF9, s24;
	v21 =	vand.u32 $0x3F, v23;
	v23 =	vand.u32 $0x3F, v26;
	v12 =	vld.idx.msk [tilespmem:v19+s12+$0x0], $0xffff  }
.Ltmp16:
0x4b9: {  	v24 =	vadd.s32 s25, v0;
	v21 =	vor.u32 v10, v21;
	v14 =	vld.idx.msk [tilespmem:v19+s13+$0x0], $0xffff;
	v26 =	vadd.bf16 v16, v11;
	(pc) =	sbr.rel @p0 .LBB2_33-.Ltmp16, $4  }
0x4ba: {  	v24 =	vand.u32 $0x38, v24;
	v19 =	vor.u32 v10, v23;
	v11 =	vld.idx.msk [tilespmem:v17+s12+$0x0], $0xffff  }
0x4bb: {  	s25 =	sadd.s32 $0xFFFFFFFA, s24;
	v22 =	vmul.bf16 v20, v22;
	v18 =	vmul.bf16 v18, v13;
	v16 =	vld.idx.msk [tilespmem:v17+s13+$0x0], $0xffff;
	v17 =	vunpack.i.l.bf16.f32 v26  }
0x4bc: {  	v20 =	vor.u32 v9, v24;
	v24 =	vadd.s32 s25, v0;
	v13 =	vld.idx.msk [tilespmem:v28+s12+$0x0], $0xffff;
	v15 =	vadd.f32 v17, v15  }
0x4bd: {  	s24 =	sadd.s32 $0x8, s24;
	s25 =	sadd.s32 $0xFFFFFFFB, s23;
	v22 =	vadd.bf16 v18, v22;
	v23 =	vmul.bf16 v27, v25;
	v18 =	vunpack.i.u.bf16.f32 v26;
	v17 =	vld.idx.msk [tilespmem:v28+s13+$0x0], $0xffff  }
0x4be: {  	_ =	sdelay $0x3  }
0x4bf: {  	v24 =	vand.u32 $0x3F, v24;
	v25 =	vld.idx.msk [tilespmem:v21+s12+$0x0], $0xffff  }
0x4c0: {  	v26 =	vadd.s32 s25, v0;
	v42 =	vld.idx.msk [tilespmem:v21+s13+$0x0], $0xffff;
	v24 =	vor.u32 v10, v24  }
0x4c1: {  	s24 =	sadd.s32 $0xFFFFFFFC, s23;
	v27 =	vld.idx.msk [tilespmem:v19+s12+$0x0], $0xffff;
	v26 =	vand.u32 $0x3F, v26  }
0x4c2: {  	v43 =	vld.idx.msk [tilespmem:v19+s13+$0x0], $0xffff;
	v28 =	vadd.s32 s24, v0;
	v26 =	vor.u32 v10, v26  }
0x4c3: {  	s29 =	sadd.s32 $0xFFFFFFFD, s23;
	v29 =	vld.idx.msk [tilespmem:v20+s12+$0x0], $0xffff;
	v28 =	vand.u32 $0x3F, v28  }
0x4c4: {  	v44 =	vld.idx.msk [tilespmem:v20+s13+$0x0], $0xffff;
	v30 =	vadd.s32 s29, v0;
	v28 =	vor.u32 v10, v28  }
0x4c5: {  	s30 =	sadd.s32 $0xFFFFFFFE, s23;
	v30 =	vand.u32 $0x3F, v30;
	v31 =	vld.idx.msk [tilespmem:v24+s12+$0x0], $0xffff  }
0x4c6: {  	v32 =	vadd.s32 s30, v0;
	v30 =	vor.u32 v10, v30;
	v24 =	vld.idx.msk [tilespmem:v24+s13+$0x0], $0xffff  }
0x4c7: {  	s31 =	sadd.s32 $0xFFFFFFFF, s23;
	v32 =	vand.u32 $0x3F, v32;
	v33 =	vld.idx.msk [tilespmem:v26+s12+$0x0], $0xffff  }
0x4c8: {  	v34 =	vadd.s32 s31, v0;
	v32 =	vor.u32 v10, v32;
	v26 =	vld.idx.msk [tilespmem:v26+s13+$0x0], $0xffff  }
0x4c9: {  	v12 =	vmul.bf16 v14, v12;
	v34 =	vand.u32 $0x3F, v34;
	v45 =	vld.idx.msk [tilespmem:v28+s12+$0x0], $0xffff  }
0x4ca: {  	v46 =	vadd.s32 s23, v0;
	v22 =	vadd.bf16 v23, v22;
	v34 =	vor.u32 v10, v34;
	v28 =	vld.idx.msk [tilespmem:v28+s13+$0x0], $0xffff  }
0x4cb: {  	v14 =	vand.u32 $0x3F, v46;
	v20 =	vmul.bf16 v44, v29;
	v47 =	vld.idx.msk [tilespmem:v30+s12+$0x0], $0xffff;
	v24 =	vmul.bf16 v24, v31  }
0x4cc: {  	v11 =	vmul.bf16 v16, v11;
	v14 =	vor.u32 v10, v14;
	v48 =	vld.idx.msk [tilespmem:v30+s13+$0x0], $0xffff  }
0x4cd: {  	v12 =	vadd.bf16 v12, v22;
	v50 =	vld.idx.msk [tilespmem:v32+s12+$0x0], $0xffff;
	v49 =	vmul.bf16 v26, v33;
	v20 =	vadd.bf16 v24, v20  }
0x4ce: {  	v51 =	vmul.bf16 v17, v13;
	v52 =	vld.idx.msk [tilespmem:v32+s13+$0x0], $0xffff  }
0x4cf: {  	v11 =	vadd.bf16 v11, v12;
	v55 =	vld.idx.msk [tilespmem:v34+s12+$0x0], $0xffff;
	v54 =	vmul.bf16 v28, v45;
	v53 =	vadd.bf16 v49, v20  }
0x4d0: {  	v56 =	vmul.bf16 v42, v25;
	v57 =	vld.idx.msk [tilespmem:v34+s13+$0x0], $0xffff  }
0x4d1: {  	v11 =	vadd.bf16 v51, v11;
	v58 =	vld.idx.msk [tilespmem:v14+s12+$0x0], $0xffff;
	v16 =	vmul.bf16 v48, v47;
	v17 =	vadd.bf16 v54, v53  }
0x4d2: {  	v60 =	vmul.bf16 v43, v27;
	v59 =	vld.idx.msk [tilespmem:v14+s13+$0x0], $0xffff  }
0x4d3: {  	v11 =	vadd.bf16 v56, v11;
	v13 =	vmul.bf16 v52, v50;
	v16 =	vadd.bf16 v16, v17;
	_ =	sdelay $0x1  }
0x4d4: {  	v11 =	vadd.bf16 v60, v11;
	v61 =	vmul.bf16 v57, v55;
	v13 =	vadd.bf16 v13, v16  }
0x4d5: {  	v15 =	vadd.f32 v15, v18  }
0x4d6: {  	v12 =	vmul.bf16 v59, v58;
	v62 =	vunpack.i.l.bf16.f32 v11;
	v13 =	vadd.bf16 v61, v13  }
0x4d7: {  	v63 =	vadd.f32 v62, v15  }
0x4d8: {  	v11 =	vunpack.i.u.bf16.f32 v11;
	v12 =	vadd.bf16 v12, v13  }
0x4d9: {  	v11 =	vadd.f32 v63, v11  }
0x4da: {  	v13 =	vunpack.i.l.bf16.f32 v12  }
0x4db: {  	v11 =	vadd.f32 v13, v11  }
0x4dc: {  	v12 =	vunpack.i.u.bf16.f32 v12  }
0x4dd: {  	s22 =	sadd.s32 $0x1, s22;
	v11 =	vadd.f32 v11, v12  }
0x4de: {  	p0 =	sne.s32 s22, s8  }
.Ltmp17:
0x4df: {  	[tilespmem:$0xC520] =	vst v11;
	(pc) =	sbr.rel @p0 .LBB2_1-.Ltmp17, $4  }
0x4e0: {  	[hbm4b:s7+s2] =	stream.linear.scatter [tilespmem:s21], [sflag:$0x5], $0x2710, $0x38;
	[tilespmem:$0xC530] =	vst v63  }
0x4e1: {  	_ =	swait.ge [sflag:s9], $0x2710  }
0x4e2: {  	[sflag:s9] =	ssyncset.done $0x0  }
0x4e3: {  	[sflag:s9] =	ssyncadd.s32 $0xFFFFD8F0  }
0x4e4: {  	_ =	sfence.sel $0x180000  }
0x4e5: {  	[bflag:$0x0] =	sbarrier.arrive $0xFFFF  }
0x4e6: {  	p0 =	sne.s32 s0, $0x0;
	_ =	strace $0x90000047  }
0x4e7: {  	s0 =	sadd.s32 @!p0 $0x100000, s1;
	[bflag:$0x2] =	sbarrier.arrive $0xFFFF  }
0x4e8: {  	[sflag:s0] =	ssyncadd.tile.s32 @!p0 $0x1;
	_ =	shalt  }
.Lfunc_end2:
_tile_overlayer_lowered:
.L_overlay_start_2:
0x4e9: {  	(tag) =	ssettag $0x2  }
0x4ea: {  	s0 =	rddreg [dreg:$0x0];
	s2 =	stileid.u32  }
0x4eb: {  	s1 =	rddreg [dreg:$0x1];
	p0 =	sne.s32 s2, $0x0  }
0x4ec: {  	s3 =	rddreg [dreg:$0x2];
	[bflag:$0x3] =	sbarrier.arrive $0xFFFF;
	s2 =	simm.s32 @!p0 $0x1C05  }
0x4ed: {  	[timem:s3], [sflag:s2] =	dma.local @!p0 [hbm:s0], s1  }
0x4ee: {  	s0 =	simm.s32 @!p0 $0x5  }
0x4ef: {  	_ =	swait.ge @!p0 [sflag:s0], s1  }
0x4f0: {  	s1 =	ssub.s32 @!p0 $0x0, s1;
	[sflag:s0] =	ssyncset.done @!p0 $0x0  }
0x4f1: {  	[sflag:s0] =	ssyncadd.s32 @!p0 s1  }
0x4f2: {  	[bflag:$0x3] =	sbarrier.arrive $0xFFFF  }
0x4f3: {  	_ =	shalt  }

</sc_bundles>
